<compile_context>
chip_gen: v7x
topology: tpu7x:2x2x1
jax: 0.10.2.dev20260603
libtpu: 0.0.44.dev20260713+nightly
codegen_flags: <defaults>
</compile_context>

<pallas_src>
import functools

import jax
import jax.numpy as jnp
from jax import lax
from jax.experimental import pallas as pl
from jax.experimental.pallas import tpu as pltpu
from jax.experimental.pallas import tpu_sc as plsc

_PARTNER = {0: 1, 1: 3, 2: 4, 5: 7, 6: 8, 7: 9, 8: 10, 11: 13, 12: 14,
            13: 15, 14: 16}

_P = 4096 * 128
_NPLANES = 51
_N = _NPLANES * _P
_NW = 32
_SS = _P // _NW
_NV = _SS // 16
_R = 7
_L = 5
_ZS = _SS // 2

_DELTA = {}
_INACTIVE = []
for _j in range(17):
    for _k in range(3):
        _w = 3 * _j + _k
        if _j in _PARTNER:
            _DELTA[_w] = 3 * _PARTNER[_j] + _k
        else:
            _INACTIVE.append(_w)

_P_ORDER = [3 * _i + _k for _k in range(3) for _i in range(17)]
_POS = {_w: _g for _g, _w in enumerate(_P_ORDER)}


@functools.partial(
    pl.kernel,
    out_type=jax.ShapeDtypeStruct((_N,), jnp.float32),
    mesh=plsc.VectorSubcoreMesh(core_axis_name="c", subcore_axis_name="s"),
    compiler_params=pltpu.CompilerParams(needs_layout_passes=False),
    scratch_types=(
        [pltpu.VMEM((_SS,), jnp.float32) for _ in range(_R)]
        + [pltpu.VMEM((_ZS,), jnp.float32)]
        + [pltpu.SemaphoreType.DMA for _ in range(2 * _R + 1)]
    ),
)
def _sc_joint2bone(x_hbm, out_hbm, *refs):
    ring = refs[:_R]
    zv = refs[_R]
    lsem = refs[_R + 1:2 * _R + 1]
    ssem = refs[2 * _R + 1:3 * _R + 1]
    zsem = refs[3 * _R + 1]

    wid = lax.axis_index("s") * 2 + lax.axis_index("c")
    woff = wid * _SS

    zvec = jnp.zeros((16,), jnp.float32)

    @plsc.parallel_loop(0, _ZS // 16, 1, unroll=8)
    def zero_body(i):
        zv[pl.ds(i * 16, 16)] = zvec

    def slot(w):
        return _POS[w] % _R

    def start_load(w):
        pltpu.async_copy(x_hbm.at[pl.ds(w * _P + woff, _SS)], ring[slot(w)],
                         lsem[slot(w)])

    def wait_load(w):
        pltpu.make_async_copy(x_hbm.at[pl.ds(0, _SS)], ring[slot(w)],
                              lsem[slot(w)]).wait()

    def start_store(w):
        pltpu.async_copy(ring[slot(w)],
                         out_hbm.at[pl.ds(w * _P + woff, _SS)], ssem[slot(w)])

    def wait_store(w):
        pltpu.make_async_copy(ring[slot(w)], out_hbm.at[pl.ds(0, _SS)],
                              ssem[slot(w)]).wait()

    loads_waited = set()
    stores_unwaited = set()
    for g in range(_L):
        start_load(_P_ORDER[g])
    for g in range(_NPLANES):
        w = _P_ORDER[g]
        nxt = g + _L
        if nxt < _NPLANES:
            prev = nxt - _R
            if prev >= 0 and _P_ORDER[prev] in stores_unwaited:
                wait_store(_P_ORDER[prev])
                stores_unwaited.discard(_P_ORDER[prev])
            start_load(_P_ORDER[nxt])
        if w in _DELTA:
            for q in (w, _DELTA[w]):
                if q not in loads_waited:
                    wait_load(q)
                    loads_waited.add(q)
            xa = ring[slot(w)]
            xb = ring[slot(_DELTA[w])]

            @plsc.parallel_loop(0, _NV, 1, unroll=8)
            def sub_body(i, xa=xa, xb=xb):
                s = pl.ds(i * 16, 16)
                xa[s] = xa[s] - xb[s]

            start_store(w)
            stores_unwaited.add(w)
        else:
            for h in range(2):
                pltpu.async_copy(
                    zv, out_hbm.at[pl.ds(w * _P + woff + h * _ZS, _ZS)],
                    zsem)
    for w in [p for p in _P_ORDER if p in stores_unwaited]:
        wait_store(w)
    for _ in range(2 * len(_INACTIVE)):
        pltpu.make_async_copy(zv, out_hbm.at[pl.ds(0, _ZS)], zsem).wait()


@jax.jit
def kernel(joint):
    x = jnp.transpose(joint, (2, 3, 0, 1)).reshape(-1)
    out = _sc_joint2bone(x)
    return jnp.transpose(out.reshape(17, 3, 4096, 128), (2, 3, 0, 1))

# --- scband reference (transcript-rebuilt; emitter-appended) ---
"""Pipeline reference for scband-joint2bone-65489661329797 (READ-ONLY COPY).

The authoritative reference and input builder live on the scoring server;
editing this copy changes nothing except your own understanding.
"""

import jax, jax.numpy as jnp
import numpy as np

PAIRS = np.array([[0, 2], [0, 1], [2, 4], [1, 3], [6, 5], [12, 11], [6, 12], [5, 11], [6, 8], [8, 10], [5, 7], [7, 9], [12, 14], [14, 16], [11, 13], [13, 15]], dtype=np.int64)


def setup_inputs(seed: int = 0) -> dict:
    key = jax.random.key(seed)
    joint = jax.random.normal(key, (4096, 128, 17, 3), dtype=jnp.float32)
    return {"joint": joint}


def reference(joint):
    v1 = jnp.asarray(PAIRS[:, 0])
    v2 = jnp.asarray(PAIRS[:, 1])
    bone = jnp.zeros_like(joint)
    diff = joint[:, :, v1, :] - joint[:, :, v2, :]
    bone = bone.at[:, :, v1, :].set(diff)
    return bone

if __name__ == "__main__":
    import jax
    _d = setup_inputs()
    print(jax.jit(kernel)(*tuple(_d.values())))

</pallas_src>

<mosaic_0001>
#map = affine_map<(d0, d1) -> (0)>
module attributes {stable_mosaic.version = 14 : i64} {
  func.func @_sc_joint2bone(%arg0: i32, %arg1: i32, %arg2: memref<26738688xf32, #tpu.memory_space<hbm>>, %arg3: memref<26738688xf32, #tpu.memory_space<hbm>>, %arg4: memref<16384xf32, #tpu.memory_space<vmem>>, %arg5: memref<16384xf32, #tpu.memory_space<vmem>>, %arg6: memref<16384xf32, #tpu.memory_space<vmem>>, %arg7: memref<16384xf32, #tpu.memory_space<vmem>>, %arg8: memref<16384xf32, #tpu.memory_space<vmem>>, %arg9: memref<16384xf32, #tpu.memory_space<vmem>>, %arg10: memref<16384xf32, #tpu.memory_space<vmem>>, %arg11: memref<8192xf32, #tpu.memory_space<vmem>>, %arg12: memref<!tpu.dma_semaphore, #tpu.memory_space<semaphore_mem>>, %arg13: memref<!tpu.dma_semaphore, #tpu.memory_space<semaphore_mem>>, %arg14: memref<!tpu.dma_semaphore, #tpu.memory_space<semaphore_mem>>, %arg15: memref<!tpu.dma_semaphore, #tpu.memory_space<semaphore_mem>>, %arg16: memref<!tpu.dma_semaphore, #tpu.memory_space<semaphore_mem>>, %arg17: memref<!tpu.dma_semaphore, #tpu.memory_space<semaphore_mem>>, %arg18: memref<!tpu.dma_semaphore, #tpu.memory_space<semaphore_mem>>, %arg19: memref<!tpu.dma_semaphore, #tpu.memory_space<semaphore_mem>>, %arg20: memref<!tpu.dma_semaphore, #tpu.memory_space<semaphore_mem>>, %arg21: memref<!tpu.dma_semaphore, #tpu.memory_space<semaphore_mem>>, %arg22: memref<!tpu.dma_semaphore, #tpu.memory_space<semaphore_mem>>, %arg23: memref<!tpu.dma_semaphore, #tpu.memory_space<semaphore_mem>>, %arg24: memref<!tpu.dma_semaphore, #tpu.memory_space<semaphore_mem>>, %arg25: memref<!tpu.dma_semaphore, #tpu.memory_space<semaphore_mem>>, %arg26: memref<!tpu.dma_semaphore, #tpu.memory_space<semaphore_mem>>) attributes {dimension_semantics = [#tpu.dimension_semantics<core_parallel>, #tpu.dimension_semantics<subcore_parallel>], iteration_bounds = array<i64: 2, 16>, scalar_prefetch = 0 : i64, scratch_operands = 23 : i64, tpu.core_type = #tpu.core_type<sc_vector_subcore>, window_params = [{transform_indices = #map}, {transform_indices = #map}]} {
    %mul3A = arith.constant 2 : i32
    %mul3A_0 = arith.muli %arg1, %mul3A : i32
    %add3A = arith.addi %mul3A_0, %arg0 : i32
    %mul3A_1 = arith.constant 16384 : i32
    %mul3A_2 = arith.muli %add3A, %mul3A_1 : i32
    %broadcast_in_dim3A = arith.constant 0.000000e+00 : f32
    %broadcast_in_dim3A_3 = vector.broadcast %broadcast_in_dim3A : f32 to vector<16xf32>
    %parallel_loop3A = arith.constant 0 : i32
    %parallel_loop3A_4 = arith.constant 512 : i32
    %parallel_loop3A_5 = arith.constant 1 : i32
    scf.for %parallel_loop3A_1135 = %parallel_loop3A to %parallel_loop3A_4 step %parallel_loop3A_5  : i32 {
      %parallel_loop3A_1136 = arith.constant 16 : i32
      %parallel_loop3A_1137 = arith.muli %parallel_loop3A_1135, %parallel_loop3A_1136 : i32
      %parallel_loop3A_1138 = arith.index_cast %parallel_loop3A_1137 : i32 to index
      %parallel_loop3A_1139 = tpu.vector_load %arg11[%parallel_loop3A_1138] {strides = array<i32>} : memref<8192xf32, #tpu.memory_space<vmem>>, vector<16xf32>,
      tpu.vector_store %arg11[%parallel_loop3A_1138], %broadcast_in_dim3A_3 {strides = array<i32>} : memref<8192xf32, #tpu.memory_space<vmem>>, vector<16xf32>,
    } {sc.loop_unroll_factor = 8 : i64, sc.parallel_access}
    %add3A_6 = arith.constant 0 : i32
    %add3A_7 = arith.addi %add3A_6, %mul3A_2 : i32
    %dma_start3A = tpu.memref_slice %arg2[%add3A_7] : memref<26738688xf32, #tpu.memory_space<hbm>> -> memref<16384xf32, #tpu.memory_space<hbm>>
    %dma_start3A_8 = tpu.memref_slice %arg2[%add3A_7] : memref<26738688xf32, #tpu.memory_space<hbm>> -> memref<16384xf32, #tpu.memory_space<hbm>>
    tpu.enqueue_dma source(%dma_start3A_8 : memref<16384xf32, #tpu.memory_space<hbm>>) target(%arg4 : memref<16384xf32, #tpu.memory_space<vmem>>) target_semaphore(%arg12 : memref<!tpu.dma_semaphore, #tpu.memory_space<semaphore_mem>>)
    %add3A_9 = arith.constant 1572864 : i32
    %add3A_10 = arith.addi %add3A_9, %mul3A_2 : i32
    %dma_start3A_11 = tpu.memref_slice %arg2[%add3A_10] : memref<26738688xf32, #tpu.memory_space<hbm>> -> memref<16384xf32, #tpu.memory_space<hbm>>
    %dma_start3A_12 = tpu.memref_slice %arg2[%add3A_10] : memref<26738688xf32, #tpu.memory_space<hbm>> -> memref<16384xf32, #tpu.memory_space<hbm>>
    tpu.enqueue_dma source(%dma_start3A_12 : memref<16384xf32, #tpu.memory_space<hbm>>) target(%arg5 : memref<16384xf32, #tpu.memory_space<vmem>>) target_semaphore(%arg13 : memref<!tpu.dma_semaphore, #tpu.memory_space<semaphore_mem>>)
    %add3A_13 = arith.constant 3145728 : i32
    %add3A_14 = arith.addi %add3A_13, %mul3A_2 : i32
    %dma_start3A_15 = tpu.memref_slice %arg2[%add3A_14] : memref<26738688xf32, #tpu.memory_space<hbm>> -> memref<16384xf32, #tpu.memory_space<hbm>>
    %dma_start3A_16 = tpu.memref_slice %arg2[%add3A_14] : memref<26738688xf32, #tpu.memory_space<hbm>> -> memref<16384xf32, #tpu.memory_space<hbm>>
    tpu.enqueue_dma source(%dma_start3A_16 : memref<16384xf32, #tpu.memory_space<hbm>>) target(%arg6 : memref<16384xf32, #tpu.memory_space<vmem>>) target_semaphore(%arg14 : memref<!tpu.dma_semaphore, #tpu.memory_space<semaphore_mem>>)
    %add3A_17 = arith.constant 4718592 : i32
    %add3A_18 = arith.addi %add3A_17, %mul3A_2 : i32
    %dma_start3A_19 = tpu.memref_slice %arg2[%add3A_18] : memref<26738688xf32, #tpu.memory_space<hbm>> -> memref<16384xf32, #tpu.memory_space<hbm>>
    %dma_start3A_20 = tpu.memref_slice %arg2[%add3A_18] : memref<26738688xf32, #tpu.memory_space<hbm>> -> memref<16384xf32, #tpu.memory_space<hbm>>
    tpu.enqueue_dma source(%dma_start3A_20 : memref<16384xf32, #tpu.memory_space<hbm>>) target(%arg7 : memref<16384xf32, #tpu.memory_space<vmem>>) target_semaphore(%arg15 : memref<!tpu.dma_semaphore, #tpu.memory_space<semaphore_mem>>)
    %add3A_21 = arith.constant 6291456 : i32
    %add3A_22 = arith.addi %add3A_21, %mul3A_2 : i32
    %dma_start3A_23 = tpu.memref_slice %arg2[%add3A_22] : memref<26738688xf32, #tpu.memory_space<hbm>> -> memref<16384xf32, #tpu.memory_space<hbm>>
    %dma_start3A_24 = tpu.memref_slice %arg2[%add3A_22] : memref<26738688xf32, #tpu.memory_space<hbm>> -> memref<16384xf32, #tpu.memory_space<hbm>>
    tpu.enqueue_dma source(%dma_start3A_24 : memref<16384xf32, #tpu.memory_space<hbm>>) target(%arg8 : memref<16384xf32, #tpu.memory_space<vmem>>) target_semaphore(%arg16 : memref<!tpu.dma_semaphore, #tpu.memory_space<semaphore_mem>>)
    %add3A_25 = arith.constant 7864320 : i32
    %add3A_26 = arith.addi %add3A_25, %mul3A_2 : i32
    %dma_start3A_27 = tpu.memref_slice %arg2[%add3A_26] : memref<26738688xf32, #tpu.memory_space<hbm>> -> memref<16384xf32, #tpu.memory_space<hbm>>
    %dma_start3A_28 = tpu.memref_slice %arg2[%add3A_26] : memref<26738688xf32, #tpu.memory_space<hbm>> -> memref<16384xf32, #tpu.memory_space<hbm>>
    tpu.enqueue_dma source(%dma_start3A_28 : memref<16384xf32, #tpu.memory_space<hbm>>) target(%arg9 : memref<16384xf32, #tpu.memory_space<vmem>>) target_semaphore(%arg17 : memref<!tpu.dma_semaphore, #tpu.memory_space<semaphore_mem>>)
    %dma_wait3A = arith.constant 0 : i32
    %dma_wait3A_29 = tpu.memref_slice %arg2[%dma_wait3A] : memref<26738688xf32, #tpu.memory_space<hbm>> -> memref<16384xf32, #tpu.memory_space<hbm>>
    %dma_wait3A_30 = arith.constant 0 : i32
    %dma_wait3A_31 = tpu.memref_slice %arg2[%dma_wait3A_30] : memref<26738688xf32, #tpu.memory_space<hbm>> -> memref<16384xf32, #tpu.memory_space<hbm>>
    tpu.wait_dma2 semaphore(%arg12 : memref<!tpu.dma_semaphore, #tpu.memory_space<semaphore_mem>>) src(%dma_wait3A_31 : memref<16384xf32, #tpu.memory_space<hbm>>) dst(%arg4 : memref<16384xf32, #tpu.memory_space<vmem>>)
    %dma_wait3A_32 = arith.constant 0 : i32
    %dma_wait3A_33 = tpu.memref_slice %arg2[%dma_wait3A_32] : memref<26738688xf32, #tpu.memory_space<hbm>> -> memref<16384xf32, #tpu.memory_space<hbm>>
    %dma_wait3A_34 = arith.constant 0 : i32
    %dma_wait3A_35 = tpu.memref_slice %arg2[%dma_wait3A_34] : memref<26738688xf32, #tpu.memory_space<hbm>> -> memref<16384xf32, #tpu.memory_space<hbm>>
    tpu.wait_dma2 semaphore(%arg13 : memref<!tpu.dma_semaphore, #tpu.memory_space<semaphore_mem>>) src(%dma_wait3A_35 : memref<16384xf32, #tpu.memory_space<hbm>>) dst(%arg5 : memref<16384xf32, #tpu.memory_space<vmem>>)
    %parallel_loop3A_36 = arith.constant 0 : i32
    %parallel_loop3A_37 = arith.constant 1024 : i32
    %parallel_loop3A_38 = arith.constant 1 : i32
    scf.for %parallel_loop3A_1135 = %parallel_loop3A_36 to %parallel_loop3A_37 step %parallel_loop3A_38  : i32 {
      %parallel_loop3A_1136 = arith.constant 16 : i32
      %parallel_loop3A_1137 = arith.muli %parallel_loop3A_1135, %parallel_loop3A_1136 : i32
      %parallel_loop3A_1138 = arith.index_cast %parallel_loop3A_1137 : i32 to index
      %parallel_loop3A_1139 = tpu.vector_load %arg4[%parallel_loop3A_1138] {strides = array<i32>} : memref<16384xf32, #tpu.memory_space<vmem>>, vector<16xf32>,
      %parallel_loop3A_1140 = arith.index_cast %parallel_loop3A_1137 : i32 to index
      %parallel_loop3A_1141 = tpu.vector_load %arg5[%parallel_loop3A_1140] {strides = array<i32>} : memref<16384xf32, #tpu.memory_space<vmem>>, vector<16xf32>,
      %parallel_loop3A_1142 = arith.subf %parallel_loop3A_1139, %parallel_loop3A_1141 : vector<16xf32>
      %parallel_loop3A_1143 = arith.index_cast %parallel_loop3A_1137 : i32 to index
      %parallel_loop3A_1144 = tpu.vector_load %arg4[%parallel_loop3A_1143] {strides = array<i32>} : memref<16384xf32, #tpu.memory_space<vmem>>, vector<16xf32>,
      tpu.vector_store %arg4[%parallel_loop3A_1143], %parallel_loop3A_1142 {strides = array<i32>} : memref<16384xf32, #tpu.memory_space<vmem>>, vector<16xf32>,
    } {sc.loop_unroll_factor = 8 : i64, sc.parallel_access}
    %add3A_39 = arith.constant 0 : i32
    %add3A_40 = arith.addi %add3A_39, %mul3A_2 : i32
    %dma_start3A_41 = tpu.memref_slice %arg3[%add3A_40] : memref<26738688xf32, #tpu.memory_space<hbm>> -> memref<16384xf32, #tpu.memory_space<hbm>>
    %dma_start3A_42 = tpu.memref_slice %arg3[%add3A_40] : memref<26738688xf32, #tpu.memory_space<hbm>> -> memref<16384xf32, #tpu.memory_space<hbm>>
    tpu.enqueue_dma source(%arg4 : memref<16384xf32, #tpu.memory_space<vmem>>) target(%dma_start3A_42 : memref<16384xf32, #tpu.memory_space<hbm>>) target_semaphore(%arg19 : memref<!tpu.dma_semaphore, #tpu.memory_space<semaphore_mem>>)
    %add3A_43 = arith.constant 9437184 : i32
    %add3A_44 = arith.addi %add3A_43, %mul3A_2 : i32
    %dma_start3A_45 = tpu.memref_slice %arg2[%add3A_44] : memref<26738688xf32, #tpu.memory_space<hbm>> -> memref<16384xf32, #tpu.memory_space<hbm>>
    %dma_start3A_46 = tpu.memref_slice %arg2[%add3A_44] : memref<26738688xf32, #tpu.memory_space<hbm>> -> memref<16384xf32, #tpu.memory_space<hbm>>
    tpu.enqueue_dma source(%dma_start3A_46 : memref<16384xf32, #tpu.memory_space<hbm>>) target(%arg10 : memref<16384xf32, #tpu.memory_space<vmem>>) target_semaphore(%arg18 : memref<!tpu.dma_semaphore, #tpu.memory_space<semaphore_mem>>)
    %dma_wait3A_47 = arith.constant 0 : i32
    %dma_wait3A_48 = tpu.memref_slice %arg2[%dma_wait3A_47] : memref<26738688xf32, #tpu.memory_space<hbm>> -> memref<16384xf32, #tpu.memory_space<hbm>>
    %dma_wait3A_49 = arith.constant 0 : i32
    %dma_wait3A_50 = tpu.memref_slice %arg2[%dma_wait3A_49] : memref<26738688xf32, #tpu.memory_space<hbm>> -> memref<16384xf32, #tpu.memory_space<hbm>>
    tpu.wait_dma2 semaphore(%arg15 : memref<!tpu.dma_semaphore, #tpu.memory_space<semaphore_mem>>) src(%dma_wait3A_50 : memref<16384xf32, #tpu.memory_space<hbm>>) dst(%arg7 : memref<16384xf32, #tpu.memory_space<vmem>>)
    %parallel_loop3A_51 = arith.constant 0 : i32
    %parallel_loop3A_52 = arith.constant 1024 : i32
    %parallel_loop3A_53 = arith.constant 1 : i32
    scf.for %parallel_loop3A_1135 = %parallel_loop3A_51 to %parallel_loop3A_52 step %parallel_loop3A_53  : i32 {
      %parallel_loop3A_1136 = arith.constant 16 : i32
      %parallel_loop3A_1137 = arith.muli %parallel_loop3A_1135, %parallel_loop3A_1136 : i32
      %parallel_loop3A_1138 = arith.index_cast %parallel_loop3A_1137 : i32 to index
      %parallel_loop3A_1139 = tpu.vector_load %arg5[%parallel_loop3A_1138] {strides = array<i32>} : memref<16384xf32, #tpu.memory_space<vmem>>, vector<16xf32>,
      %parallel_loop3A_1140 = arith.index_cast %parallel_loop3A_1137 : i32 to index
      %parallel_loop3A_1141 = tpu.vector_load %arg7[%parallel_loop3A_1140] {strides = array<i32>} : memref<16384xf32, #tpu.memory_space<vmem>>, vector<16xf32>,
      %parallel_loop3A_1142 = arith.subf %parallel_loop3A_1139, %parallel_loop3A_1141 : vector<16xf32>
      %parallel_loop3A_1143 = arith.index_cast %parallel_loop3A_1137 : i32 to index
      %parallel_loop3A_1144 = tpu.vector_load %arg5[%parallel_loop3A_1143] {strides = array<i32>} : memref<16384xf32, #tpu.memory_space<vmem>>, vector<16xf32>,
      tpu.vector_store %arg5[%parallel_loop3A_1143], %parallel_loop3A_1142 {strides = array<i32>} : memref<16384xf32, #tpu.memory_space<vmem>>, vector<16xf32>,
    } {sc.loop_unroll_factor = 8 : i64, sc.parallel_access}
    %add3A_54 = arith.constant 1572864 : i32
    %add3A_55 = arith.addi %add3A_54, %mul3A_2 : i32
    %dma_start3A_56 = tpu.memref_slice %arg3[%add3A_55] : memref<26738688xf32, #tpu.memory_space<hbm>> -> memref<16384xf32, #tpu.memory_space<hbm>>
    %dma_start3A_57 = tpu.memref_slice %arg3[%add3A_55] : memref<26738688xf32, #tpu.memory_space<hbm>> -> memref<16384xf32, #tpu.memory_space<hbm>>
    tpu.enqueue_dma source(%arg5 : memref<16384xf32, #tpu.memory_space<vmem>>) target(%dma_start3A_57 : memref<16384xf32, #tpu.memory_space<hbm>>) target_semaphore(%arg20 : memref<!tpu.dma_semaphore, #tpu.memory_space<semaphore_mem>>)
    %dma_wait3A_58 = arith.constant 0 : i32
    %dma_wait3A_59 = tpu.memref_slice %arg3[%dma_wait3A_58] : memref<26738688xf32, #tpu.memory_space<hbm>> -> memref<16384xf32, #tpu.memory_space<hbm>>
    %dma_wait3A_60 = arith.constant 0 : i32
    %dma_wait3A_61 = tpu.memref_slice %arg3[%dma_wait3A_60] : memref<26738688xf32, #tpu.memory_space<hbm>> -> memref<16384xf32, #tpu.memory_space<hbm>>
    tpu.wait_dma2 semaphore(%arg19 : memref<!tpu.dma_semaphore, #tpu.memory_space<semaphore_mem>>) src(%arg4 : memref<16384xf32, #tpu.memory_space<vmem>>) dst(%dma_wait3A_61 : memref<16384xf32, #tpu.memory_space<hbm>>)
    %add3A_62 = arith.constant 11010048 : i32
    %add3A_63 = arith.addi %add3A_62, %mul3A_2 : i32
    %dma_start3A_64 = tpu.memref_slice %arg2[%add3A_63] : memref<26738688xf32, #tpu.memory_space<hbm>> -> memref<16384xf32, #tpu.memory_space<hbm>>
    %dma_start3A_65 = tpu.memref_slice %arg2[%add3A_63] : memref<26738688xf32, #tpu.memory_space<hbm>> -> memref<16384xf32, #tpu.memory_space<hbm>>
    tpu.enqueue_dma source(%dma_start3A_65 : memref<16384xf32, #tpu.memory_space<hbm>>) target(%arg4 : memref<16384xf32, #tpu.memory_space<vmem>>) target_semaphore(%arg12 : memref<!tpu.dma_semaphore, #tpu.memory_space<semaphore_mem>>)
    %dma_wait3A_66 = arith.constant 0 : i32
    %dma_wait3A_67 = tpu.memref_slice %arg2[%dma_wait3A_66] : memref<26738688xf32, #tpu.memory_space<hbm>> -> memref<16384xf32, #tpu.memory_space<hbm>>
    %dma_wait3A_68 = arith.constant 0 : i32
    %dma_wait3A_69 = tpu.memref_slice %arg2[%dma_wait3A_68] : memref<26738688xf32, #tpu.memory_space<hbm>> -> memref<16384xf32, #tpu.memory_space<hbm>>
    tpu.wait_dma2 semaphore(%arg14 : memref<!tpu.dma_semaphore, #tpu.memory_space<semaphore_mem>>) src(%dma_wait3A_69 : memref<16384xf32, #tpu.memory_space<hbm>>) dst(%arg6 : memref<16384xf32, #tpu.memory_space<vmem>>)
    %dma_wait3A_70 = arith.constant 0 : i32
    %dma_wait3A_71 = tpu.memref_slice %arg2[%dma_wait3A_70] : memref<26738688xf32, #tpu.memory_space<hbm>> -> memref<16384xf32, #tpu.memory_space<hbm>>
    %dma_wait3A_72 = arith.constant 0 : i32
    %dma_wait3A_73 = tpu.memref_slice %arg2[%dma_wait3A_72] : memref<26738688xf32, #tpu.memory_space<hbm>> -> memref<16384xf32, #tpu.memory_space<hbm>>
    tpu.wait_dma2 semaphore(%arg16 : memref<!tpu.dma_semaphore, #tpu.memory_space<semaphore_mem>>) src(%dma_wait3A_73 : memref<16384xf32, #tpu.memory_space<hbm>>) dst(%arg8 : memref<16384xf32, #tpu.memory_space<vmem>>)
    %parallel_loop3A_74 = arith.constant 0 : i32
    %parallel_loop3A_75 = arith.constant 1024 : i32
    %parallel_loop3A_76 = arith.constant 1 : i32
    scf.for %parallel_loop3A_1135 = %parallel_loop3A_74 to %parallel_loop3A_75 step %parallel_loop3A_76  : i32 {
      %parallel_loop3A_1136 = arith.constant 16 : i32
      %parallel_loop3A_1137 = arith.muli %parallel_loop3A_1135, %parallel_loop3A_1136 : i32
      %parallel_loop3A_1138 = arith.index_cast %parallel_loop3A_1137 : i32 to index
      %parallel_loop3A_1139 = tpu.vector_load %arg6[%parallel_loop3A_1138] {strides = array<i32>} : memref<16384xf32, #tpu.memory_space<vmem>>, vector<16xf32>,
      %parallel_loop3A_1140 = arith.index_cast %parallel_loop3A_1137 : i32 to index
      %parallel_loop3A_1141 = tpu.vector_load %arg8[%parallel_loop3A_1140] {strides = array<i32>} : memref<16384xf32, #tpu.memory_space<vmem>>, vector<16xf32>,
      %parallel_loop3A_1142 = arith.subf %parallel_loop3A_1139, %parallel_loop3A_1141 : vector<16xf32>
      %parallel_loop3A_1143 = arith.index_cast %parallel_loop3A_1137 : i32 to index
      %parallel_loop3A_1144 = tpu.vector_load %arg6[%parallel_loop3A_1143] {strides = array<i32>} : memref<16384xf32, #tpu.memory_space<vmem>>, vector<16xf32>,
      tpu.vector_store %arg6[%parallel_loop3A_1143], %parallel_loop3A_1142 {strides = array<i32>} : memref<16384xf32, #tpu.memory_space<vmem>>, vector<16xf32>,
    } {sc.loop_unroll_factor = 8 : i64, sc.parallel_access}
    %add3A_77 = arith.constant 3145728 : i32
    %add3A_78 = arith.addi %add3A_77, %mul3A_2 : i32
    %dma_start3A_79 = tpu.memref_slice %arg3[%add3A_78] : memref<26738688xf32, #tpu.memory_space<hbm>> -> memref<16384xf32, #tpu.memory_space<hbm>>
    %dma_start3A_80 = tpu.memref_slice %arg3[%add3A_78] : memref<26738688xf32, #tpu.memory_space<hbm>> -> memref<16384xf32, #tpu.memory_space<hbm>>
    tpu.enqueue_dma source(%arg6 : memref<16384xf32, #tpu.memory_space<vmem>>) target(%dma_start3A_80 : memref<16384xf32, #tpu.memory_space<hbm>>) target_semaphore(%arg21 : memref<!tpu.dma_semaphore, #tpu.memory_space<semaphore_mem>>)
    %dma_wait3A_81 = arith.constant 0 : i32
    %dma_wait3A_82 = tpu.memref_slice %arg3[%dma_wait3A_81] : memref<26738688xf32, #tpu.memory_space<hbm>> -> memref<16384xf32, #tpu.memory_space<hbm>>
    %dma_wait3A_83 = arith.constant 0 : i32
    %dma_wait3A_84 = tpu.memref_slice %arg3[%dma_wait3A_83] : memref<26738688xf32, #tpu.memory_space<hbm>> -> memref<16384xf32, #tpu.memory_space<hbm>>
    tpu.wait_dma2 semaphore(%arg20 : memref<!tpu.dma_semaphore, #tpu.memory_space<semaphore_mem>>) src(%arg5 : memref<16384xf32, #tpu.memory_space<vmem>>) dst(%dma_wait3A_84 : memref<16384xf32, #tpu.memory_space<hbm>>)
    %add3A_85 = arith.constant 12582912 : i32
    %add3A_86 = arith.addi %add3A_85, %mul3A_2 : i32
    %dma_start3A_87 = tpu.memref_slice %arg2[%add3A_86] : memref<26738688xf32, #tpu.memory_space<hbm>> -> memref<16384xf32, #tpu.memory_space<hbm>>
    %dma_start3A_88 = tpu.memref_slice %arg2[%add3A_86] : memref<26738688xf32, #tpu.memory_space<hbm>> -> memref<16384xf32, #tpu.memory_space<hbm>>
    tpu.enqueue_dma source(%dma_start3A_88 : memref<16384xf32, #tpu.memory_space<hbm>>) target(%arg5 : memref<16384xf32, #tpu.memory_space<vmem>>) target_semaphore(%arg13 : memref<!tpu.dma_semaphore, #tpu.memory_space<semaphore_mem>>)
    %add3A_89 = arith.constant 4718592 : i32
    %add3A_90 = arith.addi %add3A_89, %mul3A_2 : i32
    %add3A_91 = arith.constant 0 : i32
    %add3A_92 = arith.addi %add3A_90, %add3A_91 : i32
    %dma_start3A_93 = tpu.memref_slice %arg3[%add3A_92] : memref<26738688xf32, #tpu.memory_space<hbm>> -> memref<8192xf32, #tpu.memory_space<hbm>>
    %dma_start3A_94 = tpu.memref_slice %arg3[%add3A_92] : memref<26738688xf32, #tpu.memory_space<hbm>> -> memref<8192xf32, #tpu.memory_space<hbm>>
    tpu.enqueue_dma source(%arg11 : memref<8192xf32, #tpu.memory_space<vmem>>) target(%dma_start3A_94 : memref<8192xf32, #tpu.memory_space<hbm>>) target_semaphore(%arg26 : memref<!tpu.dma_semaphore, #tpu.memory_space<semaphore_mem>>)
    %add3A_95 = arith.constant 4718592 : i32
    %add3A_96 = arith.addi %add3A_95, %mul3A_2 : i32
    %add3A_97 = arith.constant 8192 : i32
    %add3A_98 = arith.addi %add3A_96, %add3A_97 : i32
    %dma_start3A_99 = tpu.memref_slice %arg3[%add3A_98] : memref<26738688xf32, #tpu.memory_space<hbm>> -> memref<8192xf32, #tpu.memory_space<hbm>>
    %dma_start3A_100 = tpu.memref_slice %arg3[%add3A_98] : memref<26738688xf32, #tpu.memory_space<hbm>> -> memref<8192xf32, #tpu.memory_space<hbm>>
    tpu.enqueue_dma source(%arg11 : memref<8192xf32, #tpu.memory_space<vmem>>) target(%dma_start3A_100 : memref<8192xf32, #tpu.memory_space<hbm>>) target_semaphore(%arg26 : memref<!tpu.dma_semaphore, #tpu.memory_space<semaphore_mem>>)
    %dma_wait3A_101 = arith.constant 0 : i32
    %dma_wait3A_102 = tpu.memref_slice %arg3[%dma_wait3A_101] : memref<26738688xf32, #tpu.memory_space<hbm>> -> memref<16384xf32, #tpu.memory_space<hbm>>
    %dma_wait3A_103 = arith.constant 0 : i32
    %dma_wait3A_104 = tpu.memref_slice %arg3[%dma_wait3A_103] : memref<26738688xf32, #tpu.memory_space<hbm>> -> memref<16384xf32, #tpu.memory_space<hbm>>
    tpu.wait_dma2 semaphore(%arg21 : memref<!tpu.dma_semaphore, #tpu.memory_space<semaphore_mem>>) src(%arg6 : memref<16384xf32, #tpu.memory_space<vmem>>) dst(%dma_wait3A_104 : memref<16384xf32, #tpu.memory_space<hbm>>)
    %add3A_105 = arith.constant 14155776 : i32
    %add3A_106 = arith.addi %add3A_105, %mul3A_2 : i32
    %dma_start3A_107 = tpu.memref_slice %arg2[%add3A_106] : memref<26738688xf32, #tpu.memory_space<hbm>> -> memref<16384xf32, #tpu.memory_space<hbm>>
    %dma_start3A_108 = tpu.memref_slice %arg2[%add3A_106] : memref<26738688xf32, #tpu.memory_space<hbm>> -> memref<16384xf32, #tpu.memory_space<hbm>>
    tpu.enqueue_dma source(%dma_start3A_108 : memref<16384xf32, #tpu.memory_space<hbm>>) target(%arg6 : memref<16384xf32, #tpu.memory_space<vmem>>) target_semaphore(%arg14 : memref<!tpu.dma_semaphore, #tpu.memory_space<semaphore_mem>>)
    %add3A_109 = arith.constant 6291456 : i32
    %add3A_110 = arith.addi %add3A_109, %mul3A_2 : i32
    %add3A_111 = arith.constant 0 : i32
    %add3A_112 = arith.addi %add3A_110, %add3A_111 : i32
    %dma_start3A_113 = tpu.memref_slice %arg3[%add3A_112] : memref<26738688xf32, #tpu.memory_space<hbm>> -> memref<8192xf32, #tpu.memory_space<hbm>>
    %dma_start3A_114 = tpu.memref_slice %arg3[%add3A_112] : memref<26738688xf32, #tpu.memory_space<hbm>> -> memref<8192xf32, #tpu.memory_space<hbm>>
    tpu.enqueue_dma source(%arg11 : memref<8192xf32, #tpu.memory_space<vmem>>) target(%dma_start3A_114 : memref<8192xf32, #tpu.memory_space<hbm>>) target_semaphore(%arg26 : memref<!tpu.dma_semaphore, #tpu.memory_space<semaphore_mem>>)
    %add3A_115 = arith.constant 6291456 : i32
    %add3A_116 = arith.addi %add3A_115, %mul3A_2 : i32
    %add3A_117 = arith.constant 8192 : i32
    %add3A_118 = arith.addi %add3A_116, %add3A_117 : i32
    %dma_start3A_119 = tpu.memref_slice %arg3[%add3A_118] : memref<26738688xf32, #tpu.memory_space<hbm>> -> memref<8192xf32, #tpu.memory_space<hbm>>
    %dma_start3A_120 = tpu.memref_slice %arg3[%add3A_118] : memref<26738688xf32, #tpu.memory_space<hbm>> -> memref<8192xf32, #tpu.memory_space<hbm>>
    tpu.enqueue_dma source(%arg11 : memref<8192xf32, #tpu.memory_space<vmem>>) target(%dma_start3A_120 : memref<8192xf32, #tpu.memory_space<hbm>>) target_semaphore(%arg26 : memref<!tpu.dma_semaphore, #tpu.memory_space<semaphore_mem>>)
    %add3A_121 = arith.constant 15728640 : i32
    %add3A_122 = arith.addi %add3A_121, %mul3A_2 : i32
    %dma_start3A_123 = tpu.memref_slice %arg2[%add3A_122] : memref<26738688xf32, #tpu.memory_space<hbm>> -> memref<16384xf32, #tpu.memory_space<hbm>>
    %dma_start3A_124 = tpu.memref_slice %arg2[%add3A_122] : memref<26738688xf32, #tpu.memory_space<hbm>> -> memref<16384xf32, #tpu.memory_space<hbm>>
    tpu.enqueue_dma source(%dma_start3A_124 : memref<16384xf32, #tpu.memory_space<hbm>>) target(%arg7 : memref<16384xf32, #tpu.memory_space<vmem>>) target_semaphore(%arg15 : memref<!tpu.dma_semaphore, #tpu.memory_space<semaphore_mem>>)
    %dma_wait3A_125 = arith.constant 0 : i32
    %dma_wait3A_126 = tpu.memref_slice %arg2[%dma_wait3A_125] : memref<26738688xf32, #tpu.memory_space<hbm>> -> memref<16384xf32, #tpu.memory_space<hbm>>
    %dma_wait3A_127 = arith.constant 0 : i32
    %dma_wait3A_128 = tpu.memref_slice %arg2[%dma_wait3A_127] : memref<26738688xf32, #tpu.memory_space<hbm>> -> memref<16384xf32, #tpu.memory_space<hbm>>
    tpu.wait_dma2 semaphore(%arg17 : memref<!tpu.dma_semaphore, #tpu.memory_space<semaphore_mem>>) src(%dma_wait3A_128 : memref<16384xf32, #tpu.memory_space<hbm>>) dst(%arg9 : memref<16384xf32, #tpu.memory_space<vmem>>)
    %dma_wait3A_129 = arith.constant 0 : i32
    %dma_wait3A_130 = tpu.memref_slice %arg2[%dma_wait3A_129] : memref<26738688xf32, #tpu.memory_space<hbm>> -> memref<16384xf32, #tpu.memory_space<hbm>>
    %dma_wait3A_131 = arith.constant 0 : i32
    %dma_wait3A_132 = tpu.memref_slice %arg2[%dma_wait3A_131] : memref<26738688xf32, #tpu.memory_space<hbm>> -> memref<16384xf32, #tpu.memory_space<hbm>>
    tpu.wait_dma2 semaphore(%arg12 : memref<!tpu.dma_semaphore, #tpu.memory_space<semaphore_mem>>) src(%dma_wait3A_132 : memref<16384xf32, #tpu.memory_space<hbm>>) dst(%arg4 : memref<16384xf32, #tpu.memory_space<vmem>>)
    %parallel_loop3A_133 = arith.constant 0 : i32
    %parallel_loop3A_134 = arith.constant 1024 : i32
    %parallel_loop3A_135 = arith.constant 1 : i32
    scf.for %parallel_loop3A_1135 = %parallel_loop3A_133 to %parallel_loop3A_134 step %parallel_loop3A_135  : i32 {
      %parallel_loop3A_1136 = arith.constant 16 : i32
      %parallel_loop3A_1137 = arith.muli %parallel_loop3A_1135, %parallel_loop3A_1136 : i32
      %parallel_loop3A_1138 = arith.index_cast %parallel_loop3A_1137 : i32 to index
      %parallel_loop3A_1139 = tpu.vector_load %arg9[%parallel_loop3A_1138] {strides = array<i32>} : memref<16384xf32, #tpu.memory_space<vmem>>, vector<16xf32>,
      %parallel_loop3A_1140 = arith.index_cast %parallel_loop3A_1137 : i32 to index
      %parallel_loop3A_1141 = tpu.vector_load %arg4[%parallel_loop3A_1140] {strides = array<i32>} : memref<16384xf32, #tpu.memory_space<vmem>>, vector<16xf32>,
      %parallel_loop3A_1142 = arith.subf %parallel_loop3A_1139, %parallel_loop3A_1141 : vector<16xf32>
      %parallel_loop3A_1143 = arith.index_cast %parallel_loop3A_1137 : i32 to index
      %parallel_loop3A_1144 = tpu.vector_load %arg9[%parallel_loop3A_1143] {strides = array<i32>} : memref<16384xf32, #tpu.memory_space<vmem>>, vector<16xf32>,
      tpu.vector_store %arg9[%parallel_loop3A_1143], %parallel_loop3A_1142 {strides = array<i32>} : memref<16384xf32, #tpu.memory_space<vmem>>, vector<16xf32>,
    } {sc.loop_unroll_factor = 8 : i64, sc.parallel_access}
    %add3A_136 = arith.constant 7864320 : i32
    %add3A_137 = arith.addi %add3A_136, %mul3A_2 : i32
    %dma_start3A_138 = tpu.memref_slice %arg3[%add3A_137] : memref<26738688xf32, #tpu.memory_space<hbm>> -> memref<16384xf32, #tpu.memory_space<hbm>>
    %dma_start3A_139 = tpu.memref_slice %arg3[%add3A_137] : memref<26738688xf32, #tpu.memory_space<hbm>> -> memref<16384xf32, #tpu.memory_space<hbm>>
    tpu.enqueue_dma source(%arg9 : memref<16384xf32, #tpu.memory_space<vmem>>) target(%dma_start3A_139 : memref<16384xf32, #tpu.memory_space<hbm>>) target_semaphore(%arg24 : memref<!tpu.dma_semaphore, #tpu.memory_space<semaphore_mem>>)
    %add3A_140 = arith.constant 17301504 : i32
    %add3A_141 = arith.addi %add3A_140, %mul3A_2 : i32
    %dma_start3A_142 = tpu.memref_slice %arg2[%add3A_141] : memref<26738688xf32, #tpu.memory_space<hbm>> -> memref<16384xf32, #tpu.memory_space<hbm>>
    %dma_start3A_143 = tpu.memref_slice %arg2[%add3A_141] : memref<26738688xf32, #tpu.memory_space<hbm>> -> memref<16384xf32, #tpu.memory_space<hbm>>
    tpu.enqueue_dma source(%dma_start3A_143 : memref<16384xf32, #tpu.memory_space<hbm>>) target(%arg8 : memref<16384xf32, #tpu.memory_space<vmem>>) target_semaphore(%arg16 : memref<!tpu.dma_semaphore, #tpu.memory_space<semaphore_mem>>)
    %dma_wait3A_144 = arith.constant 0 : i32
    %dma_wait3A_145 = tpu.memref_slice %arg2[%dma_wait3A_144] : memref<26738688xf32, #tpu.memory_space<hbm>> -> memref<16384xf32, #tpu.memory_space<hbm>>
    %dma_wait3A_146 = arith.constant 0 : i32
    %dma_wait3A_147 = tpu.memref_slice %arg2[%dma_wait3A_146] : memref<26738688xf32, #tpu.memory_space<hbm>> -> memref<16384xf32, #tpu.memory_space<hbm>>
    tpu.wait_dma2 semaphore(%arg18 : memref<!tpu.dma_semaphore, #tpu.memory_space<semaphore_mem>>) src(%dma_wait3A_147 : memref<16384xf32, #tpu.memory_space<hbm>>) dst(%arg10 : memref<16384xf32, #tpu.memory_space<vmem>>)
    %dma_wait3A_148 = arith.constant 0 : i32
    %dma_wait3A_149 = tpu.memref_slice %arg2[%dma_wait3A_148] : memref<26738688xf32, #tpu.memory_space<hbm>> -> memref<16384xf32, #tpu.memory_space<hbm>>
    %dma_wait3A_150 = arith.constant 0 : i32
    %dma_wait3A_151 = tpu.memref_slice %arg2[%dma_wait3A_150] : memref<26738688xf32, #tpu.memory_space<hbm>> -> memref<16384xf32, #tpu.memory_space<hbm>>
    tpu.wait_dma2 semaphore(%arg13 : memref<!tpu.dma_semaphore, #tpu.memory_space<semaphore_mem>>) src(%dma_wait3A_151 : memref<16384xf32, #tpu.memory_space<hbm>>) dst(%arg5 : memref<16384xf32, #tpu.memory_space<vmem>>)
    %parallel_loop3A_152 = arith.constant 0 : i32
    %parallel_loop3A_153 = arith.constant 1024 : i32
    %parallel_loop3A_154 = arith.constant 1 : i32
    scf.for %parallel_loop3A_1135 = %parallel_loop3A_152 to %parallel_loop3A_153 step %parallel_loop3A_154  : i32 {
      %parallel_loop3A_1136 = arith.constant 16 : i32
      %parallel_loop3A_1137 = arith.muli %parallel_loop3A_1135, %parallel_loop3A_1136 : i32
      %parallel_loop3A_1138 = arith.index_cast %parallel_loop3A_1137 : i32 to index
      %parallel_loop3A_1139 = tpu.vector_load %arg10[%parallel_loop3A_1138] {strides = array<i32>} : memref<16384xf32, #tpu.memory_space<vmem>>, vector<16xf32>,
      %parallel_loop3A_1140 = arith.index_cast %parallel_loop3A_1137 : i32 to index
      %parallel_loop3A_1141 = tpu.vector_load %arg5[%parallel_loop3A_1140] {strides = array<i32>} : memref<16384xf32, #tpu.memory_space<vmem>>, vector<16xf32>,
      %parallel_loop3A_1142 = arith.subf %parallel_loop3A_1139, %parallel_loop3A_1141 : vector<16xf32>
      %parallel_loop3A_1143 = arith.index_cast %parallel_loop3A_1137 : i32 to index
      %parallel_loop3A_1144 = tpu.vector_load %arg10[%parallel_loop3A_1143] {strides = array<i32>} : memref<16384xf32, #tpu.memory_space<vmem>>, vector<16xf32>,
      tpu.vector_store %arg10[%parallel_loop3A_1143], %parallel_loop3A_1142 {strides = array<i32>} : memref<16384xf32, #tpu.memory_space<vmem>>, vector<16xf32>,
    } {sc.loop_unroll_factor = 8 : i64, sc.parallel_access}
    %add3A_155 = arith.constant 9437184 : i32
    %add3A_156 = arith.addi %add3A_155, %mul3A_2 : i32
    %dma_start3A_157 = tpu.memref_slice %arg3[%add3A_156] : memref<26738688xf32, #tpu.memory_space<hbm>> -> memref<16384xf32, #tpu.memory_space<hbm>>
    %dma_start3A_158 = tpu.memref_slice %arg3[%add3A_156] : memref<26738688xf32, #tpu.memory_space<hbm>> -> memref<16384xf32, #tpu.memory_space<hbm>>
    tpu.enqueue_dma source(%arg10 : memref<16384xf32, #tpu.memory_space<vmem>>) target(%dma_start3A_158 : memref<16384xf32, #tpu.memory_space<hbm>>) target_semaphore(%arg25 : memref<!tpu.dma_semaphore, #tpu.memory_space<semaphore_mem>>)
    %dma_wait3A_159 = arith.constant 0 : i32
    %dma_wait3A_160 = tpu.memref_slice %arg3[%dma_wait3A_159] : memref<26738688xf32, #tpu.memory_space<hbm>> -> memref<16384xf32, #tpu.memory_space<hbm>>
    %dma_wait3A_161 = arith.constant 0 : i32
    %dma_wait3A_162 = tpu.memref_slice %arg3[%dma_wait3A_161] : memref<26738688xf32, #tpu.memory_space<hbm>> -> memref<16384xf32, #tpu.memory_space<hbm>>
    tpu.wait_dma2 semaphore(%arg24 : memref<!tpu.dma_semaphore, #tpu.memory_space<semaphore_mem>>) src(%arg9 : memref<16384xf32, #tpu.memory_space<vmem>>) dst(%dma_wait3A_162 : memref<16384xf32, #tpu.memory_space<hbm>>)
    %add3A_163 = arith.constant 18874368 : i32
    %add3A_164 = arith.addi %add3A_163, %mul3A_2 : i32
    %dma_start3A_165 = tpu.memref_slice %arg2[%add3A_164] : memref<26738688xf32, #tpu.memory_space<hbm>> -> memref<16384xf32, #tpu.memory_space<hbm>>
    %dma_start3A_166 = tpu.memref_slice %arg2[%add3A_164] : memref<26738688xf32, #tpu.memory_space<hbm>> -> memref<16384xf32, #tpu.memory_space<hbm>>
    tpu.enqueue_dma source(%dma_start3A_166 : memref<16384xf32, #tpu.memory_space<hbm>>) target(%arg9 : memref<16384xf32, #tpu.memory_space<vmem>>) target_semaphore(%arg17 : memref<!tpu.dma_semaphore, #tpu.memory_space<semaphore_mem>>)
    %dma_wait3A_167 = arith.constant 0 : i32
    %dma_wait3A_168 = tpu.memref_slice %arg2[%dma_wait3A_167] : memref<26738688xf32, #tpu.memory_space<hbm>> -> memref<16384xf32, #tpu.memory_space<hbm>>
    %dma_wait3A_169 = arith.constant 0 : i32
    %dma_wait3A_170 = tpu.memref_slice %arg2[%dma_wait3A_169] : memref<26738688xf32, #tpu.memory_space<hbm>> -> memref<16384xf32, #tpu.memory_space<hbm>>
    tpu.wait_dma2 semaphore(%arg14 : memref<!tpu.dma_semaphore, #tpu.memory_space<semaphore_mem>>) src(%dma_wait3A_170 : memref<16384xf32, #tpu.memory_space<hbm>>) dst(%arg6 : memref<16384xf32, #tpu.memory_space<vmem>>)
    %parallel_loop3A_171 = arith.constant 0 : i32
    %parallel_loop3A_172 = arith.constant 1024 : i32
    %parallel_loop3A_173 = arith.constant 1 : i32
    scf.for %parallel_loop3A_1135 = %parallel_loop3A_171 to %parallel_loop3A_172 step %parallel_loop3A_173  : i32 {
      %parallel_loop3A_1136 = arith.constant 16 : i32
      %parallel_loop3A_1137 = arith.muli %parallel_loop3A_1135, %parallel_loop3A_1136 : i32
      %parallel_loop3A_1138 = arith.index_cast %parallel_loop3A_1137 : i32 to index
      %parallel_loop3A_1139 = tpu.vector_load %arg4[%parallel_loop3A_1138] {strides = array<i32>} : memref<16384xf32, #tpu.memory_space<vmem>>, vector<16xf32>,
      %parallel_loop3A_1140 = arith.index_cast %parallel_loop3A_1137 : i32 to index
      %parallel_loop3A_1141 = tpu.vector_load %arg6[%parallel_loop3A_1140] {strides = array<i32>} : memref<16384xf32, #tpu.memory_space<vmem>>, vector<16xf32>,
      %parallel_loop3A_1142 = arith.subf %parallel_loop3A_1139, %parallel_loop3A_1141 : vector<16xf32>
      %parallel_loop3A_1143 = arith.index_cast %parallel_loop3A_1137 : i32 to index
      %parallel_loop3A_1144 = tpu.vector_load %arg4[%parallel_loop3A_1143] {strides = array<i32>} : memref<16384xf32, #tpu.memory_space<vmem>>, vector<16xf32>,
      tpu.vector_store %arg4[%parallel_loop3A_1143], %parallel_loop3A_1142 {strides = array<i32>} : memref<16384xf32, #tpu.memory_space<vmem>>, vector<16xf32>,
    } {sc.loop_unroll_factor = 8 : i64, sc.parallel_access}
    %add3A_174 = arith.constant 11010048 : i32
    %add3A_175 = arith.addi %add3A_174, %mul3A_2 : i32
    %dma_start3A_176 = tpu.memref_slice %arg3[%add3A_175] : memref<26738688xf32, #tpu.memory_space<hbm>> -> memref<16384xf32, #tpu.memory_space<hbm>>
    %dma_start3A_177 = tpu.memref_slice %arg3[%add3A_175] : memref<26738688xf32, #tpu.memory_space<hbm>> -> memref<16384xf32, #tpu.memory_space<hbm>>
    tpu.enqueue_dma source(%arg4 : memref<16384xf32, #tpu.memory_space<vmem>>) target(%dma_start3A_177 : memref<16384xf32, #tpu.memory_space<hbm>>) target_semaphore(%arg19 : memref<!tpu.dma_semaphore, #tpu.memory_space<semaphore_mem>>)
    %dma_wait3A_178 = arith.constant 0 : i32
    %dma_wait3A_179 = tpu.memref_slice %arg3[%dma_wait3A_178] : memref<26738688xf32, #tpu.memory_space<hbm>> -> memref<16384xf32, #tpu.memory_space<hbm>>
    %dma_wait3A_180 = arith.constant 0 : i32
    %dma_wait3A_181 = tpu.memref_slice %arg3[%dma_wait3A_180] : memref<26738688xf32, #tpu.memory_space<hbm>> -> memref<16384xf32, #tpu.memory_space<hbm>>
    tpu.wait_dma2 semaphore(%arg25 : memref<!tpu.dma_semaphore, #tpu.memory_space<semaphore_mem>>) src(%arg10 : memref<16384xf32, #tpu.memory_space<vmem>>) dst(%dma_wait3A_181 : memref<16384xf32, #tpu.memory_space<hbm>>)
    %add3A_182 = arith.constant 20447232 : i32
    %add3A_183 = arith.addi %add3A_182, %mul3A_2 : i32
    %dma_start3A_184 = tpu.memref_slice %arg2[%add3A_183] : memref<26738688xf32, #tpu.memory_space<hbm>> -> memref<16384xf32, #tpu.memory_space<hbm>>
    %dma_start3A_185 = tpu.memref_slice %arg2[%add3A_183] : memref<26738688xf32, #tpu.memory_space<hbm>> -> memref<16384xf32, #tpu.memory_space<hbm>>
    tpu.enqueue_dma source(%dma_start3A_185 : memref<16384xf32, #tpu.memory_space<hbm>>) target(%arg10 : memref<16384xf32, #tpu.memory_space<vmem>>) target_semaphore(%arg18 : memref<!tpu.dma_semaphore, #tpu.memory_space<semaphore_mem>>)
    %dma_wait3A_186 = arith.constant 0 : i32
    %dma_wait3A_187 = tpu.memref_slice %arg2[%dma_wait3A_186] : memref<26738688xf32, #tpu.memory_space<hbm>> -> memref<16384xf32, #tpu.memory_space<hbm>>
    %dma_wait3A_188 = arith.constant 0 : i32
    %dma_wait3A_189 = tpu.memref_slice %arg2[%dma_wait3A_188] : memref<26738688xf32, #tpu.memory_space<hbm>> -> memref<16384xf32, #tpu.memory_space<hbm>>
    tpu.wait_dma2 semaphore(%arg15 : memref<!tpu.dma_semaphore, #tpu.memory_space<semaphore_mem>>) src(%dma_wait3A_189 : memref<16384xf32, #tpu.memory_space<hbm>>) dst(%arg7 : memref<16384xf32, #tpu.memory_space<vmem>>)
    %parallel_loop3A_190 = arith.constant 0 : i32
    %parallel_loop3A_191 = arith.constant 1024 : i32
    %parallel_loop3A_192 = arith.constant 1 : i32
    scf.for %parallel_loop3A_1135 = %parallel_loop3A_190 to %parallel_loop3A_191 step %parallel_loop3A_192  : i32 {
      %parallel_loop3A_1136 = arith.constant 16 : i32
      %parallel_loop3A_1137 = arith.muli %parallel_loop3A_1135, %parallel_loop3A_1136 : i32
      %parallel_loop3A_1138 = arith.index_cast %parallel_loop3A_1137 : i32 to index
      %parallel_loop3A_1139 = tpu.vector_load %arg5[%parallel_loop3A_1138] {strides = array<i32>} : memref<16384xf32, #tpu.memory_space<vmem>>, vector<16xf32>,
      %parallel_loop3A_1140 = arith.index_cast %parallel_loop3A_1137 : i32 to index
      %parallel_loop3A_1141 = tpu.vector_load %arg7[%parallel_loop3A_1140] {strides = array<i32>} : memref<16384xf32, #tpu.memory_space<vmem>>, vector<16xf32>,
      %parallel_loop3A_1142 = arith.subf %parallel_loop3A_1139, %parallel_loop3A_1141 : vector<16xf32>
      %parallel_loop3A_1143 = arith.index_cast %parallel_loop3A_1137 : i32 to index
      %parallel_loop3A_1144 = tpu.vector_load %arg5[%parallel_loop3A_1143] {strides = array<i32>} : memref<16384xf32, #tpu.memory_space<vmem>>, vector<16xf32>,
      tpu.vector_store %arg5[%parallel_loop3A_1143], %parallel_loop3A_1142 {strides = array<i32>} : memref<16384xf32, #tpu.memory_space<vmem>>, vector<16xf32>,
    } {sc.loop_unroll_factor = 8 : i64, sc.parallel_access}
    %add3A_193 = arith.constant 12582912 : i32
    %add3A_194 = arith.addi %add3A_193, %mul3A_2 : i32
    %dma_start3A_195 = tpu.memref_slice %arg3[%add3A_194] : memref<26738688xf32, #tpu.memory_space<hbm>> -> memref<16384xf32, #tpu.memory_space<hbm>>
    %dma_start3A_196 = tpu.memref_slice %arg3[%add3A_194] : memref<26738688xf32, #tpu.memory_space<hbm>> -> memref<16384xf32, #tpu.memory_space<hbm>>
    tpu.enqueue_dma source(%arg5 : memref<16384xf32, #tpu.memory_space<vmem>>) target(%dma_start3A_196 : memref<16384xf32, #tpu.memory_space<hbm>>) target_semaphore(%arg20 : memref<!tpu.dma_semaphore, #tpu.memory_space<semaphore_mem>>)
    %dma_wait3A_197 = arith.constant 0 : i32
    %dma_wait3A_198 = tpu.memref_slice %arg3[%dma_wait3A_197] : memref<26738688xf32, #tpu.memory_space<hbm>> -> memref<16384xf32, #tpu.memory_space<hbm>>
    %dma_wait3A_199 = arith.constant 0 : i32
    %dma_wait3A_200 = tpu.memref_slice %arg3[%dma_wait3A_199] : memref<26738688xf32, #tpu.memory_space<hbm>> -> memref<16384xf32, #tpu.memory_space<hbm>>
    tpu.wait_dma2 semaphore(%arg19 : memref<!tpu.dma_semaphore, #tpu.memory_space<semaphore_mem>>) src(%arg4 : memref<16384xf32, #tpu.memory_space<vmem>>) dst(%dma_wait3A_200 : memref<16384xf32, #tpu.memory_space<hbm>>)
    %add3A_201 = arith.constant 22020096 : i32
    %add3A_202 = arith.addi %add3A_201, %mul3A_2 : i32
    %dma_start3A_203 = tpu.memref_slice %arg2[%add3A_202] : memref<26738688xf32, #tpu.memory_space<hbm>> -> memref<16384xf32, #tpu.memory_space<hbm>>
    %dma_start3A_204 = tpu.memref_slice %arg2[%add3A_202] : memref<26738688xf32, #tpu.memory_space<hbm>> -> memref<16384xf32, #tpu.memory_space<hbm>>
    tpu.enqueue_dma source(%dma_start3A_204 : memref<16384xf32, #tpu.memory_space<hbm>>) target(%arg4 : memref<16384xf32, #tpu.memory_space<vmem>>) target_semaphore(%arg12 : memref<!tpu.dma_semaphore, #tpu.memory_space<semaphore_mem>>)
    %add3A_205 = arith.constant 14155776 : i32
    %add3A_206 = arith.addi %add3A_205, %mul3A_2 : i32
    %add3A_207 = arith.constant 0 : i32
    %add3A_208 = arith.addi %add3A_206, %add3A_207 : i32
    %dma_start3A_209 = tpu.memref_slice %arg3[%add3A_208] : memref<26738688xf32, #tpu.memory_space<hbm>> -> memref<8192xf32, #tpu.memory_space<hbm>>
    %dma_start3A_210 = tpu.memref_slice %arg3[%add3A_208] : memref<26738688xf32, #tpu.memory_space<hbm>> -> memref<8192xf32, #tpu.memory_space<hbm>>
    tpu.enqueue_dma source(%arg11 : memref<8192xf32, #tpu.memory_space<vmem>>) target(%dma_start3A_210 : memref<8192xf32, #tpu.memory_space<hbm>>) target_semaphore(%arg26 : memref<!tpu.dma_semaphore, #tpu.memory_space<semaphore_mem>>)
    %add3A_211 = arith.constant 14155776 : i32
    %add3A_212 = arith.addi %add3A_211, %mul3A_2 : i32
    %add3A_213 = arith.constant 8192 : i32
    %add3A_214 = arith.addi %add3A_212, %add3A_213 : i32
    %dma_start3A_215 = tpu.memref_slice %arg3[%add3A_214] : memref<26738688xf32, #tpu.memory_space<hbm>> -> memref<8192xf32, #tpu.memory_space<hbm>>
    %dma_start3A_216 = tpu.memref_slice %arg3[%add3A_214] : memref<26738688xf32, #tpu.memory_space<hbm>> -> memref<8192xf32, #tpu.memory_space<hbm>>
    tpu.enqueue_dma source(%arg11 : memref<8192xf32, #tpu.memory_space<vmem>>) target(%dma_start3A_216 : memref<8192xf32, #tpu.memory_space<hbm>>) target_semaphore(%arg26 : memref<!tpu.dma_semaphore, #tpu.memory_space<semaphore_mem>>)
    %dma_wait3A_217 = arith.constant 0 : i32
    %dma_wait3A_218 = tpu.memref_slice %arg3[%dma_wait3A_217] : memref<26738688xf32, #tpu.memory_space<hbm>> -> memref<16384xf32, #tpu.memory_space<hbm>>
    %dma_wait3A_219 = arith.constant 0 : i32
    %dma_wait3A_220 = tpu.memref_slice %arg3[%dma_wait3A_219] : memref<26738688xf32, #tpu.memory_space<hbm>> -> memref<16384xf32, #tpu.memory_space<hbm>>
    tpu.wait_dma2 semaphore(%arg20 : memref<!tpu.dma_semaphore, #tpu.memory_space<semaphore_mem>>) src(%arg5 : memref<16384xf32, #tpu.memory_space<vmem>>) dst(%dma_wait3A_220 : memref<16384xf32, #tpu.memory_space<hbm>>)
    %add3A_221 = arith.constant 23592960 : i32
    %add3A_222 = arith.addi %add3A_221, %mul3A_2 : i32
    %dma_start3A_223 = tpu.memref_slice %arg2[%add3A_222] : memref<26738688xf32, #tpu.memory_space<hbm>> -> memref<16384xf32, #tpu.memory_space<hbm>>
    %dma_start3A_224 = tpu.memref_slice %arg2[%add3A_222] : memref<26738688xf32, #tpu.memory_space<hbm>> -> memref<16384xf32, #tpu.memory_space<hbm>>
    tpu.enqueue_dma source(%dma_start3A_224 : memref<16384xf32, #tpu.memory_space<hbm>>) target(%arg5 : memref<16384xf32, #tpu.memory_space<vmem>>) target_semaphore(%arg13 : memref<!tpu.dma_semaphore, #tpu.memory_space<semaphore_mem>>)
    %add3A_225 = arith.constant 15728640 : i32
    %add3A_226 = arith.addi %add3A_225, %mul3A_2 : i32
    %add3A_227 = arith.constant 0 : i32
    %add3A_228 = arith.addi %add3A_226, %add3A_227 : i32
    %dma_start3A_229 = tpu.memref_slice %arg3[%add3A_228] : memref<26738688xf32, #tpu.memory_space<hbm>> -> memref<8192xf32, #tpu.memory_space<hbm>>
    %dma_start3A_230 = tpu.memref_slice %arg3[%add3A_228] : memref<26738688xf32, #tpu.memory_space<hbm>> -> memref<8192xf32, #tpu.memory_space<hbm>>
    tpu.enqueue_dma source(%arg11 : memref<8192xf32, #tpu.memory_space<vmem>>) target(%dma_start3A_230 : memref<8192xf32, #tpu.memory_space<hbm>>) target_semaphore(%arg26 : memref<!tpu.dma_semaphore, #tpu.memory_space<semaphore_mem>>)
    %add3A_231 = arith.constant 15728640 : i32
    %add3A_232 = arith.addi %add3A_231, %mul3A_2 : i32
    %add3A_233 = arith.constant 8192 : i32
    %add3A_234 = arith.addi %add3A_232, %add3A_233 : i32
    %dma_start3A_235 = tpu.memref_slice %arg3[%add3A_234] : memref<26738688xf32, #tpu.memory_space<hbm>> -> memref<8192xf32, #tpu.memory_space<hbm>>
    %dma_start3A_236 = tpu.memref_slice %arg3[%add3A_234] : memref<26738688xf32, #tpu.memory_space<hbm>> -> memref<8192xf32, #tpu.memory_space<hbm>>
    tpu.enqueue_dma source(%arg11 : memref<8192xf32, #tpu.memory_space<vmem>>) target(%dma_start3A_236 : memref<8192xf32, #tpu.memory_space<hbm>>) target_semaphore(%arg26 : memref<!tpu.dma_semaphore, #tpu.memory_space<semaphore_mem>>)
    %add3A_237 = arith.constant 25165824 : i32
    %add3A_238 = arith.addi %add3A_237, %mul3A_2 : i32
    %dma_start3A_239 = tpu.memref_slice %arg2[%add3A_238] : memref<26738688xf32, #tpu.memory_space<hbm>> -> memref<16384xf32, #tpu.memory_space<hbm>>
    %dma_start3A_240 = tpu.memref_slice %arg2[%add3A_238] : memref<26738688xf32, #tpu.memory_space<hbm>> -> memref<16384xf32, #tpu.memory_space<hbm>>
    tpu.enqueue_dma source(%dma_start3A_240 : memref<16384xf32, #tpu.memory_space<hbm>>) target(%arg6 : memref<16384xf32, #tpu.memory_space<vmem>>) target_semaphore(%arg14 : memref<!tpu.dma_semaphore, #tpu.memory_space<semaphore_mem>>)
    %dma_wait3A_241 = arith.constant 0 : i32
    %dma_wait3A_242 = tpu.memref_slice %arg2[%dma_wait3A_241] : memref<26738688xf32, #tpu.memory_space<hbm>> -> memref<16384xf32, #tpu.memory_space<hbm>>
    %dma_wait3A_243 = arith.constant 0 : i32
    %dma_wait3A_244 = tpu.memref_slice %arg2[%dma_wait3A_243] : memref<26738688xf32, #tpu.memory_space<hbm>> -> memref<16384xf32, #tpu.memory_space<hbm>>
    tpu.wait_dma2 semaphore(%arg16 : memref<!tpu.dma_semaphore, #tpu.memory_space<semaphore_mem>>) src(%dma_wait3A_244 : memref<16384xf32, #tpu.memory_space<hbm>>) dst(%arg8 : memref<16384xf32, #tpu.memory_space<vmem>>)
    %dma_wait3A_245 = arith.constant 0 : i32
    %dma_wait3A_246 = tpu.memref_slice %arg2[%dma_wait3A_245] : memref<26738688xf32, #tpu.memory_space<hbm>> -> memref<16384xf32, #tpu.memory_space<hbm>>
    %dma_wait3A_247 = arith.constant 0 : i32
    %dma_wait3A_248 = tpu.memref_slice %arg2[%dma_wait3A_247] : memref<26738688xf32, #tpu.memory_space<hbm>> -> memref<16384xf32, #tpu.memory_space<hbm>>
    tpu.wait_dma2 semaphore(%arg18 : memref<!tpu.dma_semaphore, #tpu.memory_space<semaphore_mem>>) src(%dma_wait3A_248 : memref<16384xf32, #tpu.memory_space<hbm>>) dst(%arg10 : memref<16384xf32, #tpu.memory_space<vmem>>)
    %parallel_loop3A_249 = arith.constant 0 : i32
    %parallel_loop3A_250 = arith.constant 1024 : i32
    %parallel_loop3A_251 = arith.constant 1 : i32
    scf.for %parallel_loop3A_1135 = %parallel_loop3A_249 to %parallel_loop3A_250 step %parallel_loop3A_251  : i32 {
      %parallel_loop3A_1136 = arith.constant 16 : i32
      %parallel_loop3A_1137 = arith.muli %parallel_loop3A_1135, %parallel_loop3A_1136 : i32
      %parallel_loop3A_1138 = arith.index_cast %parallel_loop3A_1137 : i32 to index
      %parallel_loop3A_1139 = tpu.vector_load %arg8[%parallel_loop3A_1138] {strides = array<i32>} : memref<16384xf32, #tpu.memory_space<vmem>>, vector<16xf32>,
      %parallel_loop3A_1140 = arith.index_cast %parallel_loop3A_1137 : i32 to index
      %parallel_loop3A_1141 = tpu.vector_load %arg10[%parallel_loop3A_1140] {strides = array<i32>} : memref<16384xf32, #tpu.memory_space<vmem>>, vector<16xf32>,
      %parallel_loop3A_1142 = arith.subf %parallel_loop3A_1139, %parallel_loop3A_1141 : vector<16xf32>
      %parallel_loop3A_1143 = arith.index_cast %parallel_loop3A_1137 : i32 to index
      %parallel_loop3A_1144 = tpu.vector_load %arg8[%parallel_loop3A_1143] {strides = array<i32>} : memref<16384xf32, #tpu.memory_space<vmem>>, vector<16xf32>,
      tpu.vector_store %arg8[%parallel_loop3A_1143], %parallel_loop3A_1142 {strides = array<i32>} : memref<16384xf32, #tpu.memory_space<vmem>>, vector<16xf32>,
    } {sc.loop_unroll_factor = 8 : i64, sc.parallel_access}
    %add3A_252 = arith.constant 17301504 : i32
    %add3A_253 = arith.addi %add3A_252, %mul3A_2 : i32
    %dma_start3A_254 = tpu.memref_slice %arg3[%add3A_253] : memref<26738688xf32, #tpu.memory_space<hbm>> -> memref<16384xf32, #tpu.memory_space<hbm>>
    %dma_start3A_255 = tpu.memref_slice %arg3[%add3A_253] : memref<26738688xf32, #tpu.memory_space<hbm>> -> memref<16384xf32, #tpu.memory_space<hbm>>
    tpu.enqueue_dma source(%arg8 : memref<16384xf32, #tpu.memory_space<vmem>>) target(%dma_start3A_255 : memref<16384xf32, #tpu.memory_space<hbm>>) target_semaphore(%arg23 : memref<!tpu.dma_semaphore, #tpu.memory_space<semaphore_mem>>)
    %add3A_256 = arith.constant 524288 : i32
    %add3A_257 = arith.addi %add3A_256, %mul3A_2 : i32
    %dma_start3A_258 = tpu.memref_slice %arg2[%add3A_257] : memref<26738688xf32, #tpu.memory_space<hbm>> -> memref<16384xf32, #tpu.memory_space<hbm>>
    %dma_start3A_259 = tpu.memref_slice %arg2[%add3A_257] : memref<26738688xf32, #tpu.memory_space<hbm>> -> memref<16384xf32, #tpu.memory_space<hbm>>
    tpu.enqueue_dma source(%dma_start3A_259 : memref<16384xf32, #tpu.memory_space<hbm>>) target(%arg7 : memref<16384xf32, #tpu.memory_space<vmem>>) target_semaphore(%arg15 : memref<!tpu.dma_semaphore, #tpu.memory_space<semaphore_mem>>)
    %dma_wait3A_260 = arith.constant 0 : i32
    %dma_wait3A_261 = tpu.memref_slice %arg2[%dma_wait3A_260] : memref<26738688xf32, #tpu.memory_space<hbm>> -> memref<16384xf32, #tpu.memory_space<hbm>>
    %dma_wait3A_262 = arith.constant 0 : i32
    %dma_wait3A_263 = tpu.memref_slice %arg2[%dma_wait3A_262] : memref<26738688xf32, #tpu.memory_space<hbm>> -> memref<16384xf32, #tpu.memory_space<hbm>>
    tpu.wait_dma2 semaphore(%arg17 : memref<!tpu.dma_semaphore, #tpu.memory_space<semaphore_mem>>) src(%dma_wait3A_263 : memref<16384xf32, #tpu.memory_space<hbm>>) dst(%arg9 : memref<16384xf32, #tpu.memory_space<vmem>>)
    %dma_wait3A_264 = arith.constant 0 : i32
    %dma_wait3A_265 = tpu.memref_slice %arg2[%dma_wait3A_264] : memref<26738688xf32, #tpu.memory_space<hbm>> -> memref<16384xf32, #tpu.memory_space<hbm>>
    %dma_wait3A_266 = arith.constant 0 : i32
    %dma_wait3A_267 = tpu.memref_slice %arg2[%dma_wait3A_266] : memref<26738688xf32, #tpu.memory_space<hbm>> -> memref<16384xf32, #tpu.memory_space<hbm>>
    tpu.wait_dma2 semaphore(%arg12 : memref<!tpu.dma_semaphore, #tpu.memory_space<semaphore_mem>>) src(%dma_wait3A_267 : memref<16384xf32, #tpu.memory_space<hbm>>) dst(%arg4 : memref<16384xf32, #tpu.memory_space<vmem>>)
    %parallel_loop3A_268 = arith.constant 0 : i32
    %parallel_loop3A_269 = arith.constant 1024 : i32
    %parallel_loop3A_270 = arith.constant 1 : i32
    scf.for %parallel_loop3A_1135 = %parallel_loop3A_268 to %parallel_loop3A_269 step %parallel_loop3A_270  : i32 {
      %parallel_loop3A_1136 = arith.constant 16 : i32
      %parallel_loop3A_1137 = arith.muli %parallel_loop3A_1135, %parallel_loop3A_1136 : i32
      %parallel_loop3A_1138 = arith.index_cast %parallel_loop3A_1137 : i32 to index
      %parallel_loop3A_1139 = tpu.vector_load %arg9[%parallel_loop3A_1138] {strides = array<i32>} : memref<16384xf32, #tpu.memory_space<vmem>>, vector<16xf32>,
      %parallel_loop3A_1140 = arith.index_cast %parallel_loop3A_1137 : i32 to index
      %parallel_loop3A_1141 = tpu.vector_load %arg4[%parallel_loop3A_1140] {strides = array<i32>} : memref<16384xf32, #tpu.memory_space<vmem>>, vector<16xf32>,
      %parallel_loop3A_1142 = arith.subf %parallel_loop3A_1139, %parallel_loop3A_1141 : vector<16xf32>
      %parallel_loop3A_1143 = arith.index_cast %parallel_loop3A_1137 : i32 to index
      %parallel_loop3A_1144 = tpu.vector_load %arg9[%parallel_loop3A_1143] {strides = array<i32>} : memref<16384xf32, #tpu.memory_space<vmem>>, vector<16xf32>,
      tpu.vector_store %arg9[%parallel_loop3A_1143], %parallel_loop3A_1142 {strides = array<i32>} : memref<16384xf32, #tpu.memory_space<vmem>>, vector<16xf32>,
    } {sc.loop_unroll_factor = 8 : i64, sc.parallel_access}
    %add3A_271 = arith.constant 18874368 : i32
    %add3A_272 = arith.addi %add3A_271, %mul3A_2 : i32
    %dma_start3A_273 = tpu.memref_slice %arg3[%add3A_272] : memref<26738688xf32, #tpu.memory_space<hbm>> -> memref<16384xf32, #tpu.memory_space<hbm>>
    %dma_start3A_274 = tpu.memref_slice %arg3[%add3A_272] : memref<26738688xf32, #tpu.memory_space<hbm>> -> memref<16384xf32, #tpu.memory_space<hbm>>
    tpu.enqueue_dma source(%arg9 : memref<16384xf32, #tpu.memory_space<vmem>>) target(%dma_start3A_274 : memref<16384xf32, #tpu.memory_space<hbm>>) target_semaphore(%arg24 : memref<!tpu.dma_semaphore, #tpu.memory_space<semaphore_mem>>)
    %dma_wait3A_275 = arith.constant 0 : i32
    %dma_wait3A_276 = tpu.memref_slice %arg3[%dma_wait3A_275] : memref<26738688xf32, #tpu.memory_space<hbm>> -> memref<16384xf32, #tpu.memory_space<hbm>>
    %dma_wait3A_277 = arith.constant 0 : i32
    %dma_wait3A_278 = tpu.memref_slice %arg3[%dma_wait3A_277] : memref<26738688xf32, #tpu.memory_space<hbm>> -> memref<16384xf32, #tpu.memory_space<hbm>>
    tpu.wait_dma2 semaphore(%arg23 : memref<!tpu.dma_semaphore, #tpu.memory_space<semaphore_mem>>) src(%arg8 : memref<16384xf32, #tpu.memory_space<vmem>>) dst(%dma_wait3A_278 : memref<16384xf32, #tpu.memory_space<hbm>>)
    %add3A_279 = arith.constant 2097152 : i32
    %add3A_280 = arith.addi %add3A_279, %mul3A_2 : i32
    %dma_start3A_281 = tpu.memref_slice %arg2[%add3A_280] : memref<26738688xf32, #tpu.memory_space<hbm>> -> memref<16384xf32, #tpu.memory_space<hbm>>
    %dma_start3A_282 = tpu.memref_slice %arg2[%add3A_280] : memref<26738688xf32, #tpu.memory_space<hbm>> -> memref<16384xf32, #tpu.memory_space<hbm>>
    tpu.enqueue_dma source(%dma_start3A_282 : memref<16384xf32, #tpu.memory_space<hbm>>) target(%arg8 : memref<16384xf32, #tpu.memory_space<vmem>>) target_semaphore(%arg16 : memref<!tpu.dma_semaphore, #tpu.memory_space<semaphore_mem>>)
    %dma_wait3A_283 = arith.constant 0 : i32
    %dma_wait3A_284 = tpu.memref_slice %arg2[%dma_wait3A_283] : memref<26738688xf32, #tpu.memory_space<hbm>> -> memref<16384xf32, #tpu.memory_space<hbm>>
    %dma_wait3A_285 = arith.constant 0 : i32
    %dma_wait3A_286 = tpu.memref_slice %arg2[%dma_wait3A_285] : memref<26738688xf32, #tpu.memory_space<hbm>> -> memref<16384xf32, #tpu.memory_space<hbm>>
    tpu.wait_dma2 semaphore(%arg13 : memref<!tpu.dma_semaphore, #tpu.memory_space<semaphore_mem>>) src(%dma_wait3A_286 : memref<16384xf32, #tpu.memory_space<hbm>>) dst(%arg5 : memref<16384xf32, #tpu.memory_space<vmem>>)
    %parallel_loop3A_287 = arith.constant 0 : i32
    %parallel_loop3A_288 = arith.constant 1024 : i32
    %parallel_loop3A_289 = arith.constant 1 : i32
    scf.for %parallel_loop3A_1135 = %parallel_loop3A_287 to %parallel_loop3A_288 step %parallel_loop3A_289  : i32 {
      %parallel_loop3A_1136 = arith.constant 16 : i32
      %parallel_loop3A_1137 = arith.muli %parallel_loop3A_1135, %parallel_loop3A_1136 : i32
      %parallel_loop3A_1138 = arith.index_cast %parallel_loop3A_1137 : i32 to index
      %parallel_loop3A_1139 = tpu.vector_load %arg10[%parallel_loop3A_1138] {strides = array<i32>} : memref<16384xf32, #tpu.memory_space<vmem>>, vector<16xf32>,
      %parallel_loop3A_1140 = arith.index_cast %parallel_loop3A_1137 : i32 to index
      %parallel_loop3A_1141 = tpu.vector_load %arg5[%parallel_loop3A_1140] {strides = array<i32>} : memref<16384xf32, #tpu.memory_space<vmem>>, vector<16xf32>,
      %parallel_loop3A_1142 = arith.subf %parallel_loop3A_1139, %parallel_loop3A_1141 : vector<16xf32>
      %parallel_loop3A_1143 = arith.index_cast %parallel_loop3A_1137 : i32 to index
      %parallel_loop3A_1144 = tpu.vector_load %arg10[%parallel_loop3A_1143] {strides = array<i32>} : memref<16384xf32, #tpu.memory_space<vmem>>, vector<16xf32>,
      tpu.vector_store %arg10[%parallel_loop3A_1143], %parallel_loop3A_1142 {strides = array<i32>} : memref<16384xf32, #tpu.memory_space<vmem>>, vector<16xf32>,
    } {sc.loop_unroll_factor = 8 : i64, sc.parallel_access}
    %add3A_290 = arith.constant 20447232 : i32
    %add3A_291 = arith.addi %add3A_290, %mul3A_2 : i32
    %dma_start3A_292 = tpu.memref_slice %arg3[%add3A_291] : memref<26738688xf32, #tpu.memory_space<hbm>> -> memref<16384xf32, #tpu.memory_space<hbm>>
    %dma_start3A_293 = tpu.memref_slice %arg3[%add3A_291] : memref<26738688xf32, #tpu.memory_space<hbm>> -> memref<16384xf32, #tpu.memory_space<hbm>>
    tpu.enqueue_dma source(%arg10 : memref<16384xf32, #tpu.memory_space<vmem>>) target(%dma_start3A_293 : memref<16384xf32, #tpu.memory_space<hbm>>) target_semaphore(%arg25 : memref<!tpu.dma_semaphore, #tpu.memory_space<semaphore_mem>>)
    %dma_wait3A_294 = arith.constant 0 : i32
    %dma_wait3A_295 = tpu.memref_slice %arg3[%dma_wait3A_294] : memref<26738688xf32, #tpu.memory_space<hbm>> -> memref<16384xf32, #tpu.memory_space<hbm>>
    %dma_wait3A_296 = arith.constant 0 : i32
    %dma_wait3A_297 = tpu.memref_slice %arg3[%dma_wait3A_296] : memref<26738688xf32, #tpu.memory_space<hbm>> -> memref<16384xf32, #tpu.memory_space<hbm>>
    tpu.wait_dma2 semaphore(%arg24 : memref<!tpu.dma_semaphore, #tpu.memory_space<semaphore_mem>>) src(%arg9 : memref<16384xf32, #tpu.memory_space<vmem>>) dst(%dma_wait3A_297 : memref<16384xf32, #tpu.memory_space<hbm>>)
    %add3A_298 = arith.constant 3670016 : i32
    %add3A_299 = arith.addi %add3A_298, %mul3A_2 : i32
    %dma_start3A_300 = tpu.memref_slice %arg2[%add3A_299] : memref<26738688xf32, #tpu.memory_space<hbm>> -> memref<16384xf32, #tpu.memory_space<hbm>>
    %dma_start3A_301 = tpu.memref_slice %arg2[%add3A_299] : memref<26738688xf32, #tpu.memory_space<hbm>> -> memref<16384xf32, #tpu.memory_space<hbm>>
    tpu.enqueue_dma source(%dma_start3A_301 : memref<16384xf32, #tpu.memory_space<hbm>>) target(%arg9 : memref<16384xf32, #tpu.memory_space<vmem>>) target_semaphore(%arg17 : memref<!tpu.dma_semaphore, #tpu.memory_space<semaphore_mem>>)
    %dma_wait3A_302 = arith.constant 0 : i32
    %dma_wait3A_303 = tpu.memref_slice %arg2[%dma_wait3A_302] : memref<26738688xf32, #tpu.memory_space<hbm>> -> memref<16384xf32, #tpu.memory_space<hbm>>
    %dma_wait3A_304 = arith.constant 0 : i32
    %dma_wait3A_305 = tpu.memref_slice %arg2[%dma_wait3A_304] : memref<26738688xf32, #tpu.memory_space<hbm>> -> memref<16384xf32, #tpu.memory_space<hbm>>
    tpu.wait_dma2 semaphore(%arg14 : memref<!tpu.dma_semaphore, #tpu.memory_space<semaphore_mem>>) src(%dma_wait3A_305 : memref<16384xf32, #tpu.memory_space<hbm>>) dst(%arg6 : memref<16384xf32, #tpu.memory_space<vmem>>)
    %parallel_loop3A_306 = arith.constant 0 : i32
    %parallel_loop3A_307 = arith.constant 1024 : i32
    %parallel_loop3A_308 = arith.constant 1 : i32
    scf.for %parallel_loop3A_1135 = %parallel_loop3A_306 to %parallel_loop3A_307 step %parallel_loop3A_308  : i32 {
      %parallel_loop3A_1136 = arith.constant 16 : i32
      %parallel_loop3A_1137 = arith.muli %parallel_loop3A_1135, %parallel_loop3A_1136 : i32
      %parallel_loop3A_1138 = arith.index_cast %parallel_loop3A_1137 : i32 to index
      %parallel_loop3A_1139 = tpu.vector_load %arg4[%parallel_loop3A_1138] {strides = array<i32>} : memref<16384xf32, #tpu.memory_space<vmem>>, vector<16xf32>,
      %parallel_loop3A_1140 = arith.index_cast %parallel_loop3A_1137 : i32 to index
      %parallel_loop3A_1141 = tpu.vector_load %arg6[%parallel_loop3A_1140] {strides = array<i32>} : memref<16384xf32, #tpu.memory_space<vmem>>, vector<16xf32>,
      %parallel_loop3A_1142 = arith.subf %parallel_loop3A_1139, %parallel_loop3A_1141 : vector<16xf32>
      %parallel_loop3A_1143 = arith.index_cast %parallel_loop3A_1137 : i32 to index
      %parallel_loop3A_1144 = tpu.vector_load %arg4[%parallel_loop3A_1143] {strides = array<i32>} : memref<16384xf32, #tpu.memory_space<vmem>>, vector<16xf32>,
      tpu.vector_store %arg4[%parallel_loop3A_1143], %parallel_loop3A_1142 {strides = array<i32>} : memref<16384xf32, #tpu.memory_space<vmem>>, vector<16xf32>,
    } {sc.loop_unroll_factor = 8 : i64, sc.parallel_access}
    %add3A_309 = arith.constant 22020096 : i32
    %add3A_310 = arith.addi %add3A_309, %mul3A_2 : i32
    %dma_start3A_311 = tpu.memref_slice %arg3[%add3A_310] : memref<26738688xf32, #tpu.memory_space<hbm>> -> memref<16384xf32, #tpu.memory_space<hbm>>
    %dma_start3A_312 = tpu.memref_slice %arg3[%add3A_310] : memref<26738688xf32, #tpu.memory_space<hbm>> -> memref<16384xf32, #tpu.memory_space<hbm>>
    tpu.enqueue_dma source(%arg4 : memref<16384xf32, #tpu.memory_space<vmem>>) target(%dma_start3A_312 : memref<16384xf32, #tpu.memory_space<hbm>>) target_semaphore(%arg19 : memref<!tpu.dma_semaphore, #tpu.memory_space<semaphore_mem>>)
    %dma_wait3A_313 = arith.constant 0 : i32
    %dma_wait3A_314 = tpu.memref_slice %arg3[%dma_wait3A_313] : memref<26738688xf32, #tpu.memory_space<hbm>> -> memref<16384xf32, #tpu.memory_space<hbm>>
    %dma_wait3A_315 = arith.constant 0 : i32
    %dma_wait3A_316 = tpu.memref_slice %arg3[%dma_wait3A_315] : memref<26738688xf32, #tpu.memory_space<hbm>> -> memref<16384xf32, #tpu.memory_space<hbm>>
    tpu.wait_dma2 semaphore(%arg25 : memref<!tpu.dma_semaphore, #tpu.memory_space<semaphore_mem>>) src(%arg10 : memref<16384xf32, #tpu.memory_space<vmem>>) dst(%dma_wait3A_316 : memref<16384xf32, #tpu.memory_space<hbm>>)
    %add3A_317 = arith.constant 5242880 : i32
    %add3A_318 = arith.addi %add3A_317, %mul3A_2 : i32
    %dma_start3A_319 = tpu.memref_slice %arg2[%add3A_318] : memref<26738688xf32, #tpu.memory_space<hbm>> -> memref<16384xf32, #tpu.memory_space<hbm>>
    %dma_start3A_320 = tpu.memref_slice %arg2[%add3A_318] : memref<26738688xf32, #tpu.memory_space<hbm>> -> memref<16384xf32, #tpu.memory_space<hbm>>
    tpu.enqueue_dma source(%dma_start3A_320 : memref<16384xf32, #tpu.memory_space<hbm>>) target(%arg10 : memref<16384xf32, #tpu.memory_space<vmem>>) target_semaphore(%arg18 : memref<!tpu.dma_semaphore, #tpu.memory_space<semaphore_mem>>)
    %add3A_321 = arith.constant 23592960 : i32
    %add3A_322 = arith.addi %add3A_321, %mul3A_2 : i32
    %add3A_323 = arith.constant 0 : i32
    %add3A_324 = arith.addi %add3A_322, %add3A_323 : i32
    %dma_start3A_325 = tpu.memref_slice %arg3[%add3A_324] : memref<26738688xf32, #tpu.memory_space<hbm>> -> memref<8192xf32, #tpu.memory_space<hbm>>
    %dma_start3A_326 = tpu.memref_slice %arg3[%add3A_324] : memref<26738688xf32, #tpu.memory_space<hbm>> -> memref<8192xf32, #tpu.memory_space<hbm>>
    tpu.enqueue_dma source(%arg11 : memref<8192xf32, #tpu.memory_space<vmem>>) target(%dma_start3A_326 : memref<8192xf32, #tpu.memory_space<hbm>>) target_semaphore(%arg26 : memref<!tpu.dma_semaphore, #tpu.memory_space<semaphore_mem>>)
    %add3A_327 = arith.constant 23592960 : i32
    %add3A_328 = arith.addi %add3A_327, %mul3A_2 : i32
    %add3A_329 = arith.constant 8192 : i32
    %add3A_330 = arith.addi %add3A_328, %add3A_329 : i32
    %dma_start3A_331 = tpu.memref_slice %arg3[%add3A_330] : memref<26738688xf32, #tpu.memory_space<hbm>> -> memref<8192xf32, #tpu.memory_space<hbm>>
    %dma_start3A_332 = tpu.memref_slice %arg3[%add3A_330] : memref<26738688xf32, #tpu.memory_space<hbm>> -> memref<8192xf32, #tpu.memory_space<hbm>>
    tpu.enqueue_dma source(%arg11 : memref<8192xf32, #tpu.memory_space<vmem>>) target(%dma_start3A_332 : memref<8192xf32, #tpu.memory_space<hbm>>) target_semaphore(%arg26 : memref<!tpu.dma_semaphore, #tpu.memory_space<semaphore_mem>>)
    %dma_wait3A_333 = arith.constant 0 : i32
    %dma_wait3A_334 = tpu.memref_slice %arg3[%dma_wait3A_333] : memref<26738688xf32, #tpu.memory_space<hbm>> -> memref<16384xf32, #tpu.memory_space<hbm>>
    %dma_wait3A_335 = arith.constant 0 : i32
    %dma_wait3A_336 = tpu.memref_slice %arg3[%dma_wait3A_335] : memref<26738688xf32, #tpu.memory_space<hbm>> -> memref<16384xf32, #tpu.memory_space<hbm>>
    tpu.wait_dma2 semaphore(%arg19 : memref<!tpu.dma_semaphore, #tpu.memory_space<semaphore_mem>>) src(%arg4 : memref<16384xf32, #tpu.memory_space<vmem>>) dst(%dma_wait3A_336 : memref<16384xf32, #tpu.memory_space<hbm>>)
    %add3A_337 = arith.constant 6815744 : i32
    %add3A_338 = arith.addi %add3A_337, %mul3A_2 : i32
    %dma_start3A_339 = tpu.memref_slice %arg2[%add3A_338] : memref<26738688xf32, #tpu.memory_space<hbm>> -> memref<16384xf32, #tpu.memory_space<hbm>>
    %dma_start3A_340 = tpu.memref_slice %arg2[%add3A_338] : memref<26738688xf32, #tpu.memory_space<hbm>> -> memref<16384xf32, #tpu.memory_space<hbm>>
    tpu.enqueue_dma source(%dma_start3A_340 : memref<16384xf32, #tpu.memory_space<hbm>>) target(%arg4 : memref<16384xf32, #tpu.memory_space<vmem>>) target_semaphore(%arg12 : memref<!tpu.dma_semaphore, #tpu.memory_space<semaphore_mem>>)
    %add3A_341 = arith.constant 25165824 : i32
    %add3A_342 = arith.addi %add3A_341, %mul3A_2 : i32
    %add3A_343 = arith.constant 0 : i32
    %add3A_344 = arith.addi %add3A_342, %add3A_343 : i32
    %dma_start3A_345 = tpu.memref_slice %arg3[%add3A_344] : memref<26738688xf32, #tpu.memory_space<hbm>> -> memref<8192xf32, #tpu.memory_space<hbm>>
    %dma_start3A_346 = tpu.memref_slice %arg3[%add3A_344] : memref<26738688xf32, #tpu.memory_space<hbm>> -> memref<8192xf32, #tpu.memory_space<hbm>>
    tpu.enqueue_dma source(%arg11 : memref<8192xf32, #tpu.memory_space<vmem>>) target(%dma_start3A_346 : memref<8192xf32, #tpu.memory_space<hbm>>) target_semaphore(%arg26 : memref<!tpu.dma_semaphore, #tpu.memory_space<semaphore_mem>>)
    %add3A_347 = arith.constant 25165824 : i32
    %add3A_348 = arith.addi %add3A_347, %mul3A_2 : i32
    %add3A_349 = arith.constant 8192 : i32
    %add3A_350 = arith.addi %add3A_348, %add3A_349 : i32
    %dma_start3A_351 = tpu.memref_slice %arg3[%add3A_350] : memref<26738688xf32, #tpu.memory_space<hbm>> -> memref<8192xf32, #tpu.memory_space<hbm>>
    %dma_start3A_352 = tpu.memref_slice %arg3[%add3A_350] : memref<26738688xf32, #tpu.memory_space<hbm>> -> memref<8192xf32, #tpu.memory_space<hbm>>
    tpu.enqueue_dma source(%arg11 : memref<8192xf32, #tpu.memory_space<vmem>>) target(%dma_start3A_352 : memref<8192xf32, #tpu.memory_space<hbm>>) target_semaphore(%arg26 : memref<!tpu.dma_semaphore, #tpu.memory_space<semaphore_mem>>)
    %add3A_353 = arith.constant 8388608 : i32
    %add3A_354 = arith.addi %add3A_353, %mul3A_2 : i32
    %dma_start3A_355 = tpu.memref_slice %arg2[%add3A_354] : memref<26738688xf32, #tpu.memory_space<hbm>> -> memref<16384xf32, #tpu.memory_space<hbm>>
    %dma_start3A_356 = tpu.memref_slice %arg2[%add3A_354] : memref<26738688xf32, #tpu.memory_space<hbm>> -> memref<16384xf32, #tpu.memory_space<hbm>>
    tpu.enqueue_dma source(%dma_start3A_356 : memref<16384xf32, #tpu.memory_space<hbm>>) target(%arg5 : memref<16384xf32, #tpu.memory_space<vmem>>) target_semaphore(%arg13 : memref<!tpu.dma_semaphore, #tpu.memory_space<semaphore_mem>>)
    %dma_wait3A_357 = arith.constant 0 : i32
    %dma_wait3A_358 = tpu.memref_slice %arg2[%dma_wait3A_357] : memref<26738688xf32, #tpu.memory_space<hbm>> -> memref<16384xf32, #tpu.memory_space<hbm>>
    %dma_wait3A_359 = arith.constant 0 : i32
    %dma_wait3A_360 = tpu.memref_slice %arg2[%dma_wait3A_359] : memref<26738688xf32, #tpu.memory_space<hbm>> -> memref<16384xf32, #tpu.memory_space<hbm>>
    tpu.wait_dma2 semaphore(%arg15 : memref<!tpu.dma_semaphore, #tpu.memory_space<semaphore_mem>>) src(%dma_wait3A_360 : memref<16384xf32, #tpu.memory_space<hbm>>) dst(%arg7 : memref<16384xf32, #tpu.memory_space<vmem>>)
    %dma_wait3A_361 = arith.constant 0 : i32
    %dma_wait3A_362 = tpu.memref_slice %arg2[%dma_wait3A_361] : memref<26738688xf32, #tpu.memory_space<hbm>> -> memref<16384xf32, #tpu.memory_space<hbm>>
    %dma_wait3A_363 = arith.constant 0 : i32
    %dma_wait3A_364 = tpu.memref_slice %arg2[%dma_wait3A_363] : memref<26738688xf32, #tpu.memory_space<hbm>> -> memref<16384xf32, #tpu.memory_space<hbm>>
    tpu.wait_dma2 semaphore(%arg16 : memref<!tpu.dma_semaphore, #tpu.memory_space<semaphore_mem>>) src(%dma_wait3A_364 : memref<16384xf32, #tpu.memory_space<hbm>>) dst(%arg8 : memref<16384xf32, #tpu.memory_space<vmem>>)
    %parallel_loop3A_365 = arith.constant 0 : i32
    %parallel_loop3A_366 = arith.constant 1024 : i32
    %parallel_loop3A_367 = arith.constant 1 : i32
    scf.for %parallel_loop3A_1135 = %parallel_loop3A_365 to %parallel_loop3A_366 step %parallel_loop3A_367  : i32 {
      %parallel_loop3A_1136 = arith.constant 16 : i32
      %parallel_loop3A_1137 = arith.muli %parallel_loop3A_1135, %parallel_loop3A_1136 : i32
      %parallel_loop3A_1138 = arith.index_cast %parallel_loop3A_1137 : i32 to index
      %parallel_loop3A_1139 = tpu.vector_load %arg7[%parallel_loop3A_1138] {strides = array<i32>} : memref<16384xf32, #tpu.memory_space<vmem>>, vector<16xf32>,
      %parallel_loop3A_1140 = arith.index_cast %parallel_loop3A_1137 : i32 to index
      %parallel_loop3A_1141 = tpu.vector_load %arg8[%parallel_loop3A_1140] {strides = array<i32>} : memref<16384xf32, #tpu.memory_space<vmem>>, vector<16xf32>,
      %parallel_loop3A_1142 = arith.subf %parallel_loop3A_1139, %parallel_loop3A_1141 : vector<16xf32>
      %parallel_loop3A_1143 = arith.index_cast %parallel_loop3A_1137 : i32 to index
      %parallel_loop3A_1144 = tpu.vector_load %arg7[%parallel_loop3A_1143] {strides = array<i32>} : memref<16384xf32, #tpu.memory_space<vmem>>, vector<16xf32>,
      tpu.vector_store %arg7[%parallel_loop3A_1143], %parallel_loop3A_1142 {strides = array<i32>} : memref<16384xf32, #tpu.memory_space<vmem>>, vector<16xf32>,
    } {sc.loop_unroll_factor = 8 : i64, sc.parallel_access}
    %add3A_368 = arith.constant 524288 : i32
    %add3A_369 = arith.addi %add3A_368, %mul3A_2 : i32
    %dma_start3A_370 = tpu.memref_slice %arg3[%add3A_369] : memref<26738688xf32, #tpu.memory_space<hbm>> -> memref<16384xf32, #tpu.memory_space<hbm>>
    %dma_start3A_371 = tpu.memref_slice %arg3[%add3A_369] : memref<26738688xf32, #tpu.memory_space<hbm>> -> memref<16384xf32, #tpu.memory_space<hbm>>
    tpu.enqueue_dma source(%arg7 : memref<16384xf32, #tpu.memory_space<vmem>>) target(%dma_start3A_371 : memref<16384xf32, #tpu.memory_space<hbm>>) target_semaphore(%arg22 : memref<!tpu.dma_semaphore, #tpu.memory_space<semaphore_mem>>)
    %add3A_372 = arith.constant 9961472 : i32
    %add3A_373 = arith.addi %add3A_372, %mul3A_2 : i32
    %dma_start3A_374 = tpu.memref_slice %arg2[%add3A_373] : memref<26738688xf32, #tpu.memory_space<hbm>> -> memref<16384xf32, #tpu.memory_space<hbm>>
    %dma_start3A_375 = tpu.memref_slice %arg2[%add3A_373] : memref<26738688xf32, #tpu.memory_space<hbm>> -> memref<16384xf32, #tpu.memory_space<hbm>>
    tpu.enqueue_dma source(%dma_start3A_375 : memref<16384xf32, #tpu.memory_space<hbm>>) target(%arg6 : memref<16384xf32, #tpu.memory_space<vmem>>) target_semaphore(%arg14 : memref<!tpu.dma_semaphore, #tpu.memory_space<semaphore_mem>>)
    %dma_wait3A_376 = arith.constant 0 : i32
    %dma_wait3A_377 = tpu.memref_slice %arg2[%dma_wait3A_376] : memref<26738688xf32, #tpu.memory_space<hbm>> -> memref<16384xf32, #tpu.memory_space<hbm>>
    %dma_wait3A_378 = arith.constant 0 : i32
    %dma_wait3A_379 = tpu.memref_slice %arg2[%dma_wait3A_378] : memref<26738688xf32, #tpu.memory_space<hbm>> -> memref<16384xf32, #tpu.memory_space<hbm>>
    tpu.wait_dma2 semaphore(%arg18 : memref<!tpu.dma_semaphore, #tpu.memory_space<semaphore_mem>>) src(%dma_wait3A_379 : memref<16384xf32, #tpu.memory_space<hbm>>) dst(%arg10 : memref<16384xf32, #tpu.memory_space<vmem>>)
    %parallel_loop3A_380 = arith.constant 0 : i32
    %parallel_loop3A_381 = arith.constant 1024 : i32
    %parallel_loop3A_382 = arith.constant 1 : i32
    scf.for %parallel_loop3A_1135 = %parallel_loop3A_380 to %parallel_loop3A_381 step %parallel_loop3A_382  : i32 {
      %parallel_loop3A_1136 = arith.constant 16 : i32
      %parallel_loop3A_1137 = arith.muli %parallel_loop3A_1135, %parallel_loop3A_1136 : i32
      %parallel_loop3A_1138 = arith.index_cast %parallel_loop3A_1137 : i32 to index
      %parallel_loop3A_1139 = tpu.vector_load %arg8[%parallel_loop3A_1138] {strides = array<i32>} : memref<16384xf32, #tpu.memory_space<vmem>>, vector<16xf32>,
      %parallel_loop3A_1140 = arith.index_cast %parallel_loop3A_1137 : i32 to index
      %parallel_loop3A_1141 = tpu.vector_load %arg10[%parallel_loop3A_1140] {strides = array<i32>} : memref<16384xf32, #tpu.memory_space<vmem>>, vector<16xf32>,
      %parallel_loop3A_1142 = arith.subf %parallel_loop3A_1139, %parallel_loop3A_1141 : vector<16xf32>
      %parallel_loop3A_1143 = arith.index_cast %parallel_loop3A_1137 : i32 to index
      %parallel_loop3A_1144 = tpu.vector_load %arg8[%parallel_loop3A_1143] {strides = array<i32>} : memref<16384xf32, #tpu.memory_space<vmem>>, vector<16xf32>,
      tpu.vector_store %arg8[%parallel_loop3A_1143], %parallel_loop3A_1142 {strides = array<i32>} : memref<16384xf32, #tpu.memory_space<vmem>>, vector<16xf32>,
    } {sc.loop_unroll_factor = 8 : i64, sc.parallel_access}
    %add3A_383 = arith.constant 2097152 : i32
    %add3A_384 = arith.addi %add3A_383, %mul3A_2 : i32
    %dma_start3A_385 = tpu.memref_slice %arg3[%add3A_384] : memref<26738688xf32, #tpu.memory_space<hbm>> -> memref<16384xf32, #tpu.memory_space<hbm>>
    %dma_start3A_386 = tpu.memref_slice %arg3[%add3A_384] : memref<26738688xf32, #tpu.memory_space<hbm>> -> memref<16384xf32, #tpu.memory_space<hbm>>
    tpu.enqueue_dma source(%arg8 : memref<16384xf32, #tpu.memory_space<vmem>>) target(%dma_start3A_386 : memref<16384xf32, #tpu.memory_space<hbm>>) target_semaphore(%arg23 : memref<!tpu.dma_semaphore, #tpu.memory_space<semaphore_mem>>)
    %dma_wait3A_387 = arith.constant 0 : i32
    %dma_wait3A_388 = tpu.memref_slice %arg3[%dma_wait3A_387] : memref<26738688xf32, #tpu.memory_space<hbm>> -> memref<16384xf32, #tpu.memory_space<hbm>>
    %dma_wait3A_389 = arith.constant 0 : i32
    %dma_wait3A_390 = tpu.memref_slice %arg3[%dma_wait3A_389] : memref<26738688xf32, #tpu.memory_space<hbm>> -> memref<16384xf32, #tpu.memory_space<hbm>>
    tpu.wait_dma2 semaphore(%arg22 : memref<!tpu.dma_semaphore, #tpu.memory_space<semaphore_mem>>) src(%arg7 : memref<16384xf32, #tpu.memory_space<vmem>>) dst(%dma_wait3A_390 : memref<16384xf32, #tpu.memory_space<hbm>>)
    %add3A_391 = arith.constant 11534336 : i32
    %add3A_392 = arith.addi %add3A_391, %mul3A_2 : i32
    %dma_start3A_393 = tpu.memref_slice %arg2[%add3A_392] : memref<26738688xf32, #tpu.memory_space<hbm>> -> memref<16384xf32, #tpu.memory_space<hbm>>
    %dma_start3A_394 = tpu.memref_slice %arg2[%add3A_392] : memref<26738688xf32, #tpu.memory_space<hbm>> -> memref<16384xf32, #tpu.memory_space<hbm>>
    tpu.enqueue_dma source(%dma_start3A_394 : memref<16384xf32, #tpu.memory_space<hbm>>) target(%arg7 : memref<16384xf32, #tpu.memory_space<vmem>>) target_semaphore(%arg15 : memref<!tpu.dma_semaphore, #tpu.memory_space<semaphore_mem>>)
    %dma_wait3A_395 = arith.constant 0 : i32
    %dma_wait3A_396 = tpu.memref_slice %arg2[%dma_wait3A_395] : memref<26738688xf32, #tpu.memory_space<hbm>> -> memref<16384xf32, #tpu.memory_space<hbm>>
    %dma_wait3A_397 = arith.constant 0 : i32
    %dma_wait3A_398 = tpu.memref_slice %arg2[%dma_wait3A_397] : memref<26738688xf32, #tpu.memory_space<hbm>> -> memref<16384xf32, #tpu.memory_space<hbm>>
    tpu.wait_dma2 semaphore(%arg17 : memref<!tpu.dma_semaphore, #tpu.memory_space<semaphore_mem>>) src(%dma_wait3A_398 : memref<16384xf32, #tpu.memory_space<hbm>>) dst(%arg9 : memref<16384xf32, #tpu.memory_space<vmem>>)
    %dma_wait3A_399 = arith.constant 0 : i32
    %dma_wait3A_400 = tpu.memref_slice %arg2[%dma_wait3A_399] : memref<26738688xf32, #tpu.memory_space<hbm>> -> memref<16384xf32, #tpu.memory_space<hbm>>
    %dma_wait3A_401 = arith.constant 0 : i32
    %dma_wait3A_402 = tpu.memref_slice %arg2[%dma_wait3A_401] : memref<26738688xf32, #tpu.memory_space<hbm>> -> memref<16384xf32, #tpu.memory_space<hbm>>
    tpu.wait_dma2 semaphore(%arg12 : memref<!tpu.dma_semaphore, #tpu.memory_space<semaphore_mem>>) src(%dma_wait3A_402 : memref<16384xf32, #tpu.memory_space<hbm>>) dst(%arg4 : memref<16384xf32, #tpu.memory_space<vmem>>)
    %parallel_loop3A_403 = arith.constant 0 : i32
    %parallel_loop3A_404 = arith.constant 1024 : i32
    %parallel_loop3A_405 = arith.constant 1 : i32
    scf.for %parallel_loop3A_1135 = %parallel_loop3A_403 to %parallel_loop3A_404 step %parallel_loop3A_405  : i32 {
      %parallel_loop3A_1136 = arith.constant 16 : i32
      %parallel_loop3A_1137 = arith.muli %parallel_loop3A_1135, %parallel_loop3A_1136 : i32
      %parallel_loop3A_1138 = arith.index_cast %parallel_loop3A_1137 : i32 to index
      %parallel_loop3A_1139 = tpu.vector_load %arg9[%parallel_loop3A_1138] {strides = array<i32>} : memref<16384xf32, #tpu.memory_space<vmem>>, vector<16xf32>,
      %parallel_loop3A_1140 = arith.index_cast %parallel_loop3A_1137 : i32 to index
      %parallel_loop3A_1141 = tpu.vector_load %arg4[%parallel_loop3A_1140] {strides = array<i32>} : memref<16384xf32, #tpu.memory_space<vmem>>, vector<16xf32>,
      %parallel_loop3A_1142 = arith.subf %parallel_loop3A_1139, %parallel_loop3A_1141 : vector<16xf32>
      %parallel_loop3A_1143 = arith.index_cast %parallel_loop3A_1137 : i32 to index
      %parallel_loop3A_1144 = tpu.vector_load %arg9[%parallel_loop3A_1143] {strides = array<i32>} : memref<16384xf32, #tpu.memory_space<vmem>>, vector<16xf32>,
      tpu.vector_store %arg9[%parallel_loop3A_1143], %parallel_loop3A_1142 {strides = array<i32>} : memref<16384xf32, #tpu.memory_space<vmem>>, vector<16xf32>,
    } {sc.loop_unroll_factor = 8 : i64, sc.parallel_access}
    %add3A_406 = arith.constant 3670016 : i32
    %add3A_407 = arith.addi %add3A_406, %mul3A_2 : i32
    %dma_start3A_408 = tpu.memref_slice %arg3[%add3A_407] : memref<26738688xf32, #tpu.memory_space<hbm>> -> memref<16384xf32, #tpu.memory_space<hbm>>
    %dma_start3A_409 = tpu.memref_slice %arg3[%add3A_407] : memref<26738688xf32, #tpu.memory_space<hbm>> -> memref<16384xf32, #tpu.memory_space<hbm>>
    tpu.enqueue_dma source(%arg9 : memref<16384xf32, #tpu.memory_space<vmem>>) target(%dma_start3A_409 : memref<16384xf32, #tpu.memory_space<hbm>>) target_semaphore(%arg24 : memref<!tpu.dma_semaphore, #tpu.memory_space<semaphore_mem>>)
    %dma_wait3A_410 = arith.constant 0 : i32
    %dma_wait3A_411 = tpu.memref_slice %arg3[%dma_wait3A_410] : memref<26738688xf32, #tpu.memory_space<hbm>> -> memref<16384xf32, #tpu.memory_space<hbm>>
    %dma_wait3A_412 = arith.constant 0 : i32
    %dma_wait3A_413 = tpu.memref_slice %arg3[%dma_wait3A_412] : memref<26738688xf32, #tpu.memory_space<hbm>> -> memref<16384xf32, #tpu.memory_space<hbm>>
    tpu.wait_dma2 semaphore(%arg23 : memref<!tpu.dma_semaphore, #tpu.memory_space<semaphore_mem>>) src(%arg8 : memref<16384xf32, #tpu.memory_space<vmem>>) dst(%dma_wait3A_413 : memref<16384xf32, #tpu.memory_space<hbm>>)
    %add3A_414 = arith.constant 13107200 : i32
    %add3A_415 = arith.addi %add3A_414, %mul3A_2 : i32
    %dma_start3A_416 = tpu.memref_slice %arg2[%add3A_415] : memref<26738688xf32, #tpu.memory_space<hbm>> -> memref<16384xf32, #tpu.memory_space<hbm>>
    %dma_start3A_417 = tpu.memref_slice %arg2[%add3A_415] : memref<26738688xf32, #tpu.memory_space<hbm>> -> memref<16384xf32, #tpu.memory_space<hbm>>
    tpu.enqueue_dma source(%dma_start3A_417 : memref<16384xf32, #tpu.memory_space<hbm>>) target(%arg8 : memref<16384xf32, #tpu.memory_space<vmem>>) target_semaphore(%arg16 : memref<!tpu.dma_semaphore, #tpu.memory_space<semaphore_mem>>)
    %add3A_418 = arith.constant 5242880 : i32
    %add3A_419 = arith.addi %add3A_418, %mul3A_2 : i32
    %add3A_420 = arith.constant 0 : i32
    %add3A_421 = arith.addi %add3A_419, %add3A_420 : i32
    %dma_start3A_422 = tpu.memref_slice %arg3[%add3A_421] : memref<26738688xf32, #tpu.memory_space<hbm>> -> memref<8192xf32, #tpu.memory_space<hbm>>
    %dma_start3A_423 = tpu.memref_slice %arg3[%add3A_421] : memref<26738688xf32, #tpu.memory_space<hbm>> -> memref<8192xf32, #tpu.memory_space<hbm>>
    tpu.enqueue_dma source(%arg11 : memref<8192xf32, #tpu.memory_space<vmem>>) target(%dma_start3A_423 : memref<8192xf32, #tpu.memory_space<hbm>>) target_semaphore(%arg26 : memref<!tpu.dma_semaphore, #tpu.memory_space<semaphore_mem>>)
    %add3A_424 = arith.constant 5242880 : i32
    %add3A_425 = arith.addi %add3A_424, %mul3A_2 : i32
    %add3A_426 = arith.constant 8192 : i32
    %add3A_427 = arith.addi %add3A_425, %add3A_426 : i32
    %dma_start3A_428 = tpu.memref_slice %arg3[%add3A_427] : memref<26738688xf32, #tpu.memory_space<hbm>> -> memref<8192xf32, #tpu.memory_space<hbm>>
    %dma_start3A_429 = tpu.memref_slice %arg3[%add3A_427] : memref<26738688xf32, #tpu.memory_space<hbm>> -> memref<8192xf32, #tpu.memory_space<hbm>>
    tpu.enqueue_dma source(%arg11 : memref<8192xf32, #tpu.memory_space<vmem>>) target(%dma_start3A_429 : memref<8192xf32, #tpu.memory_space<hbm>>) target_semaphore(%arg26 : memref<!tpu.dma_semaphore, #tpu.memory_space<semaphore_mem>>)
    %dma_wait3A_430 = arith.constant 0 : i32
    %dma_wait3A_431 = tpu.memref_slice %arg3[%dma_wait3A_430] : memref<26738688xf32, #tpu.memory_space<hbm>> -> memref<16384xf32, #tpu.memory_space<hbm>>
    %dma_wait3A_432 = arith.constant 0 : i32
    %dma_wait3A_433 = tpu.memref_slice %arg3[%dma_wait3A_432] : memref<26738688xf32, #tpu.memory_space<hbm>> -> memref<16384xf32, #tpu.memory_space<hbm>>
    tpu.wait_dma2 semaphore(%arg24 : memref<!tpu.dma_semaphore, #tpu.memory_space<semaphore_mem>>) src(%arg9 : memref<16384xf32, #tpu.memory_space<vmem>>) dst(%dma_wait3A_433 : memref<16384xf32, #tpu.memory_space<hbm>>)
    %add3A_434 = arith.constant 14680064 : i32
    %add3A_435 = arith.addi %add3A_434, %mul3A_2 : i32
    %dma_start3A_436 = tpu.memref_slice %arg2[%add3A_435] : memref<26738688xf32, #tpu.memory_space<hbm>> -> memref<16384xf32, #tpu.memory_space<hbm>>
    %dma_start3A_437 = tpu.memref_slice %arg2[%add3A_435] : memref<26738688xf32, #tpu.memory_space<hbm>> -> memref<16384xf32, #tpu.memory_space<hbm>>
    tpu.enqueue_dma source(%dma_start3A_437 : memref<16384xf32, #tpu.memory_space<hbm>>) target(%arg9 : memref<16384xf32, #tpu.memory_space<vmem>>) target_semaphore(%arg17 : memref<!tpu.dma_semaphore, #tpu.memory_space<semaphore_mem>>)
    %add3A_438 = arith.constant 6815744 : i32
    %add3A_439 = arith.addi %add3A_438, %mul3A_2 : i32
    %add3A_440 = arith.constant 0 : i32
    %add3A_441 = arith.addi %add3A_439, %add3A_440 : i32
    %dma_start3A_442 = tpu.memref_slice %arg3[%add3A_441] : memref<26738688xf32, #tpu.memory_space<hbm>> -> memref<8192xf32, #tpu.memory_space<hbm>>
    %dma_start3A_443 = tpu.memref_slice %arg3[%add3A_441] : memref<26738688xf32, #tpu.memory_space<hbm>> -> memref<8192xf32, #tpu.memory_space<hbm>>
    tpu.enqueue_dma source(%arg11 : memref<8192xf32, #tpu.memory_space<vmem>>) target(%dma_start3A_443 : memref<8192xf32, #tpu.memory_space<hbm>>) target_semaphore(%arg26 : memref<!tpu.dma_semaphore, #tpu.memory_space<semaphore_mem>>)
    %add3A_444 = arith.constant 6815744 : i32
    %add3A_445 = arith.addi %add3A_444, %mul3A_2 : i32
    %add3A_446 = arith.constant 8192 : i32
    %add3A_447 = arith.addi %add3A_445, %add3A_446 : i32
    %dma_start3A_448 = tpu.memref_slice %arg3[%add3A_447] : memref<26738688xf32, #tpu.memory_space<hbm>> -> memref<8192xf32, #tpu.memory_space<hbm>>
    %dma_start3A_449 = tpu.memref_slice %arg3[%add3A_447] : memref<26738688xf32, #tpu.memory_space<hbm>> -> memref<8192xf32, #tpu.memory_space<hbm>>
    tpu.enqueue_dma source(%arg11 : memref<8192xf32, #tpu.memory_space<vmem>>) target(%dma_start3A_449 : memref<8192xf32, #tpu.memory_space<hbm>>) target_semaphore(%arg26 : memref<!tpu.dma_semaphore, #tpu.memory_space<semaphore_mem>>)
    %add3A_450 = arith.constant 16252928 : i32
    %add3A_451 = arith.addi %add3A_450, %mul3A_2 : i32
    %dma_start3A_452 = tpu.memref_slice %arg2[%add3A_451] : memref<26738688xf32, #tpu.memory_space<hbm>> -> memref<16384xf32, #tpu.memory_space<hbm>>
    %dma_start3A_453 = tpu.memref_slice %arg2[%add3A_451] : memref<26738688xf32, #tpu.memory_space<hbm>> -> memref<16384xf32, #tpu.memory_space<hbm>>
    tpu.enqueue_dma source(%dma_start3A_453 : memref<16384xf32, #tpu.memory_space<hbm>>) target(%arg10 : memref<16384xf32, #tpu.memory_space<vmem>>) target_semaphore(%arg18 : memref<!tpu.dma_semaphore, #tpu.memory_space<semaphore_mem>>)
    %dma_wait3A_454 = arith.constant 0 : i32
    %dma_wait3A_455 = tpu.memref_slice %arg2[%dma_wait3A_454] : memref<26738688xf32, #tpu.memory_space<hbm>> -> memref<16384xf32, #tpu.memory_space<hbm>>
    %dma_wait3A_456 = arith.constant 0 : i32
    %dma_wait3A_457 = tpu.memref_slice %arg2[%dma_wait3A_456] : memref<26738688xf32, #tpu.memory_space<hbm>> -> memref<16384xf32, #tpu.memory_space<hbm>>
    tpu.wait_dma2 semaphore(%arg13 : memref<!tpu.dma_semaphore, #tpu.memory_space<semaphore_mem>>) src(%dma_wait3A_457 : memref<16384xf32, #tpu.memory_space<hbm>>) dst(%arg5 : memref<16384xf32, #tpu.memory_space<vmem>>)
    %dma_wait3A_458 = arith.constant 0 : i32
    %dma_wait3A_459 = tpu.memref_slice %arg2[%dma_wait3A_458] : memref<26738688xf32, #tpu.memory_space<hbm>> -> memref<16384xf32, #tpu.memory_space<hbm>>
    %dma_wait3A_460 = arith.constant 0 : i32
    %dma_wait3A_461 = tpu.memref_slice %arg2[%dma_wait3A_460] : memref<26738688xf32, #tpu.memory_space<hbm>> -> memref<16384xf32, #tpu.memory_space<hbm>>
    tpu.wait_dma2 semaphore(%arg15 : memref<!tpu.dma_semaphore, #tpu.memory_space<semaphore_mem>>) src(%dma_wait3A_461 : memref<16384xf32, #tpu.memory_space<hbm>>) dst(%arg7 : memref<16384xf32, #tpu.memory_space<vmem>>)
    %parallel_loop3A_462 = arith.constant 0 : i32
    %parallel_loop3A_463 = arith.constant 1024 : i32
    %parallel_loop3A_464 = arith.constant 1 : i32
    scf.for %parallel_loop3A_1135 = %parallel_loop3A_462 to %parallel_loop3A_463 step %parallel_loop3A_464  : i32 {
      %parallel_loop3A_1136 = arith.constant 16 : i32
      %parallel_loop3A_1137 = arith.muli %parallel_loop3A_1135, %parallel_loop3A_1136 : i32
      %parallel_loop3A_1138 = arith.index_cast %parallel_loop3A_1137 : i32 to index
      %parallel_loop3A_1139 = tpu.vector_load %arg5[%parallel_loop3A_1138] {strides = array<i32>} : memref<16384xf32, #tpu.memory_space<vmem>>, vector<16xf32>,
      %parallel_loop3A_1140 = arith.index_cast %parallel_loop3A_1137 : i32 to index
      %parallel_loop3A_1141 = tpu.vector_load %arg7[%parallel_loop3A_1140] {strides = array<i32>} : memref<16384xf32, #tpu.memory_space<vmem>>, vector<16xf32>,
      %parallel_loop3A_1142 = arith.subf %parallel_loop3A_1139, %parallel_loop3A_1141 : vector<16xf32>
      %parallel_loop3A_1143 = arith.index_cast %parallel_loop3A_1137 : i32 to index
      %parallel_loop3A_1144 = tpu.vector_load %arg5[%parallel_loop3A_1143] {strides = array<i32>} : memref<16384xf32, #tpu.memory_space<vmem>>, vector<16xf32>,
      tpu.vector_store %arg5[%parallel_loop3A_1143], %parallel_loop3A_1142 {strides = array<i32>} : memref<16384xf32, #tpu.memory_space<vmem>>, vector<16xf32>,
    } {sc.loop_unroll_factor = 8 : i64, sc.parallel_access}
    %add3A_465 = arith.constant 8388608 : i32
    %add3A_466 = arith.addi %add3A_465, %mul3A_2 : i32
    %dma_start3A_467 = tpu.memref_slice %arg3[%add3A_466] : memref<26738688xf32, #tpu.memory_space<hbm>> -> memref<16384xf32, #tpu.memory_space<hbm>>
    %dma_start3A_468 = tpu.memref_slice %arg3[%add3A_466] : memref<26738688xf32, #tpu.memory_space<hbm>> -> memref<16384xf32, #tpu.memory_space<hbm>>
    tpu.enqueue_dma source(%arg5 : memref<16384xf32, #tpu.memory_space<vmem>>) target(%dma_start3A_468 : memref<16384xf32, #tpu.memory_space<hbm>>) target_semaphore(%arg20 : memref<!tpu.dma_semaphore, #tpu.memory_space<semaphore_mem>>)
    %add3A_469 = arith.constant 17825792 : i32
    %add3A_470 = arith.addi %add3A_469, %mul3A_2 : i32
    %dma_start3A_471 = tpu.memref_slice %arg2[%add3A_470] : memref<26738688xf32, #tpu.memory_space<hbm>> -> memref<16384xf32, #tpu.memory_space<hbm>>
    %dma_start3A_472 = tpu.memref_slice %arg2[%add3A_470] : memref<26738688xf32, #tpu.memory_space<hbm>> -> memref<16384xf32, #tpu.memory_space<hbm>>
    tpu.enqueue_dma source(%dma_start3A_472 : memref<16384xf32, #tpu.memory_space<hbm>>) target(%arg4 : memref<16384xf32, #tpu.memory_space<vmem>>) target_semaphore(%arg12 : memref<!tpu.dma_semaphore, #tpu.memory_space<semaphore_mem>>)
    %dma_wait3A_473 = arith.constant 0 : i32
    %dma_wait3A_474 = tpu.memref_slice %arg2[%dma_wait3A_473] : memref<26738688xf32, #tpu.memory_space<hbm>> -> memref<16384xf32, #tpu.memory_space<hbm>>
    %dma_wait3A_475 = arith.constant 0 : i32
    %dma_wait3A_476 = tpu.memref_slice %arg2[%dma_wait3A_475] : memref<26738688xf32, #tpu.memory_space<hbm>> -> memref<16384xf32, #tpu.memory_space<hbm>>
    tpu.wait_dma2 semaphore(%arg14 : memref<!tpu.dma_semaphore, #tpu.memory_space<semaphore_mem>>) src(%dma_wait3A_476 : memref<16384xf32, #tpu.memory_space<hbm>>) dst(%arg6 : memref<16384xf32, #tpu.memory_space<vmem>>)
    %dma_wait3A_477 = arith.constant 0 : i32
    %dma_wait3A_478 = tpu.memref_slice %arg2[%dma_wait3A_477] : memref<26738688xf32, #tpu.memory_space<hbm>> -> memref<16384xf32, #tpu.memory_space<hbm>>
    %dma_wait3A_479 = arith.constant 0 : i32
    %dma_wait3A_480 = tpu.memref_slice %arg2[%dma_wait3A_479] : memref<26738688xf32, #tpu.memory_space<hbm>> -> memref<16384xf32, #tpu.memory_space<hbm>>
    tpu.wait_dma2 semaphore(%arg16 : memref<!tpu.dma_semaphore, #tpu.memory_space<semaphore_mem>>) src(%dma_wait3A_480 : memref<16384xf32, #tpu.memory_space<hbm>>) dst(%arg8 : memref<16384xf32, #tpu.memory_space<vmem>>)
    %parallel_loop3A_481 = arith.constant 0 : i32
    %parallel_loop3A_482 = arith.constant 1024 : i32
    %parallel_loop3A_483 = arith.constant 1 : i32
    scf.for %parallel_loop3A_1135 = %parallel_loop3A_481 to %parallel_loop3A_482 step %parallel_loop3A_483  : i32 {
      %parallel_loop3A_1136 = arith.constant 16 : i32
      %parallel_loop3A_1137 = arith.muli %parallel_loop3A_1135, %parallel_loop3A_1136 : i32
      %parallel_loop3A_1138 = arith.index_cast %parallel_loop3A_1137 : i32 to index
      %parallel_loop3A_1139 = tpu.vector_load %arg6[%parallel_loop3A_1138] {strides = array<i32>} : memref<16384xf32, #tpu.memory_space<vmem>>, vector<16xf32>,
      %parallel_loop3A_1140 = arith.index_cast %parallel_loop3A_1137 : i32 to index
      %parallel_loop3A_1141 = tpu.vector_load %arg8[%parallel_loop3A_1140] {strides = array<i32>} : memref<16384xf32, #tpu.memory_space<vmem>>, vector<16xf32>,
      %parallel_loop3A_1142 = arith.subf %parallel_loop3A_1139, %parallel_loop3A_1141 : vector<16xf32>
      %parallel_loop3A_1143 = arith.index_cast %parallel_loop3A_1137 : i32 to index
      %parallel_loop3A_1144 = tpu.vector_load %arg6[%parallel_loop3A_1143] {strides = array<i32>} : memref<16384xf32, #tpu.memory_space<vmem>>, vector<16xf32>,
      tpu.vector_store %arg6[%parallel_loop3A_1143], %parallel_loop3A_1142 {strides = array<i32>} : memref<16384xf32, #tpu.memory_space<vmem>>, vector<16xf32>,
    } {sc.loop_unroll_factor = 8 : i64, sc.parallel_access}
    %add3A_484 = arith.constant 9961472 : i32
    %add3A_485 = arith.addi %add3A_484, %mul3A_2 : i32
    %dma_start3A_486 = tpu.memref_slice %arg3[%add3A_485] : memref<26738688xf32, #tpu.memory_space<hbm>> -> memref<16384xf32, #tpu.memory_space<hbm>>
    %dma_start3A_487 = tpu.memref_slice %arg3[%add3A_485] : memref<26738688xf32, #tpu.memory_space<hbm>> -> memref<16384xf32, #tpu.memory_space<hbm>>
    tpu.enqueue_dma source(%arg6 : memref<16384xf32, #tpu.memory_space<vmem>>) target(%dma_start3A_487 : memref<16384xf32, #tpu.memory_space<hbm>>) target_semaphore(%arg21 : memref<!tpu.dma_semaphore, #tpu.memory_space<semaphore_mem>>)
    %dma_wait3A_488 = arith.constant 0 : i32
    %dma_wait3A_489 = tpu.memref_slice %arg3[%dma_wait3A_488] : memref<26738688xf32, #tpu.memory_space<hbm>> -> memref<16384xf32, #tpu.memory_space<hbm>>
    %dma_wait3A_490 = arith.constant 0 : i32
    %dma_wait3A_491 = tpu.memref_slice %arg3[%dma_wait3A_490] : memref<26738688xf32, #tpu.memory_space<hbm>> -> memref<16384xf32, #tpu.memory_space<hbm>>
    tpu.wait_dma2 semaphore(%arg20 : memref<!tpu.dma_semaphore, #tpu.memory_space<semaphore_mem>>) src(%arg5 : memref<16384xf32, #tpu.memory_space<vmem>>) dst(%dma_wait3A_491 : memref<16384xf32, #tpu.memory_space<hbm>>)
    %add3A_492 = arith.constant 19398656 : i32
    %add3A_493 = arith.addi %add3A_492, %mul3A_2 : i32
    %dma_start3A_494 = tpu.memref_slice %arg2[%add3A_493] : memref<26738688xf32, #tpu.memory_space<hbm>> -> memref<16384xf32, #tpu.memory_space<hbm>>
    %dma_start3A_495 = tpu.memref_slice %arg2[%add3A_493] : memref<26738688xf32, #tpu.memory_space<hbm>> -> memref<16384xf32, #tpu.memory_space<hbm>>
    tpu.enqueue_dma source(%dma_start3A_495 : memref<16384xf32, #tpu.memory_space<hbm>>) target(%arg5 : memref<16384xf32, #tpu.memory_space<vmem>>) target_semaphore(%arg13 : memref<!tpu.dma_semaphore, #tpu.memory_space<semaphore_mem>>)
    %dma_wait3A_496 = arith.constant 0 : i32
    %dma_wait3A_497 = tpu.memref_slice %arg2[%dma_wait3A_496] : memref<26738688xf32, #tpu.memory_space<hbm>> -> memref<16384xf32, #tpu.memory_space<hbm>>
    %dma_wait3A_498 = arith.constant 0 : i32
    %dma_wait3A_499 = tpu.memref_slice %arg2[%dma_wait3A_498] : memref<26738688xf32, #tpu.memory_space<hbm>> -> memref<16384xf32, #tpu.memory_space<hbm>>
    tpu.wait_dma2 semaphore(%arg17 : memref<!tpu.dma_semaphore, #tpu.memory_space<semaphore_mem>>) src(%dma_wait3A_499 : memref<16384xf32, #tpu.memory_space<hbm>>) dst(%arg9 : memref<16384xf32, #tpu.memory_space<vmem>>)
    %parallel_loop3A_500 = arith.constant 0 : i32
    %parallel_loop3A_501 = arith.constant 1024 : i32
    %parallel_loop3A_502 = arith.constant 1 : i32
    scf.for %parallel_loop3A_1135 = %parallel_loop3A_500 to %parallel_loop3A_501 step %parallel_loop3A_502  : i32 {
      %parallel_loop3A_1136 = arith.constant 16 : i32
      %parallel_loop3A_1137 = arith.muli %parallel_loop3A_1135, %parallel_loop3A_1136 : i32
      %parallel_loop3A_1138 = arith.index_cast %parallel_loop3A_1137 : i32 to index
      %parallel_loop3A_1139 = tpu.vector_load %arg7[%parallel_loop3A_1138] {strides = array<i32>} : memref<16384xf32, #tpu.memory_space<vmem>>, vector<16xf32>,
      %parallel_loop3A_1140 = arith.index_cast %parallel_loop3A_1137 : i32 to index
      %parallel_loop3A_1141 = tpu.vector_load %arg9[%parallel_loop3A_1140] {strides = array<i32>} : memref<16384xf32, #tpu.memory_space<vmem>>, vector<16xf32>,
      %parallel_loop3A_1142 = arith.subf %parallel_loop3A_1139, %parallel_loop3A_1141 : vector<16xf32>
      %parallel_loop3A_1143 = arith.index_cast %parallel_loop3A_1137 : i32 to index
      %parallel_loop3A_1144 = tpu.vector_load %arg7[%parallel_loop3A_1143] {strides = array<i32>} : memref<16384xf32, #tpu.memory_space<vmem>>, vector<16xf32>,
      tpu.vector_store %arg7[%parallel_loop3A_1143], %parallel_loop3A_1142 {strides = array<i32>} : memref<16384xf32, #tpu.memory_space<vmem>>, vector<16xf32>,
    } {sc.loop_unroll_factor = 8 : i64, sc.parallel_access}
    %add3A_503 = arith.constant 11534336 : i32
    %add3A_504 = arith.addi %add3A_503, %mul3A_2 : i32
    %dma_start3A_505 = tpu.memref_slice %arg3[%add3A_504] : memref<26738688xf32, #tpu.memory_space<hbm>> -> memref<16384xf32, #tpu.memory_space<hbm>>
    %dma_start3A_506 = tpu.memref_slice %arg3[%add3A_504] : memref<26738688xf32, #tpu.memory_space<hbm>> -> memref<16384xf32, #tpu.memory_space<hbm>>
    tpu.enqueue_dma source(%arg7 : memref<16384xf32, #tpu.memory_space<vmem>>) target(%dma_start3A_506 : memref<16384xf32, #tpu.memory_space<hbm>>) target_semaphore(%arg22 : memref<!tpu.dma_semaphore, #tpu.memory_space<semaphore_mem>>)
    %dma_wait3A_507 = arith.constant 0 : i32
    %dma_wait3A_508 = tpu.memref_slice %arg3[%dma_wait3A_507] : memref<26738688xf32, #tpu.memory_space<hbm>> -> memref<16384xf32, #tpu.memory_space<hbm>>
    %dma_wait3A_509 = arith.constant 0 : i32
    %dma_wait3A_510 = tpu.memref_slice %arg3[%dma_wait3A_509] : memref<26738688xf32, #tpu.memory_space<hbm>> -> memref<16384xf32, #tpu.memory_space<hbm>>
    tpu.wait_dma2 semaphore(%arg21 : memref<!tpu.dma_semaphore, #tpu.memory_space<semaphore_mem>>) src(%arg6 : memref<16384xf32, #tpu.memory_space<vmem>>) dst(%dma_wait3A_510 : memref<16384xf32, #tpu.memory_space<hbm>>)
    %add3A_511 = arith.constant 20971520 : i32
    %add3A_512 = arith.addi %add3A_511, %mul3A_2 : i32
    %dma_start3A_513 = tpu.memref_slice %arg2[%add3A_512] : memref<26738688xf32, #tpu.memory_space<hbm>> -> memref<16384xf32, #tpu.memory_space<hbm>>
    %dma_start3A_514 = tpu.memref_slice %arg2[%add3A_512] : memref<26738688xf32, #tpu.memory_space<hbm>> -> memref<16384xf32, #tpu.memory_space<hbm>>
    tpu.enqueue_dma source(%dma_start3A_514 : memref<16384xf32, #tpu.memory_space<hbm>>) target(%arg6 : memref<16384xf32, #tpu.memory_space<vmem>>) target_semaphore(%arg14 : memref<!tpu.dma_semaphore, #tpu.memory_space<semaphore_mem>>)
    %dma_wait3A_515 = arith.constant 0 : i32
    %dma_wait3A_516 = tpu.memref_slice %arg2[%dma_wait3A_515] : memref<26738688xf32, #tpu.memory_space<hbm>> -> memref<16384xf32, #tpu.memory_space<hbm>>
    %dma_wait3A_517 = arith.constant 0 : i32
    %dma_wait3A_518 = tpu.memref_slice %arg2[%dma_wait3A_517] : memref<26738688xf32, #tpu.memory_space<hbm>> -> memref<16384xf32, #tpu.memory_space<hbm>>
    tpu.wait_dma2 semaphore(%arg18 : memref<!tpu.dma_semaphore, #tpu.memory_space<semaphore_mem>>) src(%dma_wait3A_518 : memref<16384xf32, #tpu.memory_space<hbm>>) dst(%arg10 : memref<16384xf32, #tpu.memory_space<vmem>>)
    %parallel_loop3A_519 = arith.constant 0 : i32
    %parallel_loop3A_520 = arith.constant 1024 : i32
    %parallel_loop3A_521 = arith.constant 1 : i32
    scf.for %parallel_loop3A_1135 = %parallel_loop3A_519 to %parallel_loop3A_520 step %parallel_loop3A_521  : i32 {
      %parallel_loop3A_1136 = arith.constant 16 : i32
      %parallel_loop3A_1137 = arith.muli %parallel_loop3A_1135, %parallel_loop3A_1136 : i32
      %parallel_loop3A_1138 = arith.index_cast %parallel_loop3A_1137 : i32 to index
      %parallel_loop3A_1139 = tpu.vector_load %arg8[%parallel_loop3A_1138] {strides = array<i32>} : memref<16384xf32, #tpu.memory_space<vmem>>, vector<16xf32>,
      %parallel_loop3A_1140 = arith.index_cast %parallel_loop3A_1137 : i32 to index
      %parallel_loop3A_1141 = tpu.vector_load %arg10[%parallel_loop3A_1140] {strides = array<i32>} : memref<16384xf32, #tpu.memory_space<vmem>>, vector<16xf32>,
      %parallel_loop3A_1142 = arith.subf %parallel_loop3A_1139, %parallel_loop3A_1141 : vector<16xf32>
      %parallel_loop3A_1143 = arith.index_cast %parallel_loop3A_1137 : i32 to index
      %parallel_loop3A_1144 = tpu.vector_load %arg8[%parallel_loop3A_1143] {strides = array<i32>} : memref<16384xf32, #tpu.memory_space<vmem>>, vector<16xf32>,
      tpu.vector_store %arg8[%parallel_loop3A_1143], %parallel_loop3A_1142 {strides = array<i32>} : memref<16384xf32, #tpu.memory_space<vmem>>, vector<16xf32>,
    } {sc.loop_unroll_factor = 8 : i64, sc.parallel_access}
    %add3A_522 = arith.constant 13107200 : i32
    %add3A_523 = arith.addi %add3A_522, %mul3A_2 : i32
    %dma_start3A_524 = tpu.memref_slice %arg3[%add3A_523] : memref<26738688xf32, #tpu.memory_space<hbm>> -> memref<16384xf32, #tpu.memory_space<hbm>>
    %dma_start3A_525 = tpu.memref_slice %arg3[%add3A_523] : memref<26738688xf32, #tpu.memory_space<hbm>> -> memref<16384xf32, #tpu.memory_space<hbm>>
    tpu.enqueue_dma source(%arg8 : memref<16384xf32, #tpu.memory_space<vmem>>) target(%dma_start3A_525 : memref<16384xf32, #tpu.memory_space<hbm>>) target_semaphore(%arg23 : memref<!tpu.dma_semaphore, #tpu.memory_space<semaphore_mem>>)
    %dma_wait3A_526 = arith.constant 0 : i32
    %dma_wait3A_527 = tpu.memref_slice %arg3[%dma_wait3A_526] : memref<26738688xf32, #tpu.memory_space<hbm>> -> memref<16384xf32, #tpu.memory_space<hbm>>
    %dma_wait3A_528 = arith.constant 0 : i32
    %dma_wait3A_529 = tpu.memref_slice %arg3[%dma_wait3A_528] : memref<26738688xf32, #tpu.memory_space<hbm>> -> memref<16384xf32, #tpu.memory_space<hbm>>
    tpu.wait_dma2 semaphore(%arg22 : memref<!tpu.dma_semaphore, #tpu.memory_space<semaphore_mem>>) src(%arg7 : memref<16384xf32, #tpu.memory_space<vmem>>) dst(%dma_wait3A_529 : memref<16384xf32, #tpu.memory_space<hbm>>)
    %add3A_530 = arith.constant 22544384 : i32
    %add3A_531 = arith.addi %add3A_530, %mul3A_2 : i32
    %dma_start3A_532 = tpu.memref_slice %arg2[%add3A_531] : memref<26738688xf32, #tpu.memory_space<hbm>> -> memref<16384xf32, #tpu.memory_space<hbm>>
    %dma_start3A_533 = tpu.memref_slice %arg2[%add3A_531] : memref<26738688xf32, #tpu.memory_space<hbm>> -> memref<16384xf32, #tpu.memory_space<hbm>>
    tpu.enqueue_dma source(%dma_start3A_533 : memref<16384xf32, #tpu.memory_space<hbm>>) target(%arg7 : memref<16384xf32, #tpu.memory_space<vmem>>) target_semaphore(%arg15 : memref<!tpu.dma_semaphore, #tpu.memory_space<semaphore_mem>>)
    %add3A_534 = arith.constant 14680064 : i32
    %add3A_535 = arith.addi %add3A_534, %mul3A_2 : i32
    %add3A_536 = arith.constant 0 : i32
    %add3A_537 = arith.addi %add3A_535, %add3A_536 : i32
    %dma_start3A_538 = tpu.memref_slice %arg3[%add3A_537] : memref<26738688xf32, #tpu.memory_space<hbm>> -> memref<8192xf32, #tpu.memory_space<hbm>>
    %dma_start3A_539 = tpu.memref_slice %arg3[%add3A_537] : memref<26738688xf32, #tpu.memory_space<hbm>> -> memref<8192xf32, #tpu.memory_space<hbm>>
    tpu.enqueue_dma source(%arg11 : memref<8192xf32, #tpu.memory_space<vmem>>) target(%dma_start3A_539 : memref<8192xf32, #tpu.memory_space<hbm>>) target_semaphore(%arg26 : memref<!tpu.dma_semaphore, #tpu.memory_space<semaphore_mem>>)
    %add3A_540 = arith.constant 14680064 : i32
    %add3A_541 = arith.addi %add3A_540, %mul3A_2 : i32
    %add3A_542 = arith.constant 8192 : i32
    %add3A_543 = arith.addi %add3A_541, %add3A_542 : i32
    %dma_start3A_544 = tpu.memref_slice %arg3[%add3A_543] : memref<26738688xf32, #tpu.memory_space<hbm>> -> memref<8192xf32, #tpu.memory_space<hbm>>
    %dma_start3A_545 = tpu.memref_slice %arg3[%add3A_543] : memref<26738688xf32, #tpu.memory_space<hbm>> -> memref<8192xf32, #tpu.memory_space<hbm>>
    tpu.enqueue_dma source(%arg11 : memref<8192xf32, #tpu.memory_space<vmem>>) target(%dma_start3A_545 : memref<8192xf32, #tpu.memory_space<hbm>>) target_semaphore(%arg26 : memref<!tpu.dma_semaphore, #tpu.memory_space<semaphore_mem>>)
    %dma_wait3A_546 = arith.constant 0 : i32
    %dma_wait3A_547 = tpu.memref_slice %arg3[%dma_wait3A_546] : memref<26738688xf32, #tpu.memory_space<hbm>> -> memref<16384xf32, #tpu.memory_space<hbm>>
    %dma_wait3A_548 = arith.constant 0 : i32
    %dma_wait3A_549 = tpu.memref_slice %arg3[%dma_wait3A_548] : memref<26738688xf32, #tpu.memory_space<hbm>> -> memref<16384xf32, #tpu.memory_space<hbm>>
    tpu.wait_dma2 semaphore(%arg23 : memref<!tpu.dma_semaphore, #tpu.memory_space<semaphore_mem>>) src(%arg8 : memref<16384xf32, #tpu.memory_space<vmem>>) dst(%dma_wait3A_549 : memref<16384xf32, #tpu.memory_space<hbm>>)
    %add3A_550 = arith.constant 24117248 : i32
    %add3A_551 = arith.addi %add3A_550, %mul3A_2 : i32
    %dma_start3A_552 = tpu.memref_slice %arg2[%add3A_551] : memref<26738688xf32, #tpu.memory_space<hbm>> -> memref<16384xf32, #tpu.memory_space<hbm>>
    %dma_start3A_553 = tpu.memref_slice %arg2[%add3A_551] : memref<26738688xf32, #tpu.memory_space<hbm>> -> memref<16384xf32, #tpu.memory_space<hbm>>
    tpu.enqueue_dma source(%dma_start3A_553 : memref<16384xf32, #tpu.memory_space<hbm>>) target(%arg8 : memref<16384xf32, #tpu.memory_space<vmem>>) target_semaphore(%arg16 : memref<!tpu.dma_semaphore, #tpu.memory_space<semaphore_mem>>)
    %add3A_554 = arith.constant 16252928 : i32
    %add3A_555 = arith.addi %add3A_554, %mul3A_2 : i32
    %add3A_556 = arith.constant 0 : i32
    %add3A_557 = arith.addi %add3A_555, %add3A_556 : i32
    %dma_start3A_558 = tpu.memref_slice %arg3[%add3A_557] : memref<26738688xf32, #tpu.memory_space<hbm>> -> memref<8192xf32, #tpu.memory_space<hbm>>
    %dma_start3A_559 = tpu.memref_slice %arg3[%add3A_557] : memref<26738688xf32, #tpu.memory_space<hbm>> -> memref<8192xf32, #tpu.memory_space<hbm>>
    tpu.enqueue_dma source(%arg11 : memref<8192xf32, #tpu.memory_space<vmem>>) target(%dma_start3A_559 : memref<8192xf32, #tpu.memory_space<hbm>>) target_semaphore(%arg26 : memref<!tpu.dma_semaphore, #tpu.memory_space<semaphore_mem>>)
    %add3A_560 = arith.constant 16252928 : i32
    %add3A_561 = arith.addi %add3A_560, %mul3A_2 : i32
    %add3A_562 = arith.constant 8192 : i32
    %add3A_563 = arith.addi %add3A_561, %add3A_562 : i32
    %dma_start3A_564 = tpu.memref_slice %arg3[%add3A_563] : memref<26738688xf32, #tpu.memory_space<hbm>> -> memref<8192xf32, #tpu.memory_space<hbm>>
    %dma_start3A_565 = tpu.memref_slice %arg3[%add3A_563] : memref<26738688xf32, #tpu.memory_space<hbm>> -> memref<8192xf32, #tpu.memory_space<hbm>>
    tpu.enqueue_dma source(%arg11 : memref<8192xf32, #tpu.memory_space<vmem>>) target(%dma_start3A_565 : memref<8192xf32, #tpu.memory_space<hbm>>) target_semaphore(%arg26 : memref<!tpu.dma_semaphore, #tpu.memory_space<semaphore_mem>>)
    %add3A_566 = arith.constant 25690112 : i32
    %add3A_567 = arith.addi %add3A_566, %mul3A_2 : i32
    %dma_start3A_568 = tpu.memref_slice %arg2[%add3A_567] : memref<26738688xf32, #tpu.memory_space<hbm>> -> memref<16384xf32, #tpu.memory_space<hbm>>
    %dma_start3A_569 = tpu.memref_slice %arg2[%add3A_567] : memref<26738688xf32, #tpu.memory_space<hbm>> -> memref<16384xf32, #tpu.memory_space<hbm>>
    tpu.enqueue_dma source(%dma_start3A_569 : memref<16384xf32, #tpu.memory_space<hbm>>) target(%arg9 : memref<16384xf32, #tpu.memory_space<vmem>>) target_semaphore(%arg17 : memref<!tpu.dma_semaphore, #tpu.memory_space<semaphore_mem>>)
    %dma_wait3A_570 = arith.constant 0 : i32
    %dma_wait3A_571 = tpu.memref_slice %arg2[%dma_wait3A_570] : memref<26738688xf32, #tpu.memory_space<hbm>> -> memref<16384xf32, #tpu.memory_space<hbm>>
    %dma_wait3A_572 = arith.constant 0 : i32
    %dma_wait3A_573 = tpu.memref_slice %arg2[%dma_wait3A_572] : memref<26738688xf32, #tpu.memory_space<hbm>> -> memref<16384xf32, #tpu.memory_space<hbm>>
    tpu.wait_dma2 semaphore(%arg12 : memref<!tpu.dma_semaphore, #tpu.memory_space<semaphore_mem>>) src(%dma_wait3A_573 : memref<16384xf32, #tpu.memory_space<hbm>>) dst(%arg4 : memref<16384xf32, #tpu.memory_space<vmem>>)
    %dma_wait3A_574 = arith.constant 0 : i32
    %dma_wait3A_575 = tpu.memref_slice %arg2[%dma_wait3A_574] : memref<26738688xf32, #tpu.memory_space<hbm>> -> memref<16384xf32, #tpu.memory_space<hbm>>
    %dma_wait3A_576 = arith.constant 0 : i32
    %dma_wait3A_577 = tpu.memref_slice %arg2[%dma_wait3A_576] : memref<26738688xf32, #tpu.memory_space<hbm>> -> memref<16384xf32, #tpu.memory_space<hbm>>
    tpu.wait_dma2 semaphore(%arg14 : memref<!tpu.dma_semaphore, #tpu.memory_space<semaphore_mem>>) src(%dma_wait3A_577 : memref<16384xf32, #tpu.memory_space<hbm>>) dst(%arg6 : memref<16384xf32, #tpu.memory_space<vmem>>)
    %parallel_loop3A_578 = arith.constant 0 : i32
    %parallel_loop3A_579 = arith.constant 1024 : i32
    %parallel_loop3A_580 = arith.constant 1 : i32
    scf.for %parallel_loop3A_1135 = %parallel_loop3A_578 to %parallel_loop3A_579 step %parallel_loop3A_580  : i32 {
      %parallel_loop3A_1136 = arith.constant 16 : i32
      %parallel_loop3A_1137 = arith.muli %parallel_loop3A_1135, %parallel_loop3A_1136 : i32
      %parallel_loop3A_1138 = arith.index_cast %parallel_loop3A_1137 : i32 to index
      %parallel_loop3A_1139 = tpu.vector_load %arg4[%parallel_loop3A_1138] {strides = array<i32>} : memref<16384xf32, #tpu.memory_space<vmem>>, vector<16xf32>,
      %parallel_loop3A_1140 = arith.index_cast %parallel_loop3A_1137 : i32 to index
      %parallel_loop3A_1141 = tpu.vector_load %arg6[%parallel_loop3A_1140] {strides = array<i32>} : memref<16384xf32, #tpu.memory_space<vmem>>, vector<16xf32>,
      %parallel_loop3A_1142 = arith.subf %parallel_loop3A_1139, %parallel_loop3A_1141 : vector<16xf32>
      %parallel_loop3A_1143 = arith.index_cast %parallel_loop3A_1137 : i32 to index
      %parallel_loop3A_1144 = tpu.vector_load %arg4[%parallel_loop3A_1143] {strides = array<i32>} : memref<16384xf32, #tpu.memory_space<vmem>>, vector<16xf32>,
      tpu.vector_store %arg4[%parallel_loop3A_1143], %parallel_loop3A_1142 {strides = array<i32>} : memref<16384xf32, #tpu.memory_space<vmem>>, vector<16xf32>,
    } {sc.loop_unroll_factor = 8 : i64, sc.parallel_access}
    %add3A_581 = arith.constant 17825792 : i32
    %add3A_582 = arith.addi %add3A_581, %mul3A_2 : i32
    %dma_start3A_583 = tpu.memref_slice %arg3[%add3A_582] : memref<26738688xf32, #tpu.memory_space<hbm>> -> memref<16384xf32, #tpu.memory_space<hbm>>
    %dma_start3A_584 = tpu.memref_slice %arg3[%add3A_582] : memref<26738688xf32, #tpu.memory_space<hbm>> -> memref<16384xf32, #tpu.memory_space<hbm>>
    tpu.enqueue_dma source(%arg4 : memref<16384xf32, #tpu.memory_space<vmem>>) target(%dma_start3A_584 : memref<16384xf32, #tpu.memory_space<hbm>>) target_semaphore(%arg19 : memref<!tpu.dma_semaphore, #tpu.memory_space<semaphore_mem>>)
    %add3A_585 = arith.constant 1048576 : i32
    %add3A_586 = arith.addi %add3A_585, %mul3A_2 : i32
    %dma_start3A_587 = tpu.memref_slice %arg2[%add3A_586] : memref<26738688xf32, #tpu.memory_space<hbm>> -> memref<16384xf32, #tpu.memory_space<hbm>>
    %dma_start3A_588 = tpu.memref_slice %arg2[%add3A_586] : memref<26738688xf32, #tpu.memory_space<hbm>> -> memref<16384xf32, #tpu.memory_space<hbm>>
    tpu.enqueue_dma source(%dma_start3A_588 : memref<16384xf32, #tpu.memory_space<hbm>>) target(%arg10 : memref<16384xf32, #tpu.memory_space<vmem>>) target_semaphore(%arg18 : memref<!tpu.dma_semaphore, #tpu.memory_space<semaphore_mem>>)
    %dma_wait3A_589 = arith.constant 0 : i32
    %dma_wait3A_590 = tpu.memref_slice %arg2[%dma_wait3A_589] : memref<26738688xf32, #tpu.memory_space<hbm>> -> memref<16384xf32, #tpu.memory_space<hbm>>
    %dma_wait3A_591 = arith.constant 0 : i32
    %dma_wait3A_592 = tpu.memref_slice %arg2[%dma_wait3A_591] : memref<26738688xf32, #tpu.memory_space<hbm>> -> memref<16384xf32, #tpu.memory_space<hbm>>
    tpu.wait_dma2 semaphore(%arg13 : memref<!tpu.dma_semaphore, #tpu.memory_space<semaphore_mem>>) src(%dma_wait3A_592 : memref<16384xf32, #tpu.memory_space<hbm>>) dst(%arg5 : memref<16384xf32, #tpu.memory_space<vmem>>)
    %dma_wait3A_593 = arith.constant 0 : i32
    %dma_wait3A_594 = tpu.memref_slice %arg2[%dma_wait3A_593] : memref<26738688xf32, #tpu.memory_space<hbm>> -> memref<16384xf32, #tpu.memory_space<hbm>>
    %dma_wait3A_595 = arith.constant 0 : i32
    %dma_wait3A_596 = tpu.memref_slice %arg2[%dma_wait3A_595] : memref<26738688xf32, #tpu.memory_space<hbm>> -> memref<16384xf32, #tpu.memory_space<hbm>>
    tpu.wait_dma2 semaphore(%arg15 : memref<!tpu.dma_semaphore, #tpu.memory_space<semaphore_mem>>) src(%dma_wait3A_596 : memref<16384xf32, #tpu.memory_space<hbm>>) dst(%arg7 : memref<16384xf32, #tpu.memory_space<vmem>>)
    %parallel_loop3A_597 = arith.constant 0 : i32
    %parallel_loop3A_598 = arith.constant 1024 : i32
    %parallel_loop3A_599 = arith.constant 1 : i32
    scf.for %parallel_loop3A_1135 = %parallel_loop3A_597 to %parallel_loop3A_598 step %parallel_loop3A_599  : i32 {
      %parallel_loop3A_1136 = arith.constant 16 : i32
      %parallel_loop3A_1137 = arith.muli %parallel_loop3A_1135, %parallel_loop3A_1136 : i32
      %parallel_loop3A_1138 = arith.index_cast %parallel_loop3A_1137 : i32 to index
      %parallel_loop3A_1139 = tpu.vector_load %arg5[%parallel_loop3A_1138] {strides = array<i32>} : memref<16384xf32, #tpu.memory_space<vmem>>, vector<16xf32>,
      %parallel_loop3A_1140 = arith.index_cast %parallel_loop3A_1137 : i32 to index
      %parallel_loop3A_1141 = tpu.vector_load %arg7[%parallel_loop3A_1140] {strides = array<i32>} : memref<16384xf32, #tpu.memory_space<vmem>>, vector<16xf32>,
      %parallel_loop3A_1142 = arith.subf %parallel_loop3A_1139, %parallel_loop3A_1141 : vector<16xf32>
      %parallel_loop3A_1143 = arith.index_cast %parallel_loop3A_1137 : i32 to index
      %parallel_loop3A_1144 = tpu.vector_load %arg5[%parallel_loop3A_1143] {strides = array<i32>} : memref<16384xf32, #tpu.memory_space<vmem>>, vector<16xf32>,
      tpu.vector_store %arg5[%parallel_loop3A_1143], %parallel_loop3A_1142 {strides = array<i32>} : memref<16384xf32, #tpu.memory_space<vmem>>, vector<16xf32>,
    } {sc.loop_unroll_factor = 8 : i64, sc.parallel_access}
    %add3A_600 = arith.constant 19398656 : i32
    %add3A_601 = arith.addi %add3A_600, %mul3A_2 : i32
    %dma_start3A_602 = tpu.memref_slice %arg3[%add3A_601] : memref<26738688xf32, #tpu.memory_space<hbm>> -> memref<16384xf32, #tpu.memory_space<hbm>>
    %dma_start3A_603 = tpu.memref_slice %arg3[%add3A_601] : memref<26738688xf32, #tpu.memory_space<hbm>> -> memref<16384xf32, #tpu.memory_space<hbm>>
    tpu.enqueue_dma source(%arg5 : memref<16384xf32, #tpu.memory_space<vmem>>) target(%dma_start3A_603 : memref<16384xf32, #tpu.memory_space<hbm>>) target_semaphore(%arg20 : memref<!tpu.dma_semaphore, #tpu.memory_space<semaphore_mem>>)
    %dma_wait3A_604 = arith.constant 0 : i32
    %dma_wait3A_605 = tpu.memref_slice %arg3[%dma_wait3A_604] : memref<26738688xf32, #tpu.memory_space<hbm>> -> memref<16384xf32, #tpu.memory_space<hbm>>
    %dma_wait3A_606 = arith.constant 0 : i32
    %dma_wait3A_607 = tpu.memref_slice %arg3[%dma_wait3A_606] : memref<26738688xf32, #tpu.memory_space<hbm>> -> memref<16384xf32, #tpu.memory_space<hbm>>
    tpu.wait_dma2 semaphore(%arg19 : memref<!tpu.dma_semaphore, #tpu.memory_space<semaphore_mem>>) src(%arg4 : memref<16384xf32, #tpu.memory_space<vmem>>) dst(%dma_wait3A_607 : memref<16384xf32, #tpu.memory_space<hbm>>)
    %add3A_608 = arith.constant 2621440 : i32
    %add3A_609 = arith.addi %add3A_608, %mul3A_2 : i32
    %dma_start3A_610 = tpu.memref_slice %arg2[%add3A_609] : memref<26738688xf32, #tpu.memory_space<hbm>> -> memref<16384xf32, #tpu.memory_space<hbm>>
    %dma_start3A_611 = tpu.memref_slice %arg2[%add3A_609] : memref<26738688xf32, #tpu.memory_space<hbm>> -> memref<16384xf32, #tpu.memory_space<hbm>>
    tpu.enqueue_dma source(%dma_start3A_611 : memref<16384xf32, #tpu.memory_space<hbm>>) target(%arg4 : memref<16384xf32, #tpu.memory_space<vmem>>) target_semaphore(%arg12 : memref<!tpu.dma_semaphore, #tpu.memory_space<semaphore_mem>>)
    %dma_wait3A_612 = arith.constant 0 : i32
    %dma_wait3A_613 = tpu.memref_slice %arg2[%dma_wait3A_612] : memref<26738688xf32, #tpu.memory_space<hbm>> -> memref<16384xf32, #tpu.memory_space<hbm>>
    %dma_wait3A_614 = arith.constant 0 : i32
    %dma_wait3A_615 = tpu.memref_slice %arg2[%dma_wait3A_614] : memref<26738688xf32, #tpu.memory_space<hbm>> -> memref<16384xf32, #tpu.memory_space<hbm>>
    tpu.wait_dma2 semaphore(%arg16 : memref<!tpu.dma_semaphore, #tpu.memory_space<semaphore_mem>>) src(%dma_wait3A_615 : memref<16384xf32, #tpu.memory_space<hbm>>) dst(%arg8 : memref<16384xf32, #tpu.memory_space<vmem>>)
    %parallel_loop3A_616 = arith.constant 0 : i32
    %parallel_loop3A_617 = arith.constant 1024 : i32
    %parallel_loop3A_618 = arith.constant 1 : i32
    scf.for %parallel_loop3A_1135 = %parallel_loop3A_616 to %parallel_loop3A_617 step %parallel_loop3A_618  : i32 {
      %parallel_loop3A_1136 = arith.constant 16 : i32
      %parallel_loop3A_1137 = arith.muli %parallel_loop3A_1135, %parallel_loop3A_1136 : i32
      %parallel_loop3A_1138 = arith.index_cast %parallel_loop3A_1137 : i32 to index
      %parallel_loop3A_1139 = tpu.vector_load %arg6[%parallel_loop3A_1138] {strides = array<i32>} : memref<16384xf32, #tpu.memory_space<vmem>>, vector<16xf32>,
      %parallel_loop3A_1140 = arith.index_cast %parallel_loop3A_1137 : i32 to index
      %parallel_loop3A_1141 = tpu.vector_load %arg8[%parallel_loop3A_1140] {strides = array<i32>} : memref<16384xf32, #tpu.memory_space<vmem>>, vector<16xf32>,
      %parallel_loop3A_1142 = arith.subf %parallel_loop3A_1139, %parallel_loop3A_1141 : vector<16xf32>
      %parallel_loop3A_1143 = arith.index_cast %parallel_loop3A_1137 : i32 to index
      %parallel_loop3A_1144 = tpu.vector_load %arg6[%parallel_loop3A_1143] {strides = array<i32>} : memref<16384xf32, #tpu.memory_space<vmem>>, vector<16xf32>,
      tpu.vector_store %arg6[%parallel_loop3A_1143], %parallel_loop3A_1142 {strides = array<i32>} : memref<16384xf32, #tpu.memory_space<vmem>>, vector<16xf32>,
    } {sc.loop_unroll_factor = 8 : i64, sc.parallel_access}
    %add3A_619 = arith.constant 20971520 : i32
    %add3A_620 = arith.addi %add3A_619, %mul3A_2 : i32
    %dma_start3A_621 = tpu.memref_slice %arg3[%add3A_620] : memref<26738688xf32, #tpu.memory_space<hbm>> -> memref<16384xf32, #tpu.memory_space<hbm>>
    %dma_start3A_622 = tpu.memref_slice %arg3[%add3A_620] : memref<26738688xf32, #tpu.memory_space<hbm>> -> memref<16384xf32, #tpu.memory_space<hbm>>
    tpu.enqueue_dma source(%arg6 : memref<16384xf32, #tpu.memory_space<vmem>>) target(%dma_start3A_622 : memref<16384xf32, #tpu.memory_space<hbm>>) target_semaphore(%arg21 : memref<!tpu.dma_semaphore, #tpu.memory_space<semaphore_mem>>)
    %dma_wait3A_623 = arith.constant 0 : i32
    %dma_wait3A_624 = tpu.memref_slice %arg3[%dma_wait3A_623] : memref<26738688xf32, #tpu.memory_space<hbm>> -> memref<16384xf32, #tpu.memory_space<hbm>>
    %dma_wait3A_625 = arith.constant 0 : i32
    %dma_wait3A_626 = tpu.memref_slice %arg3[%dma_wait3A_625] : memref<26738688xf32, #tpu.memory_space<hbm>> -> memref<16384xf32, #tpu.memory_space<hbm>>
    tpu.wait_dma2 semaphore(%arg20 : memref<!tpu.dma_semaphore, #tpu.memory_space<semaphore_mem>>) src(%arg5 : memref<16384xf32, #tpu.memory_space<vmem>>) dst(%dma_wait3A_626 : memref<16384xf32, #tpu.memory_space<hbm>>)
    %add3A_627 = arith.constant 4194304 : i32
    %add3A_628 = arith.addi %add3A_627, %mul3A_2 : i32
    %dma_start3A_629 = tpu.memref_slice %arg2[%add3A_628] : memref<26738688xf32, #tpu.memory_space<hbm>> -> memref<16384xf32, #tpu.memory_space<hbm>>
    %dma_start3A_630 = tpu.memref_slice %arg2[%add3A_628] : memref<26738688xf32, #tpu.memory_space<hbm>> -> memref<16384xf32, #tpu.memory_space<hbm>>
    tpu.enqueue_dma source(%dma_start3A_630 : memref<16384xf32, #tpu.memory_space<hbm>>) target(%arg5 : memref<16384xf32, #tpu.memory_space<vmem>>) target_semaphore(%arg13 : memref<!tpu.dma_semaphore, #tpu.memory_space<semaphore_mem>>)
    %dma_wait3A_631 = arith.constant 0 : i32
    %dma_wait3A_632 = tpu.memref_slice %arg2[%dma_wait3A_631] : memref<26738688xf32, #tpu.memory_space<hbm>> -> memref<16384xf32, #tpu.memory_space<hbm>>
    %dma_wait3A_633 = arith.constant 0 : i32
    %dma_wait3A_634 = tpu.memref_slice %arg2[%dma_wait3A_633] : memref<26738688xf32, #tpu.memory_space<hbm>> -> memref<16384xf32, #tpu.memory_space<hbm>>
    tpu.wait_dma2 semaphore(%arg17 : memref<!tpu.dma_semaphore, #tpu.memory_space<semaphore_mem>>) src(%dma_wait3A_634 : memref<16384xf32, #tpu.memory_space<hbm>>) dst(%arg9 : memref<16384xf32, #tpu.memory_space<vmem>>)
    %parallel_loop3A_635 = arith.constant 0 : i32
    %parallel_loop3A_636 = arith.constant 1024 : i32
    %parallel_loop3A_637 = arith.constant 1 : i32
    scf.for %parallel_loop3A_1135 = %parallel_loop3A_635 to %parallel_loop3A_636 step %parallel_loop3A_637  : i32 {
      %parallel_loop3A_1136 = arith.constant 16 : i32
      %parallel_loop3A_1137 = arith.muli %parallel_loop3A_1135, %parallel_loop3A_1136 : i32
      %parallel_loop3A_1138 = arith.index_cast %parallel_loop3A_1137 : i32 to index
      %parallel_loop3A_1139 = tpu.vector_load %arg7[%parallel_loop3A_1138] {strides = array<i32>} : memref<16384xf32, #tpu.memory_space<vmem>>, vector<16xf32>,
      %parallel_loop3A_1140 = arith.index_cast %parallel_loop3A_1137 : i32 to index
      %parallel_loop3A_1141 = tpu.vector_load %arg9[%parallel_loop3A_1140] {strides = array<i32>} : memref<16384xf32, #tpu.memory_space<vmem>>, vector<16xf32>,
      %parallel_loop3A_1142 = arith.subf %parallel_loop3A_1139, %parallel_loop3A_1141 : vector<16xf32>
      %parallel_loop3A_1143 = arith.index_cast %parallel_loop3A_1137 : i32 to index
      %parallel_loop3A_1144 = tpu.vector_load %arg7[%parallel_loop3A_1143] {strides = array<i32>} : memref<16384xf32, #tpu.memory_space<vmem>>, vector<16xf32>,
      tpu.vector_store %arg7[%parallel_loop3A_1143], %parallel_loop3A_1142 {strides = array<i32>} : memref<16384xf32, #tpu.memory_space<vmem>>, vector<16xf32>,
    } {sc.loop_unroll_factor = 8 : i64, sc.parallel_access}
    %add3A_638 = arith.constant 22544384 : i32
    %add3A_639 = arith.addi %add3A_638, %mul3A_2 : i32
    %dma_start3A_640 = tpu.memref_slice %arg3[%add3A_639] : memref<26738688xf32, #tpu.memory_space<hbm>> -> memref<16384xf32, #tpu.memory_space<hbm>>
    %dma_start3A_641 = tpu.memref_slice %arg3[%add3A_639] : memref<26738688xf32, #tpu.memory_space<hbm>> -> memref<16384xf32, #tpu.memory_space<hbm>>
    tpu.enqueue_dma source(%arg7 : memref<16384xf32, #tpu.memory_space<vmem>>) target(%dma_start3A_641 : memref<16384xf32, #tpu.memory_space<hbm>>) target_semaphore(%arg22 : memref<!tpu.dma_semaphore, #tpu.memory_space<semaphore_mem>>)
    %dma_wait3A_642 = arith.constant 0 : i32
    %dma_wait3A_643 = tpu.memref_slice %arg3[%dma_wait3A_642] : memref<26738688xf32, #tpu.memory_space<hbm>> -> memref<16384xf32, #tpu.memory_space<hbm>>
    %dma_wait3A_644 = arith.constant 0 : i32
    %dma_wait3A_645 = tpu.memref_slice %arg3[%dma_wait3A_644] : memref<26738688xf32, #tpu.memory_space<hbm>> -> memref<16384xf32, #tpu.memory_space<hbm>>
    tpu.wait_dma2 semaphore(%arg21 : memref<!tpu.dma_semaphore, #tpu.memory_space<semaphore_mem>>) src(%arg6 : memref<16384xf32, #tpu.memory_space<vmem>>) dst(%dma_wait3A_645 : memref<16384xf32, #tpu.memory_space<hbm>>)
    %add3A_646 = arith.constant 5767168 : i32
    %add3A_647 = arith.addi %add3A_646, %mul3A_2 : i32
    %dma_start3A_648 = tpu.memref_slice %arg2[%add3A_647] : memref<26738688xf32, #tpu.memory_space<hbm>> -> memref<16384xf32, #tpu.memory_space<hbm>>
    %dma_start3A_649 = tpu.memref_slice %arg2[%add3A_647] : memref<26738688xf32, #tpu.memory_space<hbm>> -> memref<16384xf32, #tpu.memory_space<hbm>>
    tpu.enqueue_dma source(%dma_start3A_649 : memref<16384xf32, #tpu.memory_space<hbm>>) target(%arg6 : memref<16384xf32, #tpu.memory_space<vmem>>) target_semaphore(%arg14 : memref<!tpu.dma_semaphore, #tpu.memory_space<semaphore_mem>>)
    %add3A_650 = arith.constant 24117248 : i32
    %add3A_651 = arith.addi %add3A_650, %mul3A_2 : i32
    %add3A_652 = arith.constant 0 : i32
    %add3A_653 = arith.addi %add3A_651, %add3A_652 : i32
    %dma_start3A_654 = tpu.memref_slice %arg3[%add3A_653] : memref<26738688xf32, #tpu.memory_space<hbm>> -> memref<8192xf32, #tpu.memory_space<hbm>>
    %dma_start3A_655 = tpu.memref_slice %arg3[%add3A_653] : memref<26738688xf32, #tpu.memory_space<hbm>> -> memref<8192xf32, #tpu.memory_space<hbm>>
    tpu.enqueue_dma source(%arg11 : memref<8192xf32, #tpu.memory_space<vmem>>) target(%dma_start3A_655 : memref<8192xf32, #tpu.memory_space<hbm>>) target_semaphore(%arg26 : memref<!tpu.dma_semaphore, #tpu.memory_space<semaphore_mem>>)
    %add3A_656 = arith.constant 24117248 : i32
    %add3A_657 = arith.addi %add3A_656, %mul3A_2 : i32
    %add3A_658 = arith.constant 8192 : i32
    %add3A_659 = arith.addi %add3A_657, %add3A_658 : i32
    %dma_start3A_660 = tpu.memref_slice %arg3[%add3A_659] : memref<26738688xf32, #tpu.memory_space<hbm>> -> memref<8192xf32, #tpu.memory_space<hbm>>
    %dma_start3A_661 = tpu.memref_slice %arg3[%add3A_659] : memref<26738688xf32, #tpu.memory_space<hbm>> -> memref<8192xf32, #tpu.memory_space<hbm>>
    tpu.enqueue_dma source(%arg11 : memref<8192xf32, #tpu.memory_space<vmem>>) target(%dma_start3A_661 : memref<8192xf32, #tpu.memory_space<hbm>>) target_semaphore(%arg26 : memref<!tpu.dma_semaphore, #tpu.memory_space<semaphore_mem>>)
    %dma_wait3A_662 = arith.constant 0 : i32
    %dma_wait3A_663 = tpu.memref_slice %arg3[%dma_wait3A_662] : memref<26738688xf32, #tpu.memory_space<hbm>> -> memref<16384xf32, #tpu.memory_space<hbm>>
    %dma_wait3A_664 = arith.constant 0 : i32
    %dma_wait3A_665 = tpu.memref_slice %arg3[%dma_wait3A_664] : memref<26738688xf32, #tpu.memory_space<hbm>> -> memref<16384xf32, #tpu.memory_space<hbm>>
    tpu.wait_dma2 semaphore(%arg22 : memref<!tpu.dma_semaphore, #tpu.memory_space<semaphore_mem>>) src(%arg7 : memref<16384xf32, #tpu.memory_space<vmem>>) dst(%dma_wait3A_665 : memref<16384xf32, #tpu.memory_space<hbm>>)
    %add3A_666 = arith.constant 7340032 : i32
    %add3A_667 = arith.addi %add3A_666, %mul3A_2 : i32
    %dma_start3A_668 = tpu.memref_slice %arg2[%add3A_667] : memref<26738688xf32, #tpu.memory_space<hbm>> -> memref<16384xf32, #tpu.memory_space<hbm>>
    %dma_start3A_669 = tpu.memref_slice %arg2[%add3A_667] : memref<26738688xf32, #tpu.memory_space<hbm>> -> memref<16384xf32, #tpu.memory_space<hbm>>
    tpu.enqueue_dma source(%dma_start3A_669 : memref<16384xf32, #tpu.memory_space<hbm>>) target(%arg7 : memref<16384xf32, #tpu.memory_space<vmem>>) target_semaphore(%arg15 : memref<!tpu.dma_semaphore, #tpu.memory_space<semaphore_mem>>)
    %add3A_670 = arith.constant 25690112 : i32
    %add3A_671 = arith.addi %add3A_670, %mul3A_2 : i32
    %add3A_672 = arith.constant 0 : i32
    %add3A_673 = arith.addi %add3A_671, %add3A_672 : i32
    %dma_start3A_674 = tpu.memref_slice %arg3[%add3A_673] : memref<26738688xf32, #tpu.memory_space<hbm>> -> memref<8192xf32, #tpu.memory_space<hbm>>
    %dma_start3A_675 = tpu.memref_slice %arg3[%add3A_673] : memref<26738688xf32, #tpu.memory_space<hbm>> -> memref<8192xf32, #tpu.memory_space<hbm>>
    tpu.enqueue_dma source(%arg11 : memref<8192xf32, #tpu.memory_space<vmem>>) target(%dma_start3A_675 : memref<8192xf32, #tpu.memory_space<hbm>>) target_semaphore(%arg26 : memref<!tpu.dma_semaphore, #tpu.memory_space<semaphore_mem>>)
    %add3A_676 = arith.constant 25690112 : i32
    %add3A_677 = arith.addi %add3A_676, %mul3A_2 : i32
    %add3A_678 = arith.constant 8192 : i32
    %add3A_679 = arith.addi %add3A_677, %add3A_678 : i32
    %dma_start3A_680 = tpu.memref_slice %arg3[%add3A_679] : memref<26738688xf32, #tpu.memory_space<hbm>> -> memref<8192xf32, #tpu.memory_space<hbm>>
    %dma_start3A_681 = tpu.memref_slice %arg3[%add3A_679] : memref<26738688xf32, #tpu.memory_space<hbm>> -> memref<8192xf32, #tpu.memory_space<hbm>>
    tpu.enqueue_dma source(%arg11 : memref<8192xf32, #tpu.memory_space<vmem>>) target(%dma_start3A_681 : memref<8192xf32, #tpu.memory_space<hbm>>) target_semaphore(%arg26 : memref<!tpu.dma_semaphore, #tpu.memory_space<semaphore_mem>>)
    %add3A_682 = arith.constant 8912896 : i32
    %add3A_683 = arith.addi %add3A_682, %mul3A_2 : i32
    %dma_start3A_684 = tpu.memref_slice %arg2[%add3A_683] : memref<26738688xf32, #tpu.memory_space<hbm>> -> memref<16384xf32, #tpu.memory_space<hbm>>
    %dma_start3A_685 = tpu.memref_slice %arg2[%add3A_683] : memref<26738688xf32, #tpu.memory_space<hbm>> -> memref<16384xf32, #tpu.memory_space<hbm>>
    tpu.enqueue_dma source(%dma_start3A_685 : memref<16384xf32, #tpu.memory_space<hbm>>) target(%arg8 : memref<16384xf32, #tpu.memory_space<vmem>>) target_semaphore(%arg16 : memref<!tpu.dma_semaphore, #tpu.memory_space<semaphore_mem>>)
    %dma_wait3A_686 = arith.constant 0 : i32
    %dma_wait3A_687 = tpu.memref_slice %arg2[%dma_wait3A_686] : memref<26738688xf32, #tpu.memory_space<hbm>> -> memref<16384xf32, #tpu.memory_space<hbm>>
    %dma_wait3A_688 = arith.constant 0 : i32
    %dma_wait3A_689 = tpu.memref_slice %arg2[%dma_wait3A_688] : memref<26738688xf32, #tpu.memory_space<hbm>> -> memref<16384xf32, #tpu.memory_space<hbm>>
    tpu.wait_dma2 semaphore(%arg18 : memref<!tpu.dma_semaphore, #tpu.memory_space<semaphore_mem>>) src(%dma_wait3A_689 : memref<16384xf32, #tpu.memory_space<hbm>>) dst(%arg10 : memref<16384xf32, #tpu.memory_space<vmem>>)
    %dma_wait3A_690 = arith.constant 0 : i32
    %dma_wait3A_691 = tpu.memref_slice %arg2[%dma_wait3A_690] : memref<26738688xf32, #tpu.memory_space<hbm>> -> memref<16384xf32, #tpu.memory_space<hbm>>
    %dma_wait3A_692 = arith.constant 0 : i32
    %dma_wait3A_693 = tpu.memref_slice %arg2[%dma_wait3A_692] : memref<26738688xf32, #tpu.memory_space<hbm>> -> memref<16384xf32, #tpu.memory_space<hbm>>
    tpu.wait_dma2 semaphore(%arg12 : memref<!tpu.dma_semaphore, #tpu.memory_space<semaphore_mem>>) src(%dma_wait3A_693 : memref<16384xf32, #tpu.memory_space<hbm>>) dst(%arg4 : memref<16384xf32, #tpu.memory_space<vmem>>)
    %parallel_loop3A_694 = arith.constant 0 : i32
    %parallel_loop3A_695 = arith.constant 1024 : i32
    %parallel_loop3A_696 = arith.constant 1 : i32
    scf.for %parallel_loop3A_1135 = %parallel_loop3A_694 to %parallel_loop3A_695 step %parallel_loop3A_696  : i32 {
      %parallel_loop3A_1136 = arith.constant 16 : i32
      %parallel_loop3A_1137 = arith.muli %parallel_loop3A_1135, %parallel_loop3A_1136 : i32
      %parallel_loop3A_1138 = arith.index_cast %parallel_loop3A_1137 : i32 to index
      %parallel_loop3A_1139 = tpu.vector_load %arg10[%parallel_loop3A_1138] {strides = array<i32>} : memref<16384xf32, #tpu.memory_space<vmem>>, vector<16xf32>,
      %parallel_loop3A_1140 = arith.index_cast %parallel_loop3A_1137 : i32 to index
      %parallel_loop3A_1141 = tpu.vector_load %arg4[%parallel_loop3A_1140] {strides = array<i32>} : memref<16384xf32, #tpu.memory_space<vmem>>, vector<16xf32>,
      %parallel_loop3A_1142 = arith.subf %parallel_loop3A_1139, %parallel_loop3A_1141 : vector<16xf32>
      %parallel_loop3A_1143 = arith.index_cast %parallel_loop3A_1137 : i32 to index
      %parallel_loop3A_1144 = tpu.vector_load %arg10[%parallel_loop3A_1143] {strides = array<i32>} : memref<16384xf32, #tpu.memory_space<vmem>>, vector<16xf32>,
      tpu.vector_store %arg10[%parallel_loop3A_1143], %parallel_loop3A_1142 {strides = array<i32>} : memref<16384xf32, #tpu.memory_space<vmem>>, vector<16xf32>,
    } {sc.loop_unroll_factor = 8 : i64, sc.parallel_access}
    %add3A_697 = arith.constant 1048576 : i32
    %add3A_698 = arith.addi %add3A_697, %mul3A_2 : i32
    %dma_start3A_699 = tpu.memref_slice %arg3[%add3A_698] : memref<26738688xf32, #tpu.memory_space<hbm>> -> memref<16384xf32, #tpu.memory_space<hbm>>
    %dma_start3A_700 = tpu.memref_slice %arg3[%add3A_698] : memref<26738688xf32, #tpu.memory_space<hbm>> -> memref<16384xf32, #tpu.memory_space<hbm>>
    tpu.enqueue_dma source(%arg10 : memref<16384xf32, #tpu.memory_space<vmem>>) target(%dma_start3A_700 : memref<16384xf32, #tpu.memory_space<hbm>>) target_semaphore(%arg25 : memref<!tpu.dma_semaphore, #tpu.memory_space<semaphore_mem>>)
    %add3A_701 = arith.constant 10485760 : i32
    %add3A_702 = arith.addi %add3A_701, %mul3A_2 : i32
    %dma_start3A_703 = tpu.memref_slice %arg2[%add3A_702] : memref<26738688xf32, #tpu.memory_space<hbm>> -> memref<16384xf32, #tpu.memory_space<hbm>>
    %dma_start3A_704 = tpu.memref_slice %arg2[%add3A_702] : memref<26738688xf32, #tpu.memory_space<hbm>> -> memref<16384xf32, #tpu.memory_space<hbm>>
    tpu.enqueue_dma source(%dma_start3A_704 : memref<16384xf32, #tpu.memory_space<hbm>>) target(%arg9 : memref<16384xf32, #tpu.memory_space<vmem>>) target_semaphore(%arg17 : memref<!tpu.dma_semaphore, #tpu.memory_space<semaphore_mem>>)
    %dma_wait3A_705 = arith.constant 0 : i32
    %dma_wait3A_706 = tpu.memref_slice %arg2[%dma_wait3A_705] : memref<26738688xf32, #tpu.memory_space<hbm>> -> memref<16384xf32, #tpu.memory_space<hbm>>
    %dma_wait3A_707 = arith.constant 0 : i32
    %dma_wait3A_708 = tpu.memref_slice %arg2[%dma_wait3A_707] : memref<26738688xf32, #tpu.memory_space<hbm>> -> memref<16384xf32, #tpu.memory_space<hbm>>
    tpu.wait_dma2 semaphore(%arg14 : memref<!tpu.dma_semaphore, #tpu.memory_space<semaphore_mem>>) src(%dma_wait3A_708 : memref<16384xf32, #tpu.memory_space<hbm>>) dst(%arg6 : memref<16384xf32, #tpu.memory_space<vmem>>)
    %parallel_loop3A_709 = arith.constant 0 : i32
    %parallel_loop3A_710 = arith.constant 1024 : i32
    %parallel_loop3A_711 = arith.constant 1 : i32
    scf.for %parallel_loop3A_1135 = %parallel_loop3A_709 to %parallel_loop3A_710 step %parallel_loop3A_711  : i32 {
      %parallel_loop3A_1136 = arith.constant 16 : i32
      %parallel_loop3A_1137 = arith.muli %parallel_loop3A_1135, %parallel_loop3A_1136 : i32
      %parallel_loop3A_1138 = arith.index_cast %parallel_loop3A_1137 : i32 to index
      %parallel_loop3A_1139 = tpu.vector_load %arg4[%parallel_loop3A_1138] {strides = array<i32>} : memref<16384xf32, #tpu.memory_space<vmem>>, vector<16xf32>,
      %parallel_loop3A_1140 = arith.index_cast %parallel_loop3A_1137 : i32 to index
      %parallel_loop3A_1141 = tpu.vector_load %arg6[%parallel_loop3A_1140] {strides = array<i32>} : memref<16384xf32, #tpu.memory_space<vmem>>, vector<16xf32>,
      %parallel_loop3A_1142 = arith.subf %parallel_loop3A_1139, %parallel_loop3A_1141 : vector<16xf32>
      %parallel_loop3A_1143 = arith.index_cast %parallel_loop3A_1137 : i32 to index
      %parallel_loop3A_1144 = tpu.vector_load %arg4[%parallel_loop3A_1143] {strides = array<i32>} : memref<16384xf32, #tpu.memory_space<vmem>>, vector<16xf32>,
      tpu.vector_store %arg4[%parallel_loop3A_1143], %parallel_loop3A_1142 {strides = array<i32>} : memref<16384xf32, #tpu.memory_space<vmem>>, vector<16xf32>,
    } {sc.loop_unroll_factor = 8 : i64, sc.parallel_access}
    %add3A_712 = arith.constant 2621440 : i32
    %add3A_713 = arith.addi %add3A_712, %mul3A_2 : i32
    %dma_start3A_714 = tpu.memref_slice %arg3[%add3A_713] : memref<26738688xf32, #tpu.memory_space<hbm>> -> memref<16384xf32, #tpu.memory_space<hbm>>
    %dma_start3A_715 = tpu.memref_slice %arg3[%add3A_713] : memref<26738688xf32, #tpu.memory_space<hbm>> -> memref<16384xf32, #tpu.memory_space<hbm>>
    tpu.enqueue_dma source(%arg4 : memref<16384xf32, #tpu.memory_space<vmem>>) target(%dma_start3A_715 : memref<16384xf32, #tpu.memory_space<hbm>>) target_semaphore(%arg19 : memref<!tpu.dma_semaphore, #tpu.memory_space<semaphore_mem>>)
    %dma_wait3A_716 = arith.constant 0 : i32
    %dma_wait3A_717 = tpu.memref_slice %arg3[%dma_wait3A_716] : memref<26738688xf32, #tpu.memory_space<hbm>> -> memref<16384xf32, #tpu.memory_space<hbm>>
    %dma_wait3A_718 = arith.constant 0 : i32
    %dma_wait3A_719 = tpu.memref_slice %arg3[%dma_wait3A_718] : memref<26738688xf32, #tpu.memory_space<hbm>> -> memref<16384xf32, #tpu.memory_space<hbm>>
    tpu.wait_dma2 semaphore(%arg25 : memref<!tpu.dma_semaphore, #tpu.memory_space<semaphore_mem>>) src(%arg10 : memref<16384xf32, #tpu.memory_space<vmem>>) dst(%dma_wait3A_719 : memref<16384xf32, #tpu.memory_space<hbm>>)
    %add3A_720 = arith.constant 12058624 : i32
    %add3A_721 = arith.addi %add3A_720, %mul3A_2 : i32
    %dma_start3A_722 = tpu.memref_slice %arg2[%add3A_721] : memref<26738688xf32, #tpu.memory_space<hbm>> -> memref<16384xf32, #tpu.memory_space<hbm>>
    %dma_start3A_723 = tpu.memref_slice %arg2[%add3A_721] : memref<26738688xf32, #tpu.memory_space<hbm>> -> memref<16384xf32, #tpu.memory_space<hbm>>
    tpu.enqueue_dma source(%dma_start3A_723 : memref<16384xf32, #tpu.memory_space<hbm>>) target(%arg10 : memref<16384xf32, #tpu.memory_space<vmem>>) target_semaphore(%arg18 : memref<!tpu.dma_semaphore, #tpu.memory_space<semaphore_mem>>)
    %dma_wait3A_724 = arith.constant 0 : i32
    %dma_wait3A_725 = tpu.memref_slice %arg2[%dma_wait3A_724] : memref<26738688xf32, #tpu.memory_space<hbm>> -> memref<16384xf32, #tpu.memory_space<hbm>>
    %dma_wait3A_726 = arith.constant 0 : i32
    %dma_wait3A_727 = tpu.memref_slice %arg2[%dma_wait3A_726] : memref<26738688xf32, #tpu.memory_space<hbm>> -> memref<16384xf32, #tpu.memory_space<hbm>>
    tpu.wait_dma2 semaphore(%arg13 : memref<!tpu.dma_semaphore, #tpu.memory_space<semaphore_mem>>) src(%dma_wait3A_727 : memref<16384xf32, #tpu.memory_space<hbm>>) dst(%arg5 : memref<16384xf32, #tpu.memory_space<vmem>>)
    %dma_wait3A_728 = arith.constant 0 : i32
    %dma_wait3A_729 = tpu.memref_slice %arg2[%dma_wait3A_728] : memref<26738688xf32, #tpu.memory_space<hbm>> -> memref<16384xf32, #tpu.memory_space<hbm>>
    %dma_wait3A_730 = arith.constant 0 : i32
    %dma_wait3A_731 = tpu.memref_slice %arg2[%dma_wait3A_730] : memref<26738688xf32, #tpu.memory_space<hbm>> -> memref<16384xf32, #tpu.memory_space<hbm>>
    tpu.wait_dma2 semaphore(%arg15 : memref<!tpu.dma_semaphore, #tpu.memory_space<semaphore_mem>>) src(%dma_wait3A_731 : memref<16384xf32, #tpu.memory_space<hbm>>) dst(%arg7 : memref<16384xf32, #tpu.memory_space<vmem>>)
    %parallel_loop3A_732 = arith.constant 0 : i32
    %parallel_loop3A_733 = arith.constant 1024 : i32
    %parallel_loop3A_734 = arith.constant 1 : i32
    scf.for %parallel_loop3A_1135 = %parallel_loop3A_732 to %parallel_loop3A_733 step %parallel_loop3A_734  : i32 {
      %parallel_loop3A_1136 = arith.constant 16 : i32
      %parallel_loop3A_1137 = arith.muli %parallel_loop3A_1135, %parallel_loop3A_1136 : i32
      %parallel_loop3A_1138 = arith.index_cast %parallel_loop3A_1137 : i32 to index
      %parallel_loop3A_1139 = tpu.vector_load %arg5[%parallel_loop3A_1138] {strides = array<i32>} : memref<16384xf32, #tpu.memory_space<vmem>>, vector<16xf32>,
      %parallel_loop3A_1140 = arith.index_cast %parallel_loop3A_1137 : i32 to index
      %parallel_loop3A_1141 = tpu.vector_load %arg7[%parallel_loop3A_1140] {strides = array<i32>} : memref<16384xf32, #tpu.memory_space<vmem>>, vector<16xf32>,
      %parallel_loop3A_1142 = arith.subf %parallel_loop3A_1139, %parallel_loop3A_1141 : vector<16xf32>
      %parallel_loop3A_1143 = arith.index_cast %parallel_loop3A_1137 : i32 to index
      %parallel_loop3A_1144 = tpu.vector_load %arg5[%parallel_loop3A_1143] {strides = array<i32>} : memref<16384xf32, #tpu.memory_space<vmem>>, vector<16xf32>,
      tpu.vector_store %arg5[%parallel_loop3A_1143], %parallel_loop3A_1142 {strides = array<i32>} : memref<16384xf32, #tpu.memory_space<vmem>>, vector<16xf32>,
    } {sc.loop_unroll_factor = 8 : i64, sc.parallel_access}
    %add3A_735 = arith.constant 4194304 : i32
    %add3A_736 = arith.addi %add3A_735, %mul3A_2 : i32
    %dma_start3A_737 = tpu.memref_slice %arg3[%add3A_736] : memref<26738688xf32, #tpu.memory_space<hbm>> -> memref<16384xf32, #tpu.memory_space<hbm>>
    %dma_start3A_738 = tpu.memref_slice %arg3[%add3A_736] : memref<26738688xf32, #tpu.memory_space<hbm>> -> memref<16384xf32, #tpu.memory_space<hbm>>
    tpu.enqueue_dma source(%arg5 : memref<16384xf32, #tpu.memory_space<vmem>>) target(%dma_start3A_738 : memref<16384xf32, #tpu.memory_space<hbm>>) target_semaphore(%arg20 : memref<!tpu.dma_semaphore, #tpu.memory_space<semaphore_mem>>)
    %dma_wait3A_739 = arith.constant 0 : i32
    %dma_wait3A_740 = tpu.memref_slice %arg3[%dma_wait3A_739] : memref<26738688xf32, #tpu.memory_space<hbm>> -> memref<16384xf32, #tpu.memory_space<hbm>>
    %dma_wait3A_741 = arith.constant 0 : i32
    %dma_wait3A_742 = tpu.memref_slice %arg3[%dma_wait3A_741] : memref<26738688xf32, #tpu.memory_space<hbm>> -> memref<16384xf32, #tpu.memory_space<hbm>>
    tpu.wait_dma2 semaphore(%arg19 : memref<!tpu.dma_semaphore, #tpu.memory_space<semaphore_mem>>) src(%arg4 : memref<16384xf32, #tpu.memory_space<vmem>>) dst(%dma_wait3A_742 : memref<16384xf32, #tpu.memory_space<hbm>>)
    %add3A_743 = arith.constant 13631488 : i32
    %add3A_744 = arith.addi %add3A_743, %mul3A_2 : i32
    %dma_start3A_745 = tpu.memref_slice %arg2[%add3A_744] : memref<26738688xf32, #tpu.memory_space<hbm>> -> memref<16384xf32, #tpu.memory_space<hbm>>
    %dma_start3A_746 = tpu.memref_slice %arg2[%add3A_744] : memref<26738688xf32, #tpu.memory_space<hbm>> -> memref<16384xf32, #tpu.memory_space<hbm>>
    tpu.enqueue_dma source(%dma_start3A_746 : memref<16384xf32, #tpu.memory_space<hbm>>) target(%arg4 : memref<16384xf32, #tpu.memory_space<vmem>>) target_semaphore(%arg12 : memref<!tpu.dma_semaphore, #tpu.memory_space<semaphore_mem>>)
    %add3A_747 = arith.constant 5767168 : i32
    %add3A_748 = arith.addi %add3A_747, %mul3A_2 : i32
    %add3A_749 = arith.constant 0 : i32
    %add3A_750 = arith.addi %add3A_748, %add3A_749 : i32
    %dma_start3A_751 = tpu.memref_slice %arg3[%add3A_750] : memref<26738688xf32, #tpu.memory_space<hbm>> -> memref<8192xf32, #tpu.memory_space<hbm>>
    %dma_start3A_752 = tpu.memref_slice %arg3[%add3A_750] : memref<26738688xf32, #tpu.memory_space<hbm>> -> memref<8192xf32, #tpu.memory_space<hbm>>
    tpu.enqueue_dma source(%arg11 : memref<8192xf32, #tpu.memory_space<vmem>>) target(%dma_start3A_752 : memref<8192xf32, #tpu.memory_space<hbm>>) target_semaphore(%arg26 : memref<!tpu.dma_semaphore, #tpu.memory_space<semaphore_mem>>)
    %add3A_753 = arith.constant 5767168 : i32
    %add3A_754 = arith.addi %add3A_753, %mul3A_2 : i32
    %add3A_755 = arith.constant 8192 : i32
    %add3A_756 = arith.addi %add3A_754, %add3A_755 : i32
    %dma_start3A_757 = tpu.memref_slice %arg3[%add3A_756] : memref<26738688xf32, #tpu.memory_space<hbm>> -> memref<8192xf32, #tpu.memory_space<hbm>>
    %dma_start3A_758 = tpu.memref_slice %arg3[%add3A_756] : memref<26738688xf32, #tpu.memory_space<hbm>> -> memref<8192xf32, #tpu.memory_space<hbm>>
    tpu.enqueue_dma source(%arg11 : memref<8192xf32, #tpu.memory_space<vmem>>) target(%dma_start3A_758 : memref<8192xf32, #tpu.memory_space<hbm>>) target_semaphore(%arg26 : memref<!tpu.dma_semaphore, #tpu.memory_space<semaphore_mem>>)
    %dma_wait3A_759 = arith.constant 0 : i32
    %dma_wait3A_760 = tpu.memref_slice %arg3[%dma_wait3A_759] : memref<26738688xf32, #tpu.memory_space<hbm>> -> memref<16384xf32, #tpu.memory_space<hbm>>
    %dma_wait3A_761 = arith.constant 0 : i32
    %dma_wait3A_762 = tpu.memref_slice %arg3[%dma_wait3A_761] : memref<26738688xf32, #tpu.memory_space<hbm>> -> memref<16384xf32, #tpu.memory_space<hbm>>
    tpu.wait_dma2 semaphore(%arg20 : memref<!tpu.dma_semaphore, #tpu.memory_space<semaphore_mem>>) src(%arg5 : memref<16384xf32, #tpu.memory_space<vmem>>) dst(%dma_wait3A_762 : memref<16384xf32, #tpu.memory_space<hbm>>)
    %add3A_763 = arith.constant 15204352 : i32
    %add3A_764 = arith.addi %add3A_763, %mul3A_2 : i32
    %dma_start3A_765 = tpu.memref_slice %arg2[%add3A_764] : memref<26738688xf32, #tpu.memory_space<hbm>> -> memref<16384xf32, #tpu.memory_space<hbm>>
    %dma_start3A_766 = tpu.memref_slice %arg2[%add3A_764] : memref<26738688xf32, #tpu.memory_space<hbm>> -> memref<16384xf32, #tpu.memory_space<hbm>>
    tpu.enqueue_dma source(%dma_start3A_766 : memref<16384xf32, #tpu.memory_space<hbm>>) target(%arg5 : memref<16384xf32, #tpu.memory_space<vmem>>) target_semaphore(%arg13 : memref<!tpu.dma_semaphore, #tpu.memory_space<semaphore_mem>>)
    %add3A_767 = arith.constant 7340032 : i32
    %add3A_768 = arith.addi %add3A_767, %mul3A_2 : i32
    %add3A_769 = arith.constant 0 : i32
    %add3A_770 = arith.addi %add3A_768, %add3A_769 : i32
    %dma_start3A_771 = tpu.memref_slice %arg3[%add3A_770] : memref<26738688xf32, #tpu.memory_space<hbm>> -> memref<8192xf32, #tpu.memory_space<hbm>>
    %dma_start3A_772 = tpu.memref_slice %arg3[%add3A_770] : memref<26738688xf32, #tpu.memory_space<hbm>> -> memref<8192xf32, #tpu.memory_space<hbm>>
    tpu.enqueue_dma source(%arg11 : memref<8192xf32, #tpu.memory_space<vmem>>) target(%dma_start3A_772 : memref<8192xf32, #tpu.memory_space<hbm>>) target_semaphore(%arg26 : memref<!tpu.dma_semaphore, #tpu.memory_space<semaphore_mem>>)
    %add3A_773 = arith.constant 7340032 : i32
    %add3A_774 = arith.addi %add3A_773, %mul3A_2 : i32
    %add3A_775 = arith.constant 8192 : i32
    %add3A_776 = arith.addi %add3A_774, %add3A_775 : i32
    %dma_start3A_777 = tpu.memref_slice %arg3[%add3A_776] : memref<26738688xf32, #tpu.memory_space<hbm>> -> memref<8192xf32, #tpu.memory_space<hbm>>
    %dma_start3A_778 = tpu.memref_slice %arg3[%add3A_776] : memref<26738688xf32, #tpu.memory_space<hbm>> -> memref<8192xf32, #tpu.memory_space<hbm>>
    tpu.enqueue_dma source(%arg11 : memref<8192xf32, #tpu.memory_space<vmem>>) target(%dma_start3A_778 : memref<8192xf32, #tpu.memory_space<hbm>>) target_semaphore(%arg26 : memref<!tpu.dma_semaphore, #tpu.memory_space<semaphore_mem>>)
    %add3A_779 = arith.constant 16777216 : i32
    %add3A_780 = arith.addi %add3A_779, %mul3A_2 : i32
    %dma_start3A_781 = tpu.memref_slice %arg2[%add3A_780] : memref<26738688xf32, #tpu.memory_space<hbm>> -> memref<16384xf32, #tpu.memory_space<hbm>>
    %dma_start3A_782 = tpu.memref_slice %arg2[%add3A_780] : memref<26738688xf32, #tpu.memory_space<hbm>> -> memref<16384xf32, #tpu.memory_space<hbm>>
    tpu.enqueue_dma source(%dma_start3A_782 : memref<16384xf32, #tpu.memory_space<hbm>>) target(%arg6 : memref<16384xf32, #tpu.memory_space<vmem>>) target_semaphore(%arg14 : memref<!tpu.dma_semaphore, #tpu.memory_space<semaphore_mem>>)
    %dma_wait3A_783 = arith.constant 0 : i32
    %dma_wait3A_784 = tpu.memref_slice %arg2[%dma_wait3A_783] : memref<26738688xf32, #tpu.memory_space<hbm>> -> memref<16384xf32, #tpu.memory_space<hbm>>
    %dma_wait3A_785 = arith.constant 0 : i32
    %dma_wait3A_786 = tpu.memref_slice %arg2[%dma_wait3A_785] : memref<26738688xf32, #tpu.memory_space<hbm>> -> memref<16384xf32, #tpu.memory_space<hbm>>
    tpu.wait_dma2 semaphore(%arg16 : memref<!tpu.dma_semaphore, #tpu.memory_space<semaphore_mem>>) src(%dma_wait3A_786 : memref<16384xf32, #tpu.memory_space<hbm>>) dst(%arg8 : memref<16384xf32, #tpu.memory_space<vmem>>)
    %dma_wait3A_787 = arith.constant 0 : i32
    %dma_wait3A_788 = tpu.memref_slice %arg2[%dma_wait3A_787] : memref<26738688xf32, #tpu.memory_space<hbm>> -> memref<16384xf32, #tpu.memory_space<hbm>>
    %dma_wait3A_789 = arith.constant 0 : i32
    %dma_wait3A_790 = tpu.memref_slice %arg2[%dma_wait3A_789] : memref<26738688xf32, #tpu.memory_space<hbm>> -> memref<16384xf32, #tpu.memory_space<hbm>>
    tpu.wait_dma2 semaphore(%arg18 : memref<!tpu.dma_semaphore, #tpu.memory_space<semaphore_mem>>) src(%dma_wait3A_790 : memref<16384xf32, #tpu.memory_space<hbm>>) dst(%arg10 : memref<16384xf32, #tpu.memory_space<vmem>>)
    %parallel_loop3A_791 = arith.constant 0 : i32
    %parallel_loop3A_792 = arith.constant 1024 : i32
    %parallel_loop3A_793 = arith.constant 1 : i32
    scf.for %parallel_loop3A_1135 = %parallel_loop3A_791 to %parallel_loop3A_792 step %parallel_loop3A_793  : i32 {
      %parallel_loop3A_1136 = arith.constant 16 : i32
      %parallel_loop3A_1137 = arith.muli %parallel_loop3A_1135, %parallel_loop3A_1136 : i32
      %parallel_loop3A_1138 = arith.index_cast %parallel_loop3A_1137 : i32 to index
      %parallel_loop3A_1139 = tpu.vector_load %arg8[%parallel_loop3A_1138] {strides = array<i32>} : memref<16384xf32, #tpu.memory_space<vmem>>, vector<16xf32>,
      %parallel_loop3A_1140 = arith.index_cast %parallel_loop3A_1137 : i32 to index
      %parallel_loop3A_1141 = tpu.vector_load %arg10[%parallel_loop3A_1140] {strides = array<i32>} : memref<16384xf32, #tpu.memory_space<vmem>>, vector<16xf32>,
      %parallel_loop3A_1142 = arith.subf %parallel_loop3A_1139, %parallel_loop3A_1141 : vector<16xf32>
      %parallel_loop3A_1143 = arith.index_cast %parallel_loop3A_1137 : i32 to index
      %parallel_loop3A_1144 = tpu.vector_load %arg8[%parallel_loop3A_1143] {strides = array<i32>} : memref<16384xf32, #tpu.memory_space<vmem>>, vector<16xf32>,
      tpu.vector_store %arg8[%parallel_loop3A_1143], %parallel_loop3A_1142 {strides = array<i32>} : memref<16384xf32, #tpu.memory_space<vmem>>, vector<16xf32>,
    } {sc.loop_unroll_factor = 8 : i64, sc.parallel_access}
    %add3A_794 = arith.constant 8912896 : i32
    %add3A_795 = arith.addi %add3A_794, %mul3A_2 : i32
    %dma_start3A_796 = tpu.memref_slice %arg3[%add3A_795] : memref<26738688xf32, #tpu.memory_space<hbm>> -> memref<16384xf32, #tpu.memory_space<hbm>>
    %dma_start3A_797 = tpu.memref_slice %arg3[%add3A_795] : memref<26738688xf32, #tpu.memory_space<hbm>> -> memref<16384xf32, #tpu.memory_space<hbm>>
    tpu.enqueue_dma source(%arg8 : memref<16384xf32, #tpu.memory_space<vmem>>) target(%dma_start3A_797 : memref<16384xf32, #tpu.memory_space<hbm>>) target_semaphore(%arg23 : memref<!tpu.dma_semaphore, #tpu.memory_space<semaphore_mem>>)
    %add3A_798 = arith.constant 18350080 : i32
    %add3A_799 = arith.addi %add3A_798, %mul3A_2 : i32
    %dma_start3A_800 = tpu.memref_slice %arg2[%add3A_799] : memref<26738688xf32, #tpu.memory_space<hbm>> -> memref<16384xf32, #tpu.memory_space<hbm>>
    %dma_start3A_801 = tpu.memref_slice %arg2[%add3A_799] : memref<26738688xf32, #tpu.memory_space<hbm>> -> memref<16384xf32, #tpu.memory_space<hbm>>
    tpu.enqueue_dma source(%dma_start3A_801 : memref<16384xf32, #tpu.memory_space<hbm>>) target(%arg7 : memref<16384xf32, #tpu.memory_space<vmem>>) target_semaphore(%arg15 : memref<!tpu.dma_semaphore, #tpu.memory_space<semaphore_mem>>)
    %dma_wait3A_802 = arith.constant 0 : i32
    %dma_wait3A_803 = tpu.memref_slice %arg2[%dma_wait3A_802] : memref<26738688xf32, #tpu.memory_space<hbm>> -> memref<16384xf32, #tpu.memory_space<hbm>>
    %dma_wait3A_804 = arith.constant 0 : i32
    %dma_wait3A_805 = tpu.memref_slice %arg2[%dma_wait3A_804] : memref<26738688xf32, #tpu.memory_space<hbm>> -> memref<16384xf32, #tpu.memory_space<hbm>>
    tpu.wait_dma2 semaphore(%arg17 : memref<!tpu.dma_semaphore, #tpu.memory_space<semaphore_mem>>) src(%dma_wait3A_805 : memref<16384xf32, #tpu.memory_space<hbm>>) dst(%arg9 : memref<16384xf32, #tpu.memory_space<vmem>>)
    %dma_wait3A_806 = arith.constant 0 : i32
    %dma_wait3A_807 = tpu.memref_slice %arg2[%dma_wait3A_806] : memref<26738688xf32, #tpu.memory_space<hbm>> -> memref<16384xf32, #tpu.memory_space<hbm>>
    %dma_wait3A_808 = arith.constant 0 : i32
    %dma_wait3A_809 = tpu.memref_slice %arg2[%dma_wait3A_808] : memref<26738688xf32, #tpu.memory_space<hbm>> -> memref<16384xf32, #tpu.memory_space<hbm>>
    tpu.wait_dma2 semaphore(%arg12 : memref<!tpu.dma_semaphore, #tpu.memory_space<semaphore_mem>>) src(%dma_wait3A_809 : memref<16384xf32, #tpu.memory_space<hbm>>) dst(%arg4 : memref<16384xf32, #tpu.memory_space<vmem>>)
    %parallel_loop3A_810 = arith.constant 0 : i32
    %parallel_loop3A_811 = arith.constant 1024 : i32
    %parallel_loop3A_812 = arith.constant 1 : i32
    scf.for %parallel_loop3A_1135 = %parallel_loop3A_810 to %parallel_loop3A_811 step %parallel_loop3A_812  : i32 {
      %parallel_loop3A_1136 = arith.constant 16 : i32
      %parallel_loop3A_1137 = arith.muli %parallel_loop3A_1135, %parallel_loop3A_1136 : i32
      %parallel_loop3A_1138 = arith.index_cast %parallel_loop3A_1137 : i32 to index
      %parallel_loop3A_1139 = tpu.vector_load %arg9[%parallel_loop3A_1138] {strides = array<i32>} : memref<16384xf32, #tpu.memory_space<vmem>>, vector<16xf32>,
      %parallel_loop3A_1140 = arith.index_cast %parallel_loop3A_1137 : i32 to index
      %parallel_loop3A_1141 = tpu.vector_load %arg4[%parallel_loop3A_1140] {strides = array<i32>} : memref<16384xf32, #tpu.memory_space<vmem>>, vector<16xf32>,
      %parallel_loop3A_1142 = arith.subf %parallel_loop3A_1139, %parallel_loop3A_1141 : vector<16xf32>
      %parallel_loop3A_1143 = arith.index_cast %parallel_loop3A_1137 : i32 to index
      %parallel_loop3A_1144 = tpu.vector_load %arg9[%parallel_loop3A_1143] {strides = array<i32>} : memref<16384xf32, #tpu.memory_space<vmem>>, vector<16xf32>,
      tpu.vector_store %arg9[%parallel_loop3A_1143], %parallel_loop3A_1142 {strides = array<i32>} : memref<16384xf32, #tpu.memory_space<vmem>>, vector<16xf32>,
    } {sc.loop_unroll_factor = 8 : i64, sc.parallel_access}
    %add3A_813 = arith.constant 10485760 : i32
    %add3A_814 = arith.addi %add3A_813, %mul3A_2 : i32
    %dma_start3A_815 = tpu.memref_slice %arg3[%add3A_814] : memref<26738688xf32, #tpu.memory_space<hbm>> -> memref<16384xf32, #tpu.memory_space<hbm>>
    %dma_start3A_816 = tpu.memref_slice %arg3[%add3A_814] : memref<26738688xf32, #tpu.memory_space<hbm>> -> memref<16384xf32, #tpu.memory_space<hbm>>
    tpu.enqueue_dma source(%arg9 : memref<16384xf32, #tpu.memory_space<vmem>>) target(%dma_start3A_816 : memref<16384xf32, #tpu.memory_space<hbm>>) target_semaphore(%arg24 : memref<!tpu.dma_semaphore, #tpu.memory_space<semaphore_mem>>)
    %dma_wait3A_817 = arith.constant 0 : i32
    %dma_wait3A_818 = tpu.memref_slice %arg3[%dma_wait3A_817] : memref<26738688xf32, #tpu.memory_space<hbm>> -> memref<16384xf32, #tpu.memory_space<hbm>>
    %dma_wait3A_819 = arith.constant 0 : i32
    %dma_wait3A_820 = tpu.memref_slice %arg3[%dma_wait3A_819] : memref<26738688xf32, #tpu.memory_space<hbm>> -> memref<16384xf32, #tpu.memory_space<hbm>>
    tpu.wait_dma2 semaphore(%arg23 : memref<!tpu.dma_semaphore, #tpu.memory_space<semaphore_mem>>) src(%arg8 : memref<16384xf32, #tpu.memory_space<vmem>>) dst(%dma_wait3A_820 : memref<16384xf32, #tpu.memory_space<hbm>>)
    %add3A_821 = arith.constant 19922944 : i32
    %add3A_822 = arith.addi %add3A_821, %mul3A_2 : i32
    %dma_start3A_823 = tpu.memref_slice %arg2[%add3A_822] : memref<26738688xf32, #tpu.memory_space<hbm>> -> memref<16384xf32, #tpu.memory_space<hbm>>
    %dma_start3A_824 = tpu.memref_slice %arg2[%add3A_822] : memref<26738688xf32, #tpu.memory_space<hbm>> -> memref<16384xf32, #tpu.memory_space<hbm>>
    tpu.enqueue_dma source(%dma_start3A_824 : memref<16384xf32, #tpu.memory_space<hbm>>) target(%arg8 : memref<16384xf32, #tpu.memory_space<vmem>>) target_semaphore(%arg16 : memref<!tpu.dma_semaphore, #tpu.memory_space<semaphore_mem>>)
    %dma_wait3A_825 = arith.constant 0 : i32
    %dma_wait3A_826 = tpu.memref_slice %arg2[%dma_wait3A_825] : memref<26738688xf32, #tpu.memory_space<hbm>> -> memref<16384xf32, #tpu.memory_space<hbm>>
    %dma_wait3A_827 = arith.constant 0 : i32
    %dma_wait3A_828 = tpu.memref_slice %arg2[%dma_wait3A_827] : memref<26738688xf32, #tpu.memory_space<hbm>> -> memref<16384xf32, #tpu.memory_space<hbm>>
    tpu.wait_dma2 semaphore(%arg13 : memref<!tpu.dma_semaphore, #tpu.memory_space<semaphore_mem>>) src(%dma_wait3A_828 : memref<16384xf32, #tpu.memory_space<hbm>>) dst(%arg5 : memref<16384xf32, #tpu.memory_space<vmem>>)
    %parallel_loop3A_829 = arith.constant 0 : i32
    %parallel_loop3A_830 = arith.constant 1024 : i32
    %parallel_loop3A_831 = arith.constant 1 : i32
    scf.for %parallel_loop3A_1135 = %parallel_loop3A_829 to %parallel_loop3A_830 step %parallel_loop3A_831  : i32 {
      %parallel_loop3A_1136 = arith.constant 16 : i32
      %parallel_loop3A_1137 = arith.muli %parallel_loop3A_1135, %parallel_loop3A_1136 : i32
      %parallel_loop3A_1138 = arith.index_cast %parallel_loop3A_1137 : i32 to index
      %parallel_loop3A_1139 = tpu.vector_load %arg10[%parallel_loop3A_1138] {strides = array<i32>} : memref<16384xf32, #tpu.memory_space<vmem>>, vector<16xf32>,
      %parallel_loop3A_1140 = arith.index_cast %parallel_loop3A_1137 : i32 to index
      %parallel_loop3A_1141 = tpu.vector_load %arg5[%parallel_loop3A_1140] {strides = array<i32>} : memref<16384xf32, #tpu.memory_space<vmem>>, vector<16xf32>,
      %parallel_loop3A_1142 = arith.subf %parallel_loop3A_1139, %parallel_loop3A_1141 : vector<16xf32>
      %parallel_loop3A_1143 = arith.index_cast %parallel_loop3A_1137 : i32 to index
      %parallel_loop3A_1144 = tpu.vector_load %arg10[%parallel_loop3A_1143] {strides = array<i32>} : memref<16384xf32, #tpu.memory_space<vmem>>, vector<16xf32>,
      tpu.vector_store %arg10[%parallel_loop3A_1143], %parallel_loop3A_1142 {strides = array<i32>} : memref<16384xf32, #tpu.memory_space<vmem>>, vector<16xf32>,
    } {sc.loop_unroll_factor = 8 : i64, sc.parallel_access}
    %add3A_832 = arith.constant 12058624 : i32
    %add3A_833 = arith.addi %add3A_832, %mul3A_2 : i32
    %dma_start3A_834 = tpu.memref_slice %arg3[%add3A_833] : memref<26738688xf32, #tpu.memory_space<hbm>> -> memref<16384xf32, #tpu.memory_space<hbm>>
    %dma_start3A_835 = tpu.memref_slice %arg3[%add3A_833] : memref<26738688xf32, #tpu.memory_space<hbm>> -> memref<16384xf32, #tpu.memory_space<hbm>>
    tpu.enqueue_dma source(%arg10 : memref<16384xf32, #tpu.memory_space<vmem>>) target(%dma_start3A_835 : memref<16384xf32, #tpu.memory_space<hbm>>) target_semaphore(%arg25 : memref<!tpu.dma_semaphore, #tpu.memory_space<semaphore_mem>>)
    %dma_wait3A_836 = arith.constant 0 : i32
    %dma_wait3A_837 = tpu.memref_slice %arg3[%dma_wait3A_836] : memref<26738688xf32, #tpu.memory_space<hbm>> -> memref<16384xf32, #tpu.memory_space<hbm>>
    %dma_wait3A_838 = arith.constant 0 : i32
    %dma_wait3A_839 = tpu.memref_slice %arg3[%dma_wait3A_838] : memref<26738688xf32, #tpu.memory_space<hbm>> -> memref<16384xf32, #tpu.memory_space<hbm>>
    tpu.wait_dma2 semaphore(%arg24 : memref<!tpu.dma_semaphore, #tpu.memory_space<semaphore_mem>>) src(%arg9 : memref<16384xf32, #tpu.memory_space<vmem>>) dst(%dma_wait3A_839 : memref<16384xf32, #tpu.memory_space<hbm>>)
    %add3A_840 = arith.constant 21495808 : i32
    %add3A_841 = arith.addi %add3A_840, %mul3A_2 : i32
    %dma_start3A_842 = tpu.memref_slice %arg2[%add3A_841] : memref<26738688xf32, #tpu.memory_space<hbm>> -> memref<16384xf32, #tpu.memory_space<hbm>>
    %dma_start3A_843 = tpu.memref_slice %arg2[%add3A_841] : memref<26738688xf32, #tpu.memory_space<hbm>> -> memref<16384xf32, #tpu.memory_space<hbm>>
    tpu.enqueue_dma source(%dma_start3A_843 : memref<16384xf32, #tpu.memory_space<hbm>>) target(%arg9 : memref<16384xf32, #tpu.memory_space<vmem>>) target_semaphore(%arg17 : memref<!tpu.dma_semaphore, #tpu.memory_space<semaphore_mem>>)
    %dma_wait3A_844 = arith.constant 0 : i32
    %dma_wait3A_845 = tpu.memref_slice %arg2[%dma_wait3A_844] : memref<26738688xf32, #tpu.memory_space<hbm>> -> memref<16384xf32, #tpu.memory_space<hbm>>
    %dma_wait3A_846 = arith.constant 0 : i32
    %dma_wait3A_847 = tpu.memref_slice %arg2[%dma_wait3A_846] : memref<26738688xf32, #tpu.memory_space<hbm>> -> memref<16384xf32, #tpu.memory_space<hbm>>
    tpu.wait_dma2 semaphore(%arg14 : memref<!tpu.dma_semaphore, #tpu.memory_space<semaphore_mem>>) src(%dma_wait3A_847 : memref<16384xf32, #tpu.memory_space<hbm>>) dst(%arg6 : memref<16384xf32, #tpu.memory_space<vmem>>)
    %parallel_loop3A_848 = arith.constant 0 : i32
    %parallel_loop3A_849 = arith.constant 1024 : i32
    %parallel_loop3A_850 = arith.constant 1 : i32
    scf.for %parallel_loop3A_1135 = %parallel_loop3A_848 to %parallel_loop3A_849 step %parallel_loop3A_850  : i32 {
      %parallel_loop3A_1136 = arith.constant 16 : i32
      %parallel_loop3A_1137 = arith.muli %parallel_loop3A_1135, %parallel_loop3A_1136 : i32
      %parallel_loop3A_1138 = arith.index_cast %parallel_loop3A_1137 : i32 to index
      %parallel_loop3A_1139 = tpu.vector_load %arg4[%parallel_loop3A_1138] {strides = array<i32>} : memref<16384xf32, #tpu.memory_space<vmem>>, vector<16xf32>,
      %parallel_loop3A_1140 = arith.index_cast %parallel_loop3A_1137 : i32 to index
      %parallel_loop3A_1141 = tpu.vector_load %arg6[%parallel_loop3A_1140] {strides = array<i32>} : memref<16384xf32, #tpu.memory_space<vmem>>, vector<16xf32>,
      %parallel_loop3A_1142 = arith.subf %parallel_loop3A_1139, %parallel_loop3A_1141 : vector<16xf32>
      %parallel_loop3A_1143 = arith.index_cast %parallel_loop3A_1137 : i32 to index
      %parallel_loop3A_1144 = tpu.vector_load %arg4[%parallel_loop3A_1143] {strides = array<i32>} : memref<16384xf32, #tpu.memory_space<vmem>>, vector<16xf32>,
      tpu.vector_store %arg4[%parallel_loop3A_1143], %parallel_loop3A_1142 {strides = array<i32>} : memref<16384xf32, #tpu.memory_space<vmem>>, vector<16xf32>,
    } {sc.loop_unroll_factor = 8 : i64, sc.parallel_access}
    %add3A_851 = arith.constant 13631488 : i32
    %add3A_852 = arith.addi %add3A_851, %mul3A_2 : i32
    %dma_start3A_853 = tpu.memref_slice %arg3[%add3A_852] : memref<26738688xf32, #tpu.memory_space<hbm>> -> memref<16384xf32, #tpu.memory_space<hbm>>
    %dma_start3A_854 = tpu.memref_slice %arg3[%add3A_852] : memref<26738688xf32, #tpu.memory_space<hbm>> -> memref<16384xf32, #tpu.memory_space<hbm>>
    tpu.enqueue_dma source(%arg4 : memref<16384xf32, #tpu.memory_space<vmem>>) target(%dma_start3A_854 : memref<16384xf32, #tpu.memory_space<hbm>>) target_semaphore(%arg19 : memref<!tpu.dma_semaphore, #tpu.memory_space<semaphore_mem>>)
    %dma_wait3A_855 = arith.constant 0 : i32
    %dma_wait3A_856 = tpu.memref_slice %arg3[%dma_wait3A_855] : memref<26738688xf32, #tpu.memory_space<hbm>> -> memref<16384xf32, #tpu.memory_space<hbm>>
    %dma_wait3A_857 = arith.constant 0 : i32
    %dma_wait3A_858 = tpu.memref_slice %arg3[%dma_wait3A_857] : memref<26738688xf32, #tpu.memory_space<hbm>> -> memref<16384xf32, #tpu.memory_space<hbm>>
    tpu.wait_dma2 semaphore(%arg25 : memref<!tpu.dma_semaphore, #tpu.memory_space<semaphore_mem>>) src(%arg10 : memref<16384xf32, #tpu.memory_space<vmem>>) dst(%dma_wait3A_858 : memref<16384xf32, #tpu.memory_space<hbm>>)
    %add3A_859 = arith.constant 23068672 : i32
    %add3A_860 = arith.addi %add3A_859, %mul3A_2 : i32
    %dma_start3A_861 = tpu.memref_slice %arg2[%add3A_860] : memref<26738688xf32, #tpu.memory_space<hbm>> -> memref<16384xf32, #tpu.memory_space<hbm>>
    %dma_start3A_862 = tpu.memref_slice %arg2[%add3A_860] : memref<26738688xf32, #tpu.memory_space<hbm>> -> memref<16384xf32, #tpu.memory_space<hbm>>
    tpu.enqueue_dma source(%dma_start3A_862 : memref<16384xf32, #tpu.memory_space<hbm>>) target(%arg10 : memref<16384xf32, #tpu.memory_space<vmem>>) target_semaphore(%arg18 : memref<!tpu.dma_semaphore, #tpu.memory_space<semaphore_mem>>)
    %add3A_863 = arith.constant 15204352 : i32
    %add3A_864 = arith.addi %add3A_863, %mul3A_2 : i32
    %add3A_865 = arith.constant 0 : i32
    %add3A_866 = arith.addi %add3A_864, %add3A_865 : i32
    %dma_start3A_867 = tpu.memref_slice %arg3[%add3A_866] : memref<26738688xf32, #tpu.memory_space<hbm>> -> memref<8192xf32, #tpu.memory_space<hbm>>
    %dma_start3A_868 = tpu.memref_slice %arg3[%add3A_866] : memref<26738688xf32, #tpu.memory_space<hbm>> -> memref<8192xf32, #tpu.memory_space<hbm>>
    tpu.enqueue_dma source(%arg11 : memref<8192xf32, #tpu.memory_space<vmem>>) target(%dma_start3A_868 : memref<8192xf32, #tpu.memory_space<hbm>>) target_semaphore(%arg26 : memref<!tpu.dma_semaphore, #tpu.memory_space<semaphore_mem>>)
    %add3A_869 = arith.constant 15204352 : i32
    %add3A_870 = arith.addi %add3A_869, %mul3A_2 : i32
    %add3A_871 = arith.constant 8192 : i32
    %add3A_872 = arith.addi %add3A_870, %add3A_871 : i32
    %dma_start3A_873 = tpu.memref_slice %arg3[%add3A_872] : memref<26738688xf32, #tpu.memory_space<hbm>> -> memref<8192xf32, #tpu.memory_space<hbm>>
    %dma_start3A_874 = tpu.memref_slice %arg3[%add3A_872] : memref<26738688xf32, #tpu.memory_space<hbm>> -> memref<8192xf32, #tpu.memory_space<hbm>>
    tpu.enqueue_dma source(%arg11 : memref<8192xf32, #tpu.memory_space<vmem>>) target(%dma_start3A_874 : memref<8192xf32, #tpu.memory_space<hbm>>) target_semaphore(%arg26 : memref<!tpu.dma_semaphore, #tpu.memory_space<semaphore_mem>>)
    %dma_wait3A_875 = arith.constant 0 : i32
    %dma_wait3A_876 = tpu.memref_slice %arg3[%dma_wait3A_875] : memref<26738688xf32, #tpu.memory_space<hbm>> -> memref<16384xf32, #tpu.memory_space<hbm>>
    %dma_wait3A_877 = arith.constant 0 : i32
    %dma_wait3A_878 = tpu.memref_slice %arg3[%dma_wait3A_877] : memref<26738688xf32, #tpu.memory_space<hbm>> -> memref<16384xf32, #tpu.memory_space<hbm>>
    tpu.wait_dma2 semaphore(%arg19 : memref<!tpu.dma_semaphore, #tpu.memory_space<semaphore_mem>>) src(%arg4 : memref<16384xf32, #tpu.memory_space<vmem>>) dst(%dma_wait3A_878 : memref<16384xf32, #tpu.memory_space<hbm>>)
    %add3A_879 = arith.constant 24641536 : i32
    %add3A_880 = arith.addi %add3A_879, %mul3A_2 : i32
    %dma_start3A_881 = tpu.memref_slice %arg2[%add3A_880] : memref<26738688xf32, #tpu.memory_space<hbm>> -> memref<16384xf32, #tpu.memory_space<hbm>>
    %dma_start3A_882 = tpu.memref_slice %arg2[%add3A_880] : memref<26738688xf32, #tpu.memory_space<hbm>> -> memref<16384xf32, #tpu.memory_space<hbm>>
    tpu.enqueue_dma source(%dma_start3A_882 : memref<16384xf32, #tpu.memory_space<hbm>>) target(%arg4 : memref<16384xf32, #tpu.memory_space<vmem>>) target_semaphore(%arg12 : memref<!tpu.dma_semaphore, #tpu.memory_space<semaphore_mem>>)
    %add3A_883 = arith.constant 16777216 : i32
    %add3A_884 = arith.addi %add3A_883, %mul3A_2 : i32
    %add3A_885 = arith.constant 0 : i32
    %add3A_886 = arith.addi %add3A_884, %add3A_885 : i32
    %dma_start3A_887 = tpu.memref_slice %arg3[%add3A_886] : memref<26738688xf32, #tpu.memory_space<hbm>> -> memref<8192xf32, #tpu.memory_space<hbm>>
    %dma_start3A_888 = tpu.memref_slice %arg3[%add3A_886] : memref<26738688xf32, #tpu.memory_space<hbm>> -> memref<8192xf32, #tpu.memory_space<hbm>>
    tpu.enqueue_dma source(%arg11 : memref<8192xf32, #tpu.memory_space<vmem>>) target(%dma_start3A_888 : memref<8192xf32, #tpu.memory_space<hbm>>) target_semaphore(%arg26 : memref<!tpu.dma_semaphore, #tpu.memory_space<semaphore_mem>>)
    %add3A_889 = arith.constant 16777216 : i32
    %add3A_890 = arith.addi %add3A_889, %mul3A_2 : i32
    %add3A_891 = arith.constant 8192 : i32
    %add3A_892 = arith.addi %add3A_890, %add3A_891 : i32
    %dma_start3A_893 = tpu.memref_slice %arg3[%add3A_892] : memref<26738688xf32, #tpu.memory_space<hbm>> -> memref<8192xf32, #tpu.memory_space<hbm>>
    %dma_start3A_894 = tpu.memref_slice %arg3[%add3A_892] : memref<26738688xf32, #tpu.memory_space<hbm>> -> memref<8192xf32, #tpu.memory_space<hbm>>
    tpu.enqueue_dma source(%arg11 : memref<8192xf32, #tpu.memory_space<vmem>>) target(%dma_start3A_894 : memref<8192xf32, #tpu.memory_space<hbm>>) target_semaphore(%arg26 : memref<!tpu.dma_semaphore, #tpu.memory_space<semaphore_mem>>)
    %add3A_895 = arith.constant 26214400 : i32
    %add3A_896 = arith.addi %add3A_895, %mul3A_2 : i32
    %dma_start3A_897 = tpu.memref_slice %arg2[%add3A_896] : memref<26738688xf32, #tpu.memory_space<hbm>> -> memref<16384xf32, #tpu.memory_space<hbm>>
    %dma_start3A_898 = tpu.memref_slice %arg2[%add3A_896] : memref<26738688xf32, #tpu.memory_space<hbm>> -> memref<16384xf32, #tpu.memory_space<hbm>>
    tpu.enqueue_dma source(%dma_start3A_898 : memref<16384xf32, #tpu.memory_space<hbm>>) target(%arg5 : memref<16384xf32, #tpu.memory_space<vmem>>) target_semaphore(%arg13 : memref<!tpu.dma_semaphore, #tpu.memory_space<semaphore_mem>>)
    %dma_wait3A_899 = arith.constant 0 : i32
    %dma_wait3A_900 = tpu.memref_slice %arg2[%dma_wait3A_899] : memref<26738688xf32, #tpu.memory_space<hbm>> -> memref<16384xf32, #tpu.memory_space<hbm>>
    %dma_wait3A_901 = arith.constant 0 : i32
    %dma_wait3A_902 = tpu.memref_slice %arg2[%dma_wait3A_901] : memref<26738688xf32, #tpu.memory_space<hbm>> -> memref<16384xf32, #tpu.memory_space<hbm>>
    tpu.wait_dma2 semaphore(%arg15 : memref<!tpu.dma_semaphore, #tpu.memory_space<semaphore_mem>>) src(%dma_wait3A_902 : memref<16384xf32, #tpu.memory_space<hbm>>) dst(%arg7 : memref<16384xf32, #tpu.memory_space<vmem>>)
    %dma_wait3A_903 = arith.constant 0 : i32
    %dma_wait3A_904 = tpu.memref_slice %arg2[%dma_wait3A_903] : memref<26738688xf32, #tpu.memory_space<hbm>> -> memref<16384xf32, #tpu.memory_space<hbm>>
    %dma_wait3A_905 = arith.constant 0 : i32
    %dma_wait3A_906 = tpu.memref_slice %arg2[%dma_wait3A_905] : memref<26738688xf32, #tpu.memory_space<hbm>> -> memref<16384xf32, #tpu.memory_space<hbm>>
    tpu.wait_dma2 semaphore(%arg17 : memref<!tpu.dma_semaphore, #tpu.memory_space<semaphore_mem>>) src(%dma_wait3A_906 : memref<16384xf32, #tpu.memory_space<hbm>>) dst(%arg9 : memref<16384xf32, #tpu.memory_space<vmem>>)
    %parallel_loop3A_907 = arith.constant 0 : i32
    %parallel_loop3A_908 = arith.constant 1024 : i32
    %parallel_loop3A_909 = arith.constant 1 : i32
    scf.for %parallel_loop3A_1135 = %parallel_loop3A_907 to %parallel_loop3A_908 step %parallel_loop3A_909  : i32 {
      %parallel_loop3A_1136 = arith.constant 16 : i32
      %parallel_loop3A_1137 = arith.muli %parallel_loop3A_1135, %parallel_loop3A_1136 : i32
      %parallel_loop3A_1138 = arith.index_cast %parallel_loop3A_1137 : i32 to index
      %parallel_loop3A_1139 = tpu.vector_load %arg7[%parallel_loop3A_1138] {strides = array<i32>} : memref<16384xf32, #tpu.memory_space<vmem>>, vector<16xf32>,
      %parallel_loop3A_1140 = arith.index_cast %parallel_loop3A_1137 : i32 to index
      %parallel_loop3A_1141 = tpu.vector_load %arg9[%parallel_loop3A_1140] {strides = array<i32>} : memref<16384xf32, #tpu.memory_space<vmem>>, vector<16xf32>,
      %parallel_loop3A_1142 = arith.subf %parallel_loop3A_1139, %parallel_loop3A_1141 : vector<16xf32>
      %parallel_loop3A_1143 = arith.index_cast %parallel_loop3A_1137 : i32 to index
      %parallel_loop3A_1144 = tpu.vector_load %arg7[%parallel_loop3A_1143] {strides = array<i32>} : memref<16384xf32, #tpu.memory_space<vmem>>, vector<16xf32>,
      tpu.vector_store %arg7[%parallel_loop3A_1143], %parallel_loop3A_1142 {strides = array<i32>} : memref<16384xf32, #tpu.memory_space<vmem>>, vector<16xf32>,
    } {sc.loop_unroll_factor = 8 : i64, sc.parallel_access}
    %add3A_910 = arith.constant 18350080 : i32
    %add3A_911 = arith.addi %add3A_910, %mul3A_2 : i32
    %dma_start3A_912 = tpu.memref_slice %arg3[%add3A_911] : memref<26738688xf32, #tpu.memory_space<hbm>> -> memref<16384xf32, #tpu.memory_space<hbm>>
    %dma_start3A_913 = tpu.memref_slice %arg3[%add3A_911] : memref<26738688xf32, #tpu.memory_space<hbm>> -> memref<16384xf32, #tpu.memory_space<hbm>>
    tpu.enqueue_dma source(%arg7 : memref<16384xf32, #tpu.memory_space<vmem>>) target(%dma_start3A_913 : memref<16384xf32, #tpu.memory_space<hbm>>) target_semaphore(%arg22 : memref<!tpu.dma_semaphore, #tpu.memory_space<semaphore_mem>>)
    %dma_wait3A_914 = arith.constant 0 : i32
    %dma_wait3A_915 = tpu.memref_slice %arg2[%dma_wait3A_914] : memref<26738688xf32, #tpu.memory_space<hbm>> -> memref<16384xf32, #tpu.memory_space<hbm>>
    %dma_wait3A_916 = arith.constant 0 : i32
    %dma_wait3A_917 = tpu.memref_slice %arg2[%dma_wait3A_916] : memref<26738688xf32, #tpu.memory_space<hbm>> -> memref<16384xf32, #tpu.memory_space<hbm>>
    tpu.wait_dma2 semaphore(%arg16 : memref<!tpu.dma_semaphore, #tpu.memory_space<semaphore_mem>>) src(%dma_wait3A_917 : memref<16384xf32, #tpu.memory_space<hbm>>) dst(%arg8 : memref<16384xf32, #tpu.memory_space<vmem>>)
    %dma_wait3A_918 = arith.constant 0 : i32
    %dma_wait3A_919 = tpu.memref_slice %arg2[%dma_wait3A_918] : memref<26738688xf32, #tpu.memory_space<hbm>> -> memref<16384xf32, #tpu.memory_space<hbm>>
    %dma_wait3A_920 = arith.constant 0 : i32
    %dma_wait3A_921 = tpu.memref_slice %arg2[%dma_wait3A_920] : memref<26738688xf32, #tpu.memory_space<hbm>> -> memref<16384xf32, #tpu.memory_space<hbm>>
    tpu.wait_dma2 semaphore(%arg18 : memref<!tpu.dma_semaphore, #tpu.memory_space<semaphore_mem>>) src(%dma_wait3A_921 : memref<16384xf32, #tpu.memory_space<hbm>>) dst(%arg10 : memref<16384xf32, #tpu.memory_space<vmem>>)
    %parallel_loop3A_922 = arith.constant 0 : i32
    %parallel_loop3A_923 = arith.constant 1024 : i32
    %parallel_loop3A_924 = arith.constant 1 : i32
    scf.for %parallel_loop3A_1135 = %parallel_loop3A_922 to %parallel_loop3A_923 step %parallel_loop3A_924  : i32 {
      %parallel_loop3A_1136 = arith.constant 16 : i32
      %parallel_loop3A_1137 = arith.muli %parallel_loop3A_1135, %parallel_loop3A_1136 : i32
      %parallel_loop3A_1138 = arith.index_cast %parallel_loop3A_1137 : i32 to index
      %parallel_loop3A_1139 = tpu.vector_load %arg8[%parallel_loop3A_1138] {strides = array<i32>} : memref<16384xf32, #tpu.memory_space<vmem>>, vector<16xf32>,
      %parallel_loop3A_1140 = arith.index_cast %parallel_loop3A_1137 : i32 to index
      %parallel_loop3A_1141 = tpu.vector_load %arg10[%parallel_loop3A_1140] {strides = array<i32>} : memref<16384xf32, #tpu.memory_space<vmem>>, vector<16xf32>,
      %parallel_loop3A_1142 = arith.subf %parallel_loop3A_1139, %parallel_loop3A_1141 : vector<16xf32>
      %parallel_loop3A_1143 = arith.index_cast %parallel_loop3A_1137 : i32 to index
      %parallel_loop3A_1144 = tpu.vector_load %arg8[%parallel_loop3A_1143] {strides = array<i32>} : memref<16384xf32, #tpu.memory_space<vmem>>, vector<16xf32>,
      tpu.vector_store %arg8[%parallel_loop3A_1143], %parallel_loop3A_1142 {strides = array<i32>} : memref<16384xf32, #tpu.memory_space<vmem>>, vector<16xf32>,
    } {sc.loop_unroll_factor = 8 : i64, sc.parallel_access}
    %add3A_925 = arith.constant 19922944 : i32
    %add3A_926 = arith.addi %add3A_925, %mul3A_2 : i32
    %dma_start3A_927 = tpu.memref_slice %arg3[%add3A_926] : memref<26738688xf32, #tpu.memory_space<hbm>> -> memref<16384xf32, #tpu.memory_space<hbm>>
    %dma_start3A_928 = tpu.memref_slice %arg3[%add3A_926] : memref<26738688xf32, #tpu.memory_space<hbm>> -> memref<16384xf32, #tpu.memory_space<hbm>>
    tpu.enqueue_dma source(%arg8 : memref<16384xf32, #tpu.memory_space<vmem>>) target(%dma_start3A_928 : memref<16384xf32, #tpu.memory_space<hbm>>) target_semaphore(%arg23 : memref<!tpu.dma_semaphore, #tpu.memory_space<semaphore_mem>>)
    %dma_wait3A_929 = arith.constant 0 : i32
    %dma_wait3A_930 = tpu.memref_slice %arg2[%dma_wait3A_929] : memref<26738688xf32, #tpu.memory_space<hbm>> -> memref<16384xf32, #tpu.memory_space<hbm>>
    %dma_wait3A_931 = arith.constant 0 : i32
    %dma_wait3A_932 = tpu.memref_slice %arg2[%dma_wait3A_931] : memref<26738688xf32, #tpu.memory_space<hbm>> -> memref<16384xf32, #tpu.memory_space<hbm>>
    tpu.wait_dma2 semaphore(%arg12 : memref<!tpu.dma_semaphore, #tpu.memory_space<semaphore_mem>>) src(%dma_wait3A_932 : memref<16384xf32, #tpu.memory_space<hbm>>) dst(%arg4 : memref<16384xf32, #tpu.memory_space<vmem>>)
    %parallel_loop3A_933 = arith.constant 0 : i32
    %parallel_loop3A_934 = arith.constant 1024 : i32
    %parallel_loop3A_935 = arith.constant 1 : i32
    scf.for %parallel_loop3A_1135 = %parallel_loop3A_933 to %parallel_loop3A_934 step %parallel_loop3A_935  : i32 {
      %parallel_loop3A_1136 = arith.constant 16 : i32
      %parallel_loop3A_1137 = arith.muli %parallel_loop3A_1135, %parallel_loop3A_1136 : i32
      %parallel_loop3A_1138 = arith.index_cast %parallel_loop3A_1137 : i32 to index
      %parallel_loop3A_1139 = tpu.vector_load %arg9[%parallel_loop3A_1138] {strides = array<i32>} : memref<16384xf32, #tpu.memory_space<vmem>>, vector<16xf32>,
      %parallel_loop3A_1140 = arith.index_cast %parallel_loop3A_1137 : i32 to index
      %parallel_loop3A_1141 = tpu.vector_load %arg4[%parallel_loop3A_1140] {strides = array<i32>} : memref<16384xf32, #tpu.memory_space<vmem>>, vector<16xf32>,
      %parallel_loop3A_1142 = arith.subf %parallel_loop3A_1139, %parallel_loop3A_1141 : vector<16xf32>
      %parallel_loop3A_1143 = arith.index_cast %parallel_loop3A_1137 : i32 to index
      %parallel_loop3A_1144 = tpu.vector_load %arg9[%parallel_loop3A_1143] {strides = array<i32>} : memref<16384xf32, #tpu.memory_space<vmem>>, vector<16xf32>,
      tpu.vector_store %arg9[%parallel_loop3A_1143], %parallel_loop3A_1142 {strides = array<i32>} : memref<16384xf32, #tpu.memory_space<vmem>>, vector<16xf32>,
    } {sc.loop_unroll_factor = 8 : i64, sc.parallel_access}
    %add3A_936 = arith.constant 21495808 : i32
    %add3A_937 = arith.addi %add3A_936, %mul3A_2 : i32
    %dma_start3A_938 = tpu.memref_slice %arg3[%add3A_937] : memref<26738688xf32, #tpu.memory_space<hbm>> -> memref<16384xf32, #tpu.memory_space<hbm>>
    %dma_start3A_939 = tpu.memref_slice %arg3[%add3A_937] : memref<26738688xf32, #tpu.memory_space<hbm>> -> memref<16384xf32, #tpu.memory_space<hbm>>
    tpu.enqueue_dma source(%arg9 : memref<16384xf32, #tpu.memory_space<vmem>>) target(%dma_start3A_939 : memref<16384xf32, #tpu.memory_space<hbm>>) target_semaphore(%arg24 : memref<!tpu.dma_semaphore, #tpu.memory_space<semaphore_mem>>)
    %dma_wait3A_940 = arith.constant 0 : i32
    %dma_wait3A_941 = tpu.memref_slice %arg2[%dma_wait3A_940] : memref<26738688xf32, #tpu.memory_space<hbm>> -> memref<16384xf32, #tpu.memory_space<hbm>>
    %dma_wait3A_942 = arith.constant 0 : i32
    %dma_wait3A_943 = tpu.memref_slice %arg2[%dma_wait3A_942] : memref<26738688xf32, #tpu.memory_space<hbm>> -> memref<16384xf32, #tpu.memory_space<hbm>>
    tpu.wait_dma2 semaphore(%arg13 : memref<!tpu.dma_semaphore, #tpu.memory_space<semaphore_mem>>) src(%dma_wait3A_943 : memref<16384xf32, #tpu.memory_space<hbm>>) dst(%arg5 : memref<16384xf32, #tpu.memory_space<vmem>>)
    %parallel_loop3A_944 = arith.constant 0 : i32
    %parallel_loop3A_945 = arith.constant 1024 : i32
    %parallel_loop3A_946 = arith.constant 1 : i32
    scf.for %parallel_loop3A_1135 = %parallel_loop3A_944 to %parallel_loop3A_945 step %parallel_loop3A_946  : i32 {
      %parallel_loop3A_1136 = arith.constant 16 : i32
      %parallel_loop3A_1137 = arith.muli %parallel_loop3A_1135, %parallel_loop3A_1136 : i32
      %parallel_loop3A_1138 = arith.index_cast %parallel_loop3A_1137 : i32 to index
      %parallel_loop3A_1139 = tpu.vector_load %arg10[%parallel_loop3A_1138] {strides = array<i32>} : memref<16384xf32, #tpu.memory_space<vmem>>, vector<16xf32>,
      %parallel_loop3A_1140 = arith.index_cast %parallel_loop3A_1137 : i32 to index
      %parallel_loop3A_1141 = tpu.vector_load %arg5[%parallel_loop3A_1140] {strides = array<i32>} : memref<16384xf32, #tpu.memory_space<vmem>>, vector<16xf32>,
      %parallel_loop3A_1142 = arith.subf %parallel_loop3A_1139, %parallel_loop3A_1141 : vector<16xf32>
      %parallel_loop3A_1143 = arith.index_cast %parallel_loop3A_1137 : i32 to index
      %parallel_loop3A_1144 = tpu.vector_load %arg10[%parallel_loop3A_1143] {strides = array<i32>} : memref<16384xf32, #tpu.memory_space<vmem>>, vector<16xf32>,
      tpu.vector_store %arg10[%parallel_loop3A_1143], %parallel_loop3A_1142 {strides = array<i32>} : memref<16384xf32, #tpu.memory_space<vmem>>, vector<16xf32>,
    } {sc.loop_unroll_factor = 8 : i64, sc.parallel_access}
    %add3A_947 = arith.constant 23068672 : i32
    %add3A_948 = arith.addi %add3A_947, %mul3A_2 : i32
    %dma_start3A_949 = tpu.memref_slice %arg3[%add3A_948] : memref<26738688xf32, #tpu.memory_space<hbm>> -> memref<16384xf32, #tpu.memory_space<hbm>>
    %dma_start3A_950 = tpu.memref_slice %arg3[%add3A_948] : memref<26738688xf32, #tpu.memory_space<hbm>> -> memref<16384xf32, #tpu.memory_space<hbm>>
    tpu.enqueue_dma source(%arg10 : memref<16384xf32, #tpu.memory_space<vmem>>) target(%dma_start3A_950 : memref<16384xf32, #tpu.memory_space<hbm>>) target_semaphore(%arg25 : memref<!tpu.dma_semaphore, #tpu.memory_space<semaphore_mem>>)
    %add3A_951 = arith.constant 24641536 : i32
    %add3A_952 = arith.addi %add3A_951, %mul3A_2 : i32
    %add3A_953 = arith.constant 0 : i32
    %add3A_954 = arith.addi %add3A_952, %add3A_953 : i32
    %dma_start3A_955 = tpu.memref_slice %arg3[%add3A_954] : memref<26738688xf32, #tpu.memory_space<hbm>> -> memref<8192xf32, #tpu.memory_space<hbm>>
    %dma_start3A_956 = tpu.memref_slice %arg3[%add3A_954] : memref<26738688xf32, #tpu.memory_space<hbm>> -> memref<8192xf32, #tpu.memory_space<hbm>>
    tpu.enqueue_dma source(%arg11 : memref<8192xf32, #tpu.memory_space<vmem>>) target(%dma_start3A_956 : memref<8192xf32, #tpu.memory_space<hbm>>) target_semaphore(%arg26 : memref<!tpu.dma_semaphore, #tpu.memory_space<semaphore_mem>>)
    %add3A_957 = arith.constant 24641536 : i32
    %add3A_958 = arith.addi %add3A_957, %mul3A_2 : i32
    %add3A_959 = arith.constant 8192 : i32
    %add3A_960 = arith.addi %add3A_958, %add3A_959 : i32
    %dma_start3A_961 = tpu.memref_slice %arg3[%add3A_960] : memref<26738688xf32, #tpu.memory_space<hbm>> -> memref<8192xf32, #tpu.memory_space<hbm>>
    %dma_start3A_962 = tpu.memref_slice %arg3[%add3A_960] : memref<26738688xf32, #tpu.memory_space<hbm>> -> memref<8192xf32, #tpu.memory_space<hbm>>
    tpu.enqueue_dma source(%arg11 : memref<8192xf32, #tpu.memory_space<vmem>>) target(%dma_start3A_962 : memref<8192xf32, #tpu.memory_space<hbm>>) target_semaphore(%arg26 : memref<!tpu.dma_semaphore, #tpu.memory_space<semaphore_mem>>)
    %add3A_963 = arith.constant 26214400 : i32
    %add3A_964 = arith.addi %add3A_963, %mul3A_2 : i32
    %add3A_965 = arith.constant 0 : i32
    %add3A_966 = arith.addi %add3A_964, %add3A_965 : i32
    %dma_start3A_967 = tpu.memref_slice %arg3[%add3A_966] : memref<26738688xf32, #tpu.memory_space<hbm>> -> memref<8192xf32, #tpu.memory_space<hbm>>
    %dma_start3A_968 = tpu.memref_slice %arg3[%add3A_966] : memref<26738688xf32, #tpu.memory_space<hbm>> -> memref<8192xf32, #tpu.memory_space<hbm>>
    tpu.enqueue_dma source(%arg11 : memref<8192xf32, #tpu.memory_space<vmem>>) target(%dma_start3A_968 : memref<8192xf32, #tpu.memory_space<hbm>>) target_semaphore(%arg26 : memref<!tpu.dma_semaphore, #tpu.memory_space<semaphore_mem>>)
    %add3A_969 = arith.constant 26214400 : i32
    %add3A_970 = arith.addi %add3A_969, %mul3A_2 : i32
    %add3A_971 = arith.constant 8192 : i32
    %add3A_972 = arith.addi %add3A_970, %add3A_971 : i32
    %dma_start3A_973 = tpu.memref_slice %arg3[%add3A_972] : memref<26738688xf32, #tpu.memory_space<hbm>> -> memref<8192xf32, #tpu.memory_space<hbm>>
    %dma_start3A_974 = tpu.memref_slice %arg3[%add3A_972] : memref<26738688xf32, #tpu.memory_space<hbm>> -> memref<8192xf32, #tpu.memory_space<hbm>>
    tpu.enqueue_dma source(%arg11 : memref<8192xf32, #tpu.memory_space<vmem>>) target(%dma_start3A_974 : memref<8192xf32, #tpu.memory_space<hbm>>) target_semaphore(%arg26 : memref<!tpu.dma_semaphore, #tpu.memory_space<semaphore_mem>>)
    %dma_wait3A_975 = arith.constant 0 : i32
    %dma_wait3A_976 = tpu.memref_slice %arg3[%dma_wait3A_975] : memref<26738688xf32, #tpu.memory_space<hbm>> -> memref<16384xf32, #tpu.memory_space<hbm>>
    %dma_wait3A_977 = arith.constant 0 : i32
    %dma_wait3A_978 = tpu.memref_slice %arg3[%dma_wait3A_977] : memref<26738688xf32, #tpu.memory_space<hbm>> -> memref<16384xf32, #tpu.memory_space<hbm>>
    tpu.wait_dma2 semaphore(%arg22 : memref<!tpu.dma_semaphore, #tpu.memory_space<semaphore_mem>>) src(%arg7 : memref<16384xf32, #tpu.memory_space<vmem>>) dst(%dma_wait3A_978 : memref<16384xf32, #tpu.memory_space<hbm>>)
    %dma_wait3A_979 = arith.constant 0 : i32
    %dma_wait3A_980 = tpu.memref_slice %arg3[%dma_wait3A_979] : memref<26738688xf32, #tpu.memory_space<hbm>> -> memref<16384xf32, #tpu.memory_space<hbm>>
    %dma_wait3A_981 = arith.constant 0 : i32
    %dma_wait3A_982 = tpu.memref_slice %arg3[%dma_wait3A_981] : memref<26738688xf32, #tpu.memory_space<hbm>> -> memref<16384xf32, #tpu.memory_space<hbm>>
    tpu.wait_dma2 semaphore(%arg23 : memref<!tpu.dma_semaphore, #tpu.memory_space<semaphore_mem>>) src(%arg8 : memref<16384xf32, #tpu.memory_space<vmem>>) dst(%dma_wait3A_982 : memref<16384xf32, #tpu.memory_space<hbm>>)
    %dma_wait3A_983 = arith.constant 0 : i32
    %dma_wait3A_984 = tpu.memref_slice %arg3[%dma_wait3A_983] : memref<26738688xf32, #tpu.memory_space<hbm>> -> memref<16384xf32, #tpu.memory_space<hbm>>
    %dma_wait3A_985 = arith.constant 0 : i32
    %dma_wait3A_986 = tpu.memref_slice %arg3[%dma_wait3A_985] : memref<26738688xf32, #tpu.memory_space<hbm>> -> memref<16384xf32, #tpu.memory_space<hbm>>
    tpu.wait_dma2 semaphore(%arg24 : memref<!tpu.dma_semaphore, #tpu.memory_space<semaphore_mem>>) src(%arg9 : memref<16384xf32, #tpu.memory_space<vmem>>) dst(%dma_wait3A_986 : memref<16384xf32, #tpu.memory_space<hbm>>)
    %dma_wait3A_987 = arith.constant 0 : i32
    %dma_wait3A_988 = tpu.memref_slice %arg3[%dma_wait3A_987] : memref<26738688xf32, #tpu.memory_space<hbm>> -> memref<16384xf32, #tpu.memory_space<hbm>>
    %dma_wait3A_989 = arith.constant 0 : i32
    %dma_wait3A_990 = tpu.memref_slice %arg3[%dma_wait3A_989] : memref<26738688xf32, #tpu.memory_space<hbm>> -> memref<16384xf32, #tpu.memory_space<hbm>>
    tpu.wait_dma2 semaphore(%arg25 : memref<!tpu.dma_semaphore, #tpu.memory_space<semaphore_mem>>) src(%arg10 : memref<16384xf32, #tpu.memory_space<vmem>>) dst(%dma_wait3A_990 : memref<16384xf32, #tpu.memory_space<hbm>>)
    %dma_wait3A_991 = arith.constant 0 : i32
    %dma_wait3A_992 = tpu.memref_slice %arg3[%dma_wait3A_991] : memref<26738688xf32, #tpu.memory_space<hbm>> -> memref<8192xf32, #tpu.memory_space<hbm>>
    %dma_wait3A_993 = arith.constant 0 : i32
    %dma_wait3A_994 = tpu.memref_slice %arg3[%dma_wait3A_993] : memref<26738688xf32, #tpu.memory_space<hbm>> -> memref<8192xf32, #tpu.memory_space<hbm>>
    tpu.wait_dma2 semaphore(%arg26 : memref<!tpu.dma_semaphore, #tpu.memory_space<semaphore_mem>>) src(%arg11 : memref<8192xf32, #tpu.memory_space<vmem>>) dst(%dma_wait3A_994 : memref<8192xf32, #tpu.memory_space<hbm>>)
    %dma_wait3A_995 = arith.constant 0 : i32
    %dma_wait3A_996 = tpu.memref_slice %arg3[%dma_wait3A_995] : memref<26738688xf32, #tpu.memory_space<hbm>> -> memref<8192xf32, #tpu.memory_space<hbm>>
    %dma_wait3A_997 = arith.constant 0 : i32
    %dma_wait3A_998 = tpu.memref_slice %arg3[%dma_wait3A_997] : memref<26738688xf32, #tpu.memory_space<hbm>> -> memref<8192xf32, #tpu.memory_space<hbm>>
    tpu.wait_dma2 semaphore(%arg26 : memref<!tpu.dma_semaphore, #tpu.memory_space<semaphore_mem>>) src(%arg11 : memref<8192xf32, #tpu.memory_space<vmem>>) dst(%dma_wait3A_998 : memref<8192xf32, #tpu.memory_space<hbm>>)
    %dma_wait3A_999 = arith.constant 0 : i32
    %dma_wait3A_1000 = tpu.memref_slice %arg3[%dma_wait3A_999] : memref<26738688xf32, #tpu.memory_space<hbm>> -> memref<8192xf32, #tpu.memory_space<hbm>>
    %dma_wait3A_1001 = arith.constant 0 : i32
    %dma_wait3A_1002 = tpu.memref_slice %arg3[%dma_wait3A_1001] : memref<26738688xf32, #tpu.memory_space<hbm>> -> memref<8192xf32, #tpu.memory_space<hbm>>
    tpu.wait_dma2 semaphore(%arg26 : memref<!tpu.dma_semaphore, #tpu.memory_space<semaphore_mem>>) src(%arg11 : memref<8192xf32, #tpu.memory_space<vmem>>) dst(%dma_wait3A_1002 : memref<8192xf32, #tpu.memory_space<hbm>>)
    %dma_wait3A_1003 = arith.constant 0 : i32
    %dma_wait3A_1004 = tpu.memref_slice %arg3[%dma_wait3A_1003] : memref<26738688xf32, #tpu.memory_space<hbm>> -> memref<8192xf32, #tpu.memory_space<hbm>>
    %dma_wait3A_1005 = arith.constant 0 : i32
    %dma_wait3A_1006 = tpu.memref_slice %arg3[%dma_wait3A_1005] : memref<26738688xf32, #tpu.memory_space<hbm>> -> memref<8192xf32, #tpu.memory_space<hbm>>
    tpu.wait_dma2 semaphore(%arg26 : memref<!tpu.dma_semaphore, #tpu.memory_space<semaphore_mem>>) src(%arg11 : memref<8192xf32, #tpu.memory_space<vmem>>) dst(%dma_wait3A_1006 : memref<8192xf32, #tpu.memory_space<hbm>>)
    %dma_wait3A_1007 = arith.constant 0 : i32
    %dma_wait3A_1008 = tpu.memref_slice %arg3[%dma_wait3A_1007] : memref<26738688xf32, #tpu.memory_space<hbm>> -> memref<8192xf32, #tpu.memory_space<hbm>>
    %dma_wait3A_1009 = arith.constant 0 : i32
    %dma_wait3A_1010 = tpu.memref_slice %arg3[%dma_wait3A_1009] : memref<26738688xf32, #tpu.memory_space<hbm>> -> memref<8192xf32, #tpu.memory_space<hbm>>
    tpu.wait_dma2 semaphore(%arg26 : memref<!tpu.dma_semaphore, #tpu.memory_space<semaphore_mem>>) src(%arg11 : memref<8192xf32, #tpu.memory_space<vmem>>) dst(%dma_wait3A_1010 : memref<8192xf32, #tpu.memory_space<hbm>>)
    %dma_wait3A_1011 = arith.constant 0 : i32
    %dma_wait3A_1012 = tpu.memref_slice %arg3[%dma_wait3A_1011] : memref<26738688xf32, #tpu.memory_space<hbm>> -> memref<8192xf32, #tpu.memory_space<hbm>>
    %dma_wait3A_1013 = arith.constant 0 : i32
    %dma_wait3A_1014 = tpu.memref_slice %arg3[%dma_wait3A_1013] : memref<26738688xf32, #tpu.memory_space<hbm>> -> memref<8192xf32, #tpu.memory_space<hbm>>
    tpu.wait_dma2 semaphore(%arg26 : memref<!tpu.dma_semaphore, #tpu.memory_space<semaphore_mem>>) src(%arg11 : memref<8192xf32, #tpu.memory_space<vmem>>) dst(%dma_wait3A_1014 : memref<8192xf32, #tpu.memory_space<hbm>>)
    %dma_wait3A_1015 = arith.constant 0 : i32
    %dma_wait3A_1016 = tpu.memref_slice %arg3[%dma_wait3A_1015] : memref<26738688xf32, #tpu.memory_space<hbm>> -> memref<8192xf32, #tpu.memory_space<hbm>>
    %dma_wait3A_1017 = arith.constant 0 : i32
    %dma_wait3A_1018 = tpu.memref_slice %arg3[%dma_wait3A_1017] : memref<26738688xf32, #tpu.memory_space<hbm>> -> memref<8192xf32, #tpu.memory_space<hbm>>
    tpu.wait_dma2 semaphore(%arg26 : memref<!tpu.dma_semaphore, #tpu.memory_space<semaphore_mem>>) src(%arg11 : memref<8192xf32, #tpu.memory_space<vmem>>) dst(%dma_wait3A_1018 : memref<8192xf32, #tpu.memory_space<hbm>>)
    %dma_wait3A_1019 = arith.constant 0 : i32
    %dma_wait3A_1020 = tpu.memref_slice %arg3[%dma_wait3A_1019] : memref<26738688xf32, #tpu.memory_space<hbm>> -> memref<8192xf32, #tpu.memory_space<hbm>>
    %dma_wait3A_1021 = arith.constant 0 : i32
    %dma_wait3A_1022 = tpu.memref_slice %arg3[%dma_wait3A_1021] : memref<26738688xf32, #tpu.memory_space<hbm>> -> memref<8192xf32, #tpu.memory_space<hbm>>
    tpu.wait_dma2 semaphore(%arg26 : memref<!tpu.dma_semaphore, #tpu.memory_space<semaphore_mem>>) src(%arg11 : memref<8192xf32, #tpu.memory_space<vmem>>) dst(%dma_wait3A_1022 : memref<8192xf32, #tpu.memory_space<hbm>>)
    %dma_wait3A_1023 = arith.constant 0 : i32
    %dma_wait3A_1024 = tpu.memref_slice %arg3[%dma_wait3A_1023] : memref<26738688xf32, #tpu.memory_space<hbm>> -> memref<8192xf32, #tpu.memory_space<hbm>>
    %dma_wait3A_1025 = arith.constant 0 : i32
    %dma_wait3A_1026 = tpu.memref_slice %arg3[%dma_wait3A_1025] : memref<26738688xf32, #tpu.memory_space<hbm>> -> memref<8192xf32, #tpu.memory_space<hbm>>
    tpu.wait_dma2 semaphore(%arg26 : memref<!tpu.dma_semaphore, #tpu.memory_space<semaphore_mem>>) src(%arg11 : memref<8192xf32, #tpu.memory_space<vmem>>) dst(%dma_wait3A_1026 : memref<8192xf32, #tpu.memory_space<hbm>>)
    %dma_wait3A_1027 = arith.constant 0 : i32
    %dma_wait3A_1028 = tpu.memref_slice %arg3[%dma_wait3A_1027] : memref<26738688xf32, #tpu.memory_space<hbm>> -> memref<8192xf32, #tpu.memory_space<hbm>>
    %dma_wait3A_1029 = arith.constant 0 : i32
    %dma_wait3A_1030 = tpu.memref_slice %arg3[%dma_wait3A_1029] : memref<26738688xf32, #tpu.memory_space<hbm>> -> memref<8192xf32, #tpu.memory_space<hbm>>
    tpu.wait_dma2 semaphore(%arg26 : memref<!tpu.dma_semaphore, #tpu.memory_space<semaphore_mem>>) src(%arg11 : memref<8192xf32, #tpu.memory_space<vmem>>) dst(%dma_wait3A_1030 : memref<8192xf32, #tpu.memory_space<hbm>>)
    %dma_wait3A_1031 = arith.constant 0 : i32
    %dma_wait3A_1032 = tpu.memref_slice %arg3[%dma_wait3A_1031] : memref<26738688xf32, #tpu.memory_space<hbm>> -> memref<8192xf32, #tpu.memory_space<hbm>>
    %dma_wait3A_1033 = arith.constant 0 : i32
    %dma_wait3A_1034 = tpu.memref_slice %arg3[%dma_wait3A_1033] : memref<26738688xf32, #tpu.memory_space<hbm>> -> memref<8192xf32, #tpu.memory_space<hbm>>
    tpu.wait_dma2 semaphore(%arg26 : memref<!tpu.dma_semaphore, #tpu.memory_space<semaphore_mem>>) src(%arg11 : memref<8192xf32, #tpu.memory_space<vmem>>) dst(%dma_wait3A_1034 : memref<8192xf32, #tpu.memory_space<hbm>>)
    %dma_wait3A_1035 = arith.constant 0 : i32
    %dma_wait3A_1036 = tpu.memref_slice %arg3[%dma_wait3A_1035] : memref<26738688xf32, #tpu.memory_space<hbm>> -> memref<8192xf32, #tpu.memory_space<hbm>>
    %dma_wait3A_1037 = arith.constant 0 : i32
    %dma_wait3A_1038 = tpu.memref_slice %arg3[%dma_wait3A_1037] : memref<26738688xf32, #tpu.memory_space<hbm>> -> memref<8192xf32, #tpu.memory_space<hbm>>
    tpu.wait_dma2 semaphore(%arg26 : memref<!tpu.dma_semaphore, #tpu.memory_space<semaphore_mem>>) src(%arg11 : memref<8192xf32, #tpu.memory_space<vmem>>) dst(%dma_wait3A_1038 : memref<8192xf32, #tpu.memory_space<hbm>>)
    %dma_wait3A_1039 = arith.constant 0 : i32
    %dma_wait3A_1040 = tpu.memref_slice %arg3[%dma_wait3A_1039] : memref<26738688xf32, #tpu.memory_space<hbm>> -> memref<8192xf32, #tpu.memory_space<hbm>>
    %dma_wait3A_1041 = arith.constant 0 : i32
    %dma_wait3A_1042 = tpu.memref_slice %arg3[%dma_wait3A_1041] : memref<26738688xf32, #tpu.memory_space<hbm>> -> memref<8192xf32, #tpu.memory_space<hbm>>
    tpu.wait_dma2 semaphore(%arg26 : memref<!tpu.dma_semaphore, #tpu.memory_space<semaphore_mem>>) src(%arg11 : memref<8192xf32, #tpu.memory_space<vmem>>) dst(%dma_wait3A_1042 : memref<8192xf32, #tpu.memory_space<hbm>>)
    %dma_wait3A_1043 = arith.constant 0 : i32
    %dma_wait3A_1044 = tpu.memref_slice %arg3[%dma_wait3A_1043] : memref<26738688xf32, #tpu.memory_space<hbm>> -> memref<8192xf32, #tpu.memory_space<hbm>>
    %dma_wait3A_1045 = arith.constant 0 : i32
    %dma_wait3A_1046 = tpu.memref_slice %arg3[%dma_wait3A_1045] : memref<26738688xf32, #tpu.memory_space<hbm>> -> memref<8192xf32, #tpu.memory_space<hbm>>
    tpu.wait_dma2 semaphore(%arg26 : memref<!tpu.dma_semaphore, #tpu.memory_space<semaphore_mem>>) src(%arg11 : memref<8192xf32, #tpu.memory_space<vmem>>) dst(%dma_wait3A_1046 : memref<8192xf32, #tpu.memory_space<hbm>>)
    %dma_wait3A_1047 = arith.constant 0 : i32
    %dma_wait3A_1048 = tpu.memref_slice %arg3[%dma_wait3A_1047] : memref<26738688xf32, #tpu.memory_space<hbm>> -> memref<8192xf32, #tpu.memory_space<hbm>>
    %dma_wait3A_1049 = arith.constant 0 : i32
    %dma_wait3A_1050 = tpu.memref_slice %arg3[%dma_wait3A_1049] : memref<26738688xf32, #tpu.memory_space<hbm>> -> memref<8192xf32, #tpu.memory_space<hbm>>
    tpu.wait_dma2 semaphore(%arg26 : memref<!tpu.dma_semaphore, #tpu.memory_space<semaphore_mem>>) src(%arg11 : memref<8192xf32, #tpu.memory_space<vmem>>) dst(%dma_wait3A_1050 : memref<8192xf32, #tpu.memory_space<hbm>>)
    %dma_wait3A_1051 = arith.constant 0 : i32
    %dma_wait3A_1052 = tpu.memref_slice %arg3[%dma_wait3A_1051] : memref<26738688xf32, #tpu.memory_space<hbm>> -> memref<8192xf32, #tpu.memory_space<hbm>>
    %dma_wait3A_1053 = arith.constant 0 : i32
    %dma_wait3A_1054 = tpu.memref_slice %arg3[%dma_wait3A_1053] : memref<26738688xf32, #tpu.memory_space<hbm>> -> memref<8192xf32, #tpu.memory_space<hbm>>
    tpu.wait_dma2 semaphore(%arg26 : memref<!tpu.dma_semaphore, #tpu.memory_space<semaphore_mem>>) src(%arg11 : memref<8192xf32, #tpu.memory_space<vmem>>) dst(%dma_wait3A_1054 : memref<8192xf32, #tpu.memory_space<hbm>>)
    %dma_wait3A_1055 = arith.constant 0 : i32
    %dma_wait3A_1056 = tpu.memref_slice %arg3[%dma_wait3A_1055] : memref<26738688xf32, #tpu.memory_space<hbm>> -> memref<8192xf32, #tpu.memory_space<hbm>>
    %dma_wait3A_1057 = arith.constant 0 : i32
    %dma_wait3A_1058 = tpu.memref_slice %arg3[%dma_wait3A_1057] : memref<26738688xf32, #tpu.memory_space<hbm>> -> memref<8192xf32, #tpu.memory_space<hbm>>
    tpu.wait_dma2 semaphore(%arg26 : memref<!tpu.dma_semaphore, #tpu.memory_space<semaphore_mem>>) src(%arg11 : memref<8192xf32, #tpu.memory_space<vmem>>) dst(%dma_wait3A_1058 : memref<8192xf32, #tpu.memory_space<hbm>>)
    %dma_wait3A_1059 = arith.constant 0 : i32
    %dma_wait3A_1060 = tpu.memref_slice %arg3[%dma_wait3A_1059] : memref<26738688xf32, #tpu.memory_space<hbm>> -> memref<8192xf32, #tpu.memory_space<hbm>>
    %dma_wait3A_1061 = arith.constant 0 : i32
    %dma_wait3A_1062 = tpu.memref_slice %arg3[%dma_wait3A_1061] : memref<26738688xf32, #tpu.memory_space<hbm>> -> memref<8192xf32, #tpu.memory_space<hbm>>
    tpu.wait_dma2 semaphore(%arg26 : memref<!tpu.dma_semaphore, #tpu.memory_space<semaphore_mem>>) src(%arg11 : memref<8192xf32, #tpu.memory_space<vmem>>) dst(%dma_wait3A_1062 : memref<8192xf32, #tpu.memory_space<hbm>>)
    %dma_wait3A_1063 = arith.constant 0 : i32
    %dma_wait3A_1064 = tpu.memref_slice %arg3[%dma_wait3A_1063] : memref<26738688xf32, #tpu.memory_space<hbm>> -> memref<8192xf32, #tpu.memory_space<hbm>>
    %dma_wait3A_1065 = arith.constant 0 : i32
    %dma_wait3A_1066 = tpu.memref_slice %arg3[%dma_wait3A_1065] : memref<26738688xf32, #tpu.memory_space<hbm>> -> memref<8192xf32, #tpu.memory_space<hbm>>
    tpu.wait_dma2 semaphore(%arg26 : memref<!tpu.dma_semaphore, #tpu.memory_space<semaphore_mem>>) src(%arg11 : memref<8192xf32, #tpu.memory_space<vmem>>) dst(%dma_wait3A_1066 : memref<8192xf32, #tpu.memory_space<hbm>>)
    %dma_wait3A_1067 = arith.constant 0 : i32
    %dma_wait3A_1068 = tpu.memref_slice %arg3[%dma_wait3A_1067] : memref<26738688xf32, #tpu.memory_space<hbm>> -> memref<8192xf32, #tpu.memory_space<hbm>>
    %dma_wait3A_1069 = arith.constant 0 : i32
    %dma_wait3A_1070 = tpu.memref_slice %arg3[%dma_wait3A_1069] : memref<26738688xf32, #tpu.memory_space<hbm>> -> memref<8192xf32, #tpu.memory_space<hbm>>
    tpu.wait_dma2 semaphore(%arg26 : memref<!tpu.dma_semaphore, #tpu.memory_space<semaphore_mem>>) src(%arg11 : memref<8192xf32, #tpu.memory_space<vmem>>) dst(%dma_wait3A_1070 : memref<8192xf32, #tpu.memory_space<hbm>>)
    %dma_wait3A_1071 = arith.constant 0 : i32
    %dma_wait3A_1072 = tpu.memref_slice %arg3[%dma_wait3A_1071] : memref<26738688xf32, #tpu.memory_space<hbm>> -> memref<8192xf32, #tpu.memory_space<hbm>>
    %dma_wait3A_1073 = arith.constant 0 : i32
    %dma_wait3A_1074 = tpu.memref_slice %arg3[%dma_wait3A_1073] : memref<26738688xf32, #tpu.memory_space<hbm>> -> memref<8192xf32, #tpu.memory_space<hbm>>
    tpu.wait_dma2 semaphore(%arg26 : memref<!tpu.dma_semaphore, #tpu.memory_space<semaphore_mem>>) src(%arg11 : memref<8192xf32, #tpu.memory_space<vmem>>) dst(%dma_wait3A_1074 : memref<8192xf32, #tpu.memory_space<hbm>>)
    %dma_wait3A_1075 = arith.constant 0 : i32
    %dma_wait3A_1076 = tpu.memref_slice %arg3[%dma_wait3A_1075] : memref<26738688xf32, #tpu.memory_space<hbm>> -> memref<8192xf32, #tpu.memory_space<hbm>>
    %dma_wait3A_1077 = arith.constant 0 : i32
    %dma_wait3A_1078 = tpu.memref_slice %arg3[%dma_wait3A_1077] : memref<26738688xf32, #tpu.memory_space<hbm>> -> memref<8192xf32, #tpu.memory_space<hbm>>
    tpu.wait_dma2 semaphore(%arg26 : memref<!tpu.dma_semaphore, #tpu.memory_space<semaphore_mem>>) src(%arg11 : memref<8192xf32, #tpu.memory_space<vmem>>) dst(%dma_wait3A_1078 : memref<8192xf32, #tpu.memory_space<hbm>>)
    %dma_wait3A_1079 = arith.constant 0 : i32
    %dma_wait3A_1080 = tpu.memref_slice %arg3[%dma_wait3A_1079] : memref<26738688xf32, #tpu.memory_space<hbm>> -> memref<8192xf32, #tpu.memory_space<hbm>>
    %dma_wait3A_1081 = arith.constant 0 : i32
    %dma_wait3A_1082 = tpu.memref_slice %arg3[%dma_wait3A_1081] : memref<26738688xf32, #tpu.memory_space<hbm>> -> memref<8192xf32, #tpu.memory_space<hbm>>
    tpu.wait_dma2 semaphore(%arg26 : memref<!tpu.dma_semaphore, #tpu.memory_space<semaphore_mem>>) src(%arg11 : memref<8192xf32, #tpu.memory_space<vmem>>) dst(%dma_wait3A_1082 : memref<8192xf32, #tpu.memory_space<hbm>>)
    %dma_wait3A_1083 = arith.constant 0 : i32
    %dma_wait3A_1084 = tpu.memref_slice %arg3[%dma_wait3A_1083] : memref<26738688xf32, #tpu.memory_space<hbm>> -> memref<8192xf32, #tpu.memory_space<hbm>>
    %dma_wait3A_1085 = arith.constant 0 : i32
    %dma_wait3A_1086 = tpu.memref_slice %arg3[%dma_wait3A_1085] : memref<26738688xf32, #tpu.memory_space<hbm>> -> memref<8192xf32, #tpu.memory_space<hbm>>
    tpu.wait_dma2 semaphore(%arg26 : memref<!tpu.dma_semaphore, #tpu.memory_space<semaphore_mem>>) src(%arg11 : memref<8192xf32, #tpu.memory_space<vmem>>) dst(%dma_wait3A_1086 : memref<8192xf32, #tpu.memory_space<hbm>>)
    %dma_wait3A_1087 = arith.constant 0 : i32
    %dma_wait3A_1088 = tpu.memref_slice %arg3[%dma_wait3A_1087] : memref<26738688xf32, #tpu.memory_space<hbm>> -> memref<8192xf32, #tpu.memory_space<hbm>>
    %dma_wait3A_1089 = arith.constant 0 : i32
    %dma_wait3A_1090 = tpu.memref_slice %arg3[%dma_wait3A_1089] : memref<26738688xf32, #tpu.memory_space<hbm>> -> memref<8192xf32, #tpu.memory_space<hbm>>
    tpu.wait_dma2 semaphore(%arg26 : memref<!tpu.dma_semaphore, #tpu.memory_space<semaphore_mem>>) src(%arg11 : memref<8192xf32, #tpu.memory_space<vmem>>) dst(%dma_wait3A_1090 : memref<8192xf32, #tpu.memory_space<hbm>>)
    %dma_wait3A_1091 = arith.constant 0 : i32
    %dma_wait3A_1092 = tpu.memref_slice %arg3[%dma_wait3A_1091] : memref<26738688xf32, #tpu.memory_space<hbm>> -> memref<8192xf32, #tpu.memory_space<hbm>>
    %dma_wait3A_1093 = arith.constant 0 : i32
    %dma_wait3A_1094 = tpu.memref_slice %arg3[%dma_wait3A_1093] : memref<26738688xf32, #tpu.memory_space<hbm>> -> memref<8192xf32, #tpu.memory_space<hbm>>
    tpu.wait_dma2 semaphore(%arg26 : memref<!tpu.dma_semaphore, #tpu.memory_space<semaphore_mem>>) src(%arg11 : memref<8192xf32, #tpu.memory_space<vmem>>) dst(%dma_wait3A_1094 : memref<8192xf32, #tpu.memory_space<hbm>>)
    %dma_wait3A_1095 = arith.constant 0 : i32
    %dma_wait3A_1096 = tpu.memref_slice %arg3[%dma_wait3A_1095] : memref<26738688xf32, #tpu.memory_space<hbm>> -> memref<8192xf32, #tpu.memory_space<hbm>>
    %dma_wait3A_1097 = arith.constant 0 : i32
    %dma_wait3A_1098 = tpu.memref_slice %arg3[%dma_wait3A_1097] : memref<26738688xf32, #tpu.memory_space<hbm>> -> memref<8192xf32, #tpu.memory_space<hbm>>
    tpu.wait_dma2 semaphore(%arg26 : memref<!tpu.dma_semaphore, #tpu.memory_space<semaphore_mem>>) src(%arg11 : memref<8192xf32, #tpu.memory_space<vmem>>) dst(%dma_wait3A_1098 : memref<8192xf32, #tpu.memory_space<hbm>>)
    %dma_wait3A_1099 = arith.constant 0 : i32
    %dma_wait3A_1100 = tpu.memref_slice %arg3[%dma_wait3A_1099] : memref<26738688xf32, #tpu.memory_space<hbm>> -> memref<8192xf32, #tpu.memory_space<hbm>>
    %dma_wait3A_1101 = arith.constant 0 : i32
    %dma_wait3A_1102 = tpu.memref_slice %arg3[%dma_wait3A_1101] : memref<26738688xf32, #tpu.memory_space<hbm>> -> memref<8192xf32, #tpu.memory_space<hbm>>
    tpu.wait_dma2 semaphore(%arg26 : memref<!tpu.dma_semaphore, #tpu.memory_space<semaphore_mem>>) src(%arg11 : memref<8192xf32, #tpu.memory_space<vmem>>) dst(%dma_wait3A_1102 : memref<8192xf32, #tpu.memory_space<hbm>>)
    %dma_wait3A_1103 = arith.constant 0 : i32
    %dma_wait3A_1104 = tpu.memref_slice %arg3[%dma_wait3A_1103] : memref<26738688xf32, #tpu.memory_space<hbm>> -> memref<8192xf32, #tpu.memory_space<hbm>>
    %dma_wait3A_1105 = arith.constant 0 : i32
    %dma_wait3A_1106 = tpu.memref_slice %arg3[%dma_wait3A_1105] : memref<26738688xf32, #tpu.memory_space<hbm>> -> memref<8192xf32, #tpu.memory_space<hbm>>
    tpu.wait_dma2 semaphore(%arg26 : memref<!tpu.dma_semaphore, #tpu.memory_space<semaphore_mem>>) src(%arg11 : memref<8192xf32, #tpu.memory_space<vmem>>) dst(%dma_wait3A_1106 : memref<8192xf32, #tpu.memory_space<hbm>>)
    %dma_wait3A_1107 = arith.constant 0 : i32
    %dma_wait3A_1108 = tpu.memref_slice %arg3[%dma_wait3A_1107] : memref<26738688xf32, #tpu.memory_space<hbm>> -> memref<8192xf32, #tpu.memory_space<hbm>>
    %dma_wait3A_1109 = arith.constant 0 : i32
    %dma_wait3A_1110 = tpu.memref_slice %arg3[%dma_wait3A_1109] : memref<26738688xf32, #tpu.memory_space<hbm>> -> memref<8192xf32, #tpu.memory_space<hbm>>
    tpu.wait_dma2 semaphore(%arg26 : memref<!tpu.dma_semaphore, #tpu.memory_space<semaphore_mem>>) src(%arg11 : memref<8192xf32, #tpu.memory_space<vmem>>) dst(%dma_wait3A_1110 : memref<8192xf32, #tpu.memory_space<hbm>>)
    %dma_wait3A_1111 = arith.constant 0 : i32
    %dma_wait3A_1112 = tpu.memref_slice %arg3[%dma_wait3A_1111] : memref<26738688xf32, #tpu.memory_space<hbm>> -> memref<8192xf32, #tpu.memory_space<hbm>>
    %dma_wait3A_1113 = arith.constant 0 : i32
    %dma_wait3A_1114 = tpu.memref_slice %arg3[%dma_wait3A_1113] : memref<26738688xf32, #tpu.memory_space<hbm>> -> memref<8192xf32, #tpu.memory_space<hbm>>
    tpu.wait_dma2 semaphore(%arg26 : memref<!tpu.dma_semaphore, #tpu.memory_space<semaphore_mem>>) src(%arg11 : memref<8192xf32, #tpu.memory_space<vmem>>) dst(%dma_wait3A_1114 : memref<8192xf32, #tpu.memory_space<hbm>>)
    %dma_wait3A_1115 = arith.constant 0 : i32
    %dma_wait3A_1116 = tpu.memref_slice %arg3[%dma_wait3A_1115] : memref<26738688xf32, #tpu.memory_space<hbm>> -> memref<8192xf32, #tpu.memory_space<hbm>>
    %dma_wait3A_1117 = arith.constant 0 : i32
    %dma_wait3A_1118 = tpu.memref_slice %arg3[%dma_wait3A_1117] : memref<26738688xf32, #tpu.memory_space<hbm>> -> memref<8192xf32, #tpu.memory_space<hbm>>
    tpu.wait_dma2 semaphore(%arg26 : memref<!tpu.dma_semaphore, #tpu.memory_space<semaphore_mem>>) src(%arg11 : memref<8192xf32, #tpu.memory_space<vmem>>) dst(%dma_wait3A_1118 : memref<8192xf32, #tpu.memory_space<hbm>>)
    %dma_wait3A_1119 = arith.constant 0 : i32
    %dma_wait3A_1120 = tpu.memref_slice %arg3[%dma_wait3A_1119] : memref<26738688xf32, #tpu.memory_space<hbm>> -> memref<8192xf32, #tpu.memory_space<hbm>>
    %dma_wait3A_1121 = arith.constant 0 : i32
    %dma_wait3A_1122 = tpu.memref_slice %arg3[%dma_wait3A_1121] : memref<26738688xf32, #tpu.memory_space<hbm>> -> memref<8192xf32, #tpu.memory_space<hbm>>
    tpu.wait_dma2 semaphore(%arg26 : memref<!tpu.dma_semaphore, #tpu.memory_space<semaphore_mem>>) src(%arg11 : memref<8192xf32, #tpu.memory_space<vmem>>) dst(%dma_wait3A_1122 : memref<8192xf32, #tpu.memory_space<hbm>>)
    %dma_wait3A_1123 = arith.constant 0 : i32
    %dma_wait3A_1124 = tpu.memref_slice %arg3[%dma_wait3A_1123] : memref<26738688xf32, #tpu.memory_space<hbm>> -> memref<8192xf32, #tpu.memory_space<hbm>>
    %dma_wait3A_1125 = arith.constant 0 : i32
    %dma_wait3A_1126 = tpu.memref_slice %arg3[%dma_wait3A_1125] : memref<26738688xf32, #tpu.memory_space<hbm>> -> memref<8192xf32, #tpu.memory_space<hbm>>
    tpu.wait_dma2 semaphore(%arg26 : memref<!tpu.dma_semaphore, #tpu.memory_space<semaphore_mem>>) src(%arg11 : memref<8192xf32, #tpu.memory_space<vmem>>) dst(%dma_wait3A_1126 : memref<8192xf32, #tpu.memory_space<hbm>>)
    %dma_wait3A_1127 = arith.constant 0 : i32
    %dma_wait3A_1128 = tpu.memref_slice %arg3[%dma_wait3A_1127] : memref<26738688xf32, #tpu.memory_space<hbm>> -> memref<8192xf32, #tpu.memory_space<hbm>>
    %dma_wait3A_1129 = arith.constant 0 : i32
    %dma_wait3A_1130 = tpu.memref_slice %arg3[%dma_wait3A_1129] : memref<26738688xf32, #tpu.memory_space<hbm>> -> memref<8192xf32, #tpu.memory_space<hbm>>
    tpu.wait_dma2 semaphore(%arg26 : memref<!tpu.dma_semaphore, #tpu.memory_space<semaphore_mem>>) src(%arg11 : memref<8192xf32, #tpu.memory_space<vmem>>) dst(%dma_wait3A_1130 : memref<8192xf32, #tpu.memory_space<hbm>>)
    %dma_wait3A_1131 = arith.constant 0 : i32
    %dma_wait3A_1132 = tpu.memref_slice %arg3[%dma_wait3A_1131] : memref<26738688xf32, #tpu.memory_space<hbm>> -> memref<8192xf32, #tpu.memory_space<hbm>>
    %dma_wait3A_1133 = arith.constant 0 : i32
    %dma_wait3A_1134 = tpu.memref_slice %arg3[%dma_wait3A_1133] : memref<26738688xf32, #tpu.memory_space<hbm>> -> memref<8192xf32, #tpu.memory_space<hbm>>
    tpu.wait_dma2 semaphore(%arg26 : memref<!tpu.dma_semaphore, #tpu.memory_space<semaphore_mem>>) src(%arg11 : memref<8192xf32, #tpu.memory_space<vmem>>) dst(%dma_wait3A_1134 : memref<8192xf32, #tpu.memory_space<hbm>>)
    return
  }
}

</mosaic_0001>

<sc_bundles>
// kernel: kernel.3.cloned.1.call-start
scs
__scs_entry_jumppad:
0x0: {  	(pc) =	sbr.rel $0x88, $3  }
0x1: {  	(tag) =	ssettag $0x0;
	lr =	simm.s32 $0x1  }
0x2: {  	[smem:$0x3FA0] =	sst lr;
	_ =	strace $0xD0000000  }
0x3: {  	_ = 	snop  }
0x4: {  	_ = 	snop  }
0x5: {  	_ = 	snop  }
0x6: {  	_ = 	snop  }
0x7: {  	_ = 	snop  }
__scs_overlays_trampoline_lowered:
0x8: {  	[smem:$0x3FAF] =	sst s0  }
0x9: {  	[smem:$0x3FB0] =	sst s1  }
0xa: {  	[smem:$0x3FB1] =	sst s2  }
0xb: {  	[smem:$0x3FB2] =	sst s3  }
0xc: {  	[smem:$0x3FB3] =	sst s4  }
0xd: {  	[smem:$0x3FB4] =	sst s5  }
0xe: {  	[smem:$0x3FB5] =	sst s6  }
0xf: {  	[smem:$0x3FB6] =	sst s7  }
0x10: {  	[smem:$0x3FB7] =	sst s8  }
0x11: {  	[smem:$0x3FB8] =	sst s9;
	s0 =	simm.s32 @!p0 $0x0  }
0x12: {  	s1 =	sld [smem:$0x3F9E];
	s0 =	simm.s32 @p0 $0x1  }
0x13: {  	[smem:$0x3FB9] =	sst s0;
	s0 =	simm.s32 @!p1 $0x0  }
0x14: {  	s2 =	sld [smem:$0x3F9D];
	s0 =	simm.s32 @p1 $0x1  }
0x15: {  	[smem:$0x3FBA] =	sst s0;
	s0 =	simm.s32 @!p2 $0x0  }
0x16: {  	s3 =	sld [smem:$0x3FDB];
	s0 =	simm.s32 @p2 $0x1  }
0x17: {  	s4 =	simm.s32 $0x1BF5;
	[smem:$0x3FBC] =	sst s0  }
0x18: {  	s0 =	sld [smem:$0x3F9F];
	_ =	swait.ge [sflag:s4], $0x0  }
0x19: {  	s7 =	sld [smem:$0x3FA0]  }
0x1a: {  	s8 =	sadd.s32 $0xFFFFE003, lr  }
0x1b: {  	s9 =	sadd.s32 $0xFFFFFEF7, lr;
	s5 =	simm.s32 $0xFFFFFFFF;
	p2 =	slt.u32 s8, $0xFFFFF086  }
0x1c: {  	p1 =	slt.u32 s9, $0xF7A;
	s5 =	simm.s32 @!p2 $0x0  }
0x1d: {  	s5 =	simm.s32 @p1 $0x1;
	p0 =	seq.s32 s7, s2  }
0x1e: {  	s7 =	smul.u32 @!p0 $0xF7A, s2;
	p2 =	seq.s32 @!p0 s5, $0x0  }
0x1f: {  	s9 =	smul.u32 $0xF7A, s1;
	s8 =	simm.s32 @!p0 $0x1BF5;
	p2 =	por !p2, p0  }
0x20: {  	[sflag:s8] =	ssyncset.s32 @!p0 $0xFFFFF086;
	s6 =	sadd.s32 @!p0 s3, s7;
	s7 =	simm.s32 @!p0 $0x108  }
0x21: {  	s3 =	sadd.s32 s3, s9;
	s6 =	sadd.s32 @!p0 $0x88, s6;
	s7 =	simm.s32 @p2 $0x1082  }
0x22: {  	[simem:s7], [sflag:s8] =	dma.local @!p0 [hbm:s6], $0xF7A  }
0x23: {  	s9 =	sor.u32 $0xD0000000, s2;
	s6 =	simm.s32 $0x108;
	_ =	swait.ge @!p0 [sflag:s8], $0x0  }
0x24: {  	s3 =	sadd.s32 $0x88, s3;
	s6 =	simm.s32 @!p1 $0x1082;
	[sflag:s4] =	ssyncset.s32 $0xFFFFF086  }
0x25: {  	[simem:s6], [sflag:s4] =	dma.local [hbm:s3], $0xF7A  }
0x26: {  	[smem:$0x3FA0] =	sst s1;
	(tag) =	ssettag s2;
	_ =	strace s9  }
0x27: {  	s1 =	sld [smem:$0x3FB0]  }
0x28: {  	s2 =	sld [smem:$0x3FB1]  }
0x29: {  	s4 =	sld [smem:$0x3FB3]  }
0x2a: {  	p0 =	seq.s32 s5, $0x0;
	s5 =	sld [smem:$0x3FB4]  }
0x2b: {  	s6 =	sld [smem:$0x3FB5]  }
0x2c: {  	s7 =	sld [smem:$0x3FB6]  }
0x2d: {  	s3 =	simm.s32 $0x108;
	s8 =	sld [smem:$0x3FB7]  }
0x2e: {  	s3 =	simm.s32 @!p0 $0x1082;
	s9 =	sld [smem:$0x3FB8]  }
0x2f: {  	lr =	sadd.s32 s0, s3;
	s0 =	sld [smem:$0x3FAF]  }
0x30: {  	s3 =	sld [smem:$0x3FB2]  }
0x31: {  	[smem:$0x3FBB] =	sst s10  }
0x32: {  	s10 =	sld [smem:$0x3FB9];
	_ =	sdelay $0x3  }
0x33: {  	p0 =	seq.s32 s10, $0x1;
	s10 =	sld [smem:$0x3FBB];
	_ =	sdelay $0x3  }
0x34: {  	[smem:$0x3FBB] =	sst s10  }
0x35: {  	s10 =	sld [smem:$0x3FBA];
	_ =	sdelay $0x3  }
0x36: {  	p1 =	seq.s32 s10, $0x1;
	s10 =	sld [smem:$0x3FBB];
	_ =	sdelay $0x3  }
0x37: {  	[smem:$0x3FBB] =	sst s10  }
0x38: {  	s10 =	sld [smem:$0x3FBC]  }
0x39: {  	_ = 	snop;
	(pc) =	sbr.ind lr, $3  }
0x3a: {  	_ = 	snop  }
0x3b: {  	_ = 	snop  }
0x3c: {  	p2 =	seq.s32 s10, $0x1;
	s10 =	sld [smem:$0x3FBB]  }
0x3d: {  	_ =	shalt  }
0x3e: {  	_ =	shalt  }
0x3f: {  	_ =	shalt  }
0x40: {  	_ =	shalt  }
0x41: {  	_ =	shalt  }
0x42: {  	_ =	shalt  }
0x43: {  	_ =	shalt  }
0x44: {  	_ =	shalt  }
0x45: {  	_ =	shalt  }
0x46: {  	_ =	shalt  }
0x47: {  	_ =	shalt  }
0x48: {  	_ =	shalt  }
0x49: {  	_ =	shalt  }
0x4a: {  	_ =	shalt  }
0x4b: {  	_ =	shalt  }
0x4c: {  	_ =	shalt  }
0x4d: {  	_ =	shalt  }
0x4e: {  	_ =	shalt  }
0x4f: {  	_ =	shalt  }
0x50: {  	_ =	shalt  }
0x51: {  	_ =	shalt  }
0x52: {  	_ =	shalt  }
0x53: {  	_ =	shalt  }
0x54: {  	_ =	shalt  }
0x55: {  	_ =	shalt  }
0x56: {  	_ =	shalt  }
0x57: {  	_ =	shalt  }
0x58: {  	_ =	shalt  }
0x59: {  	_ =	shalt  }
0x5a: {  	_ =	shalt  }
0x5b: {  	_ =	shalt  }
0x5c: {  	_ =	shalt  }
0x5d: {  	_ =	shalt  }
0x5e: {  	_ =	shalt  }
0x5f: {  	_ =	shalt  }
0x60: {  	_ =	shalt  }
0x61: {  	_ =	shalt  }
0x62: {  	_ =	shalt  }
0x63: {  	_ =	shalt  }
0x64: {  	_ =	shalt  }
0x65: {  	_ =	shalt  }
0x66: {  	_ =	shalt  }
0x67: {  	_ =	shalt  }
0x68: {  	_ =	shalt  }
0x69: {  	_ =	shalt  }
0x6a: {  	_ =	shalt  }
0x6b: {  	_ =	shalt  }
0x6c: {  	_ =	shalt  }
0x6d: {  	_ =	shalt  }
0x6e: {  	_ =	shalt  }
0x6f: {  	_ =	shalt  }
0x70: {  	_ =	shalt  }
0x71: {  	_ =	shalt  }
0x72: {  	_ =	shalt  }
0x73: {  	_ =	shalt  }
0x74: {  	_ =	shalt  }
0x75: {  	_ =	shalt  }
0x76: {  	_ =	shalt  }
0x77: {  	_ =	shalt  }
0x78: {  	_ =	shalt  }
0x79: {  	_ =	shalt  }
0x7a: {  	_ =	shalt  }
0x7b: {  	_ =	shalt  }
0x7c: {  	_ =	shalt  }
0x7d: {  	_ =	shalt  }
0x7e: {  	_ =	shalt  }
0x7f: {  	_ =	shalt  }
0x80: {  	_ =	shalt  }
0x81: {  	_ =	shalt  }
0x82: {  	_ =	shalt  }
0x83: {  	_ =	shalt  }
0x84: {  	_ =	shalt  }
0x85: {  	_ =	shalt  }
0x86: {  	_ =	shalt  }
0x87: {  	_ =	shalt  }
.Lfunc_end0:
.L_simem_size_0:
called_computation_lowered:
.L_overlay_start_0:
0x88: {  	s2 =	sld [smem:$0x3FD9]  }
0x89: {  	s3 =	sld [smem:$0x3FFE];
	_ =	sdelay $0x1  }
0x8a: {  	s1 =	srdreg.scid  }
0x8b: {  	s0 =	sand.u32 $0x1, s1  }
0x8c: {  	s18 =	sshll.u32 s0, $0xA;
	s2 =	sadd.s32 s3, s2  }
0x8d: {  	s2 =	sadd.s32 s2, s18  }
0x8e: {  	[smem:$0x3FC7] =	sst s2  }
0x8f: {  	_ = 	snop  }
0x90: {  	s2 =	sld [smem:$0x3FC9]  }
0x91: {  	s19 =	sld [smem:$0x3FD0];
	(tm) =	ssettm $0x1  }
0x92: {  	s4 =	sld [smem:$0x3FFB];
	_ =	sdelay $0x3  }
0x93: {  	_ =	strace s4  }
0x94: {  	s4 =	sld [smem:$0x3FFC];
	_ =	sdelay $0x3  }
0x95: {  	_ =	strace s4  }
0x96: {  	s4 =	sld [smem:$0x3FFD];
	_ =	sdelay $0x3  }
0x97: {  	_ =	strace s4  }
0x98: {  	_ =	strace $0x8FFFFFFF  }
0x99: {  	s20 =	sld [smem:$0x3FDB];
	_ =	sdelay $0x1  }
0x9a: {  	s5 =	simm.s32 $_scs_section_size  }
0x9b: {  	s6 =	simm.s32 $_size__tile_overlayer_lowered;
	s7 =	simm.s32 $_tile_overlayer_lowered  }
0x9c: {  	s23 =	simm.s32 $0x1BFF;
	s22 =	sshll.u32 s7, $0x1;
	s4 =	sadd.s32 s5, s20  }
0x9d: {  	s8 =	simm.s32 $0x0;
	s21 =	sshll.u32 s6, $0x1;
	s6 =	sadd.s32 s22, s4  }
0x9e: {  	[timem:s8], [sflag:s23] =	dma.local [hbm:s6], s21  }
0x9f: {  	_ =	swait.ge [sflag:s23], s21  }
0xa0: {  	s5 =	ssub.s32 $0x0, s21;
	[sflag:s23] =	ssyncset.done $0x0  }
0xa1: {  	[sflag:s23] =	ssyncadd.s32 s5;
	_ =	sdelay $0x1  }
0xa2: {  	s24 =	simm.s32 $0x1B8B  }
0xa3: {  	_ =	swait.ge [sflag:s24], $0x1  }
0xa4: {  	[sflag:s24] =	ssyncset.done $0x0  }
0xa5: {  	s25 =	simm.s32 $0x1B8E;
	[sflag:s24] =	ssyncadd.s32 $0xFFFFFFFF  }
0xa6: {  	s26 =	simm.s32 $execute0_lowered;
	[smem:$0x3FD2] =	sst s25  }
0xa7: {  	s5 =	sshll.u32 s26, $0x1;
	_ =	strace $0x80000046;
	[dreg:$0x1] =	wrdreg $0xFFFFFFFF  }
0xa8: {  	s28 =	simm.s32 $_size_execute0_lowered;
	s4 =	sadd.s32 s4, s5;
	[dreg:$0x0] =	wrdreg $0x0  }
0xa9: {  	s5 =	sshll.u32 s28, $0x1;
	[dreg:$0x2] =	wrdreg s4  }
0xaa: {  	[dreg:$0x3] =	wrdreg s5  }
0xab: {  	[dreg:$0x4] =	wrdreg $0xC0  }
0xac: {  	_ =	task [dreg:s8], $0x5FFFF  }
0xad: {  	[dreg:$0x1] =	wrdreg $0xFFFFFFFF  }
0xae: {  	[dreg:$0x0] =	wrdreg $0x60  }
0xaf: {  	[dreg:$0x2] =	wrdreg s2  }
0xb0: {  	[dreg:$0x3] =	wrdreg s19  }
0xb1: {  	[dreg:$0x4] =	wrdreg $0x9  }
0xb2: {  	_ =	task.clear_ibuf [dreg:s8], $0x5FFFF;
	_ =	strace $0x90000046  }
0xb3: {  	s29 =	simm.s32 $0x9;
	_ =	strace $0x80000048  }
0xb4: {  	_ =	swait.ge [sflag:s29], $0x1  }
0xb5: {  	[sflag:s29] =	ssyncadd.s32 $0xFFFFFFFF  }
0xb6: {  	_ =	strace $0x90000048  }
0xb7: {  	_ =	sfence  }
0xb8: {  	s30 =	sld [smem:$0x0];
	_ =	sdelay $0x2  }
0xb9: {  	s31 =	sshll.u32 s1, $0xD;
	s1 =	sshrl.u32 s1, $0x2  }
0xba: {  	s3 =	sand.u32 $0x4000, s31;
	s1 =	sadd.s32 s1, s30  }
0xbb: {  	s0 =	sor.u32 s3, s0;
	s1 =	sshll.u32 s1, $0x11  }
0xbc: {  	s0 =	sor.u32 s1, s0  }
0xbd: {  	s0 =	sadd.s32 $0x8F2B, s0  }
0xbe: {  	[sflag:s0] =	ssyncadd.remote.s32 $0x1  }
0xbf: {  	_ =	sfence.sel $0xFFFF  }
0xc0: {  	[dreg:$0x0] =	wrdreg $0xFFFFFFFF;
	(pc) =	sbr.abs _section_cstart, $3  }
0xc1: {  	[dreg:$0x1] =	wrdreg $0xFFFFFFFF  }
0xc2: {  	_ =	task.clear_ibuf [dreg:s8], $0x2FFFF;
	_ =	strace $0x9FFFFFFF  }
0xc3: {  	(tm) =	ssettm $0x7FFFFFFF  }
tec
execute0_lowered:
.L_overlay_start_1:
0x0: {  	(tag) =	ssettag $0x1  }
0x1: {  	s1 =	srdreg.scid  }
0x2: {  	s4 =	rddreg [dreg:$0x0];
	s5 =	stileid.u32;
	s1 =	sand.u32 $0x1, s1  }
0x3: {  	s5 =	sshll.u32 s5, $0xC;
	s3 =	ssub.s32 $0x2, s1;
	s1 =	sshll.u32 s1, $0xB  }
0x4: {  	s0 =	rddreg [dreg:$0x1];
	s2 =	simm.s32 $0x0;
	s5 =	sor.u32 s1, s5  }
0x5: {  	[smem:$0x7FF] =	sst s2;
	s1 =	sor.u32 $0x30000, s5  }
0x6: {  	_ =	strace $0x80000047;
	s26 =	sor.u32 $0x60000, s5;
	s7 =	sadd.s32 s4, s1  }
0x7: {  	s30 =	sor.u32 $0x90000, s5;
	s29 =	sadd.s32 s4, s26;
	[dreg:$0x3] =	wrdreg s7  }
0x8: {  	s31 =	sor.u32 $0xC0000, s5;
	s8 =	sadd.s32 s4, s30;
	[dreg:$0x4] =	wrdreg s29  }
0x9: {  	s9 =	sor.u32 $0xF0000, s5;
	s10 =	sadd.s32 s4, s31;
	[dreg:$0x5] =	wrdreg s8  }
0xa: {  	s6 =	sshrl.u32 s3, $0x1;
	s11 =	sadd.s32 s4, s9;
	[dreg:$0x6] =	wrdreg s10  }
0xb: {  	s13 =	sor.u32 $0x150000, s5;
	s1 =	sadd.s32 s0, s1;
	[dreg:$0x7] =	wrdreg s11  }
0xc: {  	s3 =	ssub.s32 s3, s6;
	s14 =	sadd.s32 s4, s13;
	[dreg:$0x9] =	wrdreg s1  }
0xd: {  	s15 =	sor.u32 $0x180000, s5;
	s6 =	sadd.s32 s0, s26;
	[dreg:$0xa] =	wrdreg s14  }
0xe: {  	s17 =	sor.u32 $0x1B0000, s5;
	s16 =	sadd.s32 s4, s15;
	[dreg:$0xb] =	wrdreg s6  }
0xf: {  	s18 =	sadd.s32 s4, s17;
	[dreg:$0xc] =	wrdreg s16  }
0x10: {  	s12 =	sor.u32 $0x120000, s5;
	s9 =	sadd.s32 s0, s9;
	[dreg:$0xe] =	wrdreg s18  }
0x11: {  	s20 =	sadd.s32 s0, s12;
	[dreg:$0x10] =	wrdreg s9  }
0x12: {  	s21 =	sadd.s32 s0, s15;
	[dreg:$0x11] =	wrdreg s20  }
0x13: {  	s19 =	sor.u32 $0x1E0000, s5;
	s22 =	sadd.s32 s0, s17;
	[dreg:$0x13] =	wrdreg s21  }
0x14: {  	s23 =	sadd.s32 s4, s19;
	[dreg:$0x14] =	wrdreg s22  }
0x15: {  	s24 =	sadd.s32 s0, s19;
	[dreg:$0x15] =	wrdreg s23  }
0x16: {  	s11 =	sadd.s32 s4, s12;
	[dreg:$0x16] =	wrdreg s24  }
0x17: {  	s7 =	sadd.s32 s0, s30;
	[dreg:$0x8] =	wrdreg s11  }
0x18: {  	s8 =	sadd.s32 s0, s31;
	[dreg:$0xd] =	wrdreg s7  }
0x19: {  	s25 =	sor.u32 $0x210000, s5;
	s1 =	sadd.s32 s0, s13;
	[dreg:$0xf] =	wrdreg s8  }
0x1a: {  	s26 =	sor.u32 $0x240000, s5;
	s29 =	sadd.s32 s4, s25;
	[dreg:$0x12] =	wrdreg s1  }
0x1b: {  	s30 =	sadd.s32 s4, s26;
	[dreg:$0x17] =	wrdreg s29  }
0x1c: {  	s17 =	sor.u32 $0x10000, s5;
	s31 =	sadd.s32 s0, s26;
	[dreg:$0x19] =	wrdreg s30  }
0x1d: {  	s19 =	sadd.s32 s4, s17;
	[dreg:$0x1a] =	wrdreg s31  }
0x1e: {  	s6 =	sor.u32 $0x270000, s5;
	s1 =	sadd.s32 s0, s25;
	[smem:$0x7A8] =	sst s19  }
0x1f: {  	s12 =	sor.u32 $0x2D0000, s5;
	s9 =	sadd.s32 s4, s6;
	[dreg:$0x18] =	wrdreg s1  }
0x20: {  	s13 =	sor.u32 $0x300000, s5;
	s14 =	sadd.s32 s4, s12;
	[dreg:$0x1b] =	wrdreg s9  }
0x21: {  	s15 =	sadd.s32 s4, s13;
	[dreg:$0x1f] =	wrdreg s14  }
0x22: {  	s18 =	sor.u32 $0x40000, s5;
	s16 =	sadd.s32 s0, s13;
	[smem:$0x7A6] =	sst s15  }
0x23: {  	s20 =	sadd.s32 s4, s18;
	[smem:$0x7A7] =	sst s16  }
0x24: {  	s22 =	sor.u32 $0x70000, s5;
	s21 =	sadd.s32 s0, s18;
	[smem:$0x7AA] =	sst s20  }
0x25: {  	s23 =	sor.u32 $0xA0000, s5;
	s24 =	sadd.s32 s4, s22;
	[smem:$0x7AB] =	sst s21  }
0x26: {  	s25 =	sadd.s32 s4, s23;
	[smem:$0x7AC] =	sst s24  }
0x27: {  	s26 =	sadd.s32 s0, s23;
	[smem:$0x7AE] =	sst s25  }
0x28: {  	s8 =	sor.u32 $0x2A0000, s5;
	s1 =	sadd.s32 s0, s6;
	[smem:$0x7AF] =	sst s26  }
0x29: {  	s10 =	sadd.s32 s4, s8;
	[dreg:$0x1c] =	wrdreg s1  }
0x2a: {  	s29 =	sor.u32 $0xD0000, s5;
	s11 =	sadd.s32 s0, s8;
	[dreg:$0x1d] =	wrdreg s10  }
0x2b: {  	s30 =	sor.u32 $0x100000, s5;
	s31 =	sadd.s32 s4, s29;
	[dreg:$0x1e] =	wrdreg s11  }
0x2c: {  	s8 =	sadd.s32 s4, s30;
	[smem:$0x7B0] =	sst s31  }
0x2d: {  	s9 =	sadd.s32 s0, s30;
	[smem:$0x7B2] =	sst s8  }
0x2e: {  	s16 =	sor.u32 $0x1C0000, s5;
	s1 =	sadd.s32 s0, s12;
	[smem:$0x7B3] =	sst s9  }
0x2f: {  	s18 =	sadd.s32 s4, s16;
	[smem:$0x7A5] =	sst s1  }
0x30: {  	s21 =	sor.u32 $0x220000, s5;
	s19 =	sadd.s32 s0, s16;
	[smem:$0x7BA] =	sst s18  }
0x31: {  	s23 =	sadd.s32 s4, s21;
	[smem:$0x7BB] =	sst s19  }
0x32: {  	s26 =	sor.u32 $0x280000, s5;
	s24 =	sadd.s32 s0, s21;
	[smem:$0x7BE] =	sst s23  }
0x33: {  	s30 =	sadd.s32 s4, s26;
	[smem:$0x7BF] =	sst s24  }
0x34: {  	s6 =	sor.u32 $0x2B0000, s5;
	s31 =	sadd.s32 s0, s26;
	[smem:$0x7C2] =	sst s30  }
0x35: {  	s9 =	sadd.s32 s4, s6;
	[smem:$0x7C3] =	sst s31  }
0x36: {  	s10 =	sor.u32 $0x130000, s5;
	s1 =	sadd.s32 s0, s17;
	[smem:$0x7C4] =	sst s9  }
0x37: {  	s11 =	sor.u32 $0x160000, s5;
	s12 =	sadd.s32 s4, s10;
	[smem:$0x7A9] =	sst s1  }
0x38: {  	s13 =	sadd.s32 s4, s11;
	[smem:$0x7B4] =	sst s12  }
0x39: {  	s15 =	sor.u32 $0x190000, s5;
	s14 =	sadd.s32 s0, s11;
	[smem:$0x7B6] =	sst s13  }
0x3a: {  	s8 =	sor.u32 $0x2E0000, s5;
	s17 =	sadd.s32 s4, s15;
	[smem:$0x7B7] =	sst s14  }
0x3b: {  	s11 =	sadd.s32 s0, s8;
	[smem:$0x7B8] =	sst s17  }
0x3c: {  	s20 =	sor.u32 $0x1F0000, s5;
	s1 =	sadd.s32 s0, s22;
	[smem:$0x7C7] =	sst s11  }
0x3d: {  	s18 =	sor.u32 $0x80000, s5;
	s22 =	sadd.s32 s4, s20;
	[smem:$0x7AD] =	sst s1  }
0x3e: {  	s23 =	sor.u32 $0xE0000, s5;
	s21 =	sadd.s32 s0, s18;
	[smem:$0x7BC] =	sst s22  }
0x3f: {  	s30 =	sor.u32 $0x140000, s5;
	s26 =	sadd.s32 s0, s23;
	[smem:$0x7CF] =	sst s21  }
0x40: {  	s9 =	sor.u32 $0x170000, s5;
	s7 =	sadd.s32 s4, s30;
	[smem:$0x7D3] =	sst s26  }
0x41: {  	s11 =	sadd.s32 s4, s9;
	[smem:$0x7D6] =	sst s7  }
0x42: {  	s25 =	sor.u32 $0x250000, s5;
	s1 =	sadd.s32 s0, s29;
	[smem:$0x7D8] =	sst s11  }
0x43: {  	s12 =	sor.u32 $0x310000, s5;
	s29 =	sadd.s32 s4, s25;
	[smem:$0x7B1] =	sst s1  }
0x44: {  	s13 =	sor.u32 $0x20000, s5;
	s14 =	sadd.s32 s4, s12;
	[smem:$0x7C0] =	sst s29  }
0x45: {  	s17 =	sor.u32 $0x50000, s5;
	s16 =	sadd.s32 s0, s13;
	[smem:$0x7C8] =	sst s14  }
0x46: {  	s19 =	sadd.s32 s4, s17;
	[smem:$0x7CB] =	sst s16  }
0x47: {  	s1 =	sadd.s32 s0, s10;
	[smem:$0x7CC] =	sst s19  }
0x48: {  	s22 =	sor.u32 $0xB0000, s5;
	s10 =	sadd.s32 s4, s8;
	[smem:$0x7B5] =	sst s1  }
0x49: {  	s24 =	sadd.s32 s4, s22;
	[smem:$0x7C6] =	sst s10  }
0x4a: {  	s8 =	sadd.s32 s0, s30;
	[smem:$0x7D0] =	sst s24  }
0x4b: {  	s21 =	sor.u32 $0x260000, s5;
	s19 =	sadd.s32 s4, s5;
	[smem:$0x7D7] =	sst s8  }
0x4c: {  	s26 =	sadd.s32 s4, s21;
	[smem:$0x7E0] =	sst s19  }
0x4d: {  	s7 =	sadd.s32 s0, s21;
	[smem:$0x7E2] =	sst s26  }
0x4e: {  	s1 =	sadd.s32 s0, s15;
	[smem:$0x7E8] =	sst s7  }
0x4f: {  	s29 =	sor.u32 $0x110000, s5;
	s15 =	sadd.s32 s4, s13;
	[smem:$0x7B9] =	sst s1  }
0x50: {  	s14 =	sor.u32 $0x1D0000, s5;
	s31 =	sadd.s32 s4, s29;
	[smem:$0x7CA] =	sst s15  }
0x51: {  	s16 =	sadd.s32 s4, s14;
	[smem:$0x7D4] =	sst s31  }
0x52: {  	s1 =	sadd.s32 s0, s20;
	[smem:$0x7DC] =	sst s16  }
0x53: {  	s10 =	sor.u32 $0x1A0000, s5;
	s20 =	sadd.s32 s4, s18;
	[smem:$0x7BD] =	sst s1  }
0x54: {  	s24 =	sor.u32 $0x2F0000, s5;
	s13 =	sadd.s32 s0, s10;
	[smem:$0x7CE] =	sst s20  }
0x55: {  	s31 =	sadd.s32 s4, s24;
	[smem:$0x7DB] =	sst s13  }
0x56: {  	s1 =	sadd.s32 s0, s25;
	[smem:$0x7E5] =	sst s31  }
0x57: {  	s15 =	sor.u32 $0x200000, s5;
	s25 =	sadd.s32 s4, s23;
	[smem:$0x7C1] =	sst s1  }
0x58: {  	s18 =	sadd.s32 s0, s15;
	[smem:$0x7D2] =	sst s25  }
0x59: {  	s20 =	sor.u32 $0x230000, s5;
	s1 =	sadd.s32 s0, s6;
	[smem:$0x7DF] =	sst s18  }
0x5a: {  	s23 =	sor.u32 $0x2C0000, s5;
	s25 =	sadd.s32 s4, s20;
	[smem:$0x7C5] =	sst s1  }
0x5b: {  	s30 =	sadd.s32 s4, s23;
	[smem:$0x7E1] =	sst s25  }
0x5c: {  	s6 =	sadd.s32 s0, s20;
	[smem:$0x7E4] =	sst s30  }
0x5d: {  	s20 =	sadd.s32 s0, s24;
	[smem:$0x7E7] =	sst s6  }
0x5e: {  	s1 =	sadd.s32 s0, s12;
	[smem:$0x7F3] =	sst s20  }
0x5f: {  	s12 =	sadd.s32 s4, s10;
	[smem:$0x7C9] =	sst s1  }
0x60: {  	s30 =	smax.u32 s3, $0x1;
	[smem:$0x7DA] =	sst s12  }
0x61: {  	s1 =	sadd.s32 s0, s17;
	[smem:$0x7FC] =	sst s30  }
0x62: {  	s17 =	sadd.s32 s4, s15;
	[smem:$0x7CD] =	sst s1  }
0x63: {  	s1 =	sadd.s32 s0, s22;
	[smem:$0x7DE] =	sst s17  }
0x64: {  	s22 =	sor.u32 $0x290000, s5;
	[smem:$0x7D1] =	sst s1;
	s1 =	sadd.s32 s0, s29  }
0x65: {  	s29 =	sadd.s32 s4, s22;
	[smem:$0x7D5] =	sst s1  }
0x66: {  	s8 =	sadd.s32 s0, s22;
	[smem:$0x7E3] =	sst s29  }
0x67: {  	s1 =	sadd.s32 s0, s9;
	[smem:$0x7E9] =	sst s8  }
0x68: {  	[smem:$0x7D9] =	sst s1;
	s1 =	sadd.s32 s0, s14;
	s14 =	sadd.s32 s0, s23  }
0x69: {  	[smem:$0x7DD] =	sst s1;
	s1 =	sadd.s32 s0, s5;
	s5 =	sor.u32 $0x320000, s5  }
0x6a: {  	[smem:$0x7ED] =	sst s14;
	s4 =	sadd.s32 s4, s5  }
0x6b: {  	s11 =	sadd.s32 $0x90400, s1;
	[smem:$0x7E6] =	sst s4  }
0x6c: {  	s12 =	sadd.s32 $0xC0400, s1;
	[smem:$0x7EA] =	sst s11  }
0x6d: {  	s13 =	sadd.s32 $0x1B0400, s1;
	[smem:$0x7EB] =	sst s12  }
0x6e: {  	s15 =	sadd.s32 $0x1E0400, s1;
	[smem:$0x7EC] =	sst s13  }
0x6f: {  	s16 =	sadd.s32 $0x2D0400, s1;
	[smem:$0x7EE] =	sst s15  }
0x70: {  	s17 =	sadd.s32 $0x300400, s1;
	[smem:$0x7EF] =	sst s16  }
0x71: {  	s18 =	sadd.s32 $0xA0400, s1;
	[smem:$0x7F0] =	sst s17  }
0x72: {  	s19 =	sadd.s32 $0xD0400, s1;
	[smem:$0x7F1] =	sst s18  }
0x73: {  	s21 =	sadd.s32 $0x1C0400, s1;
	[smem:$0x7F2] =	sst s19  }
0x74: {  	s28 =	simm.s32 $0x0;
	s22 =	sadd.s32 $0x1F0400, s1;
	[smem:$0x7F4] =	sst s21  }
0x75: {  	s7 =	simm.s32 $0xC000;
	s0 =	sadd.s32 s0, s5;
	[smem:$0x7F5] =	sst s22  }
0x76: {  	s6 =	simm.s32 $0x8000;
	s23 =	sadd.s32 $0x2E0400, s1;
	[smem:$0x7F6] =	sst s0  }
0x77: {  	s10 =	simm.s32 $0x1;
	s24 =	sadd.s32 $0x310400, s1;
	[smem:$0x7F7] =	sst s23  }
0x78: {  	s20 =	simm.s32 $0x6;
	s25 =	sadd.s32 $0xB0400, s1;
	[smem:$0x7F8] =	sst s24  }
0x79: {  	s8 =	simm.s32 $0x10000;
	s26 =	sadd.s32 $0xE0400, s1;
	[smem:$0x7F9] =	sst s25  }
0x7a: {  	s9 =	simm.s32 $0x14000;
	s29 =	sadd.s32 $0x1D0400, s1;
	[smem:$0x7FA] =	sst s26  }
0x7b: {  	s14 =	simm.s32 $0x8;
	s31 =	sadd.s32 $0x200400, s1;
	[smem:$0x7FB] =	sst s29  }
0x7c: {  	s3 =	sadd.s32 $0x2F0400, s1;
	s5 =	simm.s32 $0x4000;
	[smem:$0x7FD] =	sst s31  }
0x7d: {  	s4 =	sadd.s32 $0x320400, s1;
	s11 =	simm.s32 $0x2;
	s12 =	simm.s32 $0x18000  }
0x7e: {  	s13 =	simm.s32 $0x4;
	s15 =	simm.s32 $0x3;
	s16 =	simm.s32 $0x5  }
0x7f: {  	s17 =	simm.s32 $0x9;
	s18 =	simm.s32 $0x1C000;
	s19 =	simm.s32 $0xA  }
0x80: {  	s21 =	simm.s32 $0x7;
	s22 =	simm.s32 $0xD;
	s23 =	simm.s32 $0xE  }
0x81: {  	v0 =	vimm.f32 $0.0e+00;
	s24 =	simm.s32 $0xC;
	s25 =	simm.s32 $0xB;
	s26 =	simm.s32 $0xF  }
.LBB2_1:
0x82: {  	s0 =	simm.s32 $0x1C040  }
0x83: {  	[tilespmem:s0+$0xFFFFFFC0] =	vst v0  }
0x84: {  	[tilespmem:s0+$0x30] =	vst v0  }
0x85: {  	[tilespmem:s0+$0x20] =	vst v0  }
0x86: {  	[tilespmem:s0+$0x10] =	vst v0  }
0x87: {  	[tilespmem:s0+$0x0] =	vst v0  }
0x88: {  	[tilespmem:s0+$0xFFFFFFF0] =	vst v0  }
0x89: {  	s29 =	simm.s32 $0x0;
	[tilespmem:s0+$0xFFFFFFE0] =	vst v0  }
.LBB2_2:
0x8a: {  	s29 =	sadd.s32 $0x8, s29;
	[tilespmem:s0+$0xFFFFFFD0] =	vst v0;
	s0 =	sadd.s32 $0x80, s0  }
0x8b: {  	[tilespmem:s0+$0xFFFFFFC0] =	vst v0;
	p0 =	slt.u32 s29, $0x1F8  }
0x8c: {  	[tilespmem:s0+$0x30] =	vst v0  }
.Ltmp0:
0x8d: {  	[tilespmem:s0+$0x20] =	vst v0;
	(pc) =	sbr.rel @p0 .LBB2_2-.Ltmp0, $4  }
0x8e: {  	[tilespmem:s0+$0x10] =	vst v0  }
0x8f: {  	[tilespmem:s0+$0x0] =	vst v0  }
0x90: {  	[tilespmem:s0+$0xFFFFFFF0] =	vst v0  }
0x91: {  	[tilespmem:s0+$0xFFFFFFE0] =	vst v0  }
0x92: {  	[tilespmem:s0+$0xFFFFFFD0] =	vst v0  }
0x93: {  	s0 =	sld [smem:$0x7E0];
	_ =	sdelay $0x2  }
0x94: {  	[tilespmem:s2], [sflag:$0x1] =	stream.linear.gather [hbm4b:s0+s2], $0x4000, $0x38;
	[tilespmem:$0x1E000] =	vst v63  }
0x95: {  	s0 =	rddreg [dreg:$0x3]  }
0x96: {  	[tilespmem:s5], [sflag:$0x2] =	stream.linear.gather [hbm4b:s0+s2], $0x4000, $0x38;
	[tilespmem:$0x1E000] =	vst v63  }
0x97: {  	s0 =	rddreg [dreg:$0x4]  }
0x98: {  	[tilespmem:s6], [sflag:$0x3] =	stream.linear.gather [hbm4b:s0+s2], $0x4000, $0x38;
	[tilespmem:$0x1E000] =	vst v63  }
0x99: {  	s0 =	rddreg [dreg:$0x5]  }
0x9a: {  	[tilespmem:s7], [sflag:$0x4] =	stream.linear.gather [hbm4b:s0+s2], $0x4000, $0x38;
	[tilespmem:$0x1E000] =	vst v63  }
0x9b: {  	s0 =	rddreg [dreg:$0x6]  }
0x9c: {  	[tilespmem:s8], [sflag:$0x5] =	stream.linear.gather [hbm4b:s0+s2], $0x4000, $0x38;
	[tilespmem:$0x1E000] =	vst v63  }
0x9d: {  	s0 =	rddreg [dreg:$0x7]  }
0x9e: {  	[tilespmem:s9], [sflag:$0x6] =	stream.linear.gather [hbm4b:s0+s2], $0x4000, $0x38;
	[tilespmem:$0x1E000] =	vst v63  }
0x9f: {  	_ =	swait.ge [sflag:s10], $0x4000  }
0xa0: {  	[sflag:s10] =	ssyncset.done $0x0  }
0xa1: {  	[sflag:s10] =	ssyncadd.s32 $0xFFFFC000  }
0xa2: {  	_ =	swait.ge [sflag:s11], $0x4000  }
0xa3: {  	[sflag:s11] =	ssyncset.done $0x0  }
0xa4: {  	s29 =	simm.s32 $0x40;
	[sflag:s11] =	ssyncadd.s32 $0xFFFFC000  }
0xa5: {  	s30 =	simm.s32 $0x4040;
	v2 =	vld [tilespmem:s29+$0x30]  }
0xa6: {  	v3 =	vld [tilespmem:s30+$0x30]  }
0xa7: {  	v1 =	vld [tilespmem:s30+$0xFFFFFFC0]  }
0xa8: {  	v4 =	vld [tilespmem:s29+$0xFFFFFFD0]  }
0xa9: {  	v5 =	vld [tilespmem:s30+$0xFFFFFFD0]  }
0xaa: {  	v6 =	vld [tilespmem:s29+$0xFFFFFFE0]  }
0xab: {  	v7 =	vld [tilespmem:s30+$0xFFFFFFE0]  }
0xac: {  	v8 =	vld [tilespmem:s29+$0xFFFFFFF0]  }
0xad: {  	v9 =	vld [tilespmem:s30+$0xFFFFFFF0]  }
0xae: {  	v10 =	vld [tilespmem:s29+$0x0]  }
0xaf: {  	v11 =	vld [tilespmem:s30+$0x0];
	v3 =	vsub.f32 v2, v3  }
0xb0: {  	v5 =	vsub.f32 v4, v5;
	v2 =	vld [tilespmem:s29+$0x10]  }
0xb1: {  	v6 =	vsub.f32 v6, v7;
	v4 =	vld [tilespmem:s30+$0x10];
	[tilespmem:s29+$0x30] =	vst v3  }
0xb2: {  	v7 =	vsub.f32 v8, v9;
	[tilespmem:s29+$0xFFFFFFD0] =	vst v5;
	v3 =	vld [tilespmem:s29+$0x20]  }
0xb3: {  	[tilespmem:s29+$0xFFFFFFE0] =	vst v6;
	v6 =	vld [tilespmem:s30+$0x20]  }
0xb4: {  	s31 =	simm.s32 $0x0;
	s0 =	simm.s32 $0xC0;
	v5 =	vld [tilespmem:s29+$0xFFFFFFC0];
	[tilespmem:s29+$0xFFFFFFF0] =	vst v7;
	v7 =	vsub.f32 v10, v11  }
.LBB2_4:
0xb5: {  	v8 =	vld [tilespmem:s0+$0x30];
	s30 =	sadd.s32 $0x80, s30  }
0xb6: {  	s31 =	sadd.s32 $0x8, s31;
	v9 =	vld [tilespmem:s30+$0x30];
	[tilespmem:s29+$0x0] =	vst v7;
	v2 =	vsub.f32 v2, v4  }
0xb7: {  	p0 =	slt.u32 s31, $0x3F8;
	v4 =	vld [tilespmem:s30+$0xFFFFFFC0]  }
0xb8: {  	v7 =	vld [tilespmem:s0+$0xFFFFFFD0];
	[tilespmem:s29+$0x10] =	vst v2;
	v2 =	vsub.f32 v3, v6  }
0xb9: {  	v3 =	vld [tilespmem:s30+$0xFFFFFFD0];
	v10 =	vsub.f32 v5, v1  }
0xba: {  	v5 =	vld [tilespmem:s0+$0xFFFFFFE0];
	[tilespmem:s29+$0x20] =	vst v2  }
0xbb: {  	v2 =	vld [tilespmem:s30+$0xFFFFFFE0];
	v6 =	vsub.f32 v8, v9;
	[tilespmem:s29+$0xFFFFFFC0] =	vst v10;
	s29 =	smov.u32 s0  }
0xbc: {  	v8 =	vld [tilespmem:s0+$0xFFFFFFF0];
	v1 =	vmov v4  }
0xbd: {  	v9 =	vld [tilespmem:s30+$0xFFFFFFF0];
	[tilespmem:s0+$0x30] =	vst v6  }
0xbe: {  	v3 =	vsub.f32 v7, v3;
	v7 =	vld [tilespmem:s0+$0x0]  }
0xbf: {  	v10 =	vld [tilespmem:s30+$0x0]  }
.Ltmp1:
0xc0: {  	[tilespmem:s0+$0xFFFFFFD0] =	vst v3;
	v3 =	vsub.f32 v5, v2;
	v2 =	vld [tilespmem:s0+$0x10];
	(pc) =	sbr.rel @p0 .LBB2_4-.Ltmp1, $4  }
0xc1: {  	v4 =	vld [tilespmem:s30+$0x10]  }
0xc2: {  	[tilespmem:s0+$0xFFFFFFE0] =	vst v3;
	v8 =	vsub.f32 v8, v9;
	v3 =	vld [tilespmem:s0+$0x20]  }
0xc3: {  	v6 =	vld [tilespmem:s30+$0x20]  }
0xc4: {  	s0 =	sadd.s32 $0x80, s0;
	v5 =	vld [tilespmem:s29+$0xFFFFFFC0];
	[tilespmem:s29+$0xFFFFFFF0] =	vst v8;
	v7 =	vsub.f32 v7, v10  }
0xc5: {  	_ =	sdelay $0x1  }
0xc6: {  	v2 =	vsub.f32 v2, v4  }
0xc7: {  	[tilespmem:s29+$0x0] =	vst v7;
	v3 =	vsub.f32 v3, v6  }
0xc8: {  	[tilespmem:s29+$0x10] =	vst v2;
	v1 =	vsub.f32 v5, v1  }
0xc9: {  	[tilespmem:s29+$0x20] =	vst v3  }
0xca: {  	[tilespmem:s29+$0xFFFFFFC0] =	vst v1  }
0xcb: {  	[hbm4b:s1+s2] =	stream.linear.scatter [tilespmem:s2], [sflag:$0x8], $0x4000, $0x38;
	[tilespmem:$0x1E000] =	vst v63  }
0xcc: {  	s0 =	rddreg [dreg:$0x8]  }
0xcd: {  	[tilespmem:s12], [sflag:$0x7] =	stream.linear.gather [hbm4b:s0+s2], $0x4000, $0x38;
	[tilespmem:$0x1E000] =	vst v63  }
0xce: {  	_ =	swait.ge [sflag:s13], $0x4000  }
0xcf: {  	[sflag:s13] =	ssyncset.done $0x0  }
0xd0: {  	s29 =	simm.s32 $0x4040;
	[sflag:s13] =	ssyncadd.s32 $0xFFFFC000  }
0xd1: {  	s30 =	simm.s32 $0xC040;
	v2 =	vld [tilespmem:s29+$0x30]  }
0xd2: {  	v3 =	vld [tilespmem:s30+$0x30]  }
0xd3: {  	v1 =	vld [tilespmem:s30+$0xFFFFFFC0]  }
0xd4: {  	v4 =	vld [tilespmem:s29+$0xFFFFFFD0]  }
0xd5: {  	v5 =	vld [tilespmem:s30+$0xFFFFFFD0]  }
0xd6: {  	v6 =	vld [tilespmem:s29+$0xFFFFFFE0]  }
0xd7: {  	v7 =	vld [tilespmem:s30+$0xFFFFFFE0]  }
0xd8: {  	v8 =	vld [tilespmem:s29+$0xFFFFFFF0]  }
0xd9: {  	v9 =	vld [tilespmem:s30+$0xFFFFFFF0]  }
0xda: {  	v10 =	vld [tilespmem:s29+$0x0]  }
0xdb: {  	v11 =	vld [tilespmem:s30+$0x0];
	v3 =	vsub.f32 v2, v3  }
0xdc: {  	v5 =	vsub.f32 v4, v5;
	v2 =	vld [tilespmem:s29+$0x10]  }
0xdd: {  	v6 =	vsub.f32 v6, v7;
	v4 =	vld [tilespmem:s30+$0x10];
	[tilespmem:s29+$0x30] =	vst v3  }
0xde: {  	v7 =	vsub.f32 v8, v9;
	[tilespmem:s29+$0xFFFFFFD0] =	vst v5;
	v3 =	vld [tilespmem:s29+$0x20]  }
0xdf: {  	[tilespmem:s29+$0xFFFFFFE0] =	vst v6;
	v6 =	vld [tilespmem:s30+$0x20]  }
0xe0: {  	s31 =	simm.s32 $0x0;
	s0 =	simm.s32 $0x40C0;
	v5 =	vld [tilespmem:s29+$0xFFFFFFC0];
	[tilespmem:s29+$0xFFFFFFF0] =	vst v7;
	v7 =	vsub.f32 v10, v11  }
.LBB2_6:
0xe1: {  	v8 =	vld [tilespmem:s0+$0x30];
	s30 =	sadd.s32 $0x80, s30  }
0xe2: {  	s31 =	sadd.s32 $0x8, s31;
	v9 =	vld [tilespmem:s30+$0x30];
	[tilespmem:s29+$0x0] =	vst v7;
	v2 =	vsub.f32 v2, v4  }
0xe3: {  	p0 =	slt.u32 s31, $0x3F8;
	v4 =	vld [tilespmem:s30+$0xFFFFFFC0]  }
0xe4: {  	v7 =	vld [tilespmem:s0+$0xFFFFFFD0];
	[tilespmem:s29+$0x10] =	vst v2;
	v2 =	vsub.f32 v3, v6  }
0xe5: {  	v3 =	vld [tilespmem:s30+$0xFFFFFFD0];
	v10 =	vsub.f32 v5, v1  }
0xe6: {  	v5 =	vld [tilespmem:s0+$0xFFFFFFE0];
	[tilespmem:s29+$0x20] =	vst v2  }
0xe7: {  	v2 =	vld [tilespmem:s30+$0xFFFFFFE0];
	v6 =	vsub.f32 v8, v9;
	[tilespmem:s29+$0xFFFFFFC0] =	vst v10;
	s29 =	smov.u32 s0  }
0xe8: {  	v8 =	vld [tilespmem:s0+$0xFFFFFFF0];
	v1 =	vmov v4  }
0xe9: {  	v9 =	vld [tilespmem:s30+$0xFFFFFFF0];
	[tilespmem:s0+$0x30] =	vst v6  }
0xea: {  	v3 =	vsub.f32 v7, v3;
	v7 =	vld [tilespmem:s0+$0x0]  }
0xeb: {  	v10 =	vld [tilespmem:s30+$0x0]  }
.Ltmp2:
0xec: {  	[tilespmem:s0+$0xFFFFFFD0] =	vst v3;
	v3 =	vsub.f32 v5, v2;
	v2 =	vld [tilespmem:s0+$0x10];
	(pc) =	sbr.rel @p0 .LBB2_6-.Ltmp2, $4  }
0xed: {  	v4 =	vld [tilespmem:s30+$0x10]  }
0xee: {  	[tilespmem:s0+$0xFFFFFFE0] =	vst v3;
	v8 =	vsub.f32 v8, v9;
	v3 =	vld [tilespmem:s0+$0x20]  }
0xef: {  	v6 =	vld [tilespmem:s30+$0x20]  }
0xf0: {  	s0 =	sadd.s32 $0x80, s0;
	v5 =	vld [tilespmem:s29+$0xFFFFFFC0];
	[tilespmem:s29+$0xFFFFFFF0] =	vst v8;
	v7 =	vsub.f32 v7, v10  }
0xf1: {  	_ =	sdelay $0x1  }
0xf2: {  	v2 =	vsub.f32 v2, v4  }
0xf3: {  	[tilespmem:s29+$0x0] =	vst v7;
	v3 =	vsub.f32 v3, v6  }
0xf4: {  	[tilespmem:s29+$0x10] =	vst v2;
	v1 =	vsub.f32 v5, v1  }
0xf5: {  	[tilespmem:s29+$0x20] =	vst v3  }
0xf6: {  	[tilespmem:s29+$0xFFFFFFC0] =	vst v1  }
0xf7: {  	s0 =	rddreg [dreg:$0x9]  }
0xf8: {  	[hbm4b:s0+s2] =	stream.linear.scatter [tilespmem:s5], [sflag:$0x9], $0x4000, $0x38;
	[tilespmem:$0x1E000] =	vst v63  }
0xf9: {  	_ =	swait.ge [sflag:s14], $0x4000  }
0xfa: {  	[sflag:s14] =	ssyncset.done $0x0  }
0xfb: {  	s0 =	rddreg [dreg:$0xa];
	[sflag:s14] =	ssyncadd.s32 $0xFFFFC000  }
0xfc: {  	[tilespmem:s2], [sflag:$0x1] =	stream.linear.gather [hbm4b:s0+s2], $0x4000, $0x38;
	[tilespmem:$0x1E000] =	vst v63  }
0xfd: {  	_ =	swait.ge [sflag:s15], $0x4000  }
0xfe: {  	[sflag:s15] =	ssyncset.done $0x0  }
0xff: {  	[sflag:s15] =	ssyncadd.s32 $0xFFFFC000  }
0x100: {  	_ =	swait.ge [sflag:s16], $0x4000  }
0x101: {  	[sflag:s16] =	ssyncset.done $0x0  }
0x102: {  	s29 =	simm.s32 $0x8040;
	[sflag:s16] =	ssyncadd.s32 $0xFFFFC000  }
0x103: {  	s30 =	simm.s32 $0x10040;
	v2 =	vld [tilespmem:s29+$0x30]  }
0x104: {  	v3 =	vld [tilespmem:s30+$0x30]  }
0x105: {  	v1 =	vld [tilespmem:s30+$0xFFFFFFC0]  }
0x106: {  	v4 =	vld [tilespmem:s29+$0xFFFFFFD0]  }
0x107: {  	v5 =	vld [tilespmem:s30+$0xFFFFFFD0]  }
0x108: {  	v6 =	vld [tilespmem:s29+$0xFFFFFFE0]  }
0x109: {  	v7 =	vld [tilespmem:s30+$0xFFFFFFE0]  }
0x10a: {  	v8 =	vld [tilespmem:s29+$0xFFFFFFF0]  }
0x10b: {  	v9 =	vld [tilespmem:s30+$0xFFFFFFF0]  }
0x10c: {  	v10 =	vld [tilespmem:s29+$0x0]  }
0x10d: {  	v11 =	vld [tilespmem:s30+$0x0];
	v3 =	vsub.f32 v2, v3  }
0x10e: {  	v5 =	vsub.f32 v4, v5;
	v2 =	vld [tilespmem:s29+$0x10]  }
0x10f: {  	v6 =	vsub.f32 v6, v7;
	v4 =	vld [tilespmem:s30+$0x10];
	[tilespmem:s29+$0x30] =	vst v3  }
0x110: {  	v7 =	vsub.f32 v8, v9;
	[tilespmem:s29+$0xFFFFFFD0] =	vst v5;
	v3 =	vld [tilespmem:s29+$0x20]  }
0x111: {  	[tilespmem:s29+$0xFFFFFFE0] =	vst v6;
	v6 =	vld [tilespmem:s30+$0x20]  }
0x112: {  	s31 =	simm.s32 $0x0;
	s0 =	simm.s32 $0x80C0;
	v5 =	vld [tilespmem:s29+$0xFFFFFFC0];
	[tilespmem:s29+$0xFFFFFFF0] =	vst v7;
	v7 =	vsub.f32 v10, v11  }
.LBB2_8:
0x113: {  	v8 =	vld [tilespmem:s0+$0x30];
	s30 =	sadd.s32 $0x80, s30  }
0x114: {  	s31 =	sadd.s32 $0x8, s31;
	v9 =	vld [tilespmem:s30+$0x30];
	[tilespmem:s29+$0x0] =	vst v7;
	v2 =	vsub.f32 v2, v4  }
0x115: {  	p0 =	slt.u32 s31, $0x3F8;
	v4 =	vld [tilespmem:s30+$0xFFFFFFC0]  }
0x116: {  	v7 =	vld [tilespmem:s0+$0xFFFFFFD0];
	[tilespmem:s29+$0x10] =	vst v2;
	v2 =	vsub.f32 v3, v6  }
0x117: {  	v3 =	vld [tilespmem:s30+$0xFFFFFFD0];
	v10 =	vsub.f32 v5, v1  }
0x118: {  	v5 =	vld [tilespmem:s0+$0xFFFFFFE0];
	[tilespmem:s29+$0x20] =	vst v2  }
0x119: {  	v2 =	vld [tilespmem:s30+$0xFFFFFFE0];
	v6 =	vsub.f32 v8, v9;
	[tilespmem:s29+$0xFFFFFFC0] =	vst v10;
	s29 =	smov.u32 s0  }
0x11a: {  	v8 =	vld [tilespmem:s0+$0xFFFFFFF0];
	v1 =	vmov v4  }
0x11b: {  	v9 =	vld [tilespmem:s30+$0xFFFFFFF0];
	[tilespmem:s0+$0x30] =	vst v6  }
0x11c: {  	v3 =	vsub.f32 v7, v3;
	v7 =	vld [tilespmem:s0+$0x0]  }
0x11d: {  	v10 =	vld [tilespmem:s30+$0x0]  }
.Ltmp3:
0x11e: {  	[tilespmem:s0+$0xFFFFFFD0] =	vst v3;
	v3 =	vsub.f32 v5, v2;
	v2 =	vld [tilespmem:s0+$0x10];
	(pc) =	sbr.rel @p0 .LBB2_8-.Ltmp3, $4  }
0x11f: {  	v4 =	vld [tilespmem:s30+$0x10]  }
0x120: {  	[tilespmem:s0+$0xFFFFFFE0] =	vst v3;
	v8 =	vsub.f32 v8, v9;
	v3 =	vld [tilespmem:s0+$0x20]  }
0x121: {  	v6 =	vld [tilespmem:s30+$0x20]  }
0x122: {  	s0 =	sadd.s32 $0x80, s0;
	v5 =	vld [tilespmem:s29+$0xFFFFFFC0];
	[tilespmem:s29+$0xFFFFFFF0] =	vst v8;
	v7 =	vsub.f32 v7, v10  }
0x123: {  	_ =	sdelay $0x1  }
0x124: {  	v2 =	vsub.f32 v2, v4  }
0x125: {  	[tilespmem:s29+$0x0] =	vst v7;
	v3 =	vsub.f32 v3, v6  }
0x126: {  	[tilespmem:s29+$0x10] =	vst v2;
	v1 =	vsub.f32 v5, v1  }
0x127: {  	[tilespmem:s29+$0x20] =	vst v3  }
0x128: {  	[tilespmem:s29+$0xFFFFFFC0] =	vst v1  }
0x129: {  	s0 =	rddreg [dreg:$0xb]  }
0x12a: {  	[hbm4b:s0+s2] =	stream.linear.scatter [tilespmem:s6], [sflag:$0xA], $0x4000, $0x38;
	[tilespmem:$0x1E000] =	vst v63  }
0x12b: {  	_ =	swait.ge [sflag:s17], $0x4000  }
0x12c: {  	[sflag:s17] =	ssyncset.done $0x0  }
0x12d: {  	s0 =	rddreg [dreg:$0xc];
	[sflag:s17] =	ssyncadd.s32 $0xFFFFC000  }
0x12e: {  	[tilespmem:s5], [sflag:$0x2] =	stream.linear.gather [hbm4b:s0+s2], $0x4000, $0x38;
	[tilespmem:$0x1E000] =	vst v63  }
0x12f: {  	s0 =	rddreg [dreg:$0xd]  }
0x130: {  	[hbm4b:s0+s2] =	stream.linear.scatter [tilespmem:s18], [sflag:$0xF], $0x2000, $0x38;
	[tilespmem:$0x1E000] =	vst v63  }
0x131: {  	s0 =	sld [smem:$0x7EA];
	_ =	sdelay $0x2  }
0x132: {  	[hbm4b:s0+s2] =	stream.linear.scatter [tilespmem:s18], [sflag:$0xF], $0x2000, $0x38;
	[tilespmem:$0x1E000] =	vst v63  }
0x133: {  	_ =	swait.ge [sflag:s19], $0x4000  }
0x134: {  	[sflag:s19] =	ssyncset.done $0x0  }
0x135: {  	s0 =	rddreg [dreg:$0xe];
	[sflag:s19] =	ssyncadd.s32 $0xFFFFC000  }
0x136: {  	[tilespmem:s6], [sflag:$0x3] =	stream.linear.gather [hbm4b:s0+s2], $0x4000, $0x38;
	[tilespmem:$0x1E000] =	vst v63  }
0x137: {  	s0 =	rddreg [dreg:$0xf]  }
0x138: {  	[hbm4b:s0+s2] =	stream.linear.scatter [tilespmem:s18], [sflag:$0xF], $0x2000, $0x38;
	[tilespmem:$0x1E000] =	vst v63  }
0x139: {  	s0 =	sld [smem:$0x7EB];
	_ =	sdelay $0x2  }
0x13a: {  	[hbm4b:s0+s2] =	stream.linear.scatter [tilespmem:s18], [sflag:$0xF], $0x2000, $0x38;
	[tilespmem:$0x1E000] =	vst v63  }
0x13b: {  	s0 =	rddreg [dreg:$0x15]  }
0x13c: {  	[tilespmem:s7], [sflag:$0x4] =	stream.linear.gather [hbm4b:s0+s2], $0x4000, $0x38;
	[tilespmem:$0x1E000] =	vst v63  }
0x13d: {  	_ =	swait.ge [sflag:s20], $0x4000  }
0x13e: {  	[sflag:s20] =	ssyncset.done $0x0  }
0x13f: {  	[sflag:s20] =	ssyncadd.s32 $0xFFFFC000  }
0x140: {  	_ =	swait.ge [sflag:s10], $0x4000  }
0x141: {  	[sflag:s10] =	ssyncset.done $0x0  }
0x142: {  	s29 =	simm.s32 $0x14040;
	[sflag:s10] =	ssyncadd.s32 $0xFFFFC000  }
0x143: {  	s30 =	simm.s32 $0x40;
	v2 =	vld [tilespmem:s29+$0x30]  }
0x144: {  	v3 =	vld [tilespmem:s30+$0x30]  }
0x145: {  	v1 =	vld [tilespmem:s30+$0xFFFFFFC0]  }
0x146: {  	v4 =	vld [tilespmem:s29+$0xFFFFFFD0]  }
0x147: {  	v5 =	vld [tilespmem:s30+$0xFFFFFFD0]  }
0x148: {  	v6 =	vld [tilespmem:s29+$0xFFFFFFE0]  }
0x149: {  	v7 =	vld [tilespmem:s30+$0xFFFFFFE0]  }
0x14a: {  	v8 =	vld [tilespmem:s29+$0xFFFFFFF0]  }
0x14b: {  	v9 =	vld [tilespmem:s30+$0xFFFFFFF0]  }
0x14c: {  	v10 =	vld [tilespmem:s29+$0x0]  }
0x14d: {  	v11 =	vld [tilespmem:s30+$0x0];
	v3 =	vsub.f32 v2, v3  }
0x14e: {  	v5 =	vsub.f32 v4, v5;
	v2 =	vld [tilespmem:s29+$0x10]  }
0x14f: {  	v6 =	vsub.f32 v6, v7;
	v4 =	vld [tilespmem:s30+$0x10];
	[tilespmem:s29+$0x30] =	vst v3  }
0x150: {  	v7 =	vsub.f32 v8, v9;
	[tilespmem:s29+$0xFFFFFFD0] =	vst v5;
	v3 =	vld [tilespmem:s29+$0x20]  }
0x151: {  	[tilespmem:s29+$0xFFFFFFE0] =	vst v6;
	v6 =	vld [tilespmem:s30+$0x20]  }
0x152: {  	s31 =	simm.s32 $0x0;
	s0 =	simm.s32 $0x140C0;
	v5 =	vld [tilespmem:s29+$0xFFFFFFC0];
	[tilespmem:s29+$0xFFFFFFF0] =	vst v7;
	v7 =	vsub.f32 v10, v11  }
.LBB2_10:
0x153: {  	v8 =	vld [tilespmem:s0+$0x30];
	s30 =	sadd.s32 $0x80, s30  }
0x154: {  	s31 =	sadd.s32 $0x8, s31;
	v9 =	vld [tilespmem:s30+$0x30];
	[tilespmem:s29+$0x0] =	vst v7;
	v2 =	vsub.f32 v2, v4  }
0x155: {  	p0 =	slt.u32 s31, $0x3F8;
	v4 =	vld [tilespmem:s30+$0xFFFFFFC0]  }
0x156: {  	v7 =	vld [tilespmem:s0+$0xFFFFFFD0];
	[tilespmem:s29+$0x10] =	vst v2;
	v2 =	vsub.f32 v3, v6  }
0x157: {  	v3 =	vld [tilespmem:s30+$0xFFFFFFD0];
	v10 =	vsub.f32 v5, v1  }
0x158: {  	v5 =	vld [tilespmem:s0+$0xFFFFFFE0];
	[tilespmem:s29+$0x20] =	vst v2  }
0x159: {  	v2 =	vld [tilespmem:s30+$0xFFFFFFE0];
	v6 =	vsub.f32 v8, v9;
	[tilespmem:s29+$0xFFFFFFC0] =	vst v10;
	s29 =	smov.u32 s0  }
0x15a: {  	v8 =	vld [tilespmem:s0+$0xFFFFFFF0];
	v1 =	vmov v4  }
0x15b: {  	v9 =	vld [tilespmem:s30+$0xFFFFFFF0];
	[tilespmem:s0+$0x30] =	vst v6  }
0x15c: {  	v3 =	vsub.f32 v7, v3;
	v7 =	vld [tilespmem:s0+$0x0]  }
0x15d: {  	v10 =	vld [tilespmem:s30+$0x0]  }
.Ltmp4:
0x15e: {  	[tilespmem:s0+$0xFFFFFFD0] =	vst v3;
	v3 =	vsub.f32 v5, v2;
	v2 =	vld [tilespmem:s0+$0x10];
	(pc) =	sbr.rel @p0 .LBB2_10-.Ltmp4, $4  }
0x15f: {  	v4 =	vld [tilespmem:s30+$0x10]  }
0x160: {  	[tilespmem:s0+$0xFFFFFFE0] =	vst v3;
	v8 =	vsub.f32 v8, v9;
	v3 =	vld [tilespmem:s0+$0x20]  }
0x161: {  	v6 =	vld [tilespmem:s30+$0x20]  }
0x162: {  	s0 =	sadd.s32 $0x80, s0;
	v5 =	vld [tilespmem:s29+$0xFFFFFFC0];
	[tilespmem:s29+$0xFFFFFFF0] =	vst v8;
	v7 =	vsub.f32 v7, v10  }
0x163: {  	_ =	sdelay $0x1  }
0x164: {  	v2 =	vsub.f32 v2, v4  }
0x165: {  	[tilespmem:s29+$0x0] =	vst v7;
	v3 =	vsub.f32 v3, v6  }
0x166: {  	[tilespmem:s29+$0x10] =	vst v2;
	v1 =	vsub.f32 v5, v1  }
0x167: {  	[tilespmem:s29+$0x20] =	vst v3  }
0x168: {  	[tilespmem:s29+$0xFFFFFFC0] =	vst v1  }
0x169: {  	s0 =	rddreg [dreg:$0x10]  }
0x16a: {  	[hbm4b:s0+s2] =	stream.linear.scatter [tilespmem:s9], [sflag:$0xD], $0x4000, $0x38;
	[tilespmem:$0x1E000] =	vst v63  }
0x16b: {  	s0 =	rddreg [dreg:$0x17]  }
0x16c: {  	[tilespmem:s8], [sflag:$0x5] =	stream.linear.gather [hbm4b:s0+s2], $0x4000, $0x38;
	[tilespmem:$0x1E000] =	vst v63  }
0x16d: {  	_ =	swait.ge [sflag:s21], $0x4000  }
0x16e: {  	[sflag:s21] =	ssyncset.done $0x0  }
0x16f: {  	[sflag:s21] =	ssyncadd.s32 $0xFFFFC000  }
0x170: {  	_ =	swait.ge [sflag:s11], $0x4000  }
0x171: {  	[sflag:s11] =	ssyncset.done $0x0  }
0x172: {  	s29 =	simm.s32 $0x18040;
	[sflag:s11] =	ssyncadd.s32 $0xFFFFC000  }
0x173: {  	s30 =	simm.s32 $0x4040;
	v2 =	vld [tilespmem:s29+$0x30]  }
0x174: {  	v3 =	vld [tilespmem:s30+$0x30]  }
0x175: {  	v1 =	vld [tilespmem:s30+$0xFFFFFFC0]  }
0x176: {  	v4 =	vld [tilespmem:s29+$0xFFFFFFD0]  }
0x177: {  	v5 =	vld [tilespmem:s30+$0xFFFFFFD0]  }
0x178: {  	v6 =	vld [tilespmem:s29+$0xFFFFFFE0]  }
0x179: {  	v7 =	vld [tilespmem:s30+$0xFFFFFFE0]  }
0x17a: {  	v8 =	vld [tilespmem:s29+$0xFFFFFFF0]  }
0x17b: {  	v9 =	vld [tilespmem:s30+$0xFFFFFFF0]  }
0x17c: {  	v10 =	vld [tilespmem:s29+$0x0]  }
0x17d: {  	v11 =	vld [tilespmem:s30+$0x0];
	v3 =	vsub.f32 v2, v3  }
0x17e: {  	v5 =	vsub.f32 v4, v5;
	v2 =	vld [tilespmem:s29+$0x10]  }
0x17f: {  	v6 =	vsub.f32 v6, v7;
	v4 =	vld [tilespmem:s30+$0x10];
	[tilespmem:s29+$0x30] =	vst v3  }
0x180: {  	v7 =	vsub.f32 v8, v9;
	[tilespmem:s29+$0xFFFFFFD0] =	vst v5;
	v3 =	vld [tilespmem:s29+$0x20]  }
0x181: {  	[tilespmem:s29+$0xFFFFFFE0] =	vst v6;
	v6 =	vld [tilespmem:s30+$0x20]  }
0x182: {  	s31 =	simm.s32 $0x0;
	s0 =	simm.s32 $0x180C0;
	v5 =	vld [tilespmem:s29+$0xFFFFFFC0];
	[tilespmem:s29+$0xFFFFFFF0] =	vst v7;
	v7 =	vsub.f32 v10, v11  }
.LBB2_12:
0x183: {  	v8 =	vld [tilespmem:s0+$0x30];
	s30 =	sadd.s32 $0x80, s30  }
0x184: {  	s31 =	sadd.s32 $0x8, s31;
	v9 =	vld [tilespmem:s30+$0x30];
	[tilespmem:s29+$0x0] =	vst v7;
	v2 =	vsub.f32 v2, v4  }
0x185: {  	p0 =	slt.u32 s31, $0x3F8;
	v4 =	vld [tilespmem:s30+$0xFFFFFFC0]  }
0x186: {  	v7 =	vld [tilespmem:s0+$0xFFFFFFD0];
	[tilespmem:s29+$0x10] =	vst v2;
	v2 =	vsub.f32 v3, v6  }
0x187: {  	v3 =	vld [tilespmem:s30+$0xFFFFFFD0];
	v10 =	vsub.f32 v5, v1  }
0x188: {  	v5 =	vld [tilespmem:s0+$0xFFFFFFE0];
	[tilespmem:s29+$0x20] =	vst v2  }
0x189: {  	v2 =	vld [tilespmem:s30+$0xFFFFFFE0];
	v6 =	vsub.f32 v8, v9;
	[tilespmem:s29+$0xFFFFFFC0] =	vst v10;
	s29 =	smov.u32 s0  }
0x18a: {  	v8 =	vld [tilespmem:s0+$0xFFFFFFF0];
	v1 =	vmov v4  }
0x18b: {  	v9 =	vld [tilespmem:s30+$0xFFFFFFF0];
	[tilespmem:s0+$0x30] =	vst v6  }
0x18c: {  	v3 =	vsub.f32 v7, v3;
	v7 =	vld [tilespmem:s0+$0x0]  }
0x18d: {  	v10 =	vld [tilespmem:s30+$0x0]  }
.Ltmp5:
0x18e: {  	[tilespmem:s0+$0xFFFFFFD0] =	vst v3;
	v3 =	vsub.f32 v5, v2;
	v2 =	vld [tilespmem:s0+$0x10];
	(pc) =	sbr.rel @p0 .LBB2_12-.Ltmp5, $4  }
0x18f: {  	v4 =	vld [tilespmem:s30+$0x10]  }
0x190: {  	[tilespmem:s0+$0xFFFFFFE0] =	vst v3;
	v8 =	vsub.f32 v8, v9;
	v3 =	vld [tilespmem:s0+$0x20]  }
0x191: {  	v6 =	vld [tilespmem:s30+$0x20]  }
0x192: {  	s0 =	sadd.s32 $0x80, s0;
	v5 =	vld [tilespmem:s29+$0xFFFFFFC0];
	[tilespmem:s29+$0xFFFFFFF0] =	vst v8;
	v7 =	vsub.f32 v7, v10  }
0x193: {  	_ =	sdelay $0x1  }
0x194: {  	v2 =	vsub.f32 v2, v4  }
0x195: {  	[tilespmem:s29+$0x0] =	vst v7;
	v3 =	vsub.f32 v3, v6  }
0x196: {  	[tilespmem:s29+$0x10] =	vst v2;
	v1 =	vsub.f32 v5, v1  }
0x197: {  	[tilespmem:s29+$0x20] =	vst v3  }
0x198: {  	[tilespmem:s29+$0xFFFFFFC0] =	vst v1  }
0x199: {  	s0 =	rddreg [dreg:$0x11]  }
0x19a: {  	[hbm4b:s0+s2] =	stream.linear.scatter [tilespmem:s12], [sflag:$0xE], $0x4000, $0x38;
	[tilespmem:$0x1E000] =	vst v63  }
0x19b: {  	_ =	swait.ge [sflag:s22], $0x4000  }
0x19c: {  	[sflag:s22] =	ssyncset.done $0x0  }
0x19d: {  	s0 =	rddreg [dreg:$0x19];
	[sflag:s22] =	ssyncadd.s32 $0xFFFFC000  }
0x19e: {  	[tilespmem:s9], [sflag:$0x6] =	stream.linear.gather [hbm4b:s0+s2], $0x4000, $0x38;
	[tilespmem:$0x1E000] =	vst v63  }
0x19f: {  	_ =	swait.ge [sflag:s15], $0x4000  }
0x1a0: {  	[sflag:s15] =	ssyncset.done $0x0  }
0x1a1: {  	s29 =	simm.s32 $0x40;
	[sflag:s15] =	ssyncadd.s32 $0xFFFFC000  }
0x1a2: {  	s30 =	simm.s32 $0x8040;
	v2 =	vld [tilespmem:s29+$0x30]  }
0x1a3: {  	v3 =	vld [tilespmem:s30+$0x30]  }
0x1a4: {  	v1 =	vld [tilespmem:s30+$0xFFFFFFC0]  }
0x1a5: {  	v4 =	vld [tilespmem:s29+$0xFFFFFFD0]  }
0x1a6: {  	v5 =	vld [tilespmem:s30+$0xFFFFFFD0]  }
0x1a7: {  	v6 =	vld [tilespmem:s29+$0xFFFFFFE0]  }
0x1a8: {  	v7 =	vld [tilespmem:s30+$0xFFFFFFE0]  }
0x1a9: {  	v8 =	vld [tilespmem:s29+$0xFFFFFFF0]  }
0x1aa: {  	v9 =	vld [tilespmem:s30+$0xFFFFFFF0]  }
0x1ab: {  	v10 =	vld [tilespmem:s29+$0x0]  }
0x1ac: {  	v11 =	vld [tilespmem:s30+$0x0];
	v3 =	vsub.f32 v2, v3  }
0x1ad: {  	v5 =	vsub.f32 v4, v5;
	v2 =	vld [tilespmem:s29+$0x10]  }
0x1ae: {  	v6 =	vsub.f32 v6, v7;
	v4 =	vld [tilespmem:s30+$0x10];
	[tilespmem:s29+$0x30] =	vst v3  }
0x1af: {  	v7 =	vsub.f32 v8, v9;
	[tilespmem:s29+$0xFFFFFFD0] =	vst v5;
	v3 =	vld [tilespmem:s29+$0x20]  }
0x1b0: {  	[tilespmem:s29+$0xFFFFFFE0] =	vst v6;
	v6 =	vld [tilespmem:s30+$0x20]  }
0x1b1: {  	s31 =	simm.s32 $0x0;
	s0 =	simm.s32 $0xC0;
	v5 =	vld [tilespmem:s29+$0xFFFFFFC0];
	[tilespmem:s29+$0xFFFFFFF0] =	vst v7;
	v7 =	vsub.f32 v10, v11  }
.LBB2_14:
0x1b2: {  	v8 =	vld [tilespmem:s0+$0x30];
	s30 =	sadd.s32 $0x80, s30  }
0x1b3: {  	s31 =	sadd.s32 $0x8, s31;
	v9 =	vld [tilespmem:s30+$0x30];
	[tilespmem:s29+$0x0] =	vst v7;
	v2 =	vsub.f32 v2, v4  }
0x1b4: {  	p0 =	slt.u32 s31, $0x3F8;
	v4 =	vld [tilespmem:s30+$0xFFFFFFC0]  }
0x1b5: {  	v7 =	vld [tilespmem:s0+$0xFFFFFFD0];
	[tilespmem:s29+$0x10] =	vst v2;
	v2 =	vsub.f32 v3, v6  }
0x1b6: {  	v3 =	vld [tilespmem:s30+$0xFFFFFFD0];
	v10 =	vsub.f32 v5, v1  }
0x1b7: {  	v5 =	vld [tilespmem:s0+$0xFFFFFFE0];
	[tilespmem:s29+$0x20] =	vst v2  }
0x1b8: {  	v2 =	vld [tilespmem:s30+$0xFFFFFFE0];
	v6 =	vsub.f32 v8, v9;
	[tilespmem:s29+$0xFFFFFFC0] =	vst v10;
	s29 =	smov.u32 s0  }
0x1b9: {  	v8 =	vld [tilespmem:s0+$0xFFFFFFF0];
	v1 =	vmov v4  }
0x1ba: {  	v9 =	vld [tilespmem:s30+$0xFFFFFFF0];
	[tilespmem:s0+$0x30] =	vst v6  }
0x1bb: {  	v3 =	vsub.f32 v7, v3;
	v7 =	vld [tilespmem:s0+$0x0]  }
0x1bc: {  	v10 =	vld [tilespmem:s30+$0x0]  }
.Ltmp6:
0x1bd: {  	[tilespmem:s0+$0xFFFFFFD0] =	vst v3;
	v3 =	vsub.f32 v5, v2;
	v2 =	vld [tilespmem:s0+$0x10];
	(pc) =	sbr.rel @p0 .LBB2_14-.Ltmp6, $4  }
0x1be: {  	v4 =	vld [tilespmem:s30+$0x10]  }
0x1bf: {  	[tilespmem:s0+$0xFFFFFFE0] =	vst v3;
	v8 =	vsub.f32 v8, v9;
	v3 =	vld [tilespmem:s0+$0x20]  }
0x1c0: {  	v6 =	vld [tilespmem:s30+$0x20]  }
0x1c1: {  	s0 =	sadd.s32 $0x80, s0;
	v5 =	vld [tilespmem:s29+$0xFFFFFFC0];
	[tilespmem:s29+$0xFFFFFFF0] =	vst v8;
	v7 =	vsub.f32 v7, v10  }
0x1c2: {  	_ =	sdelay $0x1  }
0x1c3: {  	v2 =	vsub.f32 v2, v4  }
0x1c4: {  	[tilespmem:s29+$0x0] =	vst v7;
	v3 =	vsub.f32 v3, v6  }
0x1c5: {  	[tilespmem:s29+$0x10] =	vst v2;
	v1 =	vsub.f32 v5, v1  }
0x1c6: {  	[tilespmem:s29+$0x20] =	vst v3  }
0x1c7: {  	[tilespmem:s29+$0xFFFFFFC0] =	vst v1  }
0x1c8: {  	s0 =	rddreg [dreg:$0x12]  }
0x1c9: {  	[hbm4b:s0+s2] =	stream.linear.scatter [tilespmem:s2], [sflag:$0x8], $0x4000, $0x38;
	[tilespmem:$0x1E000] =	vst v63  }
0x1ca: {  	_ =	swait.ge [sflag:s23], $0x4000  }
0x1cb: {  	[sflag:s23] =	ssyncset.done $0x0  }
0x1cc: {  	s0 =	rddreg [dreg:$0x1b];
	[sflag:s23] =	ssyncadd.s32 $0xFFFFC000  }
0x1cd: {  	[tilespmem:s12], [sflag:$0x7] =	stream.linear.gather [hbm4b:s0+s2], $0x4000, $0x38;
	[tilespmem:$0x1E000] =	vst v63  }
0x1ce: {  	_ =	swait.ge [sflag:s13], $0x4000  }
0x1cf: {  	[sflag:s13] =	ssyncset.done $0x0  }
0x1d0: {  	s29 =	simm.s32 $0x4040;
	[sflag:s13] =	ssyncadd.s32 $0xFFFFC000  }
0x1d1: {  	s30 =	simm.s32 $0xC040;
	v2 =	vld [tilespmem:s29+$0x30]  }
0x1d2: {  	v3 =	vld [tilespmem:s30+$0x30]  }
0x1d3: {  	v1 =	vld [tilespmem:s30+$0xFFFFFFC0]  }
0x1d4: {  	v4 =	vld [tilespmem:s29+$0xFFFFFFD0]  }
0x1d5: {  	v5 =	vld [tilespmem:s30+$0xFFFFFFD0]  }
0x1d6: {  	v6 =	vld [tilespmem:s29+$0xFFFFFFE0]  }
0x1d7: {  	v7 =	vld [tilespmem:s30+$0xFFFFFFE0]  }
0x1d8: {  	v8 =	vld [tilespmem:s29+$0xFFFFFFF0]  }
0x1d9: {  	v9 =	vld [tilespmem:s30+$0xFFFFFFF0]  }
0x1da: {  	v10 =	vld [tilespmem:s29+$0x0]  }
0x1db: {  	v11 =	vld [tilespmem:s30+$0x0];
	v3 =	vsub.f32 v2, v3  }
0x1dc: {  	v5 =	vsub.f32 v4, v5;
	v2 =	vld [tilespmem:s29+$0x10]  }
0x1dd: {  	v6 =	vsub.f32 v6, v7;
	v4 =	vld [tilespmem:s30+$0x10];
	[tilespmem:s29+$0x30] =	vst v3  }
0x1de: {  	v7 =	vsub.f32 v8, v9;
	[tilespmem:s29+$0xFFFFFFD0] =	vst v5;
	v3 =	vld [tilespmem:s29+$0x20]  }
0x1df: {  	[tilespmem:s29+$0xFFFFFFE0] =	vst v6;
	v6 =	vld [tilespmem:s30+$0x20]  }
0x1e0: {  	s31 =	simm.s32 $0x0;
	s0 =	simm.s32 $0x40C0;
	v5 =	vld [tilespmem:s29+$0xFFFFFFC0];
	[tilespmem:s29+$0xFFFFFFF0] =	vst v7;
	v7 =	vsub.f32 v10, v11  }
.LBB2_16:
0x1e1: {  	v8 =	vld [tilespmem:s0+$0x30];
	s30 =	sadd.s32 $0x80, s30  }
0x1e2: {  	s31 =	sadd.s32 $0x8, s31;
	v9 =	vld [tilespmem:s30+$0x30];
	[tilespmem:s29+$0x0] =	vst v7;
	v2 =	vsub.f32 v2, v4  }
0x1e3: {  	p0 =	slt.u32 s31, $0x3F8;
	v4 =	vld [tilespmem:s30+$0xFFFFFFC0]  }
0x1e4: {  	v7 =	vld [tilespmem:s0+$0xFFFFFFD0];
	[tilespmem:s29+$0x10] =	vst v2;
	v2 =	vsub.f32 v3, v6  }
0x1e5: {  	v3 =	vld [tilespmem:s30+$0xFFFFFFD0];
	v10 =	vsub.f32 v5, v1  }
0x1e6: {  	v5 =	vld [tilespmem:s0+$0xFFFFFFE0];
	[tilespmem:s29+$0x20] =	vst v2  }
0x1e7: {  	v2 =	vld [tilespmem:s30+$0xFFFFFFE0];
	v6 =	vsub.f32 v8, v9;
	[tilespmem:s29+$0xFFFFFFC0] =	vst v10;
	s29 =	smov.u32 s0  }
0x1e8: {  	v8 =	vld [tilespmem:s0+$0xFFFFFFF0];
	v1 =	vmov v4  }
0x1e9: {  	v9 =	vld [tilespmem:s30+$0xFFFFFFF0];
	[tilespmem:s0+$0x30] =	vst v6  }
0x1ea: {  	v3 =	vsub.f32 v7, v3;
	v7 =	vld [tilespmem:s0+$0x0]  }
0x1eb: {  	v10 =	vld [tilespmem:s30+$0x0]  }
.Ltmp7:
0x1ec: {  	[tilespmem:s0+$0xFFFFFFD0] =	vst v3;
	v3 =	vsub.f32 v5, v2;
	v2 =	vld [tilespmem:s0+$0x10];
	(pc) =	sbr.rel @p0 .LBB2_16-.Ltmp7, $4  }
0x1ed: {  	v4 =	vld [tilespmem:s30+$0x10]  }
0x1ee: {  	[tilespmem:s0+$0xFFFFFFE0] =	vst v3;
	v8 =	vsub.f32 v8, v9;
	v3 =	vld [tilespmem:s0+$0x20]  }
0x1ef: {  	v6 =	vld [tilespmem:s30+$0x20]  }
0x1f0: {  	s0 =	sadd.s32 $0x80, s0;
	v5 =	vld [tilespmem:s29+$0xFFFFFFC0];
	[tilespmem:s29+$0xFFFFFFF0] =	vst v8;
	v7 =	vsub.f32 v7, v10  }
0x1f1: {  	_ =	sdelay $0x1  }
0x1f2: {  	v2 =	vsub.f32 v2, v4  }
0x1f3: {  	[tilespmem:s29+$0x0] =	vst v7;
	v3 =	vsub.f32 v3, v6  }
0x1f4: {  	[tilespmem:s29+$0x10] =	vst v2;
	v1 =	vsub.f32 v5, v1  }
0x1f5: {  	[tilespmem:s29+$0x20] =	vst v3  }
0x1f6: {  	[tilespmem:s29+$0xFFFFFFC0] =	vst v1  }
0x1f7: {  	s0 =	rddreg [dreg:$0x13]  }
0x1f8: {  	[hbm4b:s0+s2] =	stream.linear.scatter [tilespmem:s5], [sflag:$0x9], $0x4000, $0x38;
	[tilespmem:$0x1E000] =	vst v63  }
0x1f9: {  	_ =	swait.ge [sflag:s14], $0x4000  }
0x1fa: {  	[sflag:s14] =	ssyncset.done $0x0  }
0x1fb: {  	s0 =	rddreg [dreg:$0x1d];
	[sflag:s14] =	ssyncadd.s32 $0xFFFFC000  }
0x1fc: {  	[tilespmem:s2], [sflag:$0x1] =	stream.linear.gather [hbm4b:s0+s2], $0x4000, $0x38;
	[tilespmem:$0x1E000] =	vst v63  }
0x1fd: {  	s0 =	rddreg [dreg:$0x14]  }
0x1fe: {  	[hbm4b:s0+s2] =	stream.linear.scatter [tilespmem:s18], [sflag:$0xF], $0x2000, $0x38;
	[tilespmem:$0x1E000] =	vst v63  }
0x1ff: {  	s0 =	sld [smem:$0x7EC];
	_ =	sdelay $0x2  }
0x200: {  	[hbm4b:s0+s2] =	stream.linear.scatter [tilespmem:s18], [sflag:$0xF], $0x2000, $0x38;
	[tilespmem:$0x1E000] =	vst v63  }
0x201: {  	_ =	swait.ge [sflag:s17], $0x4000  }
0x202: {  	[sflag:s17] =	ssyncset.done $0x0  }
0x203: {  	s0 =	rddreg [dreg:$0x1f];
	[sflag:s17] =	ssyncadd.s32 $0xFFFFC000  }
0x204: {  	[tilespmem:s5], [sflag:$0x2] =	stream.linear.gather [hbm4b:s0+s2], $0x4000, $0x38;
	[tilespmem:$0x1E000] =	vst v63  }
0x205: {  	s0 =	rddreg [dreg:$0x16]  }
0x206: {  	[hbm4b:s0+s2] =	stream.linear.scatter [tilespmem:s18], [sflag:$0xF], $0x2000, $0x38;
	[tilespmem:$0x1E000] =	vst v63  }
0x207: {  	s0 =	sld [smem:$0x7EE];
	_ =	sdelay $0x2  }
0x208: {  	[hbm4b:s0+s2] =	stream.linear.scatter [tilespmem:s18], [sflag:$0xF], $0x2000, $0x38;
	[tilespmem:$0x1E000] =	vst v63  }
0x209: {  	s0 =	sld [smem:$0x7A6];
	_ =	sdelay $0x2  }
0x20a: {  	[tilespmem:s6], [sflag:$0x3] =	stream.linear.gather [hbm4b:s0+s2], $0x4000, $0x38;
	[tilespmem:$0x1E000] =	vst v63  }
0x20b: {  	_ =	swait.ge [sflag:s16], $0x4000  }
0x20c: {  	[sflag:s16] =	ssyncset.done $0x0  }
0x20d: {  	[sflag:s16] =	ssyncadd.s32 $0xFFFFC000  }
0x20e: {  	_ =	swait.ge [sflag:s21], $0x4000  }
0x20f: {  	[sflag:s21] =	ssyncset.done $0x0  }
0x210: {  	s29 =	simm.s32 $0x10040;
	[sflag:s21] =	ssyncadd.s32 $0xFFFFC000  }
0x211: {  	s30 =	simm.s32 $0x18040;
	v2 =	vld [tilespmem:s29+$0x30]  }
0x212: {  	v3 =	vld [tilespmem:s30+$0x30]  }
0x213: {  	v1 =	vld [tilespmem:s30+$0xFFFFFFC0]  }
0x214: {  	v4 =	vld [tilespmem:s29+$0xFFFFFFD0]  }
0x215: {  	v5 =	vld [tilespmem:s30+$0xFFFFFFD0]  }
0x216: {  	v6 =	vld [tilespmem:s29+$0xFFFFFFE0]  }
0x217: {  	v7 =	vld [tilespmem:s30+$0xFFFFFFE0]  }
0x218: {  	v8 =	vld [tilespmem:s29+$0xFFFFFFF0]  }
0x219: {  	v9 =	vld [tilespmem:s30+$0xFFFFFFF0]  }
0x21a: {  	v10 =	vld [tilespmem:s29+$0x0]  }
0x21b: {  	v11 =	vld [tilespmem:s30+$0x0];
	v3 =	vsub.f32 v2, v3  }
0x21c: {  	v5 =	vsub.f32 v4, v5;
	v2 =	vld [tilespmem:s29+$0x10]  }
0x21d: {  	v6 =	vsub.f32 v6, v7;
	v4 =	vld [tilespmem:s30+$0x10];
	[tilespmem:s29+$0x30] =	vst v3  }
0x21e: {  	v7 =	vsub.f32 v8, v9;
	[tilespmem:s29+$0xFFFFFFD0] =	vst v5;
	v3 =	vld [tilespmem:s29+$0x20]  }
0x21f: {  	[tilespmem:s29+$0xFFFFFFE0] =	vst v6;
	v6 =	vld [tilespmem:s30+$0x20]  }
0x220: {  	s31 =	simm.s32 $0x0;
	s0 =	simm.s32 $0x100C0;
	v5 =	vld [tilespmem:s29+$0xFFFFFFC0];
	[tilespmem:s29+$0xFFFFFFF0] =	vst v7;
	v7 =	vsub.f32 v10, v11  }
.LBB2_18:
0x221: {  	v8 =	vld [tilespmem:s0+$0x30];
	s30 =	sadd.s32 $0x80, s30  }
0x222: {  	s31 =	sadd.s32 $0x8, s31;
	v9 =	vld [tilespmem:s30+$0x30];
	[tilespmem:s29+$0x0] =	vst v7;
	v2 =	vsub.f32 v2, v4  }
0x223: {  	p0 =	slt.u32 s31, $0x3F8;
	v4 =	vld [tilespmem:s30+$0xFFFFFFC0]  }
0x224: {  	v7 =	vld [tilespmem:s0+$0xFFFFFFD0];
	[tilespmem:s29+$0x10] =	vst v2;
	v2 =	vsub.f32 v3, v6  }
0x225: {  	v3 =	vld [tilespmem:s30+$0xFFFFFFD0];
	v10 =	vsub.f32 v5, v1  }
0x226: {  	v5 =	vld [tilespmem:s0+$0xFFFFFFE0];
	[tilespmem:s29+$0x20] =	vst v2  }
0x227: {  	v2 =	vld [tilespmem:s30+$0xFFFFFFE0];
	v6 =	vsub.f32 v8, v9;
	[tilespmem:s29+$0xFFFFFFC0] =	vst v10;
	s29 =	smov.u32 s0  }
0x228: {  	v8 =	vld [tilespmem:s0+$0xFFFFFFF0];
	v1 =	vmov v4  }
0x229: {  	v9 =	vld [tilespmem:s30+$0xFFFFFFF0];
	[tilespmem:s0+$0x30] =	vst v6  }
0x22a: {  	v3 =	vsub.f32 v7, v3;
	v7 =	vld [tilespmem:s0+$0x0]  }
0x22b: {  	v10 =	vld [tilespmem:s30+$0x0]  }
.Ltmp8:
0x22c: {  	[tilespmem:s0+$0xFFFFFFD0] =	vst v3;
	v3 =	vsub.f32 v5, v2;
	v2 =	vld [tilespmem:s0+$0x10];
	(pc) =	sbr.rel @p0 .LBB2_18-.Ltmp8, $4  }
0x22d: {  	v4 =	vld [tilespmem:s30+$0x10]  }
0x22e: {  	[tilespmem:s0+$0xFFFFFFE0] =	vst v3;
	v8 =	vsub.f32 v8, v9;
	v3 =	vld [tilespmem:s0+$0x20]  }
0x22f: {  	v6 =	vld [tilespmem:s30+$0x20]  }
0x230: {  	s0 =	sadd.s32 $0x80, s0;
	v5 =	vld [tilespmem:s29+$0xFFFFFFC0];
	[tilespmem:s29+$0xFFFFFFF0] =	vst v8;
	v7 =	vsub.f32 v7, v10  }
0x231: {  	_ =	sdelay $0x1  }
0x232: {  	v2 =	vsub.f32 v2, v4  }
0x233: {  	[tilespmem:s29+$0x0] =	vst v7;
	v3 =	vsub.f32 v3, v6  }
0x234: {  	[tilespmem:s29+$0x10] =	vst v2;
	v1 =	vsub.f32 v5, v1  }
0x235: {  	[tilespmem:s29+$0x20] =	vst v3  }
0x236: {  	[tilespmem:s29+$0xFFFFFFC0] =	vst v1  }
0x237: {  	s0 =	rddreg [dreg:$0x18]  }
0x238: {  	[hbm4b:s0+s2] =	stream.linear.scatter [tilespmem:s8], [sflag:$0xC], $0x4000, $0x38;
	[tilespmem:$0x1E000] =	vst v63  }
0x239: {  	s0 =	sld [smem:$0x7A8];
	_ =	sdelay $0x2  }
0x23a: {  	[tilespmem:s7], [sflag:$0x4] =	stream.linear.gather [hbm4b:s0+s2], $0x4000, $0x38;
	[tilespmem:$0x1E000] =	vst v63  }
0x23b: {  	_ =	swait.ge [sflag:s20], $0x4000  }
0x23c: {  	[sflag:s20] =	ssyncset.done $0x0  }
0x23d: {  	[sflag:s20] =	ssyncadd.s32 $0xFFFFC000  }
0x23e: {  	_ =	swait.ge [sflag:s10], $0x4000  }
0x23f: {  	[sflag:s10] =	ssyncset.done $0x0  }
0x240: {  	s29 =	simm.s32 $0x14040;
	[sflag:s10] =	ssyncadd.s32 $0xFFFFC000  }
0x241: {  	s30 =	simm.s32 $0x40;
	v2 =	vld [tilespmem:s29+$0x30]  }
0x242: {  	v3 =	vld [tilespmem:s30+$0x30]  }
0x243: {  	v1 =	vld [tilespmem:s30+$0xFFFFFFC0]  }
0x244: {  	v4 =	vld [tilespmem:s29+$0xFFFFFFD0]  }
0x245: {  	v5 =	vld [tilespmem:s30+$0xFFFFFFD0]  }
0x246: {  	v6 =	vld [tilespmem:s29+$0xFFFFFFE0]  }
0x247: {  	v7 =	vld [tilespmem:s30+$0xFFFFFFE0]  }
0x248: {  	v8 =	vld [tilespmem:s29+$0xFFFFFFF0]  }
0x249: {  	v9 =	vld [tilespmem:s30+$0xFFFFFFF0]  }
0x24a: {  	v10 =	vld [tilespmem:s29+$0x0]  }
0x24b: {  	v11 =	vld [tilespmem:s30+$0x0];
	v3 =	vsub.f32 v2, v3  }
0x24c: {  	v5 =	vsub.f32 v4, v5;
	v2 =	vld [tilespmem:s29+$0x10]  }
0x24d: {  	v6 =	vsub.f32 v6, v7;
	v4 =	vld [tilespmem:s30+$0x10];
	[tilespmem:s29+$0x30] =	vst v3  }
0x24e: {  	v7 =	vsub.f32 v8, v9;
	[tilespmem:s29+$0xFFFFFFD0] =	vst v5;
	v3 =	vld [tilespmem:s29+$0x20]  }
0x24f: {  	[tilespmem:s29+$0xFFFFFFE0] =	vst v6;
	v6 =	vld [tilespmem:s30+$0x20]  }
0x250: {  	s31 =	simm.s32 $0x0;
	s0 =	simm.s32 $0x140C0;
	v5 =	vld [tilespmem:s29+$0xFFFFFFC0];
	[tilespmem:s29+$0xFFFFFFF0] =	vst v7;
	v7 =	vsub.f32 v10, v11  }
.LBB2_20:
0x251: {  	v8 =	vld [tilespmem:s0+$0x30];
	s30 =	sadd.s32 $0x80, s30  }
0x252: {  	s31 =	sadd.s32 $0x8, s31;
	v9 =	vld [tilespmem:s30+$0x30];
	[tilespmem:s29+$0x0] =	vst v7;
	v2 =	vsub.f32 v2, v4  }
0x253: {  	p0 =	slt.u32 s31, $0x3F8;
	v4 =	vld [tilespmem:s30+$0xFFFFFFC0]  }
0x254: {  	v7 =	vld [tilespmem:s0+$0xFFFFFFD0];
	[tilespmem:s29+$0x10] =	vst v2;
	v2 =	vsub.f32 v3, v6  }
0x255: {  	v3 =	vld [tilespmem:s30+$0xFFFFFFD0];
	v10 =	vsub.f32 v5, v1  }
0x256: {  	v5 =	vld [tilespmem:s0+$0xFFFFFFE0];
	[tilespmem:s29+$0x20] =	vst v2  }
0x257: {  	v2 =	vld [tilespmem:s30+$0xFFFFFFE0];
	v6 =	vsub.f32 v8, v9;
	[tilespmem:s29+$0xFFFFFFC0] =	vst v10;
	s29 =	smov.u32 s0  }
0x258: {  	v8 =	vld [tilespmem:s0+$0xFFFFFFF0];
	v1 =	vmov v4  }
0x259: {  	v9 =	vld [tilespmem:s30+$0xFFFFFFF0];
	[tilespmem:s0+$0x30] =	vst v6  }
0x25a: {  	v3 =	vsub.f32 v7, v3;
	v7 =	vld [tilespmem:s0+$0x0]  }
0x25b: {  	v10 =	vld [tilespmem:s30+$0x0]  }
.Ltmp9:
0x25c: {  	[tilespmem:s0+$0xFFFFFFD0] =	vst v3;
	v3 =	vsub.f32 v5, v2;
	v2 =	vld [tilespmem:s0+$0x10];
	(pc) =	sbr.rel @p0 .LBB2_20-.Ltmp9, $4  }
0x25d: {  	v4 =	vld [tilespmem:s30+$0x10]  }
0x25e: {  	[tilespmem:s0+$0xFFFFFFE0] =	vst v3;
	v8 =	vsub.f32 v8, v9;
	v3 =	vld [tilespmem:s0+$0x20]  }
0x25f: {  	v6 =	vld [tilespmem:s30+$0x20]  }
0x260: {  	s0 =	sadd.s32 $0x80, s0;
	v5 =	vld [tilespmem:s29+$0xFFFFFFC0];
	[tilespmem:s29+$0xFFFFFFF0] =	vst v8;
	v7 =	vsub.f32 v7, v10  }
0x261: {  	_ =	sdelay $0x1  }
0x262: {  	v2 =	vsub.f32 v2, v4  }
0x263: {  	[tilespmem:s29+$0x0] =	vst v7;
	v3 =	vsub.f32 v3, v6  }
0x264: {  	[tilespmem:s29+$0x10] =	vst v2;
	v1 =	vsub.f32 v5, v1  }
0x265: {  	[tilespmem:s29+$0x20] =	vst v3  }
0x266: {  	[tilespmem:s29+$0xFFFFFFC0] =	vst v1  }
0x267: {  	s0 =	rddreg [dreg:$0x1a]  }
0x268: {  	[hbm4b:s0+s2] =	stream.linear.scatter [tilespmem:s9], [sflag:$0xD], $0x4000, $0x38;
	[tilespmem:$0x1E000] =	vst v63  }
0x269: {  	_ =	swait.ge [sflag:s24], $0x4000  }
0x26a: {  	s0 =	sld [smem:$0x7AA]  }
0x26b: {  	[sflag:s24] =	ssyncset.done $0x0  }
0x26c: {  	[sflag:s24] =	ssyncadd.s32 $0xFFFFC000  }
0x26d: {  	[tilespmem:s8], [sflag:$0x5] =	stream.linear.gather [hbm4b:s0+s2], $0x4000, $0x38;
	[tilespmem:$0x1E000] =	vst v63  }
0x26e: {  	_ =	swait.ge [sflag:s11], $0x4000  }
0x26f: {  	[sflag:s11] =	ssyncset.done $0x0  }
0x270: {  	s29 =	simm.s32 $0x18040;
	[sflag:s11] =	ssyncadd.s32 $0xFFFFC000  }
0x271: {  	s30 =	simm.s32 $0x4040;
	v2 =	vld [tilespmem:s29+$0x30]  }
0x272: {  	v3 =	vld [tilespmem:s30+$0x30]  }
0x273: {  	v1 =	vld [tilespmem:s30+$0xFFFFFFC0]  }
0x274: {  	v4 =	vld [tilespmem:s29+$0xFFFFFFD0]  }
0x275: {  	v5 =	vld [tilespmem:s30+$0xFFFFFFD0]  }
0x276: {  	v6 =	vld [tilespmem:s29+$0xFFFFFFE0]  }
0x277: {  	v7 =	vld [tilespmem:s30+$0xFFFFFFE0]  }
0x278: {  	v8 =	vld [tilespmem:s29+$0xFFFFFFF0]  }
0x279: {  	v9 =	vld [tilespmem:s30+$0xFFFFFFF0]  }
0x27a: {  	v10 =	vld [tilespmem:s29+$0x0]  }
0x27b: {  	v11 =	vld [tilespmem:s30+$0x0];
	v3 =	vsub.f32 v2, v3  }
0x27c: {  	v5 =	vsub.f32 v4, v5;
	v2 =	vld [tilespmem:s29+$0x10]  }
0x27d: {  	v6 =	vsub.f32 v6, v7;
	v4 =	vld [tilespmem:s30+$0x10];
	[tilespmem:s29+$0x30] =	vst v3  }
0x27e: {  	v7 =	vsub.f32 v8, v9;
	[tilespmem:s29+$0xFFFFFFD0] =	vst v5;
	v3 =	vld [tilespmem:s29+$0x20]  }
0x27f: {  	[tilespmem:s29+$0xFFFFFFE0] =	vst v6;
	v6 =	vld [tilespmem:s30+$0x20]  }
0x280: {  	s31 =	simm.s32 $0x0;
	s0 =	simm.s32 $0x180C0;
	v5 =	vld [tilespmem:s29+$0xFFFFFFC0];
	[tilespmem:s29+$0xFFFFFFF0] =	vst v7;
	v7 =	vsub.f32 v10, v11  }
.LBB2_22:
0x281: {  	v8 =	vld [tilespmem:s0+$0x30];
	s30 =	sadd.s32 $0x80, s30  }
0x282: {  	s31 =	sadd.s32 $0x8, s31;
	v9 =	vld [tilespmem:s30+$0x30];
	[tilespmem:s29+$0x0] =	vst v7;
	v2 =	vsub.f32 v2, v4  }
0x283: {  	p0 =	slt.u32 s31, $0x3F8;
	v4 =	vld [tilespmem:s30+$0xFFFFFFC0]  }
0x284: {  	v7 =	vld [tilespmem:s0+$0xFFFFFFD0];
	[tilespmem:s29+$0x10] =	vst v2;
	v2 =	vsub.f32 v3, v6  }
0x285: {  	v3 =	vld [tilespmem:s30+$0xFFFFFFD0];
	v10 =	vsub.f32 v5, v1  }
0x286: {  	v5 =	vld [tilespmem:s0+$0xFFFFFFE0];
	[tilespmem:s29+$0x20] =	vst v2  }
0x287: {  	v2 =	vld [tilespmem:s30+$0xFFFFFFE0];
	v6 =	vsub.f32 v8, v9;
	[tilespmem:s29+$0xFFFFFFC0] =	vst v10;
	s29 =	smov.u32 s0  }
0x288: {  	v8 =	vld [tilespmem:s0+$0xFFFFFFF0];
	v1 =	vmov v4  }
0x289: {  	v9 =	vld [tilespmem:s30+$0xFFFFFFF0];
	[tilespmem:s0+$0x30] =	vst v6  }
0x28a: {  	v3 =	vsub.f32 v7, v3;
	v7 =	vld [tilespmem:s0+$0x0]  }
0x28b: {  	v10 =	vld [tilespmem:s30+$0x0]  }
.Ltmp10:
0x28c: {  	[tilespmem:s0+$0xFFFFFFD0] =	vst v3;
	v3 =	vsub.f32 v5, v2;
	v2 =	vld [tilespmem:s0+$0x10];
	(pc) =	sbr.rel @p0 .LBB2_22-.Ltmp10, $4  }
0x28d: {  	v4 =	vld [tilespmem:s30+$0x10]  }
0x28e: {  	[tilespmem:s0+$0xFFFFFFE0] =	vst v3;
	v8 =	vsub.f32 v8, v9;
	v3 =	vld [tilespmem:s0+$0x20]  }
0x28f: {  	v6 =	vld [tilespmem:s30+$0x20]  }
0x290: {  	s0 =	sadd.s32 $0x80, s0;
	v5 =	vld [tilespmem:s29+$0xFFFFFFC0];
	[tilespmem:s29+$0xFFFFFFF0] =	vst v8;
	v7 =	vsub.f32 v7, v10  }
0x291: {  	_ =	sdelay $0x1  }
0x292: {  	v2 =	vsub.f32 v2, v4  }
0x293: {  	[tilespmem:s29+$0x0] =	vst v7;
	v3 =	vsub.f32 v3, v6  }
0x294: {  	[tilespmem:s29+$0x10] =	vst v2;
	v1 =	vsub.f32 v5, v1  }
0x295: {  	[tilespmem:s29+$0x20] =	vst v3  }
0x296: {  	[tilespmem:s29+$0xFFFFFFC0] =	vst v1  }
0x297: {  	s0 =	rddreg [dreg:$0x1c]  }
0x298: {  	[hbm4b:s0+s2] =	stream.linear.scatter [tilespmem:s12], [sflag:$0xE], $0x4000, $0x38;
	[tilespmem:$0x1E000] =	vst v63  }
0x299: {  	_ =	swait.ge [sflag:s22], $0x4000  }
0x29a: {  	s0 =	sld [smem:$0x7AC]  }
0x29b: {  	[sflag:s22] =	ssyncset.done $0x0  }
0x29c: {  	[sflag:s22] =	ssyncadd.s32 $0xFFFFC000  }
0x29d: {  	[tilespmem:s9], [sflag:$0x6] =	stream.linear.gather [hbm4b:s0+s2], $0x4000, $0x38;
	[tilespmem:$0x1E000] =	vst v63  }
0x29e: {  	_ =	swait.ge [sflag:s15], $0x4000  }
0x29f: {  	[sflag:s15] =	ssyncset.done $0x0  }
0x2a0: {  	s29 =	simm.s32 $0x40;
	[sflag:s15] =	ssyncadd.s32 $0xFFFFC000  }
0x2a1: {  	s30 =	simm.s32 $0x8040;
	v2 =	vld [tilespmem:s29+$0x30]  }
0x2a2: {  	v3 =	vld [tilespmem:s30+$0x30]  }
0x2a3: {  	v1 =	vld [tilespmem:s30+$0xFFFFFFC0]  }
0x2a4: {  	v4 =	vld [tilespmem:s29+$0xFFFFFFD0]  }
0x2a5: {  	v5 =	vld [tilespmem:s30+$0xFFFFFFD0]  }
0x2a6: {  	v6 =	vld [tilespmem:s29+$0xFFFFFFE0]  }
0x2a7: {  	v7 =	vld [tilespmem:s30+$0xFFFFFFE0]  }
0x2a8: {  	v8 =	vld [tilespmem:s29+$0xFFFFFFF0]  }
0x2a9: {  	v9 =	vld [tilespmem:s30+$0xFFFFFFF0]  }
0x2aa: {  	v10 =	vld [tilespmem:s29+$0x0]  }
0x2ab: {  	v11 =	vld [tilespmem:s30+$0x0];
	v3 =	vsub.f32 v2, v3  }
0x2ac: {  	v5 =	vsub.f32 v4, v5;
	v2 =	vld [tilespmem:s29+$0x10]  }
0x2ad: {  	v6 =	vsub.f32 v6, v7;
	v4 =	vld [tilespmem:s30+$0x10];
	[tilespmem:s29+$0x30] =	vst v3  }
0x2ae: {  	v7 =	vsub.f32 v8, v9;
	[tilespmem:s29+$0xFFFFFFD0] =	vst v5;
	v3 =	vld [tilespmem:s29+$0x20]  }
0x2af: {  	[tilespmem:s29+$0xFFFFFFE0] =	vst v6;
	v6 =	vld [tilespmem:s30+$0x20]  }
0x2b0: {  	s31 =	simm.s32 $0x0;
	s0 =	simm.s32 $0xC0;
	v5 =	vld [tilespmem:s29+$0xFFFFFFC0];
	[tilespmem:s29+$0xFFFFFFF0] =	vst v7;
	v7 =	vsub.f32 v10, v11  }
.LBB2_24:
0x2b1: {  	v8 =	vld [tilespmem:s0+$0x30];
	s30 =	sadd.s32 $0x80, s30  }
0x2b2: {  	s31 =	sadd.s32 $0x8, s31;
	v9 =	vld [tilespmem:s30+$0x30];
	[tilespmem:s29+$0x0] =	vst v7;
	v2 =	vsub.f32 v2, v4  }
0x2b3: {  	p0 =	slt.u32 s31, $0x3F8;
	v4 =	vld [tilespmem:s30+$0xFFFFFFC0]  }
0x2b4: {  	v7 =	vld [tilespmem:s0+$0xFFFFFFD0];
	[tilespmem:s29+$0x10] =	vst v2;
	v2 =	vsub.f32 v3, v6  }
0x2b5: {  	v3 =	vld [tilespmem:s30+$0xFFFFFFD0];
	v10 =	vsub.f32 v5, v1  }
0x2b6: {  	v5 =	vld [tilespmem:s0+$0xFFFFFFE0];
	[tilespmem:s29+$0x20] =	vst v2  }
0x2b7: {  	v2 =	vld [tilespmem:s30+$0xFFFFFFE0];
	v6 =	vsub.f32 v8, v9;
	[tilespmem:s29+$0xFFFFFFC0] =	vst v10;
	s29 =	smov.u32 s0  }
0x2b8: {  	v8 =	vld [tilespmem:s0+$0xFFFFFFF0];
	v1 =	vmov v4  }
0x2b9: {  	v9 =	vld [tilespmem:s30+$0xFFFFFFF0];
	[tilespmem:s0+$0x30] =	vst v6  }
0x2ba: {  	v3 =	vsub.f32 v7, v3;
	v7 =	vld [tilespmem:s0+$0x0]  }
0x2bb: {  	v10 =	vld [tilespmem:s30+$0x0]  }
.Ltmp11:
0x2bc: {  	[tilespmem:s0+$0xFFFFFFD0] =	vst v3;
	v3 =	vsub.f32 v5, v2;
	v2 =	vld [tilespmem:s0+$0x10];
	(pc) =	sbr.rel @p0 .LBB2_24-.Ltmp11, $4  }
0x2bd: {  	v4 =	vld [tilespmem:s30+$0x10]  }
0x2be: {  	[tilespmem:s0+$0xFFFFFFE0] =	vst v3;
	v8 =	vsub.f32 v8, v9;
	v3 =	vld [tilespmem:s0+$0x20]  }
0x2bf: {  	v6 =	vld [tilespmem:s30+$0x20]  }
0x2c0: {  	s0 =	sadd.s32 $0x80, s0;
	v5 =	vld [tilespmem:s29+$0xFFFFFFC0];
	[tilespmem:s29+$0xFFFFFFF0] =	vst v8;
	v7 =	vsub.f32 v7, v10  }
0x2c1: {  	_ =	sdelay $0x1  }
0x2c2: {  	v2 =	vsub.f32 v2, v4  }
0x2c3: {  	[tilespmem:s29+$0x0] =	vst v7;
	v3 =	vsub.f32 v3, v6  }
0x2c4: {  	[tilespmem:s29+$0x10] =	vst v2;
	v1 =	vsub.f32 v5, v1  }
0x2c5: {  	[tilespmem:s29+$0x20] =	vst v3  }
0x2c6: {  	[tilespmem:s29+$0xFFFFFFC0] =	vst v1  }
0x2c7: {  	s0 =	rddreg [dreg:$0x1e]  }
0x2c8: {  	[hbm4b:s0+s2] =	stream.linear.scatter [tilespmem:s2], [sflag:$0x8], $0x4000, $0x38;
	[tilespmem:$0x1E000] =	vst v63  }
0x2c9: {  	_ =	swait.ge [sflag:s23], $0x4000  }
0x2ca: {  	s0 =	sld [smem:$0x7AE]  }
0x2cb: {  	[sflag:s23] =	ssyncset.done $0x0  }
0x2cc: {  	[sflag:s23] =	ssyncadd.s32 $0xFFFFC000  }
0x2cd: {  	[tilespmem:s12], [sflag:$0x7] =	stream.linear.gather [hbm4b:s0+s2], $0x4000, $0x38;
	[tilespmem:$0x1E000] =	vst v63  }
0x2ce: {  	s0 =	sld [smem:$0x7A5];
	_ =	sdelay $0x2  }
0x2cf: {  	[hbm4b:s0+s2] =	stream.linear.scatter [tilespmem:s18], [sflag:$0xF], $0x2000, $0x38;
	[tilespmem:$0x1E000] =	vst v63  }
0x2d0: {  	s0 =	sld [smem:$0x7EF];
	_ =	sdelay $0x2  }
0x2d1: {  	[hbm4b:s0+s2] =	stream.linear.scatter [tilespmem:s18], [sflag:$0xF], $0x2000, $0x38;
	[tilespmem:$0x1E000] =	vst v63  }
0x2d2: {  	_ =	swait.ge [sflag:s14], $0x4000  }
0x2d3: {  	s0 =	sld [smem:$0x7B0]  }
0x2d4: {  	[sflag:s14] =	ssyncset.done $0x0  }
0x2d5: {  	[sflag:s14] =	ssyncadd.s32 $0xFFFFC000  }
0x2d6: {  	[tilespmem:s2], [sflag:$0x1] =	stream.linear.gather [hbm4b:s0+s2], $0x4000, $0x38;
	[tilespmem:$0x1E000] =	vst v63  }
0x2d7: {  	s0 =	sld [smem:$0x7A7];
	_ =	sdelay $0x2  }
0x2d8: {  	[hbm4b:s0+s2] =	stream.linear.scatter [tilespmem:s18], [sflag:$0xF], $0x2000, $0x38;
	[tilespmem:$0x1E000] =	vst v63  }
0x2d9: {  	s0 =	sld [smem:$0x7F0];
	_ =	sdelay $0x2  }
0x2da: {  	[hbm4b:s0+s2] =	stream.linear.scatter [tilespmem:s18], [sflag:$0xF], $0x2000, $0x38;
	[tilespmem:$0x1E000] =	vst v63  }
0x2db: {  	s0 =	sld [smem:$0x7B2];
	_ =	sdelay $0x2  }
0x2dc: {  	[tilespmem:s5], [sflag:$0x2] =	stream.linear.gather [hbm4b:s0+s2], $0x4000, $0x38;
	[tilespmem:$0x1E000] =	vst v63  }
0x2dd: {  	_ =	swait.ge [sflag:s13], $0x4000  }
0x2de: {  	[sflag:s13] =	ssyncset.done $0x0  }
0x2df: {  	[sflag:s13] =	ssyncadd.s32 $0xFFFFC000  }
0x2e0: {  	_ =	swait.ge [sflag:s16], $0x4000  }
0x2e1: {  	[sflag:s16] =	ssyncset.done $0x0  }
0x2e2: {  	s29 =	simm.s32 $0xC040;
	[sflag:s16] =	ssyncadd.s32 $0xFFFFC000  }
0x2e3: {  	s30 =	simm.s32 $0x10040;
	v2 =	vld [tilespmem:s29+$0x30]  }
0x2e4: {  	v3 =	vld [tilespmem:s30+$0x30]  }
0x2e5: {  	v1 =	vld [tilespmem:s30+$0xFFFFFFC0]  }
0x2e6: {  	v4 =	vld [tilespmem:s29+$0xFFFFFFD0]  }
0x2e7: {  	v5 =	vld [tilespmem:s30+$0xFFFFFFD0]  }
0x2e8: {  	v6 =	vld [tilespmem:s29+$0xFFFFFFE0]  }
0x2e9: {  	v7 =	vld [tilespmem:s30+$0xFFFFFFE0]  }
0x2ea: {  	v8 =	vld [tilespmem:s29+$0xFFFFFFF0]  }
0x2eb: {  	v9 =	vld [tilespmem:s30+$0xFFFFFFF0]  }
0x2ec: {  	v10 =	vld [tilespmem:s29+$0x0]  }
0x2ed: {  	v11 =	vld [tilespmem:s30+$0x0];
	v3 =	vsub.f32 v2, v3  }
0x2ee: {  	v5 =	vsub.f32 v4, v5;
	v2 =	vld [tilespmem:s29+$0x10]  }
0x2ef: {  	v6 =	vsub.f32 v6, v7;
	v4 =	vld [tilespmem:s30+$0x10];
	[tilespmem:s29+$0x30] =	vst v3  }
0x2f0: {  	v7 =	vsub.f32 v8, v9;
	[tilespmem:s29+$0xFFFFFFD0] =	vst v5;
	v3 =	vld [tilespmem:s29+$0x20]  }
0x2f1: {  	[tilespmem:s29+$0xFFFFFFE0] =	vst v6;
	v6 =	vld [tilespmem:s30+$0x20]  }
0x2f2: {  	s31 =	simm.s32 $0x0;
	s0 =	simm.s32 $0xC0C0;
	v5 =	vld [tilespmem:s29+$0xFFFFFFC0];
	[tilespmem:s29+$0xFFFFFFF0] =	vst v7;
	v7 =	vsub.f32 v10, v11  }
.LBB2_26:
0x2f3: {  	v8 =	vld [tilespmem:s0+$0x30];
	s30 =	sadd.s32 $0x80, s30  }
0x2f4: {  	s31 =	sadd.s32 $0x8, s31;
	v9 =	vld [tilespmem:s30+$0x30];
	[tilespmem:s29+$0x0] =	vst v7;
	v2 =	vsub.f32 v2, v4  }
0x2f5: {  	p0 =	slt.u32 s31, $0x3F8;
	v4 =	vld [tilespmem:s30+$0xFFFFFFC0]  }
0x2f6: {  	v7 =	vld [tilespmem:s0+$0xFFFFFFD0];
	[tilespmem:s29+$0x10] =	vst v2;
	v2 =	vsub.f32 v3, v6  }
0x2f7: {  	v3 =	vld [tilespmem:s30+$0xFFFFFFD0];
	v10 =	vsub.f32 v5, v1  }
0x2f8: {  	v5 =	vld [tilespmem:s0+$0xFFFFFFE0];
	[tilespmem:s29+$0x20] =	vst v2  }
0x2f9: {  	v2 =	vld [tilespmem:s30+$0xFFFFFFE0];
	v6 =	vsub.f32 v8, v9;
	[tilespmem:s29+$0xFFFFFFC0] =	vst v10;
	s29 =	smov.u32 s0  }
0x2fa: {  	v8 =	vld [tilespmem:s0+$0xFFFFFFF0];
	v1 =	vmov v4  }
0x2fb: {  	v9 =	vld [tilespmem:s30+$0xFFFFFFF0];
	[tilespmem:s0+$0x30] =	vst v6  }
0x2fc: {  	v3 =	vsub.f32 v7, v3;
	v7 =	vld [tilespmem:s0+$0x0]  }
0x2fd: {  	v10 =	vld [tilespmem:s30+$0x0]  }
.Ltmp12:
0x2fe: {  	[tilespmem:s0+$0xFFFFFFD0] =	vst v3;
	v3 =	vsub.f32 v5, v2;
	v2 =	vld [tilespmem:s0+$0x10];
	(pc) =	sbr.rel @p0 .LBB2_26-.Ltmp12, $4  }
0x2ff: {  	v4 =	vld [tilespmem:s30+$0x10]  }
0x300: {  	[tilespmem:s0+$0xFFFFFFE0] =	vst v3;
	v8 =	vsub.f32 v8, v9;
	v3 =	vld [tilespmem:s0+$0x20]  }
0x301: {  	v6 =	vld [tilespmem:s30+$0x20]  }
0x302: {  	s0 =	sadd.s32 $0x80, s0;
	v5 =	vld [tilespmem:s29+$0xFFFFFFC0];
	[tilespmem:s29+$0xFFFFFFF0] =	vst v8;
	v7 =	vsub.f32 v7, v10  }
0x303: {  	_ =	sdelay $0x1  }
0x304: {  	v2 =	vsub.f32 v2, v4  }
0x305: {  	[tilespmem:s29+$0x0] =	vst v7;
	v3 =	vsub.f32 v3, v6  }
0x306: {  	[tilespmem:s29+$0x10] =	vst v2;
	v1 =	vsub.f32 v5, v1  }
0x307: {  	[tilespmem:s29+$0x20] =	vst v3  }
0x308: {  	[tilespmem:s29+$0xFFFFFFC0] =	vst v1  }
0x309: {  	s0 =	sld [smem:$0x7A9];
	_ =	sdelay $0x2  }
0x30a: {  	[hbm4b:s0+s2] =	stream.linear.scatter [tilespmem:s7], [sflag:$0xB], $0x4000, $0x38;
	[tilespmem:$0x1E000] =	vst v63  }
0x30b: {  	s0 =	sld [smem:$0x7B4];
	_ =	sdelay $0x2  }
0x30c: {  	[tilespmem:s6], [sflag:$0x3] =	stream.linear.gather [hbm4b:s0+s2], $0x4000, $0x38;
	[tilespmem:$0x1E000] =	vst v63  }
0x30d: {  	_ =	swait.ge [sflag:s21], $0x4000  }
0x30e: {  	[sflag:s21] =	ssyncset.done $0x0  }
0x30f: {  	s29 =	simm.s32 $0x10040;
	[sflag:s21] =	ssyncadd.s32 $0xFFFFC000  }
0x310: {  	s30 =	simm.s32 $0x18040;
	v2 =	vld [tilespmem:s29+$0x30]  }
0x311: {  	v3 =	vld [tilespmem:s30+$0x30]  }
0x312: {  	v1 =	vld [tilespmem:s30+$0xFFFFFFC0]  }
0x313: {  	v4 =	vld [tilespmem:s29+$0xFFFFFFD0]  }
0x314: {  	v5 =	vld [tilespmem:s30+$0xFFFFFFD0]  }
0x315: {  	v6 =	vld [tilespmem:s29+$0xFFFFFFE0]  }
0x316: {  	v7 =	vld [tilespmem:s30+$0xFFFFFFE0]  }
0x317: {  	v8 =	vld [tilespmem:s29+$0xFFFFFFF0]  }
0x318: {  	v9 =	vld [tilespmem:s30+$0xFFFFFFF0]  }
0x319: {  	v10 =	vld [tilespmem:s29+$0x0]  }
0x31a: {  	v11 =	vld [tilespmem:s30+$0x0];
	v3 =	vsub.f32 v2, v3  }
0x31b: {  	v5 =	vsub.f32 v4, v5;
	v2 =	vld [tilespmem:s29+$0x10]  }
0x31c: {  	v6 =	vsub.f32 v6, v7;
	v4 =	vld [tilespmem:s30+$0x10];
	[tilespmem:s29+$0x30] =	vst v3  }
0x31d: {  	v7 =	vsub.f32 v8, v9;
	[tilespmem:s29+$0xFFFFFFD0] =	vst v5;
	v3 =	vld [tilespmem:s29+$0x20]  }
0x31e: {  	[tilespmem:s29+$0xFFFFFFE0] =	vst v6;
	v6 =	vld [tilespmem:s30+$0x20]  }
0x31f: {  	s31 =	simm.s32 $0x0;
	s0 =	simm.s32 $0x100C0;
	v5 =	vld [tilespmem:s29+$0xFFFFFFC0];
	[tilespmem:s29+$0xFFFFFFF0] =	vst v7;
	v7 =	vsub.f32 v10, v11  }
.LBB2_28:
0x320: {  	v8 =	vld [tilespmem:s0+$0x30];
	s30 =	sadd.s32 $0x80, s30  }
0x321: {  	s31 =	sadd.s32 $0x8, s31;
	v9 =	vld [tilespmem:s30+$0x30];
	[tilespmem:s29+$0x0] =	vst v7;
	v2 =	vsub.f32 v2, v4  }
0x322: {  	p0 =	slt.u32 s31, $0x3F8;
	v4 =	vld [tilespmem:s30+$0xFFFFFFC0]  }
0x323: {  	v7 =	vld [tilespmem:s0+$0xFFFFFFD0];
	[tilespmem:s29+$0x10] =	vst v2;
	v2 =	vsub.f32 v3, v6  }
0x324: {  	v3 =	vld [tilespmem:s30+$0xFFFFFFD0];
	v10 =	vsub.f32 v5, v1  }
0x325: {  	v5 =	vld [tilespmem:s0+$0xFFFFFFE0];
	[tilespmem:s29+$0x20] =	vst v2  }
0x326: {  	v2 =	vld [tilespmem:s30+$0xFFFFFFE0];
	v6 =	vsub.f32 v8, v9;
	[tilespmem:s29+$0xFFFFFFC0] =	vst v10;
	s29 =	smov.u32 s0  }
0x327: {  	v8 =	vld [tilespmem:s0+$0xFFFFFFF0];
	v1 =	vmov v4  }
0x328: {  	v9 =	vld [tilespmem:s30+$0xFFFFFFF0];
	[tilespmem:s0+$0x30] =	vst v6  }
0x329: {  	v3 =	vsub.f32 v7, v3;
	v7 =	vld [tilespmem:s0+$0x0]  }
0x32a: {  	v10 =	vld [tilespmem:s30+$0x0]  }
.Ltmp13:
0x32b: {  	[tilespmem:s0+$0xFFFFFFD0] =	vst v3;
	v3 =	vsub.f32 v5, v2;
	v2 =	vld [tilespmem:s0+$0x10];
	(pc) =	sbr.rel @p0 .LBB2_28-.Ltmp13, $4  }
0x32c: {  	v4 =	vld [tilespmem:s30+$0x10]  }
0x32d: {  	[tilespmem:s0+$0xFFFFFFE0] =	vst v3;
	v8 =	vsub.f32 v8, v9;
	v3 =	vld [tilespmem:s0+$0x20]  }
0x32e: {  	v6 =	vld [tilespmem:s30+$0x20]  }
0x32f: {  	s0 =	sadd.s32 $0x80, s0;
	v5 =	vld [tilespmem:s29+$0xFFFFFFC0];
	[tilespmem:s29+$0xFFFFFFF0] =	vst v8;
	v7 =	vsub.f32 v7, v10  }
0x330: {  	_ =	sdelay $0x1  }
0x331: {  	v2 =	vsub.f32 v2, v4  }
0x332: {  	[tilespmem:s29+$0x0] =	vst v7;
	v3 =	vsub.f32 v3, v6  }
0x333: {  	[tilespmem:s29+$0x10] =	vst v2;
	v1 =	vsub.f32 v5, v1  }
0x334: {  	[tilespmem:s29+$0x20] =	vst v3  }
0x335: {  	[tilespmem:s29+$0xFFFFFFC0] =	vst v1  }
0x336: {  	s0 =	sld [smem:$0x7AB];
	_ =	sdelay $0x2  }
0x337: {  	[hbm4b:s0+s2] =	stream.linear.scatter [tilespmem:s8], [sflag:$0xC], $0x4000, $0x38;
	[tilespmem:$0x1E000] =	vst v63  }
0x338: {  	_ =	swait.ge [sflag:s25], $0x4000  }
0x339: {  	s0 =	sld [smem:$0x7B6]  }
0x33a: {  	[sflag:s25] =	ssyncset.done $0x0  }
0x33b: {  	[sflag:s25] =	ssyncadd.s32 $0xFFFFC000  }
0x33c: {  	[tilespmem:s7], [sflag:$0x4] =	stream.linear.gather [hbm4b:s0+s2], $0x4000, $0x38;
	[tilespmem:$0x1E000] =	vst v63  }
0x33d: {  	_ =	swait.ge [sflag:s20], $0x4000  }
0x33e: {  	[sflag:s20] =	ssyncset.done $0x0  }
0x33f: {  	[sflag:s20] =	ssyncadd.s32 $0xFFFFC000  }
0x340: {  	_ =	swait.ge [sflag:s10], $0x4000  }
0x341: {  	[sflag:s10] =	ssyncset.done $0x0  }
0x342: {  	s29 =	simm.s32 $0x14040;
	[sflag:s10] =	ssyncadd.s32 $0xFFFFC000  }
0x343: {  	s30 =	simm.s32 $0x40;
	v2 =	vld [tilespmem:s29+$0x30]  }
0x344: {  	v3 =	vld [tilespmem:s30+$0x30]  }
0x345: {  	v1 =	vld [tilespmem:s30+$0xFFFFFFC0]  }
0x346: {  	v4 =	vld [tilespmem:s29+$0xFFFFFFD0]  }
0x347: {  	v5 =	vld [tilespmem:s30+$0xFFFFFFD0]  }
0x348: {  	v6 =	vld [tilespmem:s29+$0xFFFFFFE0]  }
0x349: {  	v7 =	vld [tilespmem:s30+$0xFFFFFFE0]  }
0x34a: {  	v8 =	vld [tilespmem:s29+$0xFFFFFFF0]  }
0x34b: {  	v9 =	vld [tilespmem:s30+$0xFFFFFFF0]  }
0x34c: {  	v10 =	vld [tilespmem:s29+$0x0]  }
0x34d: {  	v11 =	vld [tilespmem:s30+$0x0];
	v3 =	vsub.f32 v2, v3  }
0x34e: {  	v5 =	vsub.f32 v4, v5;
	v2 =	vld [tilespmem:s29+$0x10]  }
0x34f: {  	v6 =	vsub.f32 v6, v7;
	v4 =	vld [tilespmem:s30+$0x10];
	[tilespmem:s29+$0x30] =	vst v3  }
0x350: {  	v7 =	vsub.f32 v8, v9;
	[tilespmem:s29+$0xFFFFFFD0] =	vst v5;
	v3 =	vld [tilespmem:s29+$0x20]  }
0x351: {  	[tilespmem:s29+$0xFFFFFFE0] =	vst v6;
	v6 =	vld [tilespmem:s30+$0x20]  }
0x352: {  	s31 =	simm.s32 $0x0;
	s0 =	simm.s32 $0x140C0;
	v5 =	vld [tilespmem:s29+$0xFFFFFFC0];
	[tilespmem:s29+$0xFFFFFFF0] =	vst v7;
	v7 =	vsub.f32 v10, v11  }
.LBB2_30:
0x353: {  	v8 =	vld [tilespmem:s0+$0x30];
	s30 =	sadd.s32 $0x80, s30  }
0x354: {  	s31 =	sadd.s32 $0x8, s31;
	v9 =	vld [tilespmem:s30+$0x30];
	[tilespmem:s29+$0x0] =	vst v7;
	v2 =	vsub.f32 v2, v4  }
0x355: {  	p0 =	slt.u32 s31, $0x3F8;
	v4 =	vld [tilespmem:s30+$0xFFFFFFC0]  }
0x356: {  	v7 =	vld [tilespmem:s0+$0xFFFFFFD0];
	[tilespmem:s29+$0x10] =	vst v2;
	v2 =	vsub.f32 v3, v6  }
0x357: {  	v3 =	vld [tilespmem:s30+$0xFFFFFFD0];
	v10 =	vsub.f32 v5, v1  }
0x358: {  	v5 =	vld [tilespmem:s0+$0xFFFFFFE0];
	[tilespmem:s29+$0x20] =	vst v2  }
0x359: {  	v2 =	vld [tilespmem:s30+$0xFFFFFFE0];
	v6 =	vsub.f32 v8, v9;
	[tilespmem:s29+$0xFFFFFFC0] =	vst v10;
	s29 =	smov.u32 s0  }
0x35a: {  	v8 =	vld [tilespmem:s0+$0xFFFFFFF0];
	v1 =	vmov v4  }
0x35b: {  	v9 =	vld [tilespmem:s30+$0xFFFFFFF0];
	[tilespmem:s0+$0x30] =	vst v6  }
0x35c: {  	v3 =	vsub.f32 v7, v3;
	v7 =	vld [tilespmem:s0+$0x0]  }
0x35d: {  	v10 =	vld [tilespmem:s30+$0x0]  }
.Ltmp14:
0x35e: {  	[tilespmem:s0+$0xFFFFFFD0] =	vst v3;
	v3 =	vsub.f32 v5, v2;
	v2 =	vld [tilespmem:s0+$0x10];
	(pc) =	sbr.rel @p0 .LBB2_30-.Ltmp14, $4  }
0x35f: {  	v4 =	vld [tilespmem:s30+$0x10]  }
0x360: {  	[tilespmem:s0+$0xFFFFFFE0] =	vst v3;
	v8 =	vsub.f32 v8, v9;
	v3 =	vld [tilespmem:s0+$0x20]  }
0x361: {  	v6 =	vld [tilespmem:s30+$0x20]  }
0x362: {  	s0 =	sadd.s32 $0x80, s0;
	v5 =	vld [tilespmem:s29+$0xFFFFFFC0];
	[tilespmem:s29+$0xFFFFFFF0] =	vst v8;
	v7 =	vsub.f32 v7, v10  }
0x363: {  	_ =	sdelay $0x1  }
0x364: {  	v2 =	vsub.f32 v2, v4  }
0x365: {  	[tilespmem:s29+$0x0] =	vst v7;
	v3 =	vsub.f32 v3, v6  }
0x366: {  	[tilespmem:s29+$0x10] =	vst v2;
	v1 =	vsub.f32 v5, v1  }
0x367: {  	[tilespmem:s29+$0x20] =	vst v3  }
0x368: {  	[tilespmem:s29+$0xFFFFFFC0] =	vst v1  }
0x369: {  	s0 =	sld [smem:$0x7AD];
	_ =	sdelay $0x2  }
0x36a: {  	[hbm4b:s0+s2] =	stream.linear.scatter [tilespmem:s9], [sflag:$0xD], $0x4000, $0x38;
	[tilespmem:$0x1E000] =	vst v63  }
0x36b: {  	_ =	swait.ge [sflag:s24], $0x4000  }
0x36c: {  	s0 =	sld [smem:$0x7B8]  }
0x36d: {  	[sflag:s24] =	ssyncset.done $0x0  }
0x36e: {  	[sflag:s24] =	ssyncadd.s32 $0xFFFFC000  }
0x36f: {  	[tilespmem:s8], [sflag:$0x5] =	stream.linear.gather [hbm4b:s0+s2], $0x4000, $0x38;
	[tilespmem:$0x1E000] =	vst v63  }
0x370: {  	s0 =	sld [smem:$0x7AF];
	_ =	sdelay $0x2  }
0x371: {  	[hbm4b:s0+s2] =	stream.linear.scatter [tilespmem:s18], [sflag:$0xF], $0x2000, $0x38;
	[tilespmem:$0x1E000] =	vst v63  }
0x372: {  	s0 =	sld [smem:$0x7F1];
	_ =	sdelay $0x2  }
0x373: {  	[hbm4b:s0+s2] =	stream.linear.scatter [tilespmem:s18], [sflag:$0xF], $0x2000, $0x38;
	[tilespmem:$0x1E000] =	vst v63  }
0x374: {  	_ =	swait.ge [sflag:s22], $0x4000  }
0x375: {  	s0 =	sld [smem:$0x7BA]  }
0x376: {  	[sflag:s22] =	ssyncset.done $0x0  }
0x377: {  	[sflag:s22] =	ssyncadd.s32 $0xFFFFC000  }
0x378: {  	[tilespmem:s9], [sflag:$0x6] =	stream.linear.gather [hbm4b:s0+s2], $0x4000, $0x38;
	[tilespmem:$0x1E000] =	vst v63  }
0x379: {  	s0 =	sld [smem:$0x7B1];
	_ =	sdelay $0x2  }
0x37a: {  	[hbm4b:s0+s2] =	stream.linear.scatter [tilespmem:s18], [sflag:$0xF], $0x2000, $0x38;
	[tilespmem:$0x1E000] =	vst v63  }
0x37b: {  	s0 =	sld [smem:$0x7F2];
	_ =	sdelay $0x2  }
0x37c: {  	[hbm4b:s0+s2] =	stream.linear.scatter [tilespmem:s18], [sflag:$0xF], $0x2000, $0x38;
	[tilespmem:$0x1E000] =	vst v63  }
0x37d: {  	s0 =	sld [smem:$0x7BC];
	_ =	sdelay $0x2  }
0x37e: {  	[tilespmem:s12], [sflag:$0x7] =	stream.linear.gather [hbm4b:s0+s2], $0x4000, $0x38;
	[tilespmem:$0x1E000] =	vst v63  }
0x37f: {  	_ =	swait.ge [sflag:s11], $0x4000  }
0x380: {  	[sflag:s11] =	ssyncset.done $0x0  }
0x381: {  	[sflag:s11] =	ssyncadd.s32 $0xFFFFC000  }
0x382: {  	_ =	swait.ge [sflag:s13], $0x4000  }
0x383: {  	[sflag:s13] =	ssyncset.done $0x0  }
0x384: {  	s29 =	simm.s32 $0x4040;
	[sflag:s13] =	ssyncadd.s32 $0xFFFFC000  }
0x385: {  	s30 =	simm.s32 $0xC040;
	v2 =	vld [tilespmem:s29+$0x30]  }
0x386: {  	v3 =	vld [tilespmem:s30+$0x30]  }
0x387: {  	v1 =	vld [tilespmem:s30+$0xFFFFFFC0]  }
0x388: {  	v4 =	vld [tilespmem:s29+$0xFFFFFFD0]  }
0x389: {  	v5 =	vld [tilespmem:s30+$0xFFFFFFD0]  }
0x38a: {  	v6 =	vld [tilespmem:s29+$0xFFFFFFE0]  }
0x38b: {  	v7 =	vld [tilespmem:s30+$0xFFFFFFE0]  }
0x38c: {  	v8 =	vld [tilespmem:s29+$0xFFFFFFF0]  }
0x38d: {  	v9 =	vld [tilespmem:s30+$0xFFFFFFF0]  }
0x38e: {  	v10 =	vld [tilespmem:s29+$0x0]  }
0x38f: {  	v11 =	vld [tilespmem:s30+$0x0];
	v3 =	vsub.f32 v2, v3  }
0x390: {  	v5 =	vsub.f32 v4, v5;
	v2 =	vld [tilespmem:s29+$0x10]  }
0x391: {  	v6 =	vsub.f32 v6, v7;
	v4 =	vld [tilespmem:s30+$0x10];
	[tilespmem:s29+$0x30] =	vst v3  }
0x392: {  	v7 =	vsub.f32 v8, v9;
	[tilespmem:s29+$0xFFFFFFD0] =	vst v5;
	v3 =	vld [tilespmem:s29+$0x20]  }
0x393: {  	[tilespmem:s29+$0xFFFFFFE0] =	vst v6;
	v6 =	vld [tilespmem:s30+$0x20]  }
0x394: {  	s31 =	simm.s32 $0x0;
	s0 =	simm.s32 $0x40C0;
	v5 =	vld [tilespmem:s29+$0xFFFFFFC0];
	[tilespmem:s29+$0xFFFFFFF0] =	vst v7;
	v7 =	vsub.f32 v10, v11  }
.LBB2_32:
0x395: {  	v8 =	vld [tilespmem:s0+$0x30];
	s30 =	sadd.s32 $0x80, s30  }
0x396: {  	s31 =	sadd.s32 $0x8, s31;
	v9 =	vld [tilespmem:s30+$0x30];
	[tilespmem:s29+$0x0] =	vst v7;
	v2 =	vsub.f32 v2, v4  }
0x397: {  	p0 =	slt.u32 s31, $0x3F8;
	v4 =	vld [tilespmem:s30+$0xFFFFFFC0]  }
0x398: {  	v7 =	vld [tilespmem:s0+$0xFFFFFFD0];
	[tilespmem:s29+$0x10] =	vst v2;
	v2 =	vsub.f32 v3, v6  }
0x399: {  	v3 =	vld [tilespmem:s30+$0xFFFFFFD0];
	v10 =	vsub.f32 v5, v1  }
0x39a: {  	v5 =	vld [tilespmem:s0+$0xFFFFFFE0];
	[tilespmem:s29+$0x20] =	vst v2  }
0x39b: {  	v2 =	vld [tilespmem:s30+$0xFFFFFFE0];
	v6 =	vsub.f32 v8, v9;
	[tilespmem:s29+$0xFFFFFFC0] =	vst v10;
	s29 =	smov.u32 s0  }
0x39c: {  	v8 =	vld [tilespmem:s0+$0xFFFFFFF0];
	v1 =	vmov v4  }
0x39d: {  	v9 =	vld [tilespmem:s30+$0xFFFFFFF0];
	[tilespmem:s0+$0x30] =	vst v6  }
0x39e: {  	v3 =	vsub.f32 v7, v3;
	v7 =	vld [tilespmem:s0+$0x0]  }
0x39f: {  	v10 =	vld [tilespmem:s30+$0x0]  }
.Ltmp15:
0x3a0: {  	[tilespmem:s0+$0xFFFFFFD0] =	vst v3;
	v3 =	vsub.f32 v5, v2;
	v2 =	vld [tilespmem:s0+$0x10];
	(pc) =	sbr.rel @p0 .LBB2_32-.Ltmp15, $4  }
0x3a1: {  	v4 =	vld [tilespmem:s30+$0x10]  }
0x3a2: {  	[tilespmem:s0+$0xFFFFFFE0] =	vst v3;
	v8 =	vsub.f32 v8, v9;
	v3 =	vld [tilespmem:s0+$0x20]  }
0x3a3: {  	v6 =	vld [tilespmem:s30+$0x20]  }
0x3a4: {  	s0 =	sadd.s32 $0x80, s0;
	v5 =	vld [tilespmem:s29+$0xFFFFFFC0];
	[tilespmem:s29+$0xFFFFFFF0] =	vst v8;
	v7 =	vsub.f32 v7, v10  }
0x3a5: {  	_ =	sdelay $0x1  }
0x3a6: {  	v2 =	vsub.f32 v2, v4  }
0x3a7: {  	[tilespmem:s29+$0x0] =	vst v7;
	v3 =	vsub.f32 v3, v6  }
0x3a8: {  	[tilespmem:s29+$0x10] =	vst v2;
	v1 =	vsub.f32 v5, v1  }
0x3a9: {  	[tilespmem:s29+$0x20] =	vst v3  }
0x3aa: {  	[tilespmem:s29+$0xFFFFFFC0] =	vst v1  }
0x3ab: {  	s0 =	sld [smem:$0x7B3];
	_ =	sdelay $0x2  }
0x3ac: {  	[hbm4b:s0+s2] =	stream.linear.scatter [tilespmem:s5], [sflag:$0x9], $0x4000, $0x38;
	[tilespmem:$0x1E000] =	vst v63  }
0x3ad: {  	s0 =	sld [smem:$0x7BE];
	_ =	sdelay $0x2  }
0x3ae: {  	[tilespmem:s2], [sflag:$0x1] =	stream.linear.gather [hbm4b:s0+s2], $0x4000, $0x38;
	[tilespmem:$0x1E000] =	vst v63  }
0x3af: {  	_ =	swait.ge [sflag:s15], $0x4000  }
0x3b0: {  	[sflag:s15] =	ssyncset.done $0x0  }
0x3b1: {  	[sflag:s15] =	ssyncadd.s32 $0xFFFFC000  }
0x3b2: {  	_ =	swait.ge [sflag:s16], $0x4000  }
0x3b3: {  	[sflag:s16] =	ssyncset.done $0x0  }
0x3b4: {  	s29 =	simm.s32 $0x8040;
	[sflag:s16] =	ssyncadd.s32 $0xFFFFC000  }
0x3b5: {  	s30 =	simm.s32 $0x10040;
	v2 =	vld [tilespmem:s29+$0x30]  }
0x3b6: {  	v3 =	vld [tilespmem:s30+$0x30]  }
0x3b7: {  	v1 =	vld [tilespmem:s30+$0xFFFFFFC0]  }
0x3b8: {  	v4 =	vld [tilespmem:s29+$0xFFFFFFD0]  }
0x3b9: {  	v5 =	vld [tilespmem:s30+$0xFFFFFFD0]  }
0x3ba: {  	v6 =	vld [tilespmem:s29+$0xFFFFFFE0]  }
0x3bb: {  	v7 =	vld [tilespmem:s30+$0xFFFFFFE0]  }
0x3bc: {  	v8 =	vld [tilespmem:s29+$0xFFFFFFF0]  }
0x3bd: {  	v9 =	vld [tilespmem:s30+$0xFFFFFFF0]  }
0x3be: {  	v10 =	vld [tilespmem:s29+$0x0]  }
0x3bf: {  	v11 =	vld [tilespmem:s30+$0x0];
	v3 =	vsub.f32 v2, v3  }
0x3c0: {  	v5 =	vsub.f32 v4, v5;
	v2 =	vld [tilespmem:s29+$0x10]  }
0x3c1: {  	v6 =	vsub.f32 v6, v7;
	v4 =	vld [tilespmem:s30+$0x10];
	[tilespmem:s29+$0x30] =	vst v3  }
0x3c2: {  	v7 =	vsub.f32 v8, v9;
	[tilespmem:s29+$0xFFFFFFD0] =	vst v5;
	v3 =	vld [tilespmem:s29+$0x20]  }
0x3c3: {  	[tilespmem:s29+$0xFFFFFFE0] =	vst v6;
	v6 =	vld [tilespmem:s30+$0x20]  }
0x3c4: {  	s31 =	simm.s32 $0x0;
	s0 =	simm.s32 $0x80C0;
	v5 =	vld [tilespmem:s29+$0xFFFFFFC0];
	[tilespmem:s29+$0xFFFFFFF0] =	vst v7;
	v7 =	vsub.f32 v10, v11  }
.LBB2_34:
0x3c5: {  	v8 =	vld [tilespmem:s0+$0x30];
	s30 =	sadd.s32 $0x80, s30  }
0x3c6: {  	s31 =	sadd.s32 $0x8, s31;
	v9 =	vld [tilespmem:s30+$0x30];
	[tilespmem:s29+$0x0] =	vst v7;
	v2 =	vsub.f32 v2, v4  }
0x3c7: {  	p0 =	slt.u32 s31, $0x3F8;
	v4 =	vld [tilespmem:s30+$0xFFFFFFC0]  }
0x3c8: {  	v7 =	vld [tilespmem:s0+$0xFFFFFFD0];
	[tilespmem:s29+$0x10] =	vst v2;
	v2 =	vsub.f32 v3, v6  }
0x3c9: {  	v3 =	vld [tilespmem:s30+$0xFFFFFFD0];
	v10 =	vsub.f32 v5, v1  }
0x3ca: {  	v5 =	vld [tilespmem:s0+$0xFFFFFFE0];
	[tilespmem:s29+$0x20] =	vst v2  }
0x3cb: {  	v2 =	vld [tilespmem:s30+$0xFFFFFFE0];
	v6 =	vsub.f32 v8, v9;
	[tilespmem:s29+$0xFFFFFFC0] =	vst v10;
	s29 =	smov.u32 s0  }
0x3cc: {  	v8 =	vld [tilespmem:s0+$0xFFFFFFF0];
	v1 =	vmov v4  }
0x3cd: {  	v9 =	vld [tilespmem:s30+$0xFFFFFFF0];
	[tilespmem:s0+$0x30] =	vst v6  }
0x3ce: {  	v3 =	vsub.f32 v7, v3;
	v7 =	vld [tilespmem:s0+$0x0]  }
0x3cf: {  	v10 =	vld [tilespmem:s30+$0x0]  }
.Ltmp16:
0x3d0: {  	[tilespmem:s0+$0xFFFFFFD0] =	vst v3;
	v3 =	vsub.f32 v5, v2;
	v2 =	vld [tilespmem:s0+$0x10];
	(pc) =	sbr.rel @p0 .LBB2_34-.Ltmp16, $4  }
0x3d1: {  	v4 =	vld [tilespmem:s30+$0x10]  }
0x3d2: {  	[tilespmem:s0+$0xFFFFFFE0] =	vst v3;
	v8 =	vsub.f32 v8, v9;
	v3 =	vld [tilespmem:s0+$0x20]  }
0x3d3: {  	v6 =	vld [tilespmem:s30+$0x20]  }
0x3d4: {  	s0 =	sadd.s32 $0x80, s0;
	v5 =	vld [tilespmem:s29+$0xFFFFFFC0];
	[tilespmem:s29+$0xFFFFFFF0] =	vst v8;
	v7 =	vsub.f32 v7, v10  }
0x3d5: {  	_ =	sdelay $0x1  }
0x3d6: {  	v2 =	vsub.f32 v2, v4  }
0x3d7: {  	[tilespmem:s29+$0x0] =	vst v7;
	v3 =	vsub.f32 v3, v6  }
0x3d8: {  	[tilespmem:s29+$0x10] =	vst v2;
	v1 =	vsub.f32 v5, v1  }
0x3d9: {  	[tilespmem:s29+$0x20] =	vst v3  }
0x3da: {  	[tilespmem:s29+$0xFFFFFFC0] =	vst v1  }
0x3db: {  	s0 =	sld [smem:$0x7B5];
	_ =	sdelay $0x2  }
0x3dc: {  	[hbm4b:s0+s2] =	stream.linear.scatter [tilespmem:s6], [sflag:$0xA], $0x4000, $0x38;
	[tilespmem:$0x1E000] =	vst v63  }
0x3dd: {  	_ =	swait.ge [sflag:s17], $0x4000  }
0x3de: {  	s0 =	sld [smem:$0x7C0]  }
0x3df: {  	[sflag:s17] =	ssyncset.done $0x0  }
0x3e0: {  	[sflag:s17] =	ssyncadd.s32 $0xFFFFC000  }
0x3e1: {  	[tilespmem:s5], [sflag:$0x2] =	stream.linear.gather [hbm4b:s0+s2], $0x4000, $0x38;
	[tilespmem:$0x1E000] =	vst v63  }
0x3e2: {  	_ =	swait.ge [sflag:s20], $0x4000  }
0x3e3: {  	[sflag:s20] =	ssyncset.done $0x0  }
0x3e4: {  	s29 =	simm.s32 $0xC040;
	[sflag:s20] =	ssyncadd.s32 $0xFFFFC000  }
0x3e5: {  	s30 =	simm.s32 $0x14040;
	v2 =	vld [tilespmem:s29+$0x30]  }
0x3e6: {  	v3 =	vld [tilespmem:s30+$0x30]  }
0x3e7: {  	v1 =	vld [tilespmem:s30+$0xFFFFFFC0]  }
0x3e8: {  	v4 =	vld [tilespmem:s29+$0xFFFFFFD0]  }
0x3e9: {  	v5 =	vld [tilespmem:s30+$0xFFFFFFD0]  }
0x3ea: {  	v6 =	vld [tilespmem:s29+$0xFFFFFFE0]  }
0x3eb: {  	v7 =	vld [tilespmem:s30+$0xFFFFFFE0]  }
0x3ec: {  	v8 =	vld [tilespmem:s29+$0xFFFFFFF0]  }
0x3ed: {  	v9 =	vld [tilespmem:s30+$0xFFFFFFF0]  }
0x3ee: {  	v10 =	vld [tilespmem:s29+$0x0]  }
0x3ef: {  	v11 =	vld [tilespmem:s30+$0x0];
	v3 =	vsub.f32 v2, v3  }
0x3f0: {  	v5 =	vsub.f32 v4, v5;
	v2 =	vld [tilespmem:s29+$0x10]  }
0x3f1: {  	v6 =	vsub.f32 v6, v7;
	v4 =	vld [tilespmem:s30+$0x10];
	[tilespmem:s29+$0x30] =	vst v3  }
0x3f2: {  	v7 =	vsub.f32 v8, v9;
	[tilespmem:s29+$0xFFFFFFD0] =	vst v5;
	v3 =	vld [tilespmem:s29+$0x20]  }
0x3f3: {  	[tilespmem:s29+$0xFFFFFFE0] =	vst v6;
	v6 =	vld [tilespmem:s30+$0x20]  }
0x3f4: {  	s31 =	simm.s32 $0x0;
	s0 =	simm.s32 $0xC0C0;
	v5 =	vld [tilespmem:s29+$0xFFFFFFC0];
	[tilespmem:s29+$0xFFFFFFF0] =	vst v7;
	v7 =	vsub.f32 v10, v11  }
.LBB2_36:
0x3f5: {  	v8 =	vld [tilespmem:s0+$0x30];
	s30 =	sadd.s32 $0x80, s30  }
0x3f6: {  	s31 =	sadd.s32 $0x8, s31;
	v9 =	vld [tilespmem:s30+$0x30];
	[tilespmem:s29+$0x0] =	vst v7;
	v2 =	vsub.f32 v2, v4  }
0x3f7: {  	p0 =	slt.u32 s31, $0x3F8;
	v4 =	vld [tilespmem:s30+$0xFFFFFFC0]  }
0x3f8: {  	v7 =	vld [tilespmem:s0+$0xFFFFFFD0];
	[tilespmem:s29+$0x10] =	vst v2;
	v2 =	vsub.f32 v3, v6  }
0x3f9: {  	v3 =	vld [tilespmem:s30+$0xFFFFFFD0];
	v10 =	vsub.f32 v5, v1  }
0x3fa: {  	v5 =	vld [tilespmem:s0+$0xFFFFFFE0];
	[tilespmem:s29+$0x20] =	vst v2  }
0x3fb: {  	v2 =	vld [tilespmem:s30+$0xFFFFFFE0];
	v6 =	vsub.f32 v8, v9;
	[tilespmem:s29+$0xFFFFFFC0] =	vst v10;
	s29 =	smov.u32 s0  }
0x3fc: {  	v8 =	vld [tilespmem:s0+$0xFFFFFFF0];
	v1 =	vmov v4  }
0x3fd: {  	v9 =	vld [tilespmem:s30+$0xFFFFFFF0];
	[tilespmem:s0+$0x30] =	vst v6  }
0x3fe: {  	v3 =	vsub.f32 v7, v3;
	v7 =	vld [tilespmem:s0+$0x0]  }
0x3ff: {  	v10 =	vld [tilespmem:s30+$0x0]  }
.Ltmp17:
0x400: {  	[tilespmem:s0+$0xFFFFFFD0] =	vst v3;
	v3 =	vsub.f32 v5, v2;
	v2 =	vld [tilespmem:s0+$0x10];
	(pc) =	sbr.rel @p0 .LBB2_36-.Ltmp17, $4  }
0x401: {  	v4 =	vld [tilespmem:s30+$0x10]  }
0x402: {  	[tilespmem:s0+$0xFFFFFFE0] =	vst v3;
	v8 =	vsub.f32 v8, v9;
	v3 =	vld [tilespmem:s0+$0x20]  }
0x403: {  	v6 =	vld [tilespmem:s30+$0x20]  }
0x404: {  	s0 =	sadd.s32 $0x80, s0;
	v5 =	vld [tilespmem:s29+$0xFFFFFFC0];
	[tilespmem:s29+$0xFFFFFFF0] =	vst v8;
	v7 =	vsub.f32 v7, v10  }
0x405: {  	_ =	sdelay $0x1  }
0x406: {  	v2 =	vsub.f32 v2, v4  }
0x407: {  	[tilespmem:s29+$0x0] =	vst v7;
	v3 =	vsub.f32 v3, v6  }
0x408: {  	[tilespmem:s29+$0x10] =	vst v2;
	v1 =	vsub.f32 v5, v1  }
0x409: {  	[tilespmem:s29+$0x20] =	vst v3  }
0x40a: {  	[tilespmem:s29+$0xFFFFFFC0] =	vst v1  }
0x40b: {  	s0 =	sld [smem:$0x7B7];
	_ =	sdelay $0x2  }
0x40c: {  	[hbm4b:s0+s2] =	stream.linear.scatter [tilespmem:s7], [sflag:$0xB], $0x4000, $0x38;
	[tilespmem:$0x1E000] =	vst v63  }
0x40d: {  	_ =	swait.ge [sflag:s19], $0x4000  }
0x40e: {  	s0 =	sld [smem:$0x7C2]  }
0x40f: {  	[sflag:s19] =	ssyncset.done $0x0  }
0x410: {  	[sflag:s19] =	ssyncadd.s32 $0xFFFFC000  }
0x411: {  	[tilespmem:s6], [sflag:$0x3] =	stream.linear.gather [hbm4b:s0+s2], $0x4000, $0x38;
	[tilespmem:$0x1E000] =	vst v63  }
0x412: {  	_ =	swait.ge [sflag:s21], $0x4000  }
0x413: {  	[sflag:s21] =	ssyncset.done $0x0  }
0x414: {  	s29 =	simm.s32 $0x10040;
	[sflag:s21] =	ssyncadd.s32 $0xFFFFC000  }
0x415: {  	s30 =	simm.s32 $0x18040;
	v2 =	vld [tilespmem:s29+$0x30]  }
0x416: {  	v3 =	vld [tilespmem:s30+$0x30]  }
0x417: {  	v1 =	vld [tilespmem:s30+$0xFFFFFFC0]  }
0x418: {  	v4 =	vld [tilespmem:s29+$0xFFFFFFD0]  }
0x419: {  	v5 =	vld [tilespmem:s30+$0xFFFFFFD0]  }
0x41a: {  	v6 =	vld [tilespmem:s29+$0xFFFFFFE0]  }
0x41b: {  	v7 =	vld [tilespmem:s30+$0xFFFFFFE0]  }
0x41c: {  	v8 =	vld [tilespmem:s29+$0xFFFFFFF0]  }
0x41d: {  	v9 =	vld [tilespmem:s30+$0xFFFFFFF0]  }
0x41e: {  	v10 =	vld [tilespmem:s29+$0x0]  }
0x41f: {  	v11 =	vld [tilespmem:s30+$0x0];
	v3 =	vsub.f32 v2, v3  }
0x420: {  	v5 =	vsub.f32 v4, v5;
	v2 =	vld [tilespmem:s29+$0x10]  }
0x421: {  	v6 =	vsub.f32 v6, v7;
	v4 =	vld [tilespmem:s30+$0x10];
	[tilespmem:s29+$0x30] =	vst v3  }
0x422: {  	v7 =	vsub.f32 v8, v9;
	[tilespmem:s29+$0xFFFFFFD0] =	vst v5;
	v3 =	vld [tilespmem:s29+$0x20]  }
0x423: {  	[tilespmem:s29+$0xFFFFFFE0] =	vst v6;
	v6 =	vld [tilespmem:s30+$0x20]  }
0x424: {  	s31 =	simm.s32 $0x0;
	s0 =	simm.s32 $0x100C0;
	v5 =	vld [tilespmem:s29+$0xFFFFFFC0];
	[tilespmem:s29+$0xFFFFFFF0] =	vst v7;
	v7 =	vsub.f32 v10, v11  }
.LBB2_38:
0x425: {  	v8 =	vld [tilespmem:s0+$0x30];
	s30 =	sadd.s32 $0x80, s30  }
0x426: {  	s31 =	sadd.s32 $0x8, s31;
	v9 =	vld [tilespmem:s30+$0x30];
	[tilespmem:s29+$0x0] =	vst v7;
	v2 =	vsub.f32 v2, v4  }
0x427: {  	p0 =	slt.u32 s31, $0x3F8;
	v4 =	vld [tilespmem:s30+$0xFFFFFFC0]  }
0x428: {  	v7 =	vld [tilespmem:s0+$0xFFFFFFD0];
	[tilespmem:s29+$0x10] =	vst v2;
	v2 =	vsub.f32 v3, v6  }
0x429: {  	v3 =	vld [tilespmem:s30+$0xFFFFFFD0];
	v10 =	vsub.f32 v5, v1  }
0x42a: {  	v5 =	vld [tilespmem:s0+$0xFFFFFFE0];
	[tilespmem:s29+$0x20] =	vst v2  }
0x42b: {  	v2 =	vld [tilespmem:s30+$0xFFFFFFE0];
	v6 =	vsub.f32 v8, v9;
	[tilespmem:s29+$0xFFFFFFC0] =	vst v10;
	s29 =	smov.u32 s0  }
0x42c: {  	v8 =	vld [tilespmem:s0+$0xFFFFFFF0];
	v1 =	vmov v4  }
0x42d: {  	v9 =	vld [tilespmem:s30+$0xFFFFFFF0];
	[tilespmem:s0+$0x30] =	vst v6  }
0x42e: {  	v3 =	vsub.f32 v7, v3;
	v7 =	vld [tilespmem:s0+$0x0]  }
0x42f: {  	v10 =	vld [tilespmem:s30+$0x0]  }
.Ltmp18:
0x430: {  	[tilespmem:s0+$0xFFFFFFD0] =	vst v3;
	v3 =	vsub.f32 v5, v2;
	v2 =	vld [tilespmem:s0+$0x10];
	(pc) =	sbr.rel @p0 .LBB2_38-.Ltmp18, $4  }
0x431: {  	v4 =	vld [tilespmem:s30+$0x10]  }
0x432: {  	[tilespmem:s0+$0xFFFFFFE0] =	vst v3;
	v8 =	vsub.f32 v8, v9;
	v3 =	vld [tilespmem:s0+$0x20]  }
0x433: {  	v6 =	vld [tilespmem:s30+$0x20]  }
0x434: {  	s0 =	sadd.s32 $0x80, s0;
	v5 =	vld [tilespmem:s29+$0xFFFFFFC0];
	[tilespmem:s29+$0xFFFFFFF0] =	vst v8;
	v7 =	vsub.f32 v7, v10  }
0x435: {  	_ =	sdelay $0x1  }
0x436: {  	v2 =	vsub.f32 v2, v4  }
0x437: {  	[tilespmem:s29+$0x0] =	vst v7;
	v3 =	vsub.f32 v3, v6  }
0x438: {  	[tilespmem:s29+$0x10] =	vst v2;
	v1 =	vsub.f32 v5, v1  }
0x439: {  	[tilespmem:s29+$0x20] =	vst v3  }
0x43a: {  	[tilespmem:s29+$0xFFFFFFC0] =	vst v1  }
0x43b: {  	s0 =	sld [smem:$0x7B9];
	_ =	sdelay $0x2  }
0x43c: {  	[hbm4b:s0+s2] =	stream.linear.scatter [tilespmem:s8], [sflag:$0xC], $0x4000, $0x38;
	[tilespmem:$0x1E000] =	vst v63  }
0x43d: {  	_ =	swait.ge [sflag:s25], $0x4000  }
0x43e: {  	s0 =	sld [smem:$0x7C4]  }
0x43f: {  	[sflag:s25] =	ssyncset.done $0x0  }
0x440: {  	[sflag:s25] =	ssyncadd.s32 $0xFFFFC000  }
0x441: {  	[tilespmem:s7], [sflag:$0x4] =	stream.linear.gather [hbm4b:s0+s2], $0x4000, $0x38;
	[tilespmem:$0x1E000] =	vst v63  }
0x442: {  	s0 =	sld [smem:$0x7BB];
	_ =	sdelay $0x2  }
0x443: {  	[hbm4b:s0+s2] =	stream.linear.scatter [tilespmem:s18], [sflag:$0xF], $0x2000, $0x38;
	[tilespmem:$0x1E000] =	vst v63  }
0x444: {  	s0 =	sld [smem:$0x7F4];
	_ =	sdelay $0x2  }
0x445: {  	[hbm4b:s0+s2] =	stream.linear.scatter [tilespmem:s18], [sflag:$0xF], $0x2000, $0x38;
	[tilespmem:$0x1E000] =	vst v63  }
0x446: {  	_ =	swait.ge [sflag:s24], $0x4000  }
0x447: {  	s0 =	sld [smem:$0x7C6]  }
0x448: {  	[sflag:s24] =	ssyncset.done $0x0  }
0x449: {  	[sflag:s24] =	ssyncadd.s32 $0xFFFFC000  }
0x44a: {  	[tilespmem:s8], [sflag:$0x5] =	stream.linear.gather [hbm4b:s0+s2], $0x4000, $0x38;
	[tilespmem:$0x1E000] =	vst v63  }
0x44b: {  	s0 =	sld [smem:$0x7BD];
	_ =	sdelay $0x2  }
0x44c: {  	[hbm4b:s0+s2] =	stream.linear.scatter [tilespmem:s18], [sflag:$0xF], $0x2000, $0x38;
	[tilespmem:$0x1E000] =	vst v63  }
0x44d: {  	s0 =	sld [smem:$0x7F5];
	_ =	sdelay $0x2  }
0x44e: {  	[hbm4b:s0+s2] =	stream.linear.scatter [tilespmem:s18], [sflag:$0xF], $0x2000, $0x38;
	[tilespmem:$0x1E000] =	vst v63  }
0x44f: {  	s0 =	sld [smem:$0x7C8];
	_ =	sdelay $0x2  }
0x450: {  	[tilespmem:s9], [sflag:$0x6] =	stream.linear.gather [hbm4b:s0+s2], $0x4000, $0x38;
	[tilespmem:$0x1E000] =	vst v63  }
0x451: {  	_ =	swait.ge [sflag:s10], $0x4000  }
0x452: {  	[sflag:s10] =	ssyncset.done $0x0  }
0x453: {  	[sflag:s10] =	ssyncadd.s32 $0xFFFFC000  }
0x454: {  	_ =	swait.ge [sflag:s15], $0x4000  }
0x455: {  	[sflag:s15] =	ssyncset.done $0x0  }
0x456: {  	s29 =	simm.s32 $0x40;
	[sflag:s15] =	ssyncadd.s32 $0xFFFFC000  }
0x457: {  	s30 =	simm.s32 $0x8040;
	v2 =	vld [tilespmem:s29+$0x30]  }
0x458: {  	v3 =	vld [tilespmem:s30+$0x30]  }
0x459: {  	v1 =	vld [tilespmem:s30+$0xFFFFFFC0]  }
0x45a: {  	v4 =	vld [tilespmem:s29+$0xFFFFFFD0]  }
0x45b: {  	v5 =	vld [tilespmem:s30+$0xFFFFFFD0]  }
0x45c: {  	v6 =	vld [tilespmem:s29+$0xFFFFFFE0]  }
0x45d: {  	v7 =	vld [tilespmem:s30+$0xFFFFFFE0]  }
0x45e: {  	v8 =	vld [tilespmem:s29+$0xFFFFFFF0]  }
0x45f: {  	v9 =	vld [tilespmem:s30+$0xFFFFFFF0]  }
0x460: {  	v10 =	vld [tilespmem:s29+$0x0]  }
0x461: {  	v11 =	vld [tilespmem:s30+$0x0];
	v3 =	vsub.f32 v2, v3  }
0x462: {  	v5 =	vsub.f32 v4, v5;
	v2 =	vld [tilespmem:s29+$0x10]  }
0x463: {  	v6 =	vsub.f32 v6, v7;
	v4 =	vld [tilespmem:s30+$0x10];
	[tilespmem:s29+$0x30] =	vst v3  }
0x464: {  	v7 =	vsub.f32 v8, v9;
	[tilespmem:s29+$0xFFFFFFD0] =	vst v5;
	v3 =	vld [tilespmem:s29+$0x20]  }
0x465: {  	[tilespmem:s29+$0xFFFFFFE0] =	vst v6;
	v6 =	vld [tilespmem:s30+$0x20]  }
0x466: {  	s31 =	simm.s32 $0x0;
	s0 =	simm.s32 $0xC0;
	v5 =	vld [tilespmem:s29+$0xFFFFFFC0];
	[tilespmem:s29+$0xFFFFFFF0] =	vst v7;
	v7 =	vsub.f32 v10, v11  }
.LBB2_40:
0x467: {  	v8 =	vld [tilespmem:s0+$0x30];
	s30 =	sadd.s32 $0x80, s30  }
0x468: {  	s31 =	sadd.s32 $0x8, s31;
	v9 =	vld [tilespmem:s30+$0x30];
	[tilespmem:s29+$0x0] =	vst v7;
	v2 =	vsub.f32 v2, v4  }
0x469: {  	p0 =	slt.u32 s31, $0x3F8;
	v4 =	vld [tilespmem:s30+$0xFFFFFFC0]  }
0x46a: {  	v7 =	vld [tilespmem:s0+$0xFFFFFFD0];
	[tilespmem:s29+$0x10] =	vst v2;
	v2 =	vsub.f32 v3, v6  }
0x46b: {  	v3 =	vld [tilespmem:s30+$0xFFFFFFD0];
	v10 =	vsub.f32 v5, v1  }
0x46c: {  	v5 =	vld [tilespmem:s0+$0xFFFFFFE0];
	[tilespmem:s29+$0x20] =	vst v2  }
0x46d: {  	v2 =	vld [tilespmem:s30+$0xFFFFFFE0];
	v6 =	vsub.f32 v8, v9;
	[tilespmem:s29+$0xFFFFFFC0] =	vst v10;
	s29 =	smov.u32 s0  }
0x46e: {  	v8 =	vld [tilespmem:s0+$0xFFFFFFF0];
	v1 =	vmov v4  }
0x46f: {  	v9 =	vld [tilespmem:s30+$0xFFFFFFF0];
	[tilespmem:s0+$0x30] =	vst v6  }
0x470: {  	v3 =	vsub.f32 v7, v3;
	v7 =	vld [tilespmem:s0+$0x0]  }
0x471: {  	v10 =	vld [tilespmem:s30+$0x0]  }
.Ltmp19:
0x472: {  	[tilespmem:s0+$0xFFFFFFD0] =	vst v3;
	v3 =	vsub.f32 v5, v2;
	v2 =	vld [tilespmem:s0+$0x10];
	(pc) =	sbr.rel @p0 .LBB2_40-.Ltmp19, $4  }
0x473: {  	v4 =	vld [tilespmem:s30+$0x10]  }
0x474: {  	[tilespmem:s0+$0xFFFFFFE0] =	vst v3;
	v8 =	vsub.f32 v8, v9;
	v3 =	vld [tilespmem:s0+$0x20]  }
0x475: {  	v6 =	vld [tilespmem:s30+$0x20]  }
0x476: {  	s0 =	sadd.s32 $0x80, s0;
	v5 =	vld [tilespmem:s29+$0xFFFFFFC0];
	[tilespmem:s29+$0xFFFFFFF0] =	vst v8;
	v7 =	vsub.f32 v7, v10  }
0x477: {  	_ =	sdelay $0x1  }
0x478: {  	v2 =	vsub.f32 v2, v4  }
0x479: {  	[tilespmem:s29+$0x0] =	vst v7;
	v3 =	vsub.f32 v3, v6  }
0x47a: {  	[tilespmem:s29+$0x10] =	vst v2;
	v1 =	vsub.f32 v5, v1  }
0x47b: {  	[tilespmem:s29+$0x20] =	vst v3  }
0x47c: {  	[tilespmem:s29+$0xFFFFFFC0] =	vst v1  }
0x47d: {  	s0 =	sld [smem:$0x7BF];
	_ =	sdelay $0x2  }
0x47e: {  	[hbm4b:s0+s2] =	stream.linear.scatter [tilespmem:s2], [sflag:$0x8], $0x4000, $0x38;
	[tilespmem:$0x1E000] =	vst v63  }
0x47f: {  	s0 =	sld [smem:$0x7CA];
	_ =	sdelay $0x2  }
0x480: {  	[tilespmem:s12], [sflag:$0x7] =	stream.linear.gather [hbm4b:s0+s2], $0x4000, $0x38;
	[tilespmem:$0x1E000] =	vst v63  }
0x481: {  	_ =	swait.ge [sflag:s11], $0x4000  }
0x482: {  	[sflag:s11] =	ssyncset.done $0x0  }
0x483: {  	[sflag:s11] =	ssyncadd.s32 $0xFFFFC000  }
0x484: {  	_ =	swait.ge [sflag:s13], $0x4000  }
0x485: {  	[sflag:s13] =	ssyncset.done $0x0  }
0x486: {  	s29 =	simm.s32 $0x4040;
	[sflag:s13] =	ssyncadd.s32 $0xFFFFC000  }
0x487: {  	s30 =	simm.s32 $0xC040;
	v2 =	vld [tilespmem:s29+$0x30]  }
0x488: {  	v3 =	vld [tilespmem:s30+$0x30]  }
0x489: {  	v1 =	vld [tilespmem:s30+$0xFFFFFFC0]  }
0x48a: {  	v4 =	vld [tilespmem:s29+$0xFFFFFFD0]  }
0x48b: {  	v5 =	vld [tilespmem:s30+$0xFFFFFFD0]  }
0x48c: {  	v6 =	vld [tilespmem:s29+$0xFFFFFFE0]  }
0x48d: {  	v7 =	vld [tilespmem:s30+$0xFFFFFFE0]  }
0x48e: {  	v8 =	vld [tilespmem:s29+$0xFFFFFFF0]  }
0x48f: {  	v9 =	vld [tilespmem:s30+$0xFFFFFFF0]  }
0x490: {  	v10 =	vld [tilespmem:s29+$0x0]  }
0x491: {  	v11 =	vld [tilespmem:s30+$0x0];
	v3 =	vsub.f32 v2, v3  }
0x492: {  	v5 =	vsub.f32 v4, v5;
	v2 =	vld [tilespmem:s29+$0x10]  }
0x493: {  	v6 =	vsub.f32 v6, v7;
	v4 =	vld [tilespmem:s30+$0x10];
	[tilespmem:s29+$0x30] =	vst v3  }
0x494: {  	v7 =	vsub.f32 v8, v9;
	[tilespmem:s29+$0xFFFFFFD0] =	vst v5;
	v3 =	vld [tilespmem:s29+$0x20]  }
0x495: {  	[tilespmem:s29+$0xFFFFFFE0] =	vst v6;
	v6 =	vld [tilespmem:s30+$0x20]  }
0x496: {  	s31 =	simm.s32 $0x0;
	s0 =	simm.s32 $0x40C0;
	v5 =	vld [tilespmem:s29+$0xFFFFFFC0];
	[tilespmem:s29+$0xFFFFFFF0] =	vst v7;
	v7 =	vsub.f32 v10, v11  }
.LBB2_42:
0x497: {  	v8 =	vld [tilespmem:s0+$0x30];
	s30 =	sadd.s32 $0x80, s30  }
0x498: {  	s31 =	sadd.s32 $0x8, s31;
	v9 =	vld [tilespmem:s30+$0x30];
	[tilespmem:s29+$0x0] =	vst v7;
	v2 =	vsub.f32 v2, v4  }
0x499: {  	p0 =	slt.u32 s31, $0x3F8;
	v4 =	vld [tilespmem:s30+$0xFFFFFFC0]  }
0x49a: {  	v7 =	vld [tilespmem:s0+$0xFFFFFFD0];
	[tilespmem:s29+$0x10] =	vst v2;
	v2 =	vsub.f32 v3, v6  }
0x49b: {  	v3 =	vld [tilespmem:s30+$0xFFFFFFD0];
	v10 =	vsub.f32 v5, v1  }
0x49c: {  	v5 =	vld [tilespmem:s0+$0xFFFFFFE0];
	[tilespmem:s29+$0x20] =	vst v2  }
0x49d: {  	v2 =	vld [tilespmem:s30+$0xFFFFFFE0];
	v6 =	vsub.f32 v8, v9;
	[tilespmem:s29+$0xFFFFFFC0] =	vst v10;
	s29 =	smov.u32 s0  }
0x49e: {  	v8 =	vld [tilespmem:s0+$0xFFFFFFF0];
	v1 =	vmov v4  }
0x49f: {  	v9 =	vld [tilespmem:s30+$0xFFFFFFF0];
	[tilespmem:s0+$0x30] =	vst v6  }
0x4a0: {  	v3 =	vsub.f32 v7, v3;
	v7 =	vld [tilespmem:s0+$0x0]  }
0x4a1: {  	v10 =	vld [tilespmem:s30+$0x0]  }
.Ltmp20:
0x4a2: {  	[tilespmem:s0+$0xFFFFFFD0] =	vst v3;
	v3 =	vsub.f32 v5, v2;
	v2 =	vld [tilespmem:s0+$0x10];
	(pc) =	sbr.rel @p0 .LBB2_42-.Ltmp20, $4  }
0x4a3: {  	v4 =	vld [tilespmem:s30+$0x10]  }
0x4a4: {  	[tilespmem:s0+$0xFFFFFFE0] =	vst v3;
	v8 =	vsub.f32 v8, v9;
	v3 =	vld [tilespmem:s0+$0x20]  }
0x4a5: {  	v6 =	vld [tilespmem:s30+$0x20]  }
0x4a6: {  	s0 =	sadd.s32 $0x80, s0;
	v5 =	vld [tilespmem:s29+$0xFFFFFFC0];
	[tilespmem:s29+$0xFFFFFFF0] =	vst v8;
	v7 =	vsub.f32 v7, v10  }
0x4a7: {  	_ =	sdelay $0x1  }
0x4a8: {  	v2 =	vsub.f32 v2, v4  }
0x4a9: {  	[tilespmem:s29+$0x0] =	vst v7;
	v3 =	vsub.f32 v3, v6  }
0x4aa: {  	[tilespmem:s29+$0x10] =	vst v2;
	v1 =	vsub.f32 v5, v1  }
0x4ab: {  	[tilespmem:s29+$0x20] =	vst v3  }
0x4ac: {  	[tilespmem:s29+$0xFFFFFFC0] =	vst v1  }
0x4ad: {  	s0 =	sld [smem:$0x7C1];
	_ =	sdelay $0x2  }
0x4ae: {  	[hbm4b:s0+s2] =	stream.linear.scatter [tilespmem:s5], [sflag:$0x9], $0x4000, $0x38;
	[tilespmem:$0x1E000] =	vst v63  }
0x4af: {  	_ =	swait.ge [sflag:s14], $0x4000  }
0x4b0: {  	s0 =	sld [smem:$0x7CC]  }
0x4b1: {  	[sflag:s14] =	ssyncset.done $0x0  }
0x4b2: {  	[sflag:s14] =	ssyncadd.s32 $0xFFFFC000  }
0x4b3: {  	[tilespmem:s2], [sflag:$0x1] =	stream.linear.gather [hbm4b:s0+s2], $0x4000, $0x38;
	[tilespmem:$0x1E000] =	vst v63  }
0x4b4: {  	_ =	swait.ge [sflag:s16], $0x4000  }
0x4b5: {  	[sflag:s16] =	ssyncset.done $0x0  }
0x4b6: {  	s29 =	simm.s32 $0x8040;
	[sflag:s16] =	ssyncadd.s32 $0xFFFFC000  }
0x4b7: {  	s30 =	simm.s32 $0x10040;
	v2 =	vld [tilespmem:s29+$0x30]  }
0x4b8: {  	v3 =	vld [tilespmem:s30+$0x30]  }
0x4b9: {  	v1 =	vld [tilespmem:s30+$0xFFFFFFC0]  }
0x4ba: {  	v4 =	vld [tilespmem:s29+$0xFFFFFFD0]  }
0x4bb: {  	v5 =	vld [tilespmem:s30+$0xFFFFFFD0]  }
0x4bc: {  	v6 =	vld [tilespmem:s29+$0xFFFFFFE0]  }
0x4bd: {  	v7 =	vld [tilespmem:s30+$0xFFFFFFE0]  }
0x4be: {  	v8 =	vld [tilespmem:s29+$0xFFFFFFF0]  }
0x4bf: {  	v9 =	vld [tilespmem:s30+$0xFFFFFFF0]  }
0x4c0: {  	v10 =	vld [tilespmem:s29+$0x0]  }
0x4c1: {  	v11 =	vld [tilespmem:s30+$0x0];
	v3 =	vsub.f32 v2, v3  }
0x4c2: {  	v5 =	vsub.f32 v4, v5;
	v2 =	vld [tilespmem:s29+$0x10]  }
0x4c3: {  	v6 =	vsub.f32 v6, v7;
	v4 =	vld [tilespmem:s30+$0x10];
	[tilespmem:s29+$0x30] =	vst v3  }
0x4c4: {  	v7 =	vsub.f32 v8, v9;
	[tilespmem:s29+$0xFFFFFFD0] =	vst v5;
	v3 =	vld [tilespmem:s29+$0x20]  }
0x4c5: {  	[tilespmem:s29+$0xFFFFFFE0] =	vst v6;
	v6 =	vld [tilespmem:s30+$0x20]  }
0x4c6: {  	s31 =	simm.s32 $0x0;
	s0 =	simm.s32 $0x80C0;
	v5 =	vld [tilespmem:s29+$0xFFFFFFC0];
	[tilespmem:s29+$0xFFFFFFF0] =	vst v7;
	v7 =	vsub.f32 v10, v11  }
.LBB2_44:
0x4c7: {  	v8 =	vld [tilespmem:s0+$0x30];
	s30 =	sadd.s32 $0x80, s30  }
0x4c8: {  	s31 =	sadd.s32 $0x8, s31;
	v9 =	vld [tilespmem:s30+$0x30];
	[tilespmem:s29+$0x0] =	vst v7;
	v2 =	vsub.f32 v2, v4  }
0x4c9: {  	p0 =	slt.u32 s31, $0x3F8;
	v4 =	vld [tilespmem:s30+$0xFFFFFFC0]  }
0x4ca: {  	v7 =	vld [tilespmem:s0+$0xFFFFFFD0];
	[tilespmem:s29+$0x10] =	vst v2;
	v2 =	vsub.f32 v3, v6  }
0x4cb: {  	v3 =	vld [tilespmem:s30+$0xFFFFFFD0];
	v10 =	vsub.f32 v5, v1  }
0x4cc: {  	v5 =	vld [tilespmem:s0+$0xFFFFFFE0];
	[tilespmem:s29+$0x20] =	vst v2  }
0x4cd: {  	v2 =	vld [tilespmem:s30+$0xFFFFFFE0];
	v6 =	vsub.f32 v8, v9;
	[tilespmem:s29+$0xFFFFFFC0] =	vst v10;
	s29 =	smov.u32 s0  }
0x4ce: {  	v8 =	vld [tilespmem:s0+$0xFFFFFFF0];
	v1 =	vmov v4  }
0x4cf: {  	v9 =	vld [tilespmem:s30+$0xFFFFFFF0];
	[tilespmem:s0+$0x30] =	vst v6  }
0x4d0: {  	v3 =	vsub.f32 v7, v3;
	v7 =	vld [tilespmem:s0+$0x0]  }
0x4d1: {  	v10 =	vld [tilespmem:s30+$0x0]  }
.Ltmp21:
0x4d2: {  	[tilespmem:s0+$0xFFFFFFD0] =	vst v3;
	v3 =	vsub.f32 v5, v2;
	v2 =	vld [tilespmem:s0+$0x10];
	(pc) =	sbr.rel @p0 .LBB2_44-.Ltmp21, $4  }
0x4d3: {  	v4 =	vld [tilespmem:s30+$0x10]  }
0x4d4: {  	[tilespmem:s0+$0xFFFFFFE0] =	vst v3;
	v8 =	vsub.f32 v8, v9;
	v3 =	vld [tilespmem:s0+$0x20]  }
0x4d5: {  	v6 =	vld [tilespmem:s30+$0x20]  }
0x4d6: {  	s0 =	sadd.s32 $0x80, s0;
	v5 =	vld [tilespmem:s29+$0xFFFFFFC0];
	[tilespmem:s29+$0xFFFFFFF0] =	vst v8;
	v7 =	vsub.f32 v7, v10  }
0x4d7: {  	_ =	sdelay $0x1  }
0x4d8: {  	v2 =	vsub.f32 v2, v4  }
0x4d9: {  	[tilespmem:s29+$0x0] =	vst v7;
	v3 =	vsub.f32 v3, v6  }
0x4da: {  	[tilespmem:s29+$0x10] =	vst v2;
	v1 =	vsub.f32 v5, v1  }
0x4db: {  	[tilespmem:s29+$0x20] =	vst v3  }
0x4dc: {  	[tilespmem:s29+$0xFFFFFFC0] =	vst v1  }
0x4dd: {  	s0 =	sld [smem:$0x7C3];
	_ =	sdelay $0x2  }
0x4de: {  	[hbm4b:s0+s2] =	stream.linear.scatter [tilespmem:s6], [sflag:$0xA], $0x4000, $0x38;
	[tilespmem:$0x1E000] =	vst v63  }
0x4df: {  	_ =	swait.ge [sflag:s17], $0x4000  }
0x4e0: {  	s0 =	sld [smem:$0x7CE]  }
0x4e1: {  	[sflag:s17] =	ssyncset.done $0x0  }
0x4e2: {  	[sflag:s17] =	ssyncadd.s32 $0xFFFFC000  }
0x4e3: {  	[tilespmem:s5], [sflag:$0x2] =	stream.linear.gather [hbm4b:s0+s2], $0x4000, $0x38;
	[tilespmem:$0x1E000] =	vst v63  }
0x4e4: {  	_ =	swait.ge [sflag:s20], $0x4000  }
0x4e5: {  	[sflag:s20] =	ssyncset.done $0x0  }
0x4e6: {  	s29 =	simm.s32 $0xC040;
	[sflag:s20] =	ssyncadd.s32 $0xFFFFC000  }
0x4e7: {  	s30 =	simm.s32 $0x14040;
	v2 =	vld [tilespmem:s29+$0x30]  }
0x4e8: {  	v3 =	vld [tilespmem:s30+$0x30]  }
0x4e9: {  	v1 =	vld [tilespmem:s30+$0xFFFFFFC0]  }
0x4ea: {  	v4 =	vld [tilespmem:s29+$0xFFFFFFD0]  }
0x4eb: {  	v5 =	vld [tilespmem:s30+$0xFFFFFFD0]  }
0x4ec: {  	v6 =	vld [tilespmem:s29+$0xFFFFFFE0]  }
0x4ed: {  	v7 =	vld [tilespmem:s30+$0xFFFFFFE0]  }
0x4ee: {  	v8 =	vld [tilespmem:s29+$0xFFFFFFF0]  }
0x4ef: {  	v9 =	vld [tilespmem:s30+$0xFFFFFFF0]  }
0x4f0: {  	v10 =	vld [tilespmem:s29+$0x0]  }
0x4f1: {  	v11 =	vld [tilespmem:s30+$0x0];
	v3 =	vsub.f32 v2, v3  }
0x4f2: {  	v5 =	vsub.f32 v4, v5;
	v2 =	vld [tilespmem:s29+$0x10]  }
0x4f3: {  	v6 =	vsub.f32 v6, v7;
	v4 =	vld [tilespmem:s30+$0x10];
	[tilespmem:s29+$0x30] =	vst v3  }
0x4f4: {  	v7 =	vsub.f32 v8, v9;
	[tilespmem:s29+$0xFFFFFFD0] =	vst v5;
	v3 =	vld [tilespmem:s29+$0x20]  }
0x4f5: {  	[tilespmem:s29+$0xFFFFFFE0] =	vst v6;
	v6 =	vld [tilespmem:s30+$0x20]  }
0x4f6: {  	s31 =	simm.s32 $0x0;
	s0 =	simm.s32 $0xC0C0;
	v5 =	vld [tilespmem:s29+$0xFFFFFFC0];
	[tilespmem:s29+$0xFFFFFFF0] =	vst v7;
	v7 =	vsub.f32 v10, v11  }
.LBB2_46:
0x4f7: {  	v8 =	vld [tilespmem:s0+$0x30];
	s30 =	sadd.s32 $0x80, s30  }
0x4f8: {  	s31 =	sadd.s32 $0x8, s31;
	v9 =	vld [tilespmem:s30+$0x30];
	[tilespmem:s29+$0x0] =	vst v7;
	v2 =	vsub.f32 v2, v4  }
0x4f9: {  	p0 =	slt.u32 s31, $0x3F8;
	v4 =	vld [tilespmem:s30+$0xFFFFFFC0]  }
0x4fa: {  	v7 =	vld [tilespmem:s0+$0xFFFFFFD0];
	[tilespmem:s29+$0x10] =	vst v2;
	v2 =	vsub.f32 v3, v6  }
0x4fb: {  	v3 =	vld [tilespmem:s30+$0xFFFFFFD0];
	v10 =	vsub.f32 v5, v1  }
0x4fc: {  	v5 =	vld [tilespmem:s0+$0xFFFFFFE0];
	[tilespmem:s29+$0x20] =	vst v2  }
0x4fd: {  	v2 =	vld [tilespmem:s30+$0xFFFFFFE0];
	v6 =	vsub.f32 v8, v9;
	[tilespmem:s29+$0xFFFFFFC0] =	vst v10;
	s29 =	smov.u32 s0  }
0x4fe: {  	v8 =	vld [tilespmem:s0+$0xFFFFFFF0];
	v1 =	vmov v4  }
0x4ff: {  	v9 =	vld [tilespmem:s30+$0xFFFFFFF0];
	[tilespmem:s0+$0x30] =	vst v6  }
0x500: {  	v3 =	vsub.f32 v7, v3;
	v7 =	vld [tilespmem:s0+$0x0]  }
0x501: {  	v10 =	vld [tilespmem:s30+$0x0]  }
.Ltmp22:
0x502: {  	[tilespmem:s0+$0xFFFFFFD0] =	vst v3;
	v3 =	vsub.f32 v5, v2;
	v2 =	vld [tilespmem:s0+$0x10];
	(pc) =	sbr.rel @p0 .LBB2_46-.Ltmp22, $4  }
0x503: {  	v4 =	vld [tilespmem:s30+$0x10]  }
0x504: {  	[tilespmem:s0+$0xFFFFFFE0] =	vst v3;
	v8 =	vsub.f32 v8, v9;
	v3 =	vld [tilespmem:s0+$0x20]  }
0x505: {  	v6 =	vld [tilespmem:s30+$0x20]  }
0x506: {  	s0 =	sadd.s32 $0x80, s0;
	v5 =	vld [tilespmem:s29+$0xFFFFFFC0];
	[tilespmem:s29+$0xFFFFFFF0] =	vst v8;
	v7 =	vsub.f32 v7, v10  }
0x507: {  	_ =	sdelay $0x1  }
0x508: {  	v2 =	vsub.f32 v2, v4  }
0x509: {  	[tilespmem:s29+$0x0] =	vst v7;
	v3 =	vsub.f32 v3, v6  }
0x50a: {  	[tilespmem:s29+$0x10] =	vst v2;
	v1 =	vsub.f32 v5, v1  }
0x50b: {  	[tilespmem:s29+$0x20] =	vst v3  }
0x50c: {  	[tilespmem:s29+$0xFFFFFFC0] =	vst v1  }
0x50d: {  	s0 =	sld [smem:$0x7C5];
	_ =	sdelay $0x2  }
0x50e: {  	[hbm4b:s0+s2] =	stream.linear.scatter [tilespmem:s7], [sflag:$0xB], $0x4000, $0x38;
	[tilespmem:$0x1E000] =	vst v63  }
0x50f: {  	_ =	swait.ge [sflag:s19], $0x4000  }
0x510: {  	s0 =	sld [smem:$0x7D0]  }
0x511: {  	[sflag:s19] =	ssyncset.done $0x0  }
0x512: {  	[sflag:s19] =	ssyncadd.s32 $0xFFFFC000  }
0x513: {  	[tilespmem:s6], [sflag:$0x3] =	stream.linear.gather [hbm4b:s0+s2], $0x4000, $0x38;
	[tilespmem:$0x1E000] =	vst v63  }
0x514: {  	s0 =	sld [smem:$0x7C7];
	_ =	sdelay $0x2  }
0x515: {  	[hbm4b:s0+s2] =	stream.linear.scatter [tilespmem:s18], [sflag:$0xF], $0x2000, $0x38;
	[tilespmem:$0x1E000] =	vst v63  }
0x516: {  	s0 =	sld [smem:$0x7F7];
	_ =	sdelay $0x2  }
0x517: {  	[hbm4b:s0+s2] =	stream.linear.scatter [tilespmem:s18], [sflag:$0xF], $0x2000, $0x38;
	[tilespmem:$0x1E000] =	vst v63  }
0x518: {  	_ =	swait.ge [sflag:s25], $0x4000  }
0x519: {  	s0 =	sld [smem:$0x7D2]  }
0x51a: {  	[sflag:s25] =	ssyncset.done $0x0  }
0x51b: {  	[sflag:s25] =	ssyncadd.s32 $0xFFFFC000  }
0x51c: {  	[tilespmem:s7], [sflag:$0x4] =	stream.linear.gather [hbm4b:s0+s2], $0x4000, $0x38;
	[tilespmem:$0x1E000] =	vst v63  }
0x51d: {  	s0 =	sld [smem:$0x7C9];
	_ =	sdelay $0x2  }
0x51e: {  	[hbm4b:s0+s2] =	stream.linear.scatter [tilespmem:s18], [sflag:$0xF], $0x2000, $0x38;
	[tilespmem:$0x1E000] =	vst v63  }
0x51f: {  	s0 =	sld [smem:$0x7F8];
	_ =	sdelay $0x2  }
0x520: {  	[hbm4b:s0+s2] =	stream.linear.scatter [tilespmem:s18], [sflag:$0xF], $0x2000, $0x38;
	[tilespmem:$0x1E000] =	vst v63  }
0x521: {  	s0 =	sld [smem:$0x7D4];
	_ =	sdelay $0x2  }
0x522: {  	[tilespmem:s8], [sflag:$0x5] =	stream.linear.gather [hbm4b:s0+s2], $0x4000, $0x38;
	[tilespmem:$0x1E000] =	vst v63  }
0x523: {  	_ =	swait.ge [sflag:s21], $0x4000  }
0x524: {  	[sflag:s21] =	ssyncset.done $0x0  }
0x525: {  	[sflag:s21] =	ssyncadd.s32 $0xFFFFC000  }
0x526: {  	_ =	swait.ge [sflag:s10], $0x4000  }
0x527: {  	[sflag:s10] =	ssyncset.done $0x0  }
0x528: {  	s29 =	simm.s32 $0x18040;
	[sflag:s10] =	ssyncadd.s32 $0xFFFFC000  }
0x529: {  	s30 =	simm.s32 $0x40;
	v2 =	vld [tilespmem:s29+$0x30]  }
0x52a: {  	v3 =	vld [tilespmem:s30+$0x30]  }
0x52b: {  	v1 =	vld [tilespmem:s30+$0xFFFFFFC0]  }
0x52c: {  	v4 =	vld [tilespmem:s29+$0xFFFFFFD0]  }
0x52d: {  	v5 =	vld [tilespmem:s30+$0xFFFFFFD0]  }
0x52e: {  	v6 =	vld [tilespmem:s29+$0xFFFFFFE0]  }
0x52f: {  	v7 =	vld [tilespmem:s30+$0xFFFFFFE0]  }
0x530: {  	v8 =	vld [tilespmem:s29+$0xFFFFFFF0]  }
0x531: {  	v9 =	vld [tilespmem:s30+$0xFFFFFFF0]  }
0x532: {  	v10 =	vld [tilespmem:s29+$0x0]  }
0x533: {  	v11 =	vld [tilespmem:s30+$0x0];
	v3 =	vsub.f32 v2, v3  }
0x534: {  	v5 =	vsub.f32 v4, v5;
	v2 =	vld [tilespmem:s29+$0x10]  }
0x535: {  	v6 =	vsub.f32 v6, v7;
	v4 =	vld [tilespmem:s30+$0x10];
	[tilespmem:s29+$0x30] =	vst v3  }
0x536: {  	v7 =	vsub.f32 v8, v9;
	[tilespmem:s29+$0xFFFFFFD0] =	vst v5;
	v3 =	vld [tilespmem:s29+$0x20]  }
0x537: {  	[tilespmem:s29+$0xFFFFFFE0] =	vst v6;
	v6 =	vld [tilespmem:s30+$0x20]  }
0x538: {  	s31 =	simm.s32 $0x0;
	s0 =	simm.s32 $0x180C0;
	v5 =	vld [tilespmem:s29+$0xFFFFFFC0];
	[tilespmem:s29+$0xFFFFFFF0] =	vst v7;
	v7 =	vsub.f32 v10, v11  }
.LBB2_48:
0x539: {  	v8 =	vld [tilespmem:s0+$0x30];
	s30 =	sadd.s32 $0x80, s30  }
0x53a: {  	s31 =	sadd.s32 $0x8, s31;
	v9 =	vld [tilespmem:s30+$0x30];
	[tilespmem:s29+$0x0] =	vst v7;
	v2 =	vsub.f32 v2, v4  }
0x53b: {  	p0 =	slt.u32 s31, $0x3F8;
	v4 =	vld [tilespmem:s30+$0xFFFFFFC0]  }
0x53c: {  	v7 =	vld [tilespmem:s0+$0xFFFFFFD0];
	[tilespmem:s29+$0x10] =	vst v2;
	v2 =	vsub.f32 v3, v6  }
0x53d: {  	v3 =	vld [tilespmem:s30+$0xFFFFFFD0];
	v10 =	vsub.f32 v5, v1  }
0x53e: {  	v5 =	vld [tilespmem:s0+$0xFFFFFFE0];
	[tilespmem:s29+$0x20] =	vst v2  }
0x53f: {  	v2 =	vld [tilespmem:s30+$0xFFFFFFE0];
	v6 =	vsub.f32 v8, v9;
	[tilespmem:s29+$0xFFFFFFC0] =	vst v10;
	s29 =	smov.u32 s0  }
0x540: {  	v8 =	vld [tilespmem:s0+$0xFFFFFFF0];
	v1 =	vmov v4  }
0x541: {  	v9 =	vld [tilespmem:s30+$0xFFFFFFF0];
	[tilespmem:s0+$0x30] =	vst v6  }
0x542: {  	v3 =	vsub.f32 v7, v3;
	v7 =	vld [tilespmem:s0+$0x0]  }
0x543: {  	v10 =	vld [tilespmem:s30+$0x0]  }
.Ltmp23:
0x544: {  	[tilespmem:s0+$0xFFFFFFD0] =	vst v3;
	v3 =	vsub.f32 v5, v2;
	v2 =	vld [tilespmem:s0+$0x10];
	(pc) =	sbr.rel @p0 .LBB2_48-.Ltmp23, $4  }
0x545: {  	v4 =	vld [tilespmem:s30+$0x10]  }
0x546: {  	[tilespmem:s0+$0xFFFFFFE0] =	vst v3;
	v8 =	vsub.f32 v8, v9;
	v3 =	vld [tilespmem:s0+$0x20]  }
0x547: {  	v6 =	vld [tilespmem:s30+$0x20]  }
0x548: {  	s0 =	sadd.s32 $0x80, s0;
	v5 =	vld [tilespmem:s29+$0xFFFFFFC0];
	[tilespmem:s29+$0xFFFFFFF0] =	vst v8;
	v7 =	vsub.f32 v7, v10  }
0x549: {  	_ =	sdelay $0x1  }
0x54a: {  	v2 =	vsub.f32 v2, v4  }
0x54b: {  	[tilespmem:s29+$0x0] =	vst v7;
	v3 =	vsub.f32 v3, v6  }
0x54c: {  	[tilespmem:s29+$0x10] =	vst v2;
	v1 =	vsub.f32 v5, v1  }
0x54d: {  	[tilespmem:s29+$0x20] =	vst v3  }
0x54e: {  	[tilespmem:s29+$0xFFFFFFC0] =	vst v1  }
0x54f: {  	s0 =	sld [smem:$0x7CB];
	_ =	sdelay $0x2  }
0x550: {  	[hbm4b:s0+s2] =	stream.linear.scatter [tilespmem:s12], [sflag:$0xE], $0x4000, $0x38;
	[tilespmem:$0x1E000] =	vst v63  }
0x551: {  	s0 =	sld [smem:$0x7D6];
	_ =	sdelay $0x2  }
0x552: {  	[tilespmem:s9], [sflag:$0x6] =	stream.linear.gather [hbm4b:s0+s2], $0x4000, $0x38;
	[tilespmem:$0x1E000] =	vst v63  }
0x553: {  	_ =	swait.ge [sflag:s15], $0x4000  }
0x554: {  	[sflag:s15] =	ssyncset.done $0x0  }
0x555: {  	s29 =	simm.s32 $0x40;
	[sflag:s15] =	ssyncadd.s32 $0xFFFFC000  }
0x556: {  	s30 =	simm.s32 $0x8040;
	v2 =	vld [tilespmem:s29+$0x30]  }
0x557: {  	v3 =	vld [tilespmem:s30+$0x30]  }
0x558: {  	v1 =	vld [tilespmem:s30+$0xFFFFFFC0]  }
0x559: {  	v4 =	vld [tilespmem:s29+$0xFFFFFFD0]  }
0x55a: {  	v5 =	vld [tilespmem:s30+$0xFFFFFFD0]  }
0x55b: {  	v6 =	vld [tilespmem:s29+$0xFFFFFFE0]  }
0x55c: {  	v7 =	vld [tilespmem:s30+$0xFFFFFFE0]  }
0x55d: {  	v8 =	vld [tilespmem:s29+$0xFFFFFFF0]  }
0x55e: {  	v9 =	vld [tilespmem:s30+$0xFFFFFFF0]  }
0x55f: {  	v10 =	vld [tilespmem:s29+$0x0]  }
0x560: {  	v11 =	vld [tilespmem:s30+$0x0];
	v3 =	vsub.f32 v2, v3  }
0x561: {  	v5 =	vsub.f32 v4, v5;
	v2 =	vld [tilespmem:s29+$0x10]  }
0x562: {  	v6 =	vsub.f32 v6, v7;
	v4 =	vld [tilespmem:s30+$0x10];
	[tilespmem:s29+$0x30] =	vst v3  }
0x563: {  	v7 =	vsub.f32 v8, v9;
	[tilespmem:s29+$0xFFFFFFD0] =	vst v5;
	v3 =	vld [tilespmem:s29+$0x20]  }
0x564: {  	[tilespmem:s29+$0xFFFFFFE0] =	vst v6;
	v6 =	vld [tilespmem:s30+$0x20]  }
0x565: {  	s31 =	simm.s32 $0x0;
	s0 =	simm.s32 $0xC0;
	v5 =	vld [tilespmem:s29+$0xFFFFFFC0];
	[tilespmem:s29+$0xFFFFFFF0] =	vst v7;
	v7 =	vsub.f32 v10, v11  }
.LBB2_50:
0x566: {  	v8 =	vld [tilespmem:s0+$0x30];
	s30 =	sadd.s32 $0x80, s30  }
0x567: {  	s31 =	sadd.s32 $0x8, s31;
	v9 =	vld [tilespmem:s30+$0x30];
	[tilespmem:s29+$0x0] =	vst v7;
	v2 =	vsub.f32 v2, v4  }
0x568: {  	p0 =	slt.u32 s31, $0x3F8;
	v4 =	vld [tilespmem:s30+$0xFFFFFFC0]  }
0x569: {  	v7 =	vld [tilespmem:s0+$0xFFFFFFD0];
	[tilespmem:s29+$0x10] =	vst v2;
	v2 =	vsub.f32 v3, v6  }
0x56a: {  	v3 =	vld [tilespmem:s30+$0xFFFFFFD0];
	v10 =	vsub.f32 v5, v1  }
0x56b: {  	v5 =	vld [tilespmem:s0+$0xFFFFFFE0];
	[tilespmem:s29+$0x20] =	vst v2  }
0x56c: {  	v2 =	vld [tilespmem:s30+$0xFFFFFFE0];
	v6 =	vsub.f32 v8, v9;
	[tilespmem:s29+$0xFFFFFFC0] =	vst v10;
	s29 =	smov.u32 s0  }
0x56d: {  	v8 =	vld [tilespmem:s0+$0xFFFFFFF0];
	v1 =	vmov v4  }
0x56e: {  	v9 =	vld [tilespmem:s30+$0xFFFFFFF0];
	[tilespmem:s0+$0x30] =	vst v6  }
0x56f: {  	v3 =	vsub.f32 v7, v3;
	v7 =	vld [tilespmem:s0+$0x0]  }
0x570: {  	v10 =	vld [tilespmem:s30+$0x0]  }
.Ltmp24:
0x571: {  	[tilespmem:s0+$0xFFFFFFD0] =	vst v3;
	v3 =	vsub.f32 v5, v2;
	v2 =	vld [tilespmem:s0+$0x10];
	(pc) =	sbr.rel @p0 .LBB2_50-.Ltmp24, $4  }
0x572: {  	v4 =	vld [tilespmem:s30+$0x10]  }
0x573: {  	[tilespmem:s0+$0xFFFFFFE0] =	vst v3;
	v8 =	vsub.f32 v8, v9;
	v3 =	vld [tilespmem:s0+$0x20]  }
0x574: {  	v6 =	vld [tilespmem:s30+$0x20]  }
0x575: {  	s0 =	sadd.s32 $0x80, s0;
	v5 =	vld [tilespmem:s29+$0xFFFFFFC0];
	[tilespmem:s29+$0xFFFFFFF0] =	vst v8;
	v7 =	vsub.f32 v7, v10  }
0x576: {  	_ =	sdelay $0x1  }
0x577: {  	v2 =	vsub.f32 v2, v4  }
0x578: {  	[tilespmem:s29+$0x0] =	vst v7;
	v3 =	vsub.f32 v3, v6  }
0x579: {  	[tilespmem:s29+$0x10] =	vst v2;
	v1 =	vsub.f32 v5, v1  }
0x57a: {  	[tilespmem:s29+$0x20] =	vst v3  }
0x57b: {  	[tilespmem:s29+$0xFFFFFFC0] =	vst v1  }
0x57c: {  	s0 =	sld [smem:$0x7CD];
	_ =	sdelay $0x2  }
0x57d: {  	[hbm4b:s0+s2] =	stream.linear.scatter [tilespmem:s2], [sflag:$0x8], $0x4000, $0x38;
	[tilespmem:$0x1E000] =	vst v63  }
0x57e: {  	_ =	swait.ge [sflag:s23], $0x4000  }
0x57f: {  	s0 =	sld [smem:$0x7D8]  }
0x580: {  	[sflag:s23] =	ssyncset.done $0x0  }
0x581: {  	[sflag:s23] =	ssyncadd.s32 $0xFFFFC000  }
0x582: {  	[tilespmem:s12], [sflag:$0x7] =	stream.linear.gather [hbm4b:s0+s2], $0x4000, $0x38;
	[tilespmem:$0x1E000] =	vst v63  }
0x583: {  	_ =	swait.ge [sflag:s11], $0x4000  }
0x584: {  	[sflag:s11] =	ssyncset.done $0x0  }
0x585: {  	[sflag:s11] =	ssyncadd.s32 $0xFFFFC000  }
0x586: {  	_ =	swait.ge [sflag:s13], $0x4000  }
0x587: {  	[sflag:s13] =	ssyncset.done $0x0  }
0x588: {  	s29 =	simm.s32 $0x4040;
	[sflag:s13] =	ssyncadd.s32 $0xFFFFC000  }
0x589: {  	s30 =	simm.s32 $0xC040;
	v2 =	vld [tilespmem:s29+$0x30]  }
0x58a: {  	v3 =	vld [tilespmem:s30+$0x30]  }
0x58b: {  	v1 =	vld [tilespmem:s30+$0xFFFFFFC0]  }
0x58c: {  	v4 =	vld [tilespmem:s29+$0xFFFFFFD0]  }
0x58d: {  	v5 =	vld [tilespmem:s30+$0xFFFFFFD0]  }
0x58e: {  	v6 =	vld [tilespmem:s29+$0xFFFFFFE0]  }
0x58f: {  	v7 =	vld [tilespmem:s30+$0xFFFFFFE0]  }
0x590: {  	v8 =	vld [tilespmem:s29+$0xFFFFFFF0]  }
0x591: {  	v9 =	vld [tilespmem:s30+$0xFFFFFFF0]  }
0x592: {  	v10 =	vld [tilespmem:s29+$0x0]  }
0x593: {  	v11 =	vld [tilespmem:s30+$0x0];
	v3 =	vsub.f32 v2, v3  }
0x594: {  	v5 =	vsub.f32 v4, v5;
	v2 =	vld [tilespmem:s29+$0x10]  }
0x595: {  	v6 =	vsub.f32 v6, v7;
	v4 =	vld [tilespmem:s30+$0x10];
	[tilespmem:s29+$0x30] =	vst v3  }
0x596: {  	v7 =	vsub.f32 v8, v9;
	[tilespmem:s29+$0xFFFFFFD0] =	vst v5;
	v3 =	vld [tilespmem:s29+$0x20]  }
0x597: {  	[tilespmem:s29+$0xFFFFFFE0] =	vst v6;
	v6 =	vld [tilespmem:s30+$0x20]  }
0x598: {  	s31 =	simm.s32 $0x0;
	s0 =	simm.s32 $0x40C0;
	v5 =	vld [tilespmem:s29+$0xFFFFFFC0];
	[tilespmem:s29+$0xFFFFFFF0] =	vst v7;
	v7 =	vsub.f32 v10, v11  }
.LBB2_52:
0x599: {  	v8 =	vld [tilespmem:s0+$0x30];
	s30 =	sadd.s32 $0x80, s30  }
0x59a: {  	s31 =	sadd.s32 $0x8, s31;
	v9 =	vld [tilespmem:s30+$0x30];
	[tilespmem:s29+$0x0] =	vst v7;
	v2 =	vsub.f32 v2, v4  }
0x59b: {  	p0 =	slt.u32 s31, $0x3F8;
	v4 =	vld [tilespmem:s30+$0xFFFFFFC0]  }
0x59c: {  	v7 =	vld [tilespmem:s0+$0xFFFFFFD0];
	[tilespmem:s29+$0x10] =	vst v2;
	v2 =	vsub.f32 v3, v6  }
0x59d: {  	v3 =	vld [tilespmem:s30+$0xFFFFFFD0];
	v10 =	vsub.f32 v5, v1  }
0x59e: {  	v5 =	vld [tilespmem:s0+$0xFFFFFFE0];
	[tilespmem:s29+$0x20] =	vst v2  }
0x59f: {  	v2 =	vld [tilespmem:s30+$0xFFFFFFE0];
	v6 =	vsub.f32 v8, v9;
	[tilespmem:s29+$0xFFFFFFC0] =	vst v10;
	s29 =	smov.u32 s0  }
0x5a0: {  	v8 =	vld [tilespmem:s0+$0xFFFFFFF0];
	v1 =	vmov v4  }
0x5a1: {  	v9 =	vld [tilespmem:s30+$0xFFFFFFF0];
	[tilespmem:s0+$0x30] =	vst v6  }
0x5a2: {  	v3 =	vsub.f32 v7, v3;
	v7 =	vld [tilespmem:s0+$0x0]  }
0x5a3: {  	v10 =	vld [tilespmem:s30+$0x0]  }
.Ltmp25:
0x5a4: {  	[tilespmem:s0+$0xFFFFFFD0] =	vst v3;
	v3 =	vsub.f32 v5, v2;
	v2 =	vld [tilespmem:s0+$0x10];
	(pc) =	sbr.rel @p0 .LBB2_52-.Ltmp25, $4  }
0x5a5: {  	v4 =	vld [tilespmem:s30+$0x10]  }
0x5a6: {  	[tilespmem:s0+$0xFFFFFFE0] =	vst v3;
	v8 =	vsub.f32 v8, v9;
	v3 =	vld [tilespmem:s0+$0x20]  }
0x5a7: {  	v6 =	vld [tilespmem:s30+$0x20]  }
0x5a8: {  	s0 =	sadd.s32 $0x80, s0;
	v5 =	vld [tilespmem:s29+$0xFFFFFFC0];
	[tilespmem:s29+$0xFFFFFFF0] =	vst v8;
	v7 =	vsub.f32 v7, v10  }
0x5a9: {  	_ =	sdelay $0x1  }
0x5aa: {  	v2 =	vsub.f32 v2, v4  }
0x5ab: {  	[tilespmem:s29+$0x0] =	vst v7;
	v3 =	vsub.f32 v3, v6  }
0x5ac: {  	[tilespmem:s29+$0x10] =	vst v2;
	v1 =	vsub.f32 v5, v1  }
0x5ad: {  	[tilespmem:s29+$0x20] =	vst v3  }
0x5ae: {  	[tilespmem:s29+$0xFFFFFFC0] =	vst v1  }
0x5af: {  	s0 =	sld [smem:$0x7CF];
	_ =	sdelay $0x2  }
0x5b0: {  	[hbm4b:s0+s2] =	stream.linear.scatter [tilespmem:s5], [sflag:$0x9], $0x4000, $0x38;
	[tilespmem:$0x1E000] =	vst v63  }
0x5b1: {  	_ =	swait.ge [sflag:s14], $0x4000  }
0x5b2: {  	s0 =	sld [smem:$0x7DA]  }
0x5b3: {  	[sflag:s14] =	ssyncset.done $0x0  }
0x5b4: {  	[sflag:s14] =	ssyncadd.s32 $0xFFFFC000  }
0x5b5: {  	[tilespmem:s2], [sflag:$0x1] =	stream.linear.gather [hbm4b:s0+s2], $0x4000, $0x38;
	[tilespmem:$0x1E000] =	vst v63  }
0x5b6: {  	s0 =	sld [smem:$0x7D1];
	_ =	sdelay $0x2  }
0x5b7: {  	[hbm4b:s0+s2] =	stream.linear.scatter [tilespmem:s18], [sflag:$0xF], $0x2000, $0x38;
	[tilespmem:$0x1E000] =	vst v63  }
0x5b8: {  	s0 =	sld [smem:$0x7F9];
	_ =	sdelay $0x2  }
0x5b9: {  	[hbm4b:s0+s2] =	stream.linear.scatter [tilespmem:s18], [sflag:$0xF], $0x2000, $0x38;
	[tilespmem:$0x1E000] =	vst v63  }
0x5ba: {  	_ =	swait.ge [sflag:s17], $0x4000  }
0x5bb: {  	s0 =	sld [smem:$0x7DC]  }
0x5bc: {  	[sflag:s17] =	ssyncset.done $0x0  }
0x5bd: {  	[sflag:s17] =	ssyncadd.s32 $0xFFFFC000  }
0x5be: {  	[tilespmem:s5], [sflag:$0x2] =	stream.linear.gather [hbm4b:s0+s2], $0x4000, $0x38;
	[tilespmem:$0x1E000] =	vst v63  }
0x5bf: {  	s0 =	sld [smem:$0x7D3];
	_ =	sdelay $0x2  }
0x5c0: {  	[hbm4b:s0+s2] =	stream.linear.scatter [tilespmem:s18], [sflag:$0xF], $0x2000, $0x38;
	[tilespmem:$0x1E000] =	vst v63  }
0x5c1: {  	s0 =	sld [smem:$0x7FA];
	_ =	sdelay $0x2  }
0x5c2: {  	[hbm4b:s0+s2] =	stream.linear.scatter [tilespmem:s18], [sflag:$0xF], $0x2000, $0x38;
	[tilespmem:$0x1E000] =	vst v63  }
0x5c3: {  	s0 =	sld [smem:$0x7DE];
	_ =	sdelay $0x2  }
0x5c4: {  	[tilespmem:s6], [sflag:$0x3] =	stream.linear.gather [hbm4b:s0+s2], $0x4000, $0x38;
	[tilespmem:$0x1E000] =	vst v63  }
0x5c5: {  	_ =	swait.ge [sflag:s16], $0x4000  }
0x5c6: {  	[sflag:s16] =	ssyncset.done $0x0  }
0x5c7: {  	[sflag:s16] =	ssyncadd.s32 $0xFFFFC000  }
0x5c8: {  	_ =	swait.ge [sflag:s21], $0x4000  }
0x5c9: {  	[sflag:s21] =	ssyncset.done $0x0  }
0x5ca: {  	s29 =	simm.s32 $0x10040;
	[sflag:s21] =	ssyncadd.s32 $0xFFFFC000  }
0x5cb: {  	s30 =	simm.s32 $0x18040;
	v2 =	vld [tilespmem:s29+$0x30]  }
0x5cc: {  	v3 =	vld [tilespmem:s30+$0x30]  }
0x5cd: {  	v1 =	vld [tilespmem:s30+$0xFFFFFFC0]  }
0x5ce: {  	v4 =	vld [tilespmem:s29+$0xFFFFFFD0]  }
0x5cf: {  	v5 =	vld [tilespmem:s30+$0xFFFFFFD0]  }
0x5d0: {  	v6 =	vld [tilespmem:s29+$0xFFFFFFE0]  }
0x5d1: {  	v7 =	vld [tilespmem:s30+$0xFFFFFFE0]  }
0x5d2: {  	v8 =	vld [tilespmem:s29+$0xFFFFFFF0]  }
0x5d3: {  	v9 =	vld [tilespmem:s30+$0xFFFFFFF0]  }
0x5d4: {  	v10 =	vld [tilespmem:s29+$0x0]  }
0x5d5: {  	v11 =	vld [tilespmem:s30+$0x0];
	v3 =	vsub.f32 v2, v3  }
0x5d6: {  	v5 =	vsub.f32 v4, v5;
	v2 =	vld [tilespmem:s29+$0x10]  }
0x5d7: {  	v6 =	vsub.f32 v6, v7;
	v4 =	vld [tilespmem:s30+$0x10];
	[tilespmem:s29+$0x30] =	vst v3  }
0x5d8: {  	v7 =	vsub.f32 v8, v9;
	[tilespmem:s29+$0xFFFFFFD0] =	vst v5;
	v3 =	vld [tilespmem:s29+$0x20]  }
0x5d9: {  	[tilespmem:s29+$0xFFFFFFE0] =	vst v6;
	v6 =	vld [tilespmem:s30+$0x20]  }
0x5da: {  	s31 =	simm.s32 $0x0;
	s0 =	simm.s32 $0x100C0;
	v5 =	vld [tilespmem:s29+$0xFFFFFFC0];
	[tilespmem:s29+$0xFFFFFFF0] =	vst v7;
	v7 =	vsub.f32 v10, v11  }
.LBB2_54:
0x5db: {  	v8 =	vld [tilespmem:s0+$0x30];
	s30 =	sadd.s32 $0x80, s30  }
0x5dc: {  	s31 =	sadd.s32 $0x8, s31;
	v9 =	vld [tilespmem:s30+$0x30];
	[tilespmem:s29+$0x0] =	vst v7;
	v2 =	vsub.f32 v2, v4  }
0x5dd: {  	p0 =	slt.u32 s31, $0x3F8;
	v4 =	vld [tilespmem:s30+$0xFFFFFFC0]  }
0x5de: {  	v7 =	vld [tilespmem:s0+$0xFFFFFFD0];
	[tilespmem:s29+$0x10] =	vst v2;
	v2 =	vsub.f32 v3, v6  }
0x5df: {  	v3 =	vld [tilespmem:s30+$0xFFFFFFD0];
	v10 =	vsub.f32 v5, v1  }
0x5e0: {  	v5 =	vld [tilespmem:s0+$0xFFFFFFE0];
	[tilespmem:s29+$0x20] =	vst v2  }
0x5e1: {  	v2 =	vld [tilespmem:s30+$0xFFFFFFE0];
	v6 =	vsub.f32 v8, v9;
	[tilespmem:s29+$0xFFFFFFC0] =	vst v10;
	s29 =	smov.u32 s0  }
0x5e2: {  	v8 =	vld [tilespmem:s0+$0xFFFFFFF0];
	v1 =	vmov v4  }
0x5e3: {  	v9 =	vld [tilespmem:s30+$0xFFFFFFF0];
	[tilespmem:s0+$0x30] =	vst v6  }
0x5e4: {  	v3 =	vsub.f32 v7, v3;
	v7 =	vld [tilespmem:s0+$0x0]  }
0x5e5: {  	v10 =	vld [tilespmem:s30+$0x0]  }
.Ltmp26:
0x5e6: {  	[tilespmem:s0+$0xFFFFFFD0] =	vst v3;
	v3 =	vsub.f32 v5, v2;
	v2 =	vld [tilespmem:s0+$0x10];
	(pc) =	sbr.rel @p0 .LBB2_54-.Ltmp26, $4  }
0x5e7: {  	v4 =	vld [tilespmem:s30+$0x10]  }
0x5e8: {  	[tilespmem:s0+$0xFFFFFFE0] =	vst v3;
	v8 =	vsub.f32 v8, v9;
	v3 =	vld [tilespmem:s0+$0x20]  }
0x5e9: {  	v6 =	vld [tilespmem:s30+$0x20]  }
0x5ea: {  	s0 =	sadd.s32 $0x80, s0;
	v5 =	vld [tilespmem:s29+$0xFFFFFFC0];
	[tilespmem:s29+$0xFFFFFFF0] =	vst v8;
	v7 =	vsub.f32 v7, v10  }
0x5eb: {  	_ =	sdelay $0x1  }
0x5ec: {  	v2 =	vsub.f32 v2, v4  }
0x5ed: {  	[tilespmem:s29+$0x0] =	vst v7;
	v3 =	vsub.f32 v3, v6  }
0x5ee: {  	[tilespmem:s29+$0x10] =	vst v2;
	v1 =	vsub.f32 v5, v1  }
0x5ef: {  	[tilespmem:s29+$0x20] =	vst v3  }
0x5f0: {  	[tilespmem:s29+$0xFFFFFFC0] =	vst v1  }
0x5f1: {  	s0 =	sld [smem:$0x7D5];
	_ =	sdelay $0x2  }
0x5f2: {  	[hbm4b:s0+s2] =	stream.linear.scatter [tilespmem:s8], [sflag:$0xC], $0x4000, $0x38;
	[tilespmem:$0x1E000] =	vst v63  }
0x5f3: {  	s0 =	sld [smem:$0x7E1];
	_ =	sdelay $0x2  }
0x5f4: {  	[tilespmem:s7], [sflag:$0x4] =	stream.linear.gather [hbm4b:s0+s2], $0x4000, $0x38;
	[tilespmem:$0x1E000] =	vst v63  }
0x5f5: {  	_ =	swait.ge [sflag:s20], $0x4000  }
0x5f6: {  	[sflag:s20] =	ssyncset.done $0x0  }
0x5f7: {  	[sflag:s20] =	ssyncadd.s32 $0xFFFFC000  }
0x5f8: {  	_ =	swait.ge [sflag:s10], $0x4000  }
0x5f9: {  	[sflag:s10] =	ssyncset.done $0x0  }
0x5fa: {  	s29 =	simm.s32 $0x14040;
	[sflag:s10] =	ssyncadd.s32 $0xFFFFC000  }
0x5fb: {  	s30 =	simm.s32 $0x40;
	v2 =	vld [tilespmem:s29+$0x30]  }
0x5fc: {  	v3 =	vld [tilespmem:s30+$0x30]  }
0x5fd: {  	v1 =	vld [tilespmem:s30+$0xFFFFFFC0]  }
0x5fe: {  	v4 =	vld [tilespmem:s29+$0xFFFFFFD0]  }
0x5ff: {  	v5 =	vld [tilespmem:s30+$0xFFFFFFD0]  }
0x600: {  	v6 =	vld [tilespmem:s29+$0xFFFFFFE0]  }
0x601: {  	v7 =	vld [tilespmem:s30+$0xFFFFFFE0]  }
0x602: {  	v8 =	vld [tilespmem:s29+$0xFFFFFFF0]  }
0x603: {  	v9 =	vld [tilespmem:s30+$0xFFFFFFF0]  }
0x604: {  	v10 =	vld [tilespmem:s29+$0x0]  }
0x605: {  	v11 =	vld [tilespmem:s30+$0x0];
	v3 =	vsub.f32 v2, v3  }
0x606: {  	v5 =	vsub.f32 v4, v5;
	v2 =	vld [tilespmem:s29+$0x10]  }
0x607: {  	v6 =	vsub.f32 v6, v7;
	v4 =	vld [tilespmem:s30+$0x10];
	[tilespmem:s29+$0x30] =	vst v3  }
0x608: {  	v7 =	vsub.f32 v8, v9;
	[tilespmem:s29+$0xFFFFFFD0] =	vst v5;
	v3 =	vld [tilespmem:s29+$0x20]  }
0x609: {  	[tilespmem:s29+$0xFFFFFFE0] =	vst v6;
	v6 =	vld [tilespmem:s30+$0x20]  }
0x60a: {  	s31 =	simm.s32 $0x0;
	s0 =	simm.s32 $0x140C0;
	v5 =	vld [tilespmem:s29+$0xFFFFFFC0];
	[tilespmem:s29+$0xFFFFFFF0] =	vst v7;
	v7 =	vsub.f32 v10, v11  }
.LBB2_56:
0x60b: {  	v8 =	vld [tilespmem:s0+$0x30];
	s30 =	sadd.s32 $0x80, s30  }
0x60c: {  	s31 =	sadd.s32 $0x8, s31;
	v9 =	vld [tilespmem:s30+$0x30];
	[tilespmem:s29+$0x0] =	vst v7;
	v2 =	vsub.f32 v2, v4  }
0x60d: {  	p0 =	slt.u32 s31, $0x3F8;
	v4 =	vld [tilespmem:s30+$0xFFFFFFC0]  }
0x60e: {  	v7 =	vld [tilespmem:s0+$0xFFFFFFD0];
	[tilespmem:s29+$0x10] =	vst v2;
	v2 =	vsub.f32 v3, v6  }
0x60f: {  	v3 =	vld [tilespmem:s30+$0xFFFFFFD0];
	v10 =	vsub.f32 v5, v1  }
0x610: {  	v5 =	vld [tilespmem:s0+$0xFFFFFFE0];
	[tilespmem:s29+$0x20] =	vst v2  }
0x611: {  	v2 =	vld [tilespmem:s30+$0xFFFFFFE0];
	v6 =	vsub.f32 v8, v9;
	[tilespmem:s29+$0xFFFFFFC0] =	vst v10;
	s29 =	smov.u32 s0  }
0x612: {  	v8 =	vld [tilespmem:s0+$0xFFFFFFF0];
	v1 =	vmov v4  }
0x613: {  	v9 =	vld [tilespmem:s30+$0xFFFFFFF0];
	[tilespmem:s0+$0x30] =	vst v6  }
0x614: {  	v3 =	vsub.f32 v7, v3;
	v7 =	vld [tilespmem:s0+$0x0]  }
0x615: {  	v10 =	vld [tilespmem:s30+$0x0]  }
.Ltmp27:
0x616: {  	[tilespmem:s0+$0xFFFFFFD0] =	vst v3;
	v3 =	vsub.f32 v5, v2;
	v2 =	vld [tilespmem:s0+$0x10];
	(pc) =	sbr.rel @p0 .LBB2_56-.Ltmp27, $4  }
0x617: {  	v4 =	vld [tilespmem:s30+$0x10]  }
0x618: {  	[tilespmem:s0+$0xFFFFFFE0] =	vst v3;
	v8 =	vsub.f32 v8, v9;
	v3 =	vld [tilespmem:s0+$0x20]  }
0x619: {  	v6 =	vld [tilespmem:s30+$0x20]  }
0x61a: {  	s0 =	sadd.s32 $0x80, s0;
	v5 =	vld [tilespmem:s29+$0xFFFFFFC0];
	[tilespmem:s29+$0xFFFFFFF0] =	vst v8;
	v7 =	vsub.f32 v7, v10  }
0x61b: {  	_ =	sdelay $0x1  }
0x61c: {  	v2 =	vsub.f32 v2, v4  }
0x61d: {  	[tilespmem:s29+$0x0] =	vst v7;
	v3 =	vsub.f32 v3, v6  }
0x61e: {  	[tilespmem:s29+$0x10] =	vst v2;
	v1 =	vsub.f32 v5, v1  }
0x61f: {  	[tilespmem:s29+$0x20] =	vst v3  }
0x620: {  	[tilespmem:s29+$0xFFFFFFC0] =	vst v1  }
0x621: {  	s0 =	sld [smem:$0x7D7];
	_ =	sdelay $0x2  }
0x622: {  	[hbm4b:s0+s2] =	stream.linear.scatter [tilespmem:s9], [sflag:$0xD], $0x4000, $0x38;
	[tilespmem:$0x1E000] =	vst v63  }
0x623: {  	_ =	swait.ge [sflag:s24], $0x4000  }
0x624: {  	s0 =	sld [smem:$0x7E2]  }
0x625: {  	[sflag:s24] =	ssyncset.done $0x0  }
0x626: {  	[sflag:s24] =	ssyncadd.s32 $0xFFFFC000  }
0x627: {  	[tilespmem:s8], [sflag:$0x5] =	stream.linear.gather [hbm4b:s0+s2], $0x4000, $0x38;
	[tilespmem:$0x1E000] =	vst v63  }
0x628: {  	_ =	swait.ge [sflag:s11], $0x4000  }
0x629: {  	[sflag:s11] =	ssyncset.done $0x0  }
0x62a: {  	s29 =	simm.s32 $0x18040;
	[sflag:s11] =	ssyncadd.s32 $0xFFFFC000  }
0x62b: {  	s30 =	simm.s32 $0x4040;
	v2 =	vld [tilespmem:s29+$0x30]  }
0x62c: {  	v3 =	vld [tilespmem:s30+$0x30]  }
0x62d: {  	v1 =	vld [tilespmem:s30+$0xFFFFFFC0]  }
0x62e: {  	v4 =	vld [tilespmem:s29+$0xFFFFFFD0]  }
0x62f: {  	v5 =	vld [tilespmem:s30+$0xFFFFFFD0]  }
0x630: {  	v6 =	vld [tilespmem:s29+$0xFFFFFFE0]  }
0x631: {  	v7 =	vld [tilespmem:s30+$0xFFFFFFE0]  }
0x632: {  	v8 =	vld [tilespmem:s29+$0xFFFFFFF0]  }
0x633: {  	v9 =	vld [tilespmem:s30+$0xFFFFFFF0]  }
0x634: {  	v10 =	vld [tilespmem:s29+$0x0]  }
0x635: {  	v11 =	vld [tilespmem:s30+$0x0];
	v3 =	vsub.f32 v2, v3  }
0x636: {  	v5 =	vsub.f32 v4, v5;
	v2 =	vld [tilespmem:s29+$0x10]  }
0x637: {  	v6 =	vsub.f32 v6, v7;
	v4 =	vld [tilespmem:s30+$0x10];
	[tilespmem:s29+$0x30] =	vst v3  }
0x638: {  	v7 =	vsub.f32 v8, v9;
	[tilespmem:s29+$0xFFFFFFD0] =	vst v5;
	v3 =	vld [tilespmem:s29+$0x20]  }
0x639: {  	[tilespmem:s29+$0xFFFFFFE0] =	vst v6;
	v6 =	vld [tilespmem:s30+$0x20]  }
0x63a: {  	s31 =	simm.s32 $0x0;
	s0 =	simm.s32 $0x180C0;
	v5 =	vld [tilespmem:s29+$0xFFFFFFC0];
	[tilespmem:s29+$0xFFFFFFF0] =	vst v7;
	v7 =	vsub.f32 v10, v11  }
.LBB2_58:
0x63b: {  	v8 =	vld [tilespmem:s0+$0x30];
	s30 =	sadd.s32 $0x80, s30  }
0x63c: {  	s31 =	sadd.s32 $0x8, s31;
	v9 =	vld [tilespmem:s30+$0x30];
	[tilespmem:s29+$0x0] =	vst v7;
	v2 =	vsub.f32 v2, v4  }
0x63d: {  	p0 =	slt.u32 s31, $0x3F8;
	v4 =	vld [tilespmem:s30+$0xFFFFFFC0]  }
0x63e: {  	v7 =	vld [tilespmem:s0+$0xFFFFFFD0];
	[tilespmem:s29+$0x10] =	vst v2;
	v2 =	vsub.f32 v3, v6  }
0x63f: {  	v3 =	vld [tilespmem:s30+$0xFFFFFFD0];
	v10 =	vsub.f32 v5, v1  }
0x640: {  	v5 =	vld [tilespmem:s0+$0xFFFFFFE0];
	[tilespmem:s29+$0x20] =	vst v2  }
0x641: {  	v2 =	vld [tilespmem:s30+$0xFFFFFFE0];
	v6 =	vsub.f32 v8, v9;
	[tilespmem:s29+$0xFFFFFFC0] =	vst v10;
	s29 =	smov.u32 s0  }
0x642: {  	v8 =	vld [tilespmem:s0+$0xFFFFFFF0];
	v1 =	vmov v4  }
0x643: {  	v9 =	vld [tilespmem:s30+$0xFFFFFFF0];
	[tilespmem:s0+$0x30] =	vst v6  }
0x644: {  	v3 =	vsub.f32 v7, v3;
	v7 =	vld [tilespmem:s0+$0x0]  }
0x645: {  	v10 =	vld [tilespmem:s30+$0x0]  }
.Ltmp28:
0x646: {  	[tilespmem:s0+$0xFFFFFFD0] =	vst v3;
	v3 =	vsub.f32 v5, v2;
	v2 =	vld [tilespmem:s0+$0x10];
	(pc) =	sbr.rel @p0 .LBB2_58-.Ltmp28, $4  }
0x647: {  	v4 =	vld [tilespmem:s30+$0x10]  }
0x648: {  	[tilespmem:s0+$0xFFFFFFE0] =	vst v3;
	v8 =	vsub.f32 v8, v9;
	v3 =	vld [tilespmem:s0+$0x20]  }
0x649: {  	v6 =	vld [tilespmem:s30+$0x20]  }
0x64a: {  	s0 =	sadd.s32 $0x80, s0;
	v5 =	vld [tilespmem:s29+$0xFFFFFFC0];
	[tilespmem:s29+$0xFFFFFFF0] =	vst v8;
	v7 =	vsub.f32 v7, v10  }
0x64b: {  	_ =	sdelay $0x1  }
0x64c: {  	v2 =	vsub.f32 v2, v4  }
0x64d: {  	[tilespmem:s29+$0x0] =	vst v7;
	v3 =	vsub.f32 v3, v6  }
0x64e: {  	[tilespmem:s29+$0x10] =	vst v2;
	v1 =	vsub.f32 v5, v1  }
0x64f: {  	[tilespmem:s29+$0x20] =	vst v3  }
0x650: {  	[tilespmem:s29+$0xFFFFFFC0] =	vst v1  }
0x651: {  	s0 =	sld [smem:$0x7D9];
	_ =	sdelay $0x2  }
0x652: {  	[hbm4b:s0+s2] =	stream.linear.scatter [tilespmem:s12], [sflag:$0xE], $0x4000, $0x38;
	[tilespmem:$0x1E000] =	vst v63  }
0x653: {  	_ =	swait.ge [sflag:s22], $0x4000  }
0x654: {  	s0 =	sld [smem:$0x7E3]  }
0x655: {  	[sflag:s22] =	ssyncset.done $0x0  }
0x656: {  	[sflag:s22] =	ssyncadd.s32 $0xFFFFC000  }
0x657: {  	[tilespmem:s9], [sflag:$0x6] =	stream.linear.gather [hbm4b:s0+s2], $0x4000, $0x38;
	[tilespmem:$0x1E000] =	vst v63  }
0x658: {  	_ =	swait.ge [sflag:s15], $0x4000  }
0x659: {  	[sflag:s15] =	ssyncset.done $0x0  }
0x65a: {  	s29 =	simm.s32 $0x40;
	[sflag:s15] =	ssyncadd.s32 $0xFFFFC000  }
0x65b: {  	s30 =	simm.s32 $0x8040;
	v2 =	vld [tilespmem:s29+$0x30]  }
0x65c: {  	v3 =	vld [tilespmem:s30+$0x30]  }
0x65d: {  	v1 =	vld [tilespmem:s30+$0xFFFFFFC0]  }
0x65e: {  	v4 =	vld [tilespmem:s29+$0xFFFFFFD0]  }
0x65f: {  	v5 =	vld [tilespmem:s30+$0xFFFFFFD0]  }
0x660: {  	v6 =	vld [tilespmem:s29+$0xFFFFFFE0]  }
0x661: {  	v7 =	vld [tilespmem:s30+$0xFFFFFFE0]  }
0x662: {  	v8 =	vld [tilespmem:s29+$0xFFFFFFF0]  }
0x663: {  	v9 =	vld [tilespmem:s30+$0xFFFFFFF0]  }
0x664: {  	v10 =	vld [tilespmem:s29+$0x0]  }
0x665: {  	v11 =	vld [tilespmem:s30+$0x0];
	v3 =	vsub.f32 v2, v3  }
0x666: {  	v5 =	vsub.f32 v4, v5;
	v2 =	vld [tilespmem:s29+$0x10]  }
0x667: {  	v6 =	vsub.f32 v6, v7;
	v4 =	vld [tilespmem:s30+$0x10];
	[tilespmem:s29+$0x30] =	vst v3  }
0x668: {  	v7 =	vsub.f32 v8, v9;
	[tilespmem:s29+$0xFFFFFFD0] =	vst v5;
	v3 =	vld [tilespmem:s29+$0x20]  }
0x669: {  	[tilespmem:s29+$0xFFFFFFE0] =	vst v6;
	v6 =	vld [tilespmem:s30+$0x20]  }
0x66a: {  	s31 =	simm.s32 $0x0;
	s0 =	simm.s32 $0xC0;
	v5 =	vld [tilespmem:s29+$0xFFFFFFC0];
	[tilespmem:s29+$0xFFFFFFF0] =	vst v7;
	v7 =	vsub.f32 v10, v11  }
.LBB2_60:
0x66b: {  	v8 =	vld [tilespmem:s0+$0x30];
	s30 =	sadd.s32 $0x80, s30  }
0x66c: {  	s31 =	sadd.s32 $0x8, s31;
	v9 =	vld [tilespmem:s30+$0x30];
	[tilespmem:s29+$0x0] =	vst v7;
	v2 =	vsub.f32 v2, v4  }
0x66d: {  	p0 =	slt.u32 s31, $0x3F8;
	v4 =	vld [tilespmem:s30+$0xFFFFFFC0]  }
0x66e: {  	v7 =	vld [tilespmem:s0+$0xFFFFFFD0];
	[tilespmem:s29+$0x10] =	vst v2;
	v2 =	vsub.f32 v3, v6  }
0x66f: {  	v3 =	vld [tilespmem:s30+$0xFFFFFFD0];
	v10 =	vsub.f32 v5, v1  }
0x670: {  	v5 =	vld [tilespmem:s0+$0xFFFFFFE0];
	[tilespmem:s29+$0x20] =	vst v2  }
0x671: {  	v2 =	vld [tilespmem:s30+$0xFFFFFFE0];
	v6 =	vsub.f32 v8, v9;
	[tilespmem:s29+$0xFFFFFFC0] =	vst v10;
	s29 =	smov.u32 s0  }
0x672: {  	v8 =	vld [tilespmem:s0+$0xFFFFFFF0];
	v1 =	vmov v4  }
0x673: {  	v9 =	vld [tilespmem:s30+$0xFFFFFFF0];
	[tilespmem:s0+$0x30] =	vst v6  }
0x674: {  	v3 =	vsub.f32 v7, v3;
	v7 =	vld [tilespmem:s0+$0x0]  }
0x675: {  	v10 =	vld [tilespmem:s30+$0x0]  }
.Ltmp29:
0x676: {  	[tilespmem:s0+$0xFFFFFFD0] =	vst v3;
	v3 =	vsub.f32 v5, v2;
	v2 =	vld [tilespmem:s0+$0x10];
	(pc) =	sbr.rel @p0 .LBB2_60-.Ltmp29, $4  }
0x677: {  	v4 =	vld [tilespmem:s30+$0x10]  }
0x678: {  	[tilespmem:s0+$0xFFFFFFE0] =	vst v3;
	v8 =	vsub.f32 v8, v9;
	v3 =	vld [tilespmem:s0+$0x20]  }
0x679: {  	v6 =	vld [tilespmem:s30+$0x20]  }
0x67a: {  	s0 =	sadd.s32 $0x80, s0;
	v5 =	vld [tilespmem:s29+$0xFFFFFFC0];
	[tilespmem:s29+$0xFFFFFFF0] =	vst v8;
	v7 =	vsub.f32 v7, v10  }
0x67b: {  	_ =	sdelay $0x1  }
0x67c: {  	v2 =	vsub.f32 v2, v4  }
0x67d: {  	[tilespmem:s29+$0x0] =	vst v7;
	v3 =	vsub.f32 v3, v6  }
0x67e: {  	[tilespmem:s29+$0x10] =	vst v2;
	v1 =	vsub.f32 v5, v1  }
0x67f: {  	[tilespmem:s29+$0x20] =	vst v3  }
0x680: {  	[tilespmem:s29+$0xFFFFFFC0] =	vst v1  }
0x681: {  	s0 =	sld [smem:$0x7DB];
	_ =	sdelay $0x2  }
0x682: {  	[hbm4b:s0+s2] =	stream.linear.scatter [tilespmem:s2], [sflag:$0x8], $0x4000, $0x38;
	[tilespmem:$0x1E000] =	vst v63  }
0x683: {  	_ =	swait.ge [sflag:s23], $0x4000  }
0x684: {  	s0 =	sld [smem:$0x7E4]  }
0x685: {  	[sflag:s23] =	ssyncset.done $0x0  }
0x686: {  	[sflag:s23] =	ssyncadd.s32 $0xFFFFC000  }
0x687: {  	[tilespmem:s12], [sflag:$0x7] =	stream.linear.gather [hbm4b:s0+s2], $0x4000, $0x38;
	[tilespmem:$0x1E000] =	vst v63  }
0x688: {  	s0 =	sld [smem:$0x7DD];
	_ =	sdelay $0x2  }
0x689: {  	[hbm4b:s0+s2] =	stream.linear.scatter [tilespmem:s18], [sflag:$0xF], $0x2000, $0x38;
	[tilespmem:$0x1E000] =	vst v63  }
0x68a: {  	s0 =	sld [smem:$0x7FB];
	_ =	sdelay $0x2  }
0x68b: {  	[hbm4b:s0+s2] =	stream.linear.scatter [tilespmem:s18], [sflag:$0xF], $0x2000, $0x38;
	[tilespmem:$0x1E000] =	vst v63  }
0x68c: {  	_ =	swait.ge [sflag:s14], $0x4000  }
0x68d: {  	s0 =	sld [smem:$0x7E5]  }
0x68e: {  	[sflag:s14] =	ssyncset.done $0x0  }
0x68f: {  	[sflag:s14] =	ssyncadd.s32 $0xFFFFC000  }
0x690: {  	[tilespmem:s2], [sflag:$0x1] =	stream.linear.gather [hbm4b:s0+s2], $0x4000, $0x38;
	[tilespmem:$0x1E000] =	vst v63  }
0x691: {  	s0 =	sld [smem:$0x7DF];
	_ =	sdelay $0x2  }
0x692: {  	[hbm4b:s0+s2] =	stream.linear.scatter [tilespmem:s18], [sflag:$0xF], $0x2000, $0x38;
	[tilespmem:$0x1E000] =	vst v63  }
0x693: {  	s0 =	sld [smem:$0x7FD];
	_ =	sdelay $0x2  }
0x694: {  	[hbm4b:s0+s2] =	stream.linear.scatter [tilespmem:s18], [sflag:$0xF], $0x2000, $0x38;
	[tilespmem:$0x1E000] =	vst v63  }
0x695: {  	s0 =	sld [smem:$0x7E6];
	_ =	sdelay $0x2  }
0x696: {  	[tilespmem:s5], [sflag:$0x2] =	stream.linear.gather [hbm4b:s0+s2], $0x4000, $0x38;
	[tilespmem:$0x1E000] =	vst v63  }
0x697: {  	_ =	swait.ge [sflag:s13], $0x4000  }
0x698: {  	[sflag:s13] =	ssyncset.done $0x0  }
0x699: {  	[sflag:s13] =	ssyncadd.s32 $0xFFFFC000  }
0x69a: {  	_ =	swait.ge [sflag:s20], $0x4000  }
0x69b: {  	[sflag:s20] =	ssyncset.done $0x0  }
0x69c: {  	s29 =	simm.s32 $0xC040;
	[sflag:s20] =	ssyncadd.s32 $0xFFFFC000  }
0x69d: {  	s30 =	simm.s32 $0x14040;
	v2 =	vld [tilespmem:s29+$0x30]  }
0x69e: {  	v3 =	vld [tilespmem:s30+$0x30]  }
0x69f: {  	v1 =	vld [tilespmem:s30+$0xFFFFFFC0]  }
0x6a0: {  	v4 =	vld [tilespmem:s29+$0xFFFFFFD0]  }
0x6a1: {  	v5 =	vld [tilespmem:s30+$0xFFFFFFD0]  }
0x6a2: {  	v6 =	vld [tilespmem:s29+$0xFFFFFFE0]  }
0x6a3: {  	v7 =	vld [tilespmem:s30+$0xFFFFFFE0]  }
0x6a4: {  	v8 =	vld [tilespmem:s29+$0xFFFFFFF0]  }
0x6a5: {  	v9 =	vld [tilespmem:s30+$0xFFFFFFF0]  }
0x6a6: {  	v10 =	vld [tilespmem:s29+$0x0]  }
0x6a7: {  	v11 =	vld [tilespmem:s30+$0x0];
	v3 =	vsub.f32 v2, v3  }
0x6a8: {  	v5 =	vsub.f32 v4, v5;
	v2 =	vld [tilespmem:s29+$0x10]  }
0x6a9: {  	v6 =	vsub.f32 v6, v7;
	v4 =	vld [tilespmem:s30+$0x10];
	[tilespmem:s29+$0x30] =	vst v3  }
0x6aa: {  	v7 =	vsub.f32 v8, v9;
	[tilespmem:s29+$0xFFFFFFD0] =	vst v5;
	v3 =	vld [tilespmem:s29+$0x20]  }
0x6ab: {  	[tilespmem:s29+$0xFFFFFFE0] =	vst v6;
	v6 =	vld [tilespmem:s30+$0x20]  }
0x6ac: {  	s31 =	simm.s32 $0x0;
	s0 =	simm.s32 $0xC0C0;
	v5 =	vld [tilespmem:s29+$0xFFFFFFC0];
	[tilespmem:s29+$0xFFFFFFF0] =	vst v7;
	v7 =	vsub.f32 v10, v11  }
.LBB2_62:
0x6ad: {  	v8 =	vld [tilespmem:s0+$0x30];
	s30 =	sadd.s32 $0x80, s30  }
0x6ae: {  	s31 =	sadd.s32 $0x8, s31;
	v9 =	vld [tilespmem:s30+$0x30];
	[tilespmem:s29+$0x0] =	vst v7;
	v2 =	vsub.f32 v2, v4  }
0x6af: {  	p0 =	slt.u32 s31, $0x3F8;
	v4 =	vld [tilespmem:s30+$0xFFFFFFC0]  }
0x6b0: {  	v7 =	vld [tilespmem:s0+$0xFFFFFFD0];
	[tilespmem:s29+$0x10] =	vst v2;
	v2 =	vsub.f32 v3, v6  }
0x6b1: {  	v3 =	vld [tilespmem:s30+$0xFFFFFFD0];
	v10 =	vsub.f32 v5, v1  }
0x6b2: {  	v5 =	vld [tilespmem:s0+$0xFFFFFFE0];
	[tilespmem:s29+$0x20] =	vst v2  }
0x6b3: {  	v2 =	vld [tilespmem:s30+$0xFFFFFFE0];
	v6 =	vsub.f32 v8, v9;
	[tilespmem:s29+$0xFFFFFFC0] =	vst v10;
	s29 =	smov.u32 s0  }
0x6b4: {  	v8 =	vld [tilespmem:s0+$0xFFFFFFF0];
	v1 =	vmov v4  }
0x6b5: {  	v9 =	vld [tilespmem:s30+$0xFFFFFFF0];
	[tilespmem:s0+$0x30] =	vst v6  }
0x6b6: {  	v3 =	vsub.f32 v7, v3;
	v7 =	vld [tilespmem:s0+$0x0]  }
0x6b7: {  	v10 =	vld [tilespmem:s30+$0x0]  }
.Ltmp30:
0x6b8: {  	[tilespmem:s0+$0xFFFFFFD0] =	vst v3;
	v3 =	vsub.f32 v5, v2;
	v2 =	vld [tilespmem:s0+$0x10];
	(pc) =	sbr.rel @p0 .LBB2_62-.Ltmp30, $4  }
0x6b9: {  	v4 =	vld [tilespmem:s30+$0x10]  }
0x6ba: {  	[tilespmem:s0+$0xFFFFFFE0] =	vst v3;
	v8 =	vsub.f32 v8, v9;
	v3 =	vld [tilespmem:s0+$0x20]  }
0x6bb: {  	v6 =	vld [tilespmem:s30+$0x20]  }
0x6bc: {  	s0 =	sadd.s32 $0x80, s0;
	v5 =	vld [tilespmem:s29+$0xFFFFFFC0];
	[tilespmem:s29+$0xFFFFFFF0] =	vst v8;
	v7 =	vsub.f32 v7, v10  }
0x6bd: {  	_ =	sdelay $0x1  }
0x6be: {  	v2 =	vsub.f32 v2, v4  }
0x6bf: {  	[tilespmem:s29+$0x0] =	vst v7;
	v3 =	vsub.f32 v3, v6  }
0x6c0: {  	[tilespmem:s29+$0x10] =	vst v2;
	v1 =	vsub.f32 v5, v1  }
0x6c1: {  	[tilespmem:s29+$0x20] =	vst v3  }
0x6c2: {  	[tilespmem:s29+$0xFFFFFFC0] =	vst v1  }
0x6c3: {  	s0 =	sld [smem:$0x7E7];
	_ =	sdelay $0x2  }
0x6c4: {  	[hbm4b:s0+s2] =	stream.linear.scatter [tilespmem:s7], [sflag:$0xB], $0x4000, $0x38;
	[tilespmem:$0x1E000] =	vst v63  }
0x6c5: {  	_ =	swait.ge [sflag:s16], $0x4000  }
0x6c6: {  	[sflag:s16] =	ssyncset.done $0x0  }
0x6c7: {  	[sflag:s16] =	ssyncadd.s32 $0xFFFFC000  }
0x6c8: {  	_ =	swait.ge [sflag:s21], $0x4000  }
0x6c9: {  	[sflag:s21] =	ssyncset.done $0x0  }
0x6ca: {  	s29 =	simm.s32 $0x10040;
	[sflag:s21] =	ssyncadd.s32 $0xFFFFC000  }
0x6cb: {  	s30 =	simm.s32 $0x18040;
	v2 =	vld [tilespmem:s29+$0x30]  }
0x6cc: {  	v3 =	vld [tilespmem:s30+$0x30]  }
0x6cd: {  	v1 =	vld [tilespmem:s30+$0xFFFFFFC0]  }
0x6ce: {  	v4 =	vld [tilespmem:s29+$0xFFFFFFD0]  }
0x6cf: {  	v5 =	vld [tilespmem:s30+$0xFFFFFFD0]  }
0x6d0: {  	v6 =	vld [tilespmem:s29+$0xFFFFFFE0]  }
0x6d1: {  	v7 =	vld [tilespmem:s30+$0xFFFFFFE0]  }
0x6d2: {  	v8 =	vld [tilespmem:s29+$0xFFFFFFF0]  }
0x6d3: {  	v9 =	vld [tilespmem:s30+$0xFFFFFFF0]  }
0x6d4: {  	v10 =	vld [tilespmem:s29+$0x0]  }
0x6d5: {  	v11 =	vld [tilespmem:s30+$0x0];
	v3 =	vsub.f32 v2, v3  }
0x6d6: {  	v5 =	vsub.f32 v4, v5;
	v2 =	vld [tilespmem:s29+$0x10]  }
0x6d7: {  	v6 =	vsub.f32 v6, v7;
	v4 =	vld [tilespmem:s30+$0x10];
	[tilespmem:s29+$0x30] =	vst v3  }
0x6d8: {  	v7 =	vsub.f32 v8, v9;
	[tilespmem:s29+$0xFFFFFFD0] =	vst v5;
	v3 =	vld [tilespmem:s29+$0x20]  }
0x6d9: {  	[tilespmem:s29+$0xFFFFFFE0] =	vst v6;
	v6 =	vld [tilespmem:s30+$0x20]  }
0x6da: {  	s31 =	simm.s32 $0x0;
	s0 =	simm.s32 $0x100C0;
	v5 =	vld [tilespmem:s29+$0xFFFFFFC0];
	[tilespmem:s29+$0xFFFFFFF0] =	vst v7;
	v7 =	vsub.f32 v10, v11  }
.LBB2_64:
0x6db: {  	v8 =	vld [tilespmem:s0+$0x30];
	s30 =	sadd.s32 $0x80, s30  }
0x6dc: {  	s31 =	sadd.s32 $0x8, s31;
	v9 =	vld [tilespmem:s30+$0x30];
	[tilespmem:s29+$0x0] =	vst v7;
	v2 =	vsub.f32 v2, v4  }
0x6dd: {  	p0 =	slt.u32 s31, $0x3F8;
	v4 =	vld [tilespmem:s30+$0xFFFFFFC0]  }
0x6de: {  	v7 =	vld [tilespmem:s0+$0xFFFFFFD0];
	[tilespmem:s29+$0x10] =	vst v2;
	v2 =	vsub.f32 v3, v6  }
0x6df: {  	v3 =	vld [tilespmem:s30+$0xFFFFFFD0];
	v10 =	vsub.f32 v5, v1  }
0x6e0: {  	v5 =	vld [tilespmem:s0+$0xFFFFFFE0];
	[tilespmem:s29+$0x20] =	vst v2  }
0x6e1: {  	v2 =	vld [tilespmem:s30+$0xFFFFFFE0];
	v6 =	vsub.f32 v8, v9;
	[tilespmem:s29+$0xFFFFFFC0] =	vst v10;
	s29 =	smov.u32 s0  }
0x6e2: {  	v8 =	vld [tilespmem:s0+$0xFFFFFFF0];
	v1 =	vmov v4  }
0x6e3: {  	v9 =	vld [tilespmem:s30+$0xFFFFFFF0];
	[tilespmem:s0+$0x30] =	vst v6  }
0x6e4: {  	v3 =	vsub.f32 v7, v3;
	v7 =	vld [tilespmem:s0+$0x0]  }
0x6e5: {  	v10 =	vld [tilespmem:s30+$0x0]  }
.Ltmp31:
0x6e6: {  	[tilespmem:s0+$0xFFFFFFD0] =	vst v3;
	v3 =	vsub.f32 v5, v2;
	v2 =	vld [tilespmem:s0+$0x10];
	(pc) =	sbr.rel @p0 .LBB2_64-.Ltmp31, $4  }
0x6e7: {  	v4 =	vld [tilespmem:s30+$0x10]  }
0x6e8: {  	[tilespmem:s0+$0xFFFFFFE0] =	vst v3;
	v8 =	vsub.f32 v8, v9;
	v3 =	vld [tilespmem:s0+$0x20]  }
0x6e9: {  	v6 =	vld [tilespmem:s30+$0x20]  }
0x6ea: {  	s0 =	sadd.s32 $0x80, s0;
	v5 =	vld [tilespmem:s29+$0xFFFFFFC0];
	[tilespmem:s29+$0xFFFFFFF0] =	vst v8;
	v7 =	vsub.f32 v7, v10  }
0x6eb: {  	_ =	sdelay $0x1  }
0x6ec: {  	v2 =	vsub.f32 v2, v4  }
0x6ed: {  	[tilespmem:s29+$0x0] =	vst v7;
	v3 =	vsub.f32 v3, v6  }
0x6ee: {  	[tilespmem:s29+$0x10] =	vst v2;
	v1 =	vsub.f32 v5, v1  }
0x6ef: {  	[tilespmem:s29+$0x20] =	vst v3  }
0x6f0: {  	[tilespmem:s29+$0xFFFFFFC0] =	vst v1  }
0x6f1: {  	s0 =	sld [smem:$0x7E8];
	_ =	sdelay $0x2  }
0x6f2: {  	[hbm4b:s0+s2] =	stream.linear.scatter [tilespmem:s8], [sflag:$0xC], $0x4000, $0x38;
	[tilespmem:$0x1E000] =	vst v63  }
0x6f3: {  	_ =	swait.ge [sflag:s10], $0x4000  }
0x6f4: {  	[sflag:s10] =	ssyncset.done $0x0  }
0x6f5: {  	s29 =	simm.s32 $0x14040;
	[sflag:s10] =	ssyncadd.s32 $0xFFFFC000  }
0x6f6: {  	s30 =	simm.s32 $0x40;
	v2 =	vld [tilespmem:s29+$0x30]  }
0x6f7: {  	v3 =	vld [tilespmem:s30+$0x30]  }
0x6f8: {  	v1 =	vld [tilespmem:s30+$0xFFFFFFC0]  }
0x6f9: {  	v4 =	vld [tilespmem:s29+$0xFFFFFFD0]  }
0x6fa: {  	v5 =	vld [tilespmem:s30+$0xFFFFFFD0]  }
0x6fb: {  	v6 =	vld [tilespmem:s29+$0xFFFFFFE0]  }
0x6fc: {  	v7 =	vld [tilespmem:s30+$0xFFFFFFE0]  }
0x6fd: {  	v8 =	vld [tilespmem:s29+$0xFFFFFFF0]  }
0x6fe: {  	v9 =	vld [tilespmem:s30+$0xFFFFFFF0]  }
0x6ff: {  	v10 =	vld [tilespmem:s29+$0x0]  }
0x700: {  	v11 =	vld [tilespmem:s30+$0x0];
	v3 =	vsub.f32 v2, v3  }
0x701: {  	v5 =	vsub.f32 v4, v5;
	v2 =	vld [tilespmem:s29+$0x10]  }
0x702: {  	v6 =	vsub.f32 v6, v7;
	v4 =	vld [tilespmem:s30+$0x10];
	[tilespmem:s29+$0x30] =	vst v3  }
0x703: {  	v7 =	vsub.f32 v8, v9;
	[tilespmem:s29+$0xFFFFFFD0] =	vst v5;
	v3 =	vld [tilespmem:s29+$0x20]  }
0x704: {  	[tilespmem:s29+$0xFFFFFFE0] =	vst v6;
	v6 =	vld [tilespmem:s30+$0x20]  }
0x705: {  	s31 =	simm.s32 $0x0;
	s0 =	simm.s32 $0x140C0;
	v5 =	vld [tilespmem:s29+$0xFFFFFFC0];
	[tilespmem:s29+$0xFFFFFFF0] =	vst v7;
	v7 =	vsub.f32 v10, v11  }
.LBB2_66:
0x706: {  	v8 =	vld [tilespmem:s0+$0x30];
	s30 =	sadd.s32 $0x80, s30  }
0x707: {  	s31 =	sadd.s32 $0x8, s31;
	v9 =	vld [tilespmem:s30+$0x30];
	[tilespmem:s29+$0x0] =	vst v7;
	v2 =	vsub.f32 v2, v4  }
0x708: {  	p0 =	slt.u32 s31, $0x3F8;
	v4 =	vld [tilespmem:s30+$0xFFFFFFC0]  }
0x709: {  	v7 =	vld [tilespmem:s0+$0xFFFFFFD0];
	[tilespmem:s29+$0x10] =	vst v2;
	v2 =	vsub.f32 v3, v6  }
0x70a: {  	v3 =	vld [tilespmem:s30+$0xFFFFFFD0];
	v10 =	vsub.f32 v5, v1  }
0x70b: {  	v5 =	vld [tilespmem:s0+$0xFFFFFFE0];
	[tilespmem:s29+$0x20] =	vst v2  }
0x70c: {  	v2 =	vld [tilespmem:s30+$0xFFFFFFE0];
	v6 =	vsub.f32 v8, v9;
	[tilespmem:s29+$0xFFFFFFC0] =	vst v10;
	s29 =	smov.u32 s0  }
0x70d: {  	v8 =	vld [tilespmem:s0+$0xFFFFFFF0];
	v1 =	vmov v4  }
0x70e: {  	v9 =	vld [tilespmem:s30+$0xFFFFFFF0];
	[tilespmem:s0+$0x30] =	vst v6  }
0x70f: {  	v3 =	vsub.f32 v7, v3;
	v7 =	vld [tilespmem:s0+$0x0]  }
0x710: {  	v10 =	vld [tilespmem:s30+$0x0]  }
.Ltmp32:
0x711: {  	[tilespmem:s0+$0xFFFFFFD0] =	vst v3;
	v3 =	vsub.f32 v5, v2;
	v2 =	vld [tilespmem:s0+$0x10];
	(pc) =	sbr.rel @p0 .LBB2_66-.Ltmp32, $4  }
0x712: {  	v4 =	vld [tilespmem:s30+$0x10]  }
0x713: {  	[tilespmem:s0+$0xFFFFFFE0] =	vst v3;
	v8 =	vsub.f32 v8, v9;
	v3 =	vld [tilespmem:s0+$0x20]  }
0x714: {  	v6 =	vld [tilespmem:s30+$0x20]  }
0x715: {  	s0 =	sadd.s32 $0x80, s0;
	v5 =	vld [tilespmem:s29+$0xFFFFFFC0];
	[tilespmem:s29+$0xFFFFFFF0] =	vst v8;
	v7 =	vsub.f32 v7, v10  }
0x716: {  	_ =	sdelay $0x1  }
0x717: {  	v2 =	vsub.f32 v2, v4  }
0x718: {  	[tilespmem:s29+$0x0] =	vst v7;
	v3 =	vsub.f32 v3, v6  }
0x719: {  	[tilespmem:s29+$0x10] =	vst v2;
	v1 =	vsub.f32 v5, v1  }
0x71a: {  	[tilespmem:s29+$0x20] =	vst v3  }
0x71b: {  	[tilespmem:s29+$0xFFFFFFC0] =	vst v1  }
0x71c: {  	s0 =	sld [smem:$0x7E9];
	_ =	sdelay $0x2  }
0x71d: {  	[hbm4b:s0+s2] =	stream.linear.scatter [tilespmem:s9], [sflag:$0xD], $0x4000, $0x38;
	[tilespmem:$0x1E000] =	vst v63  }
0x71e: {  	_ =	swait.ge [sflag:s11], $0x4000  }
0x71f: {  	[sflag:s11] =	ssyncset.done $0x0  }
0x720: {  	s29 =	simm.s32 $0x18040;
	[sflag:s11] =	ssyncadd.s32 $0xFFFFC000  }
0x721: {  	s30 =	simm.s32 $0x4040;
	v2 =	vld [tilespmem:s29+$0x30]  }
0x722: {  	v3 =	vld [tilespmem:s30+$0x30]  }
0x723: {  	v1 =	vld [tilespmem:s30+$0xFFFFFFC0]  }
0x724: {  	v4 =	vld [tilespmem:s29+$0xFFFFFFD0]  }
0x725: {  	v5 =	vld [tilespmem:s30+$0xFFFFFFD0]  }
0x726: {  	v6 =	vld [tilespmem:s29+$0xFFFFFFE0]  }
0x727: {  	v7 =	vld [tilespmem:s30+$0xFFFFFFE0]  }
0x728: {  	v8 =	vld [tilespmem:s29+$0xFFFFFFF0]  }
0x729: {  	v9 =	vld [tilespmem:s30+$0xFFFFFFF0]  }
0x72a: {  	v10 =	vld [tilespmem:s29+$0x0]  }
0x72b: {  	v11 =	vld [tilespmem:s30+$0x0];
	v3 =	vsub.f32 v2, v3  }
0x72c: {  	v5 =	vsub.f32 v4, v5;
	v2 =	vld [tilespmem:s29+$0x10]  }
0x72d: {  	v6 =	vsub.f32 v6, v7;
	v4 =	vld [tilespmem:s30+$0x10];
	[tilespmem:s29+$0x30] =	vst v3  }
0x72e: {  	v7 =	vsub.f32 v8, v9;
	[tilespmem:s29+$0xFFFFFFD0] =	vst v5;
	v3 =	vld [tilespmem:s29+$0x20]  }
0x72f: {  	[tilespmem:s29+$0xFFFFFFE0] =	vst v6;
	v6 =	vld [tilespmem:s30+$0x20]  }
0x730: {  	s31 =	simm.s32 $0x0;
	s0 =	simm.s32 $0x180C0;
	v5 =	vld [tilespmem:s29+$0xFFFFFFC0];
	[tilespmem:s29+$0xFFFFFFF0] =	vst v7;
	v7 =	vsub.f32 v10, v11  }
.LBB2_68:
0x731: {  	v8 =	vld [tilespmem:s0+$0x30];
	s30 =	sadd.s32 $0x80, s30  }
0x732: {  	s31 =	sadd.s32 $0x8, s31;
	v9 =	vld [tilespmem:s30+$0x30];
	[tilespmem:s29+$0x0] =	vst v7;
	v2 =	vsub.f32 v2, v4  }
0x733: {  	p0 =	slt.u32 s31, $0x3F8;
	v4 =	vld [tilespmem:s30+$0xFFFFFFC0]  }
0x734: {  	v7 =	vld [tilespmem:s0+$0xFFFFFFD0];
	[tilespmem:s29+$0x10] =	vst v2;
	v2 =	vsub.f32 v3, v6  }
0x735: {  	v3 =	vld [tilespmem:s30+$0xFFFFFFD0];
	v10 =	vsub.f32 v5, v1  }
0x736: {  	v5 =	vld [tilespmem:s0+$0xFFFFFFE0];
	[tilespmem:s29+$0x20] =	vst v2  }
0x737: {  	v2 =	vld [tilespmem:s30+$0xFFFFFFE0];
	v6 =	vsub.f32 v8, v9;
	[tilespmem:s29+$0xFFFFFFC0] =	vst v10;
	s29 =	smov.u32 s0  }
0x738: {  	v8 =	vld [tilespmem:s0+$0xFFFFFFF0];
	v1 =	vmov v4  }
0x739: {  	v9 =	vld [tilespmem:s30+$0xFFFFFFF0];
	[tilespmem:s0+$0x30] =	vst v6  }
0x73a: {  	v3 =	vsub.f32 v7, v3;
	v7 =	vld [tilespmem:s0+$0x0]  }
0x73b: {  	v10 =	vld [tilespmem:s30+$0x0]  }
.Ltmp33:
0x73c: {  	[tilespmem:s0+$0xFFFFFFD0] =	vst v3;
	v3 =	vsub.f32 v5, v2;
	v2 =	vld [tilespmem:s0+$0x10];
	(pc) =	sbr.rel @p0 .LBB2_68-.Ltmp33, $4  }
0x73d: {  	v4 =	vld [tilespmem:s30+$0x10]  }
0x73e: {  	[tilespmem:s0+$0xFFFFFFE0] =	vst v3;
	v8 =	vsub.f32 v8, v9;
	v3 =	vld [tilespmem:s0+$0x20]  }
0x73f: {  	v6 =	vld [tilespmem:s30+$0x20]  }
0x740: {  	s0 =	sadd.s32 $0x80, s0;
	v5 =	vld [tilespmem:s29+$0xFFFFFFC0];
	[tilespmem:s29+$0xFFFFFFF0] =	vst v8;
	v7 =	vsub.f32 v7, v10  }
0x741: {  	_ =	sdelay $0x1  }
0x742: {  	v2 =	vsub.f32 v2, v4  }
0x743: {  	[tilespmem:s29+$0x0] =	vst v7;
	v3 =	vsub.f32 v3, v6  }
0x744: {  	[tilespmem:s29+$0x10] =	vst v2;
	v1 =	vsub.f32 v5, v1  }
0x745: {  	[tilespmem:s29+$0x20] =	vst v3  }
0x746: {  	[tilespmem:s29+$0xFFFFFFC0] =	vst v1  }
0x747: {  	s0 =	sld [smem:$0x7ED];
	_ =	sdelay $0x1  }
0x748: {  	s29 =	sld [smem:$0x7F3]  }
0x749: {  	[hbm4b:s0+s2] =	stream.linear.scatter [tilespmem:s12], [sflag:$0xE], $0x4000, $0x38;
	[tilespmem:$0x1E000] =	vst v63  }
0x74a: {  	_ = 	snop  }
0x74b: {  	[hbm4b:s29+s2] =	stream.linear.scatter [tilespmem:s18], [sflag:$0xF], $0x2000, $0x38;
	[tilespmem:$0x1E000] =	vst v63  }
0x74c: {  	s30 =	sld [smem:$0x7F6]  }
0x74d: {  	[hbm4b:s3+s2] =	stream.linear.scatter [tilespmem:s18], [sflag:$0xF], $0x2000, $0x38;
	[tilespmem:$0x1E000] =	vst v63  }
0x74e: {  	_ = 	snop  }
0x74f: {  	[hbm4b:s30+s2] =	stream.linear.scatter [tilespmem:s18], [sflag:$0xF], $0x2000, $0x38;
	[tilespmem:$0x1E000] =	vst v63  }
0x750: {  	_ = 	snop  }
0x751: {  	[hbm4b:s4+s2] =	stream.linear.scatter [tilespmem:s18], [sflag:$0xF], $0x2000, $0x38;
	[tilespmem:$0x1E000] =	vst v63  }
0x752: {  	_ =	swait.ge [sflag:s25], $0x4000  }
0x753: {  	[sflag:s25] =	ssyncset.done $0x0  }
0x754: {  	[sflag:s25] =	ssyncadd.s32 $0xFFFFC000  }
0x755: {  	_ =	swait.ge [sflag:s24], $0x4000  }
0x756: {  	[sflag:s24] =	ssyncset.done $0x0  }
0x757: {  	[sflag:s24] =	ssyncadd.s32 $0xFFFFC000  }
0x758: {  	_ =	swait.ge [sflag:s22], $0x4000  }
0x759: {  	[sflag:s22] =	ssyncset.done $0x0  }
0x75a: {  	[sflag:s22] =	ssyncadd.s32 $0xFFFFC000  }
0x75b: {  	_ =	swait.ge [sflag:s23], $0x4000  }
0x75c: {  	[sflag:s23] =	ssyncset.done $0x0  }
0x75d: {  	[sflag:s23] =	ssyncadd.s32 $0xFFFFC000  }
0x75e: {  	_ =	swait.ge [sflag:s26], $0x2000  }
0x75f: {  	[sflag:s26] =	ssyncset.done $0x0  }
0x760: {  	[sflag:s26] =	ssyncadd.s32 $0xFFFFE000  }
0x761: {  	_ =	swait.ge [sflag:s26], $0x2000  }
0x762: {  	[sflag:s26] =	ssyncset.done $0x0  }
0x763: {  	[sflag:s26] =	ssyncadd.s32 $0xFFFFE000  }
0x764: {  	_ =	swait.ge [sflag:s26], $0x2000  }
0x765: {  	[sflag:s26] =	ssyncset.done $0x0  }
0x766: {  	[sflag:s26] =	ssyncadd.s32 $0xFFFFE000  }
0x767: {  	_ =	swait.ge [sflag:s26], $0x2000  }
0x768: {  	[sflag:s26] =	ssyncset.done $0x0  }
0x769: {  	[sflag:s26] =	ssyncadd.s32 $0xFFFFE000  }
0x76a: {  	_ =	swait.ge [sflag:s26], $0x2000  }
0x76b: {  	[sflag:s26] =	ssyncset.done $0x0  }
0x76c: {  	[sflag:s26] =	ssyncadd.s32 $0xFFFFE000  }
0x76d: {  	_ =	swait.ge [sflag:s26], $0x2000  }
0x76e: {  	[sflag:s26] =	ssyncset.done $0x0  }
0x76f: {  	[sflag:s26] =	ssyncadd.s32 $0xFFFFE000  }
0x770: {  	_ =	swait.ge [sflag:s26], $0x2000  }
0x771: {  	[sflag:s26] =	ssyncset.done $0x0  }
0x772: {  	[sflag:s26] =	ssyncadd.s32 $0xFFFFE000  }
0x773: {  	_ =	swait.ge [sflag:s26], $0x2000  }
0x774: {  	[sflag:s26] =	ssyncset.done $0x0  }
0x775: {  	[sflag:s26] =	ssyncadd.s32 $0xFFFFE000  }
0x776: {  	_ =	swait.ge [sflag:s26], $0x2000  }
0x777: {  	[sflag:s26] =	ssyncset.done $0x0  }
0x778: {  	[sflag:s26] =	ssyncadd.s32 $0xFFFFE000  }
0x779: {  	_ =	swait.ge [sflag:s26], $0x2000  }
0x77a: {  	[sflag:s26] =	ssyncset.done $0x0  }
0x77b: {  	[sflag:s26] =	ssyncadd.s32 $0xFFFFE000  }
0x77c: {  	_ =	swait.ge [sflag:s26], $0x2000  }
0x77d: {  	[sflag:s26] =	ssyncset.done $0x0  }
0x77e: {  	[sflag:s26] =	ssyncadd.s32 $0xFFFFE000  }
0x77f: {  	_ =	swait.ge [sflag:s26], $0x2000  }
0x780: {  	[sflag:s26] =	ssyncset.done $0x0  }
0x781: {  	[sflag:s26] =	ssyncadd.s32 $0xFFFFE000  }
0x782: {  	_ =	swait.ge [sflag:s26], $0x2000  }
0x783: {  	[sflag:s26] =	ssyncset.done $0x0  }
0x784: {  	[sflag:s26] =	ssyncadd.s32 $0xFFFFE000  }
0x785: {  	_ =	swait.ge [sflag:s26], $0x2000  }
0x786: {  	[sflag:s26] =	ssyncset.done $0x0  }
0x787: {  	[sflag:s26] =	ssyncadd.s32 $0xFFFFE000  }
0x788: {  	_ =	swait.ge [sflag:s26], $0x2000  }
0x789: {  	[sflag:s26] =	ssyncset.done $0x0  }
0x78a: {  	[sflag:s26] =	ssyncadd.s32 $0xFFFFE000  }
0x78b: {  	_ =	swait.ge [sflag:s26], $0x2000  }
0x78c: {  	[sflag:s26] =	ssyncset.done $0x0  }
0x78d: {  	[sflag:s26] =	ssyncadd.s32 $0xFFFFE000  }
0x78e: {  	_ =	swait.ge [sflag:s26], $0x2000  }
0x78f: {  	[sflag:s26] =	ssyncset.done $0x0  }
0x790: {  	[sflag:s26] =	ssyncadd.s32 $0xFFFFE000  }
0x791: {  	_ =	swait.ge [sflag:s26], $0x2000  }
0x792: {  	[sflag:s26] =	ssyncset.done $0x0  }
0x793: {  	[sflag:s26] =	ssyncadd.s32 $0xFFFFE000  }
0x794: {  	_ =	swait.ge [sflag:s26], $0x2000  }
0x795: {  	[sflag:s26] =	ssyncset.done $0x0  }
0x796: {  	[sflag:s26] =	ssyncadd.s32 $0xFFFFE000  }
0x797: {  	_ =	swait.ge [sflag:s26], $0x2000  }
0x798: {  	[sflag:s26] =	ssyncset.done $0x0  }
0x799: {  	[sflag:s26] =	ssyncadd.s32 $0xFFFFE000  }
0x79a: {  	_ =	swait.ge [sflag:s26], $0x2000  }
0x79b: {  	[sflag:s26] =	ssyncset.done $0x0  }
0x79c: {  	[sflag:s26] =	ssyncadd.s32 $0xFFFFE000  }
0x79d: {  	_ =	swait.ge [sflag:s26], $0x2000  }
0x79e: {  	[sflag:s26] =	ssyncset.done $0x0  }
0x79f: {  	[sflag:s26] =	ssyncadd.s32 $0xFFFFE000  }
0x7a0: {  	_ =	swait.ge [sflag:s26], $0x2000  }
0x7a1: {  	[sflag:s26] =	ssyncset.done $0x0  }
0x7a2: {  	[sflag:s26] =	ssyncadd.s32 $0xFFFFE000  }
0x7a3: {  	_ =	swait.ge [sflag:s26], $0x2000  }
0x7a4: {  	[sflag:s26] =	ssyncset.done $0x0  }
0x7a5: {  	[sflag:s26] =	ssyncadd.s32 $0xFFFFE000  }
0x7a6: {  	_ =	swait.ge [sflag:s26], $0x2000  }
0x7a7: {  	[sflag:s26] =	ssyncset.done $0x0  }
0x7a8: {  	[sflag:s26] =	ssyncadd.s32 $0xFFFFE000  }
0x7a9: {  	_ =	swait.ge [sflag:s26], $0x2000  }
0x7aa: {  	[sflag:s26] =	ssyncset.done $0x0  }
0x7ab: {  	[sflag:s26] =	ssyncadd.s32 $0xFFFFE000  }
0x7ac: {  	_ =	swait.ge [sflag:s26], $0x2000  }
0x7ad: {  	[sflag:s26] =	ssyncset.done $0x0  }
0x7ae: {  	[sflag:s26] =	ssyncadd.s32 $0xFFFFE000  }
0x7af: {  	_ =	swait.ge [sflag:s26], $0x2000  }
0x7b0: {  	[sflag:s26] =	ssyncset.done $0x0  }
0x7b1: {  	[sflag:s26] =	ssyncadd.s32 $0xFFFFE000  }
0x7b2: {  	_ =	swait.ge [sflag:s26], $0x2000  }
0x7b3: {  	[sflag:s26] =	ssyncset.done $0x0  }
0x7b4: {  	[sflag:s26] =	ssyncadd.s32 $0xFFFFE000  }
0x7b5: {  	_ =	swait.ge [sflag:s26], $0x2000  }
0x7b6: {  	[sflag:s26] =	ssyncset.done $0x0  }
0x7b7: {  	[sflag:s26] =	ssyncadd.s32 $0xFFFFE000  }
0x7b8: {  	_ =	swait.ge [sflag:s26], $0x2000  }
0x7b9: {  	[sflag:s26] =	ssyncset.done $0x0  }
0x7ba: {  	[sflag:s26] =	ssyncadd.s32 $0xFFFFE000  }
0x7bb: {  	_ =	swait.ge [sflag:s26], $0x2000  }
0x7bc: {  	[sflag:s26] =	ssyncset.done $0x0  }
0x7bd: {  	[sflag:s26] =	ssyncadd.s32 $0xFFFFE000  }
0x7be: {  	_ =	swait.ge [sflag:s26], $0x2000  }
0x7bf: {  	[sflag:s26] =	ssyncset.done $0x0  }
0x7c0: {  	[sflag:s26] =	ssyncadd.s32 $0xFFFFE000  }
0x7c1: {  	_ =	swait.ge [sflag:s26], $0x2000  }
0x7c2: {  	[sflag:s26] =	ssyncset.done $0x0  }
0x7c3: {  	[sflag:s26] =	ssyncadd.s32 $0xFFFFE000  }
0x7c4: {  	_ =	swait.ge [sflag:s26], $0x2000  }
0x7c5: {  	[sflag:s26] =	ssyncset.done $0x0  }
0x7c6: {  	[sflag:s26] =	ssyncadd.s32 $0xFFFFE000  }
0x7c7: {  	_ =	swait.ge [sflag:s26], $0x2000  }
0x7c8: {  	s31 =	sld [smem:$0x7FC];
	_ =	sdelay $0x1  }
0x7c9: {  	s28 =	sadd.s32 $0x1, s28  }
0x7ca: {  	p0 =	sne.s32 s28, s31  }
.Ltmp34:
0x7cb: {  	_ = 	snop;
	(pc) =	sbr.rel @p0 .LBB2_1-.Ltmp34, $3  }
0x7cc: {  	_ =	sdelay $0x1  }
0x7cd: {  	[sflag:s26] =	ssyncset.done $0x0  }
0x7ce: {  	[sflag:s26] =	ssyncadd.s32 $0xFFFFE000  }
0x7cf: {  	_ =	sfence.sel $0x180000  }
0x7d0: {  	[bflag:$0x0] =	sbarrier.arrive $0xFFFF  }
0x7d1: {  	_ =	strace $0x90000047  }
0x7d2: {  	s0 =	stileid.u32;
	[bflag:$0x2] =	sbarrier.arrive $0xFFFF  }
0x7d3: {  	p0 =	sne.s32 s0, $0x0;
	s0 =	rddreg [dreg:$0x2]  }
0x7d4: {  	s0 =	sadd.s32 @!p0 $0x100000, s0  }
0x7d5: {  	[sflag:s0] =	ssyncadd.tile.s32 @!p0 $0x1;
	_ =	shalt  }
.Lfunc_end2:
_tile_overlayer_lowered:
.L_overlay_start_2:
0x7d6: {  	(tag) =	ssettag $0x2  }
0x7d7: {  	s0 =	rddreg [dreg:$0x0];
	s2 =	stileid.u32  }
0x7d8: {  	s1 =	rddreg [dreg:$0x1];
	p0 =	sne.s32 s2, $0x0  }
0x7d9: {  	s3 =	rddreg [dreg:$0x2];
	[bflag:$0x3] =	sbarrier.arrive $0xFFFF;
	s2 =	simm.s32 @!p0 $0x1C10  }
0x7da: {  	[timem:s3], [sflag:s2] =	dma.local @!p0 [hbm:s0], s1  }
0x7db: {  	s0 =	simm.s32 @!p0 $0x10  }
0x7dc: {  	_ =	swait.ge @!p0 [sflag:s0], s1  }
0x7dd: {  	s1 =	ssub.s32 @!p0 $0x0, s1;
	[sflag:s0] =	ssyncset.done @!p0 $0x0  }
0x7de: {  	[sflag:s0] =	ssyncadd.s32 @!p0 s1  }
0x7df: {  	[bflag:$0x3] =	sbarrier.arrive $0xFFFF  }
0x7e0: {  	_ =	shalt  }

</sc_bundles>
